<compile_context>
chip_gen: v7x
topology: tpu7x:2x2x1
jax: 0.10.2.dev20260603
libtpu: 0.0.44.dev20260713+nightly
codegen_flags: <defaults>
</compile_context>

<pallas_src>
import functools

import jax
import jax.numpy as jnp
from jax import lax
from jax.experimental import pallas as pl
from jax.experimental.pallas import tpu as pltpu
from jax.experimental.pallas import tpu_sc as plsc

BATCH = 16384
TEXT_DIM = 128
FINAL_DIM = 64
HIDDEN = (TEXT_DIM + 1) // 2
NUM_USERS = 1000000
HALF_USERS = NUM_USERS // 2

NUM_CORES = 2
NUM_SUBCORES = 16
NW = NUM_CORES * NUM_SUBCORES
BPW = BATCH // NW
CHUNK = 128
NCH = BPW // CHUNK


def _sc_item_gather(ids2d, table):
  mesh = plsc.VectorSubcoreMesh(core_axis_name="c", subcore_axis_name="s")

  @functools.partial(
      pl.kernel,
      out_type=jax.ShapeDtypeStruct((BATCH, TEXT_DIM), jnp.float32),
      mesh=mesh,
      scratch_types=[
          pltpu.VMEM((NCH, CHUNK), jnp.int32),
          pltpu.VMEM((BPW, TEXT_DIM), jnp.float32),
          pltpu.SemaphoreType.DMA,
      ],
  )
  def k(ids_hbm, tab_hbm, out_hbm, idx, rows, sem):
    wid = lax.axis_index("s") * NUM_CORES + lax.axis_index("c")
    row0 = wid * NCH
    pltpu.sync_copy(ids_hbm.at[pl.ds(row0, NCH)], idx)
    heads = []
    for j in range(NCH):
      heads.append(pltpu.async_copy(
          tab_hbm.at[idx.at[j]], rows.at[pl.ds(j * CHUNK, CHUNK)], sem))
    for h in heads:
      h.wait()
    pltpu.sync_copy(rows, out_hbm.at[pl.ds(wid * BPW, BPW)])

  return k(ids2d, table)


RING = 4
HPW = BPW // 2


def _sc_user_gather(uids2d, utab_t):
  mesh = plsc.VectorSubcoreMesh(core_axis_name="c", subcore_axis_name="s")

  @functools.partial(
      pl.kernel,
      out_type=jax.ShapeDtypeStruct((BATCH, FINAL_DIM), jnp.float32),
      mesh=mesh,
      compiler_params=pltpu.CompilerParams(needs_layout_passes=False),
      scratch_types=[
          pltpu.VMEM((1, BPW), jnp.int32),
          pltpu.VMEM((RING, FINAL_DIM, 128), jnp.float32),
          pltpu.VMEM((HPW, FINAL_DIM), jnp.float32),
          pltpu.SemaphoreType.DMA,
      ],
  )
  def k(uids_hbm, utab_hbm, uout_hbm, uidx_v, win, urows, usem):
    wid = lax.axis_index("s") * NUM_CORES + lax.axis_index("c")
    pltpu.sync_copy(uids_hbm.at[pl.ds(wid, 1)], uidx_v)
    iota = lax.iota(jnp.int32, 16)
    fvecs = [k16 * 16 + iota for k16 in range(4)]

    def fire(r, slot):
      w0 = pl.multiple_of((r >> 7) * 128, 128)
      pltpu.async_copy(utab_hbm.at[:, pl.ds(w0, 128)], win.at[slot], usem)

    v0 = uidx_v[0, pl.ds(0, 16)]
    for s in range(RING):
      fire(v0[s], s)

    ngroups = HPW // 16

    for p in range(2):
      def group(g, carry):
        v = uidx_v[0, pl.ds(p * HPW + g * 16, 16)]
        for q in range(4):
          for s in range(RING):
            pltpu.make_async_copy(
                utab_hbm.at[:, pl.ds(0, 128)], win.at[0], usem).wait()
            r = v[q * RING + s]
            c = jnp.broadcast_to(r & 127, (16,))
            i = g * 16 + q * RING + s
            for k16 in range(4):
              vals = plsc.load_gather(win.at[s], [fvecs[k16], c])
              urows[i, pl.ds(k16 * 16, 16)] = vals
            if q < 3:
              fire(v[(q + 1) * RING + s], s)
            elif p == 0:
              vn = uidx_v[0, pl.ds(p * HPW + (g + 1) * 16, 16)]
              fire(vn[s], s)
            else:
              @pl.when(g < ngroups - 1)
              def _():
                vn = uidx_v[0, pl.ds(p * HPW + (g + 1) * 16, 16)]
                fire(vn[s], s)

        return carry

      lax.fori_loop(0, ngroups, group, 0)
      pltpu.sync_copy(urows, uout_hbm.at[pl.ds(wid * BPW + p * HPW, HPW)])

  return k(uids2d, utab_t)


def _mlp_body(x_ref, p_ref, w1m_ref, w1l_ref, b1_ref, w2t_ref, b2_ref, o_ref):
  h = jnp.dot(x_ref[...], w1m_ref[...], preferred_element_type=jnp.float32)
  h = h + p_ref[...] * w1l_ref[...] + b1_ref[...]
  h = jnp.maximum(h, 0.0)
  out = (jnp.dot(h, w2t_ref[...], preferred_element_type=jnp.float32)
         + b2_ref[...])
  o_ref[...] = out.T


def _mlp(text_vecs, prices_col, w1m, w1l, b1r, w2t, b2r, block_m=2048):
  grid = (BATCH // block_m,)
  return pl.pallas_call(
      _mlp_body,
      grid=grid,
      in_specs=[
          pl.BlockSpec((block_m, TEXT_DIM), lambda i: (i, 0)),
          pl.BlockSpec((block_m, 1), lambda i: (i, 0)),
          pl.BlockSpec((TEXT_DIM, HIDDEN), lambda i: (0, 0)),
          pl.BlockSpec((1, HIDDEN), lambda i: (0, 0)),
          pl.BlockSpec((1, HIDDEN), lambda i: (0, 0)),
          pl.BlockSpec((HIDDEN, FINAL_DIM), lambda i: (0, 0)),
          pl.BlockSpec((1, FINAL_DIM), lambda i: (0, 0)),
      ],
      out_specs=pl.BlockSpec((FINAL_DIM, block_m), lambda i: (0, i)),
      out_shape=jax.ShapeDtypeStruct((FINAL_DIM, BATCH), jnp.float32),
  )(text_vecs, prices_col, w1m, w1l, b1r, w2t, b2r)


def kernel(user_ids, item_ids, item_prices, user_table, item_text_table,
           W1, b1, W2, b2):
  uids2 = user_ids.astype(jnp.int32).reshape(NW, BPW)
  iids2 = item_ids.astype(jnp.int32).reshape(BATCH // CHUNK, CHUNK)
  text_vecs = _sc_item_gather(iids2, item_text_table)
  user_vec = _sc_user_gather(uids2, user_table.T)
  w1m = W1[:, :TEXT_DIM].T
  w1l = W1[:, TEXT_DIM:].T
  item_vec_t = _mlp(text_vecs, item_prices.reshape(BATCH, 1), w1m, w1l,
                    b1.reshape(1, HIDDEN), W2.T, b2.reshape(1, FINAL_DIM))
  return user_vec, item_vec_t.T

# --- scband reference (transcript-rebuilt; emitter-appended) ---
"""Pipeline reference for scband-two-tower-model-38156489457816 (READ-ONLY COPY).

The authoritative reference and input builder live on the scoring server;
editing this copy changes nothing except your own understanding.
"""

import jax, jax.numpy as jnp
import numpy as np

NUM_USERS = 1000000
NUM_ITEMS = 100000
TEXT_DIM = 128
FINAL_DIM = 64
BATCH = 16384
HIDDEN = (TEXT_DIM + 1) // 2  # 64


def setup_inputs(seed: int = 0) -> dict:
    key = jax.random.key(seed)
    ks = jax.random.split(key, 8)
    user_ids = jax.random.randint(ks[0], (BATCH,), 0, NUM_USERS, dtype=jnp.int64 if jax.config.jax_enable_x64 else jnp.int32)
    item_ids = jax.random.randint(ks[1], (BATCH,), 0, NUM_ITEMS, dtype=jnp.int64 if jax.config.jax_enable_x64 else jnp.int32)
    item_prices = jax.random.uniform(ks[2], (BATCH,), dtype=jnp.float32)
    user_table = jax.random.normal(ks[3], (NUM_USERS, FINAL_DIM), dtype=jnp.float32) * 0.02
    item_text_table = jax.random.normal(ks[4], (NUM_ITEMS, TEXT_DIM), dtype=jnp.float32) * 0.02
    W1 = jax.random.normal(ks[5], (HIDDEN, TEXT_DIM + 1), dtype=jnp.float32) * (1.0 / np.sqrt(TEXT_DIM + 1))
    b1 = jnp.zeros((HIDDEN,), dtype=jnp.float32)
    W2 = jax.random.normal(ks[6], (FINAL_DIM, HIDDEN), dtype=jnp.float32) * (1.0 / np.sqrt(HIDDEN))
    b2 = jnp.zeros((FINAL_DIM,), dtype=jnp.float32)
    return {"user_ids": user_ids, "item_ids": item_ids, "item_prices": item_prices,
            "user_table": user_table, "item_text_table": item_text_table,
            "W1": W1, "b1": b1, "W2": W2, "b2": b2}


def reference(user_ids, item_ids, item_prices, user_table, item_text_table, W1, b1, W2, b2):
    # user tower: embedding lookup
    user_vec = jnp.take(user_table, user_ids, axis=0)
    # item tower: frozen text embedding lookup + price feature + MLP
    text_vecs = jnp.take(item_text_table, item_ids, axis=0)
    combined = jnp.concatenate([text_vecs, item_prices[:, None]], axis=1)
    h = jax.nn.relu(combined @ W1.T + b1)
    item_vec = h @ W2.T + b2
    return (user_vec, item_vec)

if __name__ == "__main__":
    import jax
    _d = setup_inputs()
    print(jax.jit(kernel)(*tuple(_d.values())))

</pallas_src>

<mosaic_0001>
#map = affine_map<(d0, d1) -> (0, 0)>
module attributes {stable_mosaic.version = 14 : i64} {
  func.func @k(%arg0: i32, %arg1: i32, %arg2: memref<32x512xi32, #tpu.memory_space<hbm>>, %arg3: memref<64x1000000xf32, #tpu.memory_space<hbm>>, %arg4: memref<16384x64xf32, #tpu.memory_space<hbm>>, %arg5: memref<1x512xi32, #tpu.memory_space<vmem>>, %arg6: memref<4x64x128xf32, #tpu.memory_space<vmem>>, %arg7: memref<256x64xf32, #tpu.memory_space<vmem>>, %arg8: memref<!tpu.dma_semaphore, #tpu.memory_space<semaphore_mem>>) attributes {dimension_semantics = [#tpu.dimension_semantics<core_parallel>, #tpu.dimension_semantics<subcore_parallel>], iteration_bounds = array<i64: 2, 16>, scalar_prefetch = 0 : i64, scratch_operands = 4 : i64, tpu.core_type = #tpu.core_type<sc_vector_subcore>, window_params = [{transform_indices = #map}, {transform_indices = #map}, {transform_indices = #map}]} {
    %mul3A = arith.constant 2 : i32
    %mul3A_0 = arith.muli %arg1, %mul3A : i32
    %add3A = arith.addi %mul3A_0, %arg0 : i32
    "tpu.region"() ({
      %run_scoped3A = tpu.sem_alloc : memref<!tpu.dma_semaphore, #tpu.memory_space<semaphore_mem>>
      %dma_start3A_110 = arith.constant 0 : i32
      %dma_start3A_111 = tpu.memref_slice %arg2[%add3A, %dma_start3A_110] : memref<32x512xi32, #tpu.memory_space<hbm>> -> memref<1x512xi32, #tpu.memory_space<hbm>>
      %dma_start3A_112 = arith.constant 0 : i32
      %dma_start3A_113 = tpu.memref_slice %arg2[%add3A, %dma_start3A_112] : memref<32x512xi32, #tpu.memory_space<hbm>> -> memref<1x512xi32, #tpu.memory_space<hbm>>
      tpu.enqueue_dma source(%dma_start3A_113 : memref<1x512xi32, #tpu.memory_space<hbm>>) target(%arg5 : memref<1x512xi32, #tpu.memory_space<vmem>>) target_semaphore(%run_scoped3A : memref<!tpu.dma_semaphore, #tpu.memory_space<semaphore_mem>>)
      %dma_wait3A = arith.constant 0 : i32
      %dma_wait3A_114 = tpu.memref_slice %arg2[%add3A, %dma_wait3A] : memref<32x512xi32, #tpu.memory_space<hbm>> -> memref<1x512xi32, #tpu.memory_space<hbm>>
      %dma_wait3A_115 = arith.constant 0 : i32
      %dma_wait3A_116 = tpu.memref_slice %arg2[%add3A, %dma_wait3A_115] : memref<32x512xi32, #tpu.memory_space<hbm>> -> memref<1x512xi32, #tpu.memory_space<hbm>>
      tpu.wait_dma2 semaphore(%run_scoped3A : memref<!tpu.dma_semaphore, #tpu.memory_space<semaphore_mem>>) src(%dma_wait3A_116 : memref<1x512xi32, #tpu.memory_space<hbm>>) dst(%arg5 : memref<1x512xi32, #tpu.memory_space<vmem>>)
      tpu.yield
    }) : () -> ()
    %iota3A = tpu.iota {dimensions = array<i32: 0>} : vector<16xi32>
    %add3A_1 = arith.constant 0 : i32
    %add3A_2 = vector.broadcast %add3A_1 : i32 to vector<16xi32>
    %add3A_3 = arith.addi %add3A_2, %iota3A : vector<16xi32>
    %add3A_4 = arith.constant 16 : i32
    %add3A_5 = vector.broadcast %add3A_4 : i32 to vector<16xi32>
    %add3A_6 = arith.addi %add3A_5, %iota3A : vector<16xi32>
    %add3A_7 = arith.constant 32 : i32
    %add3A_8 = vector.broadcast %add3A_7 : i32 to vector<16xi32>
    %add3A_9 = arith.addi %add3A_8, %iota3A : vector<16xi32>
    %add3A_10 = arith.constant 48 : i32
    %add3A_11 = vector.broadcast %add3A_10 : i32 to vector<16xi32>
    %add3A_12 = arith.addi %add3A_11, %iota3A : vector<16xi32>
    %get3A = arith.constant 0 : i32
    %get3A_13 = arith.index_cast %get3A : i32 to index
    %get3A_14 = arith.constant 0 : index
    %get3A_15 = tpu.vector_load %arg5[%get3A_13, %get3A_14] {strides = array<i32>} : memref<1x512xi32, #tpu.memory_space<vmem>>, vector<16xi32>,
    %slice3A = vector.extract_strided_slice %get3A_15 {offsets = [0], sizes = [1], strides = [1]} : vector<16xi32> to vector<1xi32>
    %squeeze3A = vector.extract %slice3A[0] : i32 from vector<1xi32>
    %shift_right_arithmetic3A = arith.constant 7 : i32
    %shift_right_arithmetic3A_16 = arith.shrsi %squeeze3A, %shift_right_arithmetic3A : i32
    %mul3A_17 = arith.constant 128 : i32
    %mul3A_18 = arith.muli %shift_right_arithmetic3A_16, %mul3A_17 : i32
    %multiple_of3A = tpu.assume_multiple %mul3A_18, 128 : i32
    %dma_start3A = arith.constant 0 : i32
    %dma_start3A_19 = arith.constant 0 : i32
    %dma_start3A_20 = arith.constant 0 : i32
    %dma_start3A_21 = tpu.memref_slice %arg6[%dma_start3A, %dma_start3A_19, %dma_start3A_20] : memref<4x64x128xf32, #tpu.memory_space<vmem>> -> memref<1x64x128xf32, #tpu.memory_space<vmem>>
    %dma_start3A_22 = tpu.memref_squeeze %dma_start3A_21 : memref<1x64x128xf32, #tpu.memory_space<vmem>> -> memref<64x128xf32, #tpu.memory_space<vmem>>
    %dma_start3A_23 = arith.constant 0 : i32
    %dma_start3A_24 = tpu.memref_slice %arg3[%dma_start3A_23, %multiple_of3A] : memref<64x1000000xf32, #tpu.memory_space<hbm>> -> memref<64x128xf32, #tpu.memory_space<hbm>>
    %dma_start3A_25 = arith.constant 0 : i32
    %dma_start3A_26 = arith.constant 0 : i32
    %dma_start3A_27 = tpu.memref_slice %arg6[%dma_start3A, %dma_start3A_25, %dma_start3A_26] : memref<4x64x128xf32, #tpu.memory_space<vmem>> -> memref<1x64x128xf32, #tpu.memory_space<vmem>>
    %dma_start3A_28 = tpu.memref_squeeze %dma_start3A_27 : memref<1x64x128xf32, #tpu.memory_space<vmem>> -> memref<64x128xf32, #tpu.memory_space<vmem>>
    %dma_start3A_29 = arith.constant 0 : i32
    %dma_start3A_30 = tpu.memref_slice %arg3[%dma_start3A_29, %multiple_of3A] : memref<64x1000000xf32, #tpu.memory_space<hbm>> -> memref<64x128xf32, #tpu.memory_space<hbm>>
    tpu.enqueue_dma source(%dma_start3A_30 : memref<64x128xf32, #tpu.memory_space<hbm>>) target(%dma_start3A_28 : memref<64x128xf32, #tpu.memory_space<vmem>>) target_semaphore(%arg8 : memref<!tpu.dma_semaphore, #tpu.memory_space<semaphore_mem>>)
    %slice3A_31 = vector.extract_strided_slice %get3A_15 {offsets = [1], sizes = [1], strides = [1]} : vector<16xi32> to vector<1xi32>
    %squeeze3A_32 = vector.extract %slice3A_31[0] : i32 from vector<1xi32>
    %shift_right_arithmetic3A_33 = arith.constant 7 : i32
    %shift_right_arithmetic3A_34 = arith.shrsi %squeeze3A_32, %shift_right_arithmetic3A_33 : i32
    %mul3A_35 = arith.constant 128 : i32
    %mul3A_36 = arith.muli %shift_right_arithmetic3A_34, %mul3A_35 : i32
    %multiple_of3A_37 = tpu.assume_multiple %mul3A_36, 128 : i32
    %dma_start3A_38 = arith.constant 1 : i32
    %dma_start3A_39 = arith.constant 0 : i32
    %dma_start3A_40 = arith.constant 0 : i32
    %dma_start3A_41 = tpu.memref_slice %arg6[%dma_start3A_38, %dma_start3A_39, %dma_start3A_40] : memref<4x64x128xf32, #tpu.memory_space<vmem>> -> memref<1x64x128xf32, #tpu.memory_space<vmem>>
    %dma_start3A_42 = tpu.memref_squeeze %dma_start3A_41 : memref<1x64x128xf32, #tpu.memory_space<vmem>> -> memref<64x128xf32, #tpu.memory_space<vmem>>
    %dma_start3A_43 = arith.constant 0 : i32
    %dma_start3A_44 = tpu.memref_slice %arg3[%dma_start3A_43, %multiple_of3A_37] : memref<64x1000000xf32, #tpu.memory_space<hbm>> -> memref<64x128xf32, #tpu.memory_space<hbm>>
    %dma_start3A_45 = arith.constant 0 : i32
    %dma_start3A_46 = arith.constant 0 : i32
    %dma_start3A_47 = tpu.memref_slice %arg6[%dma_start3A_38, %dma_start3A_45, %dma_start3A_46] : memref<4x64x128xf32, #tpu.memory_space<vmem>> -> memref<1x64x128xf32, #tpu.memory_space<vmem>>
    %dma_start3A_48 = tpu.memref_squeeze %dma_start3A_47 : memref<1x64x128xf32, #tpu.memory_space<vmem>> -> memref<64x128xf32, #tpu.memory_space<vmem>>
    %dma_start3A_49 = arith.constant 0 : i32
    %dma_start3A_50 = tpu.memref_slice %arg3[%dma_start3A_49, %multiple_of3A_37] : memref<64x1000000xf32, #tpu.memory_space<hbm>> -> memref<64x128xf32, #tpu.memory_space<hbm>>
    tpu.enqueue_dma source(%dma_start3A_50 : memref<64x128xf32, #tpu.memory_space<hbm>>) target(%dma_start3A_48 : memref<64x128xf32, #tpu.memory_space<vmem>>) target_semaphore(%arg8 : memref<!tpu.dma_semaphore, #tpu.memory_space<semaphore_mem>>)
    %slice3A_51 = vector.extract_strided_slice %get3A_15 {offsets = [2], sizes = [1], strides = [1]} : vector<16xi32> to vector<1xi32>
    %squeeze3A_52 = vector.extract %slice3A_51[0] : i32 from vector<1xi32>
    %shift_right_arithmetic3A_53 = arith.constant 7 : i32
    %shift_right_arithmetic3A_54 = arith.shrsi %squeeze3A_52, %shift_right_arithmetic3A_53 : i32
    %mul3A_55 = arith.constant 128 : i32
    %mul3A_56 = arith.muli %shift_right_arithmetic3A_54, %mul3A_55 : i32
    %multiple_of3A_57 = tpu.assume_multiple %mul3A_56, 128 : i32
    %dma_start3A_58 = arith.constant 2 : i32
    %dma_start3A_59 = arith.constant 0 : i32
    %dma_start3A_60 = arith.constant 0 : i32
    %dma_start3A_61 = tpu.memref_slice %arg6[%dma_start3A_58, %dma_start3A_59, %dma_start3A_60] : memref<4x64x128xf32, #tpu.memory_space<vmem>> -> memref<1x64x128xf32, #tpu.memory_space<vmem>>
    %dma_start3A_62 = tpu.memref_squeeze %dma_start3A_61 : memref<1x64x128xf32, #tpu.memory_space<vmem>> -> memref<64x128xf32, #tpu.memory_space<vmem>>
    %dma_start3A_63 = arith.constant 0 : i32
    %dma_start3A_64 = tpu.memref_slice %arg3[%dma_start3A_63, %multiple_of3A_57] : memref<64x1000000xf32, #tpu.memory_space<hbm>> -> memref<64x128xf32, #tpu.memory_space<hbm>>
    %dma_start3A_65 = arith.constant 0 : i32
    %dma_start3A_66 = arith.constant 0 : i32
    %dma_start3A_67 = tpu.memref_slice %arg6[%dma_start3A_58, %dma_start3A_65, %dma_start3A_66] : memref<4x64x128xf32, #tpu.memory_space<vmem>> -> memref<1x64x128xf32, #tpu.memory_space<vmem>>
    %dma_start3A_68 = tpu.memref_squeeze %dma_start3A_67 : memref<1x64x128xf32, #tpu.memory_space<vmem>> -> memref<64x128xf32, #tpu.memory_space<vmem>>
    %dma_start3A_69 = arith.constant 0 : i32
    %dma_start3A_70 = tpu.memref_slice %arg3[%dma_start3A_69, %multiple_of3A_57] : memref<64x1000000xf32, #tpu.memory_space<hbm>> -> memref<64x128xf32, #tpu.memory_space<hbm>>
    tpu.enqueue_dma source(%dma_start3A_70 : memref<64x128xf32, #tpu.memory_space<hbm>>) target(%dma_start3A_68 : memref<64x128xf32, #tpu.memory_space<vmem>>) target_semaphore(%arg8 : memref<!tpu.dma_semaphore, #tpu.memory_space<semaphore_mem>>)
    %slice3A_71 = vector.extract_strided_slice %get3A_15 {offsets = [3], sizes = [1], strides = [1]} : vector<16xi32> to vector<1xi32>
    %squeeze3A_72 = vector.extract %slice3A_71[0] : i32 from vector<1xi32>
    %shift_right_arithmetic3A_73 = arith.constant 7 : i32
    %shift_right_arithmetic3A_74 = arith.shrsi %squeeze3A_72, %shift_right_arithmetic3A_73 : i32
    %mul3A_75 = arith.constant 128 : i32
    %mul3A_76 = arith.muli %shift_right_arithmetic3A_74, %mul3A_75 : i32
    %multiple_of3A_77 = tpu.assume_multiple %mul3A_76, 128 : i32
    %dma_start3A_78 = arith.constant 3 : i32
    %dma_start3A_79 = arith.constant 0 : i32
    %dma_start3A_80 = arith.constant 0 : i32
    %dma_start3A_81 = tpu.memref_slice %arg6[%dma_start3A_78, %dma_start3A_79, %dma_start3A_80] : memref<4x64x128xf32, #tpu.memory_space<vmem>> -> memref<1x64x128xf32, #tpu.memory_space<vmem>>
    %dma_start3A_82 = tpu.memref_squeeze %dma_start3A_81 : memref<1x64x128xf32, #tpu.memory_space<vmem>> -> memref<64x128xf32, #tpu.memory_space<vmem>>
    %dma_start3A_83 = arith.constant 0 : i32
    %dma_start3A_84 = tpu.memref_slice %arg3[%dma_start3A_83, %multiple_of3A_77] : memref<64x1000000xf32, #tpu.memory_space<hbm>> -> memref<64x128xf32, #tpu.memory_space<hbm>>
    %dma_start3A_85 = arith.constant 0 : i32
    %dma_start3A_86 = arith.constant 0 : i32
    %dma_start3A_87 = tpu.memref_slice %arg6[%dma_start3A_78, %dma_start3A_85, %dma_start3A_86] : memref<4x64x128xf32, #tpu.memory_space<vmem>> -> memref<1x64x128xf32, #tpu.memory_space<vmem>>
    %dma_start3A_88 = tpu.memref_squeeze %dma_start3A_87 : memref<1x64x128xf32, #tpu.memory_space<vmem>> -> memref<64x128xf32, #tpu.memory_space<vmem>>
    %dma_start3A_89 = arith.constant 0 : i32
    %dma_start3A_90 = tpu.memref_slice %arg3[%dma_start3A_89, %multiple_of3A_77] : memref<64x1000000xf32, #tpu.memory_space<hbm>> -> memref<64x128xf32, #tpu.memory_space<hbm>>
    tpu.enqueue_dma source(%dma_start3A_90 : memref<64x128xf32, #tpu.memory_space<hbm>>) target(%dma_start3A_88 : memref<64x128xf32, #tpu.memory_space<vmem>>) target_semaphore(%arg8 : memref<!tpu.dma_semaphore, #tpu.memory_space<semaphore_mem>>)
    %scan3A = arith.constant 0 : i32
    %scan3A_91 = arith.constant 0 : i32
    %scan3A_92 = arith.constant 16 : i32
    %scan3A_93 = arith.addi %scan3A_91, %scan3A_92 : i32
    %scan3A_94 = arith.constant 1 : i32
    scf.for %scan3A_110 = %scan3A_91 to %scan3A_93 step %scan3A_94  : i32 {
      %mul3A_111 = arith.constant 16 : i32
      %mul3A_112 = arith.muli %scan3A_110, %mul3A_111 : i32
      %add3A_113 = arith.constant 0 : i32
      %add3A_114 = arith.addi %add3A_113, %mul3A_112 : i32
      %get3A_115 = arith.constant 0 : i32
      %get3A_116 = arith.index_cast %get3A_115 : i32 to index
      %get3A_117 = arith.index_cast %add3A_114 : i32 to index
      %get3A_118 = tpu.vector_load %arg5[%get3A_116, %get3A_117] {strides = array<i32>} : memref<1x512xi32, #tpu.memory_space<vmem>>, vector<16xi32>,
      %dma_wait3A = arith.constant 0 : i32
      %dma_wait3A_119 = arith.constant 0 : i32
      %dma_wait3A_120 = arith.constant 0 : i32
      %dma_wait3A_121 = tpu.memref_slice %arg6[%dma_wait3A, %dma_wait3A_119, %dma_wait3A_120] : memref<4x64x128xf32, #tpu.memory_space<vmem>> -> memref<1x64x128xf32, #tpu.memory_space<vmem>>
      %dma_wait3A_122 = tpu.memref_squeeze %dma_wait3A_121 : memref<1x64x128xf32, #tpu.memory_space<vmem>> -> memref<64x128xf32, #tpu.memory_space<vmem>>
      %dma_wait3A_123 = arith.constant 0 : i32
      %dma_wait3A_124 = arith.constant 0 : i32
      %dma_wait3A_125 = tpu.memref_slice %arg3[%dma_wait3A_123, %dma_wait3A_124] : memref<64x1000000xf32, #tpu.memory_space<hbm>> -> memref<64x128xf32, #tpu.memory_space<hbm>>
      %dma_wait3A_126 = arith.constant 0 : i32
      %dma_wait3A_127 = arith.constant 0 : i32
      %dma_wait3A_128 = tpu.memref_slice %arg6[%dma_wait3A, %dma_wait3A_126, %dma_wait3A_127] : memref<4x64x128xf32, #tpu.memory_space<vmem>> -> memref<1x64x128xf32, #tpu.memory_space<vmem>>
      %dma_wait3A_129 = tpu.memref_squeeze %dma_wait3A_128 : memref<1x64x128xf32, #tpu.memory_space<vmem>> -> memref<64x128xf32, #tpu.memory_space<vmem>>
      %dma_wait3A_130 = arith.constant 0 : i32
      %dma_wait3A_131 = arith.constant 0 : i32
      %dma_wait3A_132 = tpu.memref_slice %arg3[%dma_wait3A_130, %dma_wait3A_131] : memref<64x1000000xf32, #tpu.memory_space<hbm>> -> memref<64x128xf32, #tpu.memory_space<hbm>>
      tpu.wait_dma2 semaphore(%arg8 : memref<!tpu.dma_semaphore, #tpu.memory_space<semaphore_mem>>) src(%dma_wait3A_132 : memref<64x128xf32, #tpu.memory_space<hbm>>) dst(%dma_wait3A_129 : memref<64x128xf32, #tpu.memory_space<vmem>>)
      %slice3A_133 = vector.extract_strided_slice %get3A_118 {offsets = [0], sizes = [1], strides = [1]} : vector<16xi32> to vector<1xi32>
      %squeeze3A_134 = vector.extract %slice3A_133[0] : i32 from vector<1xi32>
      %and3A = arith.constant 127 : i32
      %and3A_135 = arith.andi %squeeze3A_134, %and3A : i32
      %broadcast_in_dim3A = vector.broadcast %and3A_135 : i32 to vector<16xi32>
      %mul3A_136 = arith.constant 16 : i32
      %mul3A_137 = arith.muli %scan3A_110, %mul3A_136 : i32
      %add3A_138 = arith.constant 0 : i32
      %add3A_139 = arith.addi %mul3A_137, %add3A_138 : i32
      %add3A_140 = arith.constant 0 : i32
      %add3A_141 = arith.addi %add3A_139, %add3A_140 : i32
      %gather3A = arith.constant 0 : i32
      %gather3A_142 = arith.constant 0 : i32
      %gather3A_143 = arith.constant 0 : i32
      %gather3A_144 = tpu.memref_slice %arg6[%gather3A, %gather3A_142, %gather3A_143] : memref<4x64x128xf32, #tpu.memory_space<vmem>> -> memref<1x64x128xf32, #tpu.memory_space<vmem>>
      %gather3A_145 = tpu.memref_squeeze %gather3A_144 : memref<1x64x128xf32, #tpu.memory_space<vmem>> -> memref<64x128xf32, #tpu.memory_space<vmem>>
      %gather3A_146 = tpu.vector_load_idx %gather3A_145[%add3A_3, %broadcast_in_dim3A] : memref<64x128xf32, #tpu.memory_space<vmem>>[vector<16xi32>, vector<16xi32>], vector<16xf32>,
      %swap3A = arith.index_cast %add3A_141 : i32 to index
      %swap3A_147 = arith.constant 0 : index
      %swap3A_148 = tpu.vector_load %arg7[%swap3A, %swap3A_147] {strides = array<i32>} : memref<256x64xf32, #tpu.memory_space<vmem>>, vector<16xf32>,
      tpu.vector_store %arg7[%swap3A, %swap3A_147], %gather3A_146 {strides = array<i32>} : memref<256x64xf32, #tpu.memory_space<vmem>>, vector<16xf32>,
      %gather3A_149 = arith.constant 0 : i32
      %gather3A_150 = arith.constant 0 : i32
      %gather3A_151 = arith.constant 0 : i32
      %gather3A_152 = tpu.memref_slice %arg6[%gather3A_149, %gather3A_150, %gather3A_151] : memref<4x64x128xf32, #tpu.memory_space<vmem>> -> memref<1x64x128xf32, #tpu.memory_space<vmem>>
      %gather3A_153 = tpu.memref_squeeze %gather3A_152 : memref<1x64x128xf32, #tpu.memory_space<vmem>> -> memref<64x128xf32, #tpu.memory_space<vmem>>
      %gather3A_154 = tpu.vector_load_idx %gather3A_153[%add3A_6, %broadcast_in_dim3A] : memref<64x128xf32, #tpu.memory_space<vmem>>[vector<16xi32>, vector<16xi32>], vector<16xf32>,
      %swap3A_155 = arith.index_cast %add3A_141 : i32 to index
      %swap3A_156 = arith.constant 16 : index
      %swap3A_157 = tpu.vector_load %arg7[%swap3A_155, %swap3A_156] {strides = array<i32>} : memref<256x64xf32, #tpu.memory_space<vmem>>, vector<16xf32>,
      tpu.vector_store %arg7[%swap3A_155, %swap3A_156], %gather3A_154 {strides = array<i32>} : memref<256x64xf32, #tpu.memory_space<vmem>>, vector<16xf32>,
      %gather3A_158 = arith.constant 0 : i32
      %gather3A_159 = arith.constant 0 : i32
      %gather3A_160 = arith.constant 0 : i32
      %gather3A_161 = tpu.memref_slice %arg6[%gather3A_158, %gather3A_159, %gather3A_160] : memref<4x64x128xf32, #tpu.memory_space<vmem>> -> memref<1x64x128xf32, #tpu.memory_space<vmem>>
      %gather3A_162 = tpu.memref_squeeze %gather3A_161 : memref<1x64x128xf32, #tpu.memory_space<vmem>> -> memref<64x128xf32, #tpu.memory_space<vmem>>
      %gather3A_163 = tpu.vector_load_idx %gather3A_162[%add3A_9, %broadcast_in_dim3A] : memref<64x128xf32, #tpu.memory_space<vmem>>[vector<16xi32>, vector<16xi32>], vector<16xf32>,
      %swap3A_164 = arith.index_cast %add3A_141 : i32 to index
      %swap3A_165 = arith.constant 32 : index
      %swap3A_166 = tpu.vector_load %arg7[%swap3A_164, %swap3A_165] {strides = array<i32>} : memref<256x64xf32, #tpu.memory_space<vmem>>, vector<16xf32>,
      tpu.vector_store %arg7[%swap3A_164, %swap3A_165], %gather3A_163 {strides = array<i32>} : memref<256x64xf32, #tpu.memory_space<vmem>>, vector<16xf32>,
      %gather3A_167 = arith.constant 0 : i32
      %gather3A_168 = arith.constant 0 : i32
      %gather3A_169 = arith.constant 0 : i32
      %gather3A_170 = tpu.memref_slice %arg6[%gather3A_167, %gather3A_168, %gather3A_169] : memref<4x64x128xf32, #tpu.memory_space<vmem>> -> memref<1x64x128xf32, #tpu.memory_space<vmem>>
      %gather3A_171 = tpu.memref_squeeze %gather3A_170 : memref<1x64x128xf32, #tpu.memory_space<vmem>> -> memref<64x128xf32, #tpu.memory_space<vmem>>
      %gather3A_172 = tpu.vector_load_idx %gather3A_171[%add3A_12, %broadcast_in_dim3A] : memref<64x128xf32, #tpu.memory_space<vmem>>[vector<16xi32>, vector<16xi32>], vector<16xf32>,
      %swap3A_173 = arith.index_cast %add3A_141 : i32 to index
      %swap3A_174 = arith.constant 48 : index
      %swap3A_175 = tpu.vector_load %arg7[%swap3A_173, %swap3A_174] {strides = array<i32>} : memref<256x64xf32, #tpu.memory_space<vmem>>, vector<16xf32>,
      tpu.vector_store %arg7[%swap3A_173, %swap3A_174], %gather3A_172 {strides = array<i32>} : memref<256x64xf32, #tpu.memory_space<vmem>>, vector<16xf32>,
      %slice3A_176 = vector.extract_strided_slice %get3A_118 {offsets = [4], sizes = [1], strides = [1]} : vector<16xi32> to vector<1xi32>
      %squeeze3A_177 = vector.extract %slice3A_176[0] : i32 from vector<1xi32>
      %shift_right_arithmetic3A_178 = arith.constant 7 : i32
      %shift_right_arithmetic3A_179 = arith.shrsi %squeeze3A_177, %shift_right_arithmetic3A_178 : i32
      %mul3A_180 = arith.constant 128 : i32
      %mul3A_181 = arith.muli %shift_right_arithmetic3A_179, %mul3A_180 : i32
      %multiple_of3A_182 = tpu.assume_multiple %mul3A_181, 128 : i32
      %dma_start3A_183 = arith.constant 0 : i32
      %dma_start3A_184 = arith.constant 0 : i32
      %dma_start3A_185 = arith.constant 0 : i32
      %dma_start3A_186 = tpu.memref_slice %arg6[%dma_start3A_183, %dma_start3A_184, %dma_start3A_185] : memref<4x64x128xf32, #tpu.memory_space<vmem>> -> memref<1x64x128xf32, #tpu.memory_space<vmem>>
      %dma_start3A_187 = tpu.memref_squeeze %dma_start3A_186 : memref<1x64x128xf32, #tpu.memory_space<vmem>> -> memref<64x128xf32, #tpu.memory_space<vmem>>
      %dma_start3A_188 = arith.constant 0 : i32
      %dma_start3A_189 = tpu.memref_slice %arg3[%dma_start3A_188, %multiple_of3A_182] : memref<64x1000000xf32, #tpu.memory_space<hbm>> -> memref<64x128xf32, #tpu.memory_space<hbm>>
      %dma_start3A_190 = arith.constant 0 : i32
      %dma_start3A_191 = arith.constant 0 : i32
      %dma_start3A_192 = tpu.memref_slice %arg6[%dma_start3A_183, %dma_start3A_190, %dma_start3A_191] : memref<4x64x128xf32, #tpu.memory_space<vmem>> -> memref<1x64x128xf32, #tpu.memory_space<vmem>>
      %dma_start3A_193 = tpu.memref_squeeze %dma_start3A_192 : memref<1x64x128xf32, #tpu.memory_space<vmem>> -> memref<64x128xf32, #tpu.memory_space<vmem>>
      %dma_start3A_194 = arith.constant 0 : i32
      %dma_start3A_195 = tpu.memref_slice %arg3[%dma_start3A_194, %multiple_of3A_182] : memref<64x1000000xf32, #tpu.memory_space<hbm>> -> memref<64x128xf32, #tpu.memory_space<hbm>>
      tpu.enqueue_dma source(%dma_start3A_195 : memref<64x128xf32, #tpu.memory_space<hbm>>) target(%dma_start3A_193 : memref<64x128xf32, #tpu.memory_space<vmem>>) target_semaphore(%arg8 : memref<!tpu.dma_semaphore, #tpu.memory_space<semaphore_mem>>)
      %dma_wait3A_196 = arith.constant 0 : i32
      %dma_wait3A_197 = arith.constant 0 : i32
      %dma_wait3A_198 = arith.constant 0 : i32
      %dma_wait3A_199 = tpu.memref_slice %arg6[%dma_wait3A_196, %dma_wait3A_197, %dma_wait3A_198] : memref<4x64x128xf32, #tpu.memory_space<vmem>> -> memref<1x64x128xf32, #tpu.memory_space<vmem>>
      %dma_wait3A_200 = tpu.memref_squeeze %dma_wait3A_199 : memref<1x64x128xf32, #tpu.memory_space<vmem>> -> memref<64x128xf32, #tpu.memory_space<vmem>>
      %dma_wait3A_201 = arith.constant 0 : i32
      %dma_wait3A_202 = arith.constant 0 : i32
      %dma_wait3A_203 = tpu.memref_slice %arg3[%dma_wait3A_201, %dma_wait3A_202] : memref<64x1000000xf32, #tpu.memory_space<hbm>> -> memref<64x128xf32, #tpu.memory_space<hbm>>
      %dma_wait3A_204 = arith.constant 0 : i32
      %dma_wait3A_205 = arith.constant 0 : i32
      %dma_wait3A_206 = tpu.memref_slice %arg6[%dma_wait3A_196, %dma_wait3A_204, %dma_wait3A_205] : memref<4x64x128xf32, #tpu.memory_space<vmem>> -> memref<1x64x128xf32, #tpu.memory_space<vmem>>
      %dma_wait3A_207 = tpu.memref_squeeze %dma_wait3A_206 : memref<1x64x128xf32, #tpu.memory_space<vmem>> -> memref<64x128xf32, #tpu.memory_space<vmem>>
      %dma_wait3A_208 = arith.constant 0 : i32
      %dma_wait3A_209 = arith.constant 0 : i32
      %dma_wait3A_210 = tpu.memref_slice %arg3[%dma_wait3A_208, %dma_wait3A_209] : memref<64x1000000xf32, #tpu.memory_space<hbm>> -> memref<64x128xf32, #tpu.memory_space<hbm>>
      tpu.wait_dma2 semaphore(%arg8 : memref<!tpu.dma_semaphore, #tpu.memory_space<semaphore_mem>>) src(%dma_wait3A_210 : memref<64x128xf32, #tpu.memory_space<hbm>>) dst(%dma_wait3A_207 : memref<64x128xf32, #tpu.memory_space<vmem>>)
      %slice3A_211 = vector.extract_strided_slice %get3A_118 {offsets = [1], sizes = [1], strides = [1]} : vector<16xi32> to vector<1xi32>
      %squeeze3A_212 = vector.extract %slice3A_211[0] : i32 from vector<1xi32>
      %and3A_213 = arith.constant 127 : i32
      %and3A_214 = arith.andi %squeeze3A_212, %and3A_213 : i32
      %broadcast_in_dim3A_215 = vector.broadcast %and3A_214 : i32 to vector<16xi32>
      %mul3A_216 = arith.constant 16 : i32
      %mul3A_217 = arith.muli %scan3A_110, %mul3A_216 : i32
      %add3A_218 = arith.constant 0 : i32
      %add3A_219 = arith.addi %mul3A_217, %add3A_218 : i32
      %add3A_220 = arith.constant 1 : i32
      %add3A_221 = arith.addi %add3A_219, %add3A_220 : i32
      %gather3A_222 = arith.constant 1 : i32
      %gather3A_223 = arith.constant 0 : i32
      %gather3A_224 = arith.constant 0 : i32
      %gather3A_225 = tpu.memref_slice %arg6[%gather3A_222, %gather3A_223, %gather3A_224] : memref<4x64x128xf32, #tpu.memory_space<vmem>> -> memref<1x64x128xf32, #tpu.memory_space<vmem>>
      %gather3A_226 = tpu.memref_squeeze %gather3A_225 : memref<1x64x128xf32, #tpu.memory_space<vmem>> -> memref<64x128xf32, #tpu.memory_space<vmem>>
      %gather3A_227 = tpu.vector_load_idx %gather3A_226[%add3A_3, %broadcast_in_dim3A_215] : memref<64x128xf32, #tpu.memory_space<vmem>>[vector<16xi32>, vector<16xi32>], vector<16xf32>,
      %swap3A_228 = arith.index_cast %add3A_221 : i32 to index
      %swap3A_229 = arith.constant 0 : index
      %swap3A_230 = tpu.vector_load %arg7[%swap3A_228, %swap3A_229] {strides = array<i32>} : memref<256x64xf32, #tpu.memory_space<vmem>>, vector<16xf32>,
      tpu.vector_store %arg7[%swap3A_228, %swap3A_229], %gather3A_227 {strides = array<i32>} : memref<256x64xf32, #tpu.memory_space<vmem>>, vector<16xf32>,
      %gather3A_231 = arith.constant 1 : i32
      %gather3A_232 = arith.constant 0 : i32
      %gather3A_233 = arith.constant 0 : i32
      %gather3A_234 = tpu.memref_slice %arg6[%gather3A_231, %gather3A_232, %gather3A_233] : memref<4x64x128xf32, #tpu.memory_space<vmem>> -> memref<1x64x128xf32, #tpu.memory_space<vmem>>
      %gather3A_235 = tpu.memref_squeeze %gather3A_234 : memref<1x64x128xf32, #tpu.memory_space<vmem>> -> memref<64x128xf32, #tpu.memory_space<vmem>>
      %gather3A_236 = tpu.vector_load_idx %gather3A_235[%add3A_6, %broadcast_in_dim3A_215] : memref<64x128xf32, #tpu.memory_space<vmem>>[vector<16xi32>, vector<16xi32>], vector<16xf32>,
      %swap3A_237 = arith.index_cast %add3A_221 : i32 to index
      %swap3A_238 = arith.constant 16 : index
      %swap3A_239 = tpu.vector_load %arg7[%swap3A_237, %swap3A_238] {strides = array<i32>} : memref<256x64xf32, #tpu.memory_space<vmem>>, vector<16xf32>,
      tpu.vector_store %arg7[%swap3A_237, %swap3A_238], %gather3A_236 {strides = array<i32>} : memref<256x64xf32, #tpu.memory_space<vmem>>, vector<16xf32>,
      %gather3A_240 = arith.constant 1 : i32
      %gather3A_241 = arith.constant 0 : i32
      %gather3A_242 = arith.constant 0 : i32
      %gather3A_243 = tpu.memref_slice %arg6[%gather3A_240, %gather3A_241, %gather3A_242] : memref<4x64x128xf32, #tpu.memory_space<vmem>> -> memref<1x64x128xf32, #tpu.memory_space<vmem>>
      %gather3A_244 = tpu.memref_squeeze %gather3A_243 : memref<1x64x128xf32, #tpu.memory_space<vmem>> -> memref<64x128xf32, #tpu.memory_space<vmem>>
      %gather3A_245 = tpu.vector_load_idx %gather3A_244[%add3A_9, %broadcast_in_dim3A_215] : memref<64x128xf32, #tpu.memory_space<vmem>>[vector<16xi32>, vector<16xi32>], vector<16xf32>,
      %swap3A_246 = arith.index_cast %add3A_221 : i32 to index
      %swap3A_247 = arith.constant 32 : index
      %swap3A_248 = tpu.vector_load %arg7[%swap3A_246, %swap3A_247] {strides = array<i32>} : memref<256x64xf32, #tpu.memory_space<vmem>>, vector<16xf32>,
      tpu.vector_store %arg7[%swap3A_246, %swap3A_247], %gather3A_245 {strides = array<i32>} : memref<256x64xf32, #tpu.memory_space<vmem>>, vector<16xf32>,
      %gather3A_249 = arith.constant 1 : i32
      %gather3A_250 = arith.constant 0 : i32
      %gather3A_251 = arith.constant 0 : i32
      %gather3A_252 = tpu.memref_slice %arg6[%gather3A_249, %gather3A_250, %gather3A_251] : memref<4x64x128xf32, #tpu.memory_space<vmem>> -> memref<1x64x128xf32, #tpu.memory_space<vmem>>
      %gather3A_253 = tpu.memref_squeeze %gather3A_252 : memref<1x64x128xf32, #tpu.memory_space<vmem>> -> memref<64x128xf32, #tpu.memory_space<vmem>>
      %gather3A_254 = tpu.vector_load_idx %gather3A_253[%add3A_12, %broadcast_in_dim3A_215] : memref<64x128xf32, #tpu.memory_space<vmem>>[vector<16xi32>, vector<16xi32>], vector<16xf32>,
      %swap3A_255 = arith.index_cast %add3A_221 : i32 to index
      %swap3A_256 = arith.constant 48 : index
      %swap3A_257 = tpu.vector_load %arg7[%swap3A_255, %swap3A_256] {strides = array<i32>} : memref<256x64xf32, #tpu.memory_space<vmem>>, vector<16xf32>,
      tpu.vector_store %arg7[%swap3A_255, %swap3A_256], %gather3A_254 {strides = array<i32>} : memref<256x64xf32, #tpu.memory_space<vmem>>, vector<16xf32>,
      %slice3A_258 = vector.extract_strided_slice %get3A_118 {offsets = [5], sizes = [1], strides = [1]} : vector<16xi32> to vector<1xi32>
      %squeeze3A_259 = vector.extract %slice3A_258[0] : i32 from vector<1xi32>
      %shift_right_arithmetic3A_260 = arith.constant 7 : i32
      %shift_right_arithmetic3A_261 = arith.shrsi %squeeze3A_259, %shift_right_arithmetic3A_260 : i32
      %mul3A_262 = arith.constant 128 : i32
      %mul3A_263 = arith.muli %shift_right_arithmetic3A_261, %mul3A_262 : i32
      %multiple_of3A_264 = tpu.assume_multiple %mul3A_263, 128 : i32
      %dma_start3A_265 = arith.constant 1 : i32
      %dma_start3A_266 = arith.constant 0 : i32
      %dma_start3A_267 = arith.constant 0 : i32
      %dma_start3A_268 = tpu.memref_slice %arg6[%dma_start3A_265, %dma_start3A_266, %dma_start3A_267] : memref<4x64x128xf32, #tpu.memory_space<vmem>> -> memref<1x64x128xf32, #tpu.memory_space<vmem>>
      %dma_start3A_269 = tpu.memref_squeeze %dma_start3A_268 : memref<1x64x128xf32, #tpu.memory_space<vmem>> -> memref<64x128xf32, #tpu.memory_space<vmem>>
      %dma_start3A_270 = arith.constant 0 : i32
      %dma_start3A_271 = tpu.memref_slice %arg3[%dma_start3A_270, %multiple_of3A_264] : memref<64x1000000xf32, #tpu.memory_space<hbm>> -> memref<64x128xf32, #tpu.memory_space<hbm>>
      %dma_start3A_272 = arith.constant 0 : i32
      %dma_start3A_273 = arith.constant 0 : i32
      %dma_start3A_274 = tpu.memref_slice %arg6[%dma_start3A_265, %dma_start3A_272, %dma_start3A_273] : memref<4x64x128xf32, #tpu.memory_space<vmem>> -> memref<1x64x128xf32, #tpu.memory_space<vmem>>
      %dma_start3A_275 = tpu.memref_squeeze %dma_start3A_274 : memref<1x64x128xf32, #tpu.memory_space<vmem>> -> memref<64x128xf32, #tpu.memory_space<vmem>>
      %dma_start3A_276 = arith.constant 0 : i32
      %dma_start3A_277 = tpu.memref_slice %arg3[%dma_start3A_276, %multiple_of3A_264] : memref<64x1000000xf32, #tpu.memory_space<hbm>> -> memref<64x128xf32, #tpu.memory_space<hbm>>
      tpu.enqueue_dma source(%dma_start3A_277 : memref<64x128xf32, #tpu.memory_space<hbm>>) target(%dma_start3A_275 : memref<64x128xf32, #tpu.memory_space<vmem>>) target_semaphore(%arg8 : memref<!tpu.dma_semaphore, #tpu.memory_space<semaphore_mem>>)
      %dma_wait3A_278 = arith.constant 0 : i32
      %dma_wait3A_279 = arith.constant 0 : i32
      %dma_wait3A_280 = arith.constant 0 : i32
      %dma_wait3A_281 = tpu.memref_slice %arg6[%dma_wait3A_278, %dma_wait3A_279, %dma_wait3A_280] : memref<4x64x128xf32, #tpu.memory_space<vmem>> -> memref<1x64x128xf32, #tpu.memory_space<vmem>>
      %dma_wait3A_282 = tpu.memref_squeeze %dma_wait3A_281 : memref<1x64x128xf32, #tpu.memory_space<vmem>> -> memref<64x128xf32, #tpu.memory_space<vmem>>
      %dma_wait3A_283 = arith.constant 0 : i32
      %dma_wait3A_284 = arith.constant 0 : i32
      %dma_wait3A_285 = tpu.memref_slice %arg3[%dma_wait3A_283, %dma_wait3A_284] : memref<64x1000000xf32, #tpu.memory_space<hbm>> -> memref<64x128xf32, #tpu.memory_space<hbm>>
      %dma_wait3A_286 = arith.constant 0 : i32
      %dma_wait3A_287 = arith.constant 0 : i32
      %dma_wait3A_288 = tpu.memref_slice %arg6[%dma_wait3A_278, %dma_wait3A_286, %dma_wait3A_287] : memref<4x64x128xf32, #tpu.memory_space<vmem>> -> memref<1x64x128xf32, #tpu.memory_space<vmem>>
      %dma_wait3A_289 = tpu.memref_squeeze %dma_wait3A_288 : memref<1x64x128xf32, #tpu.memory_space<vmem>> -> memref<64x128xf32, #tpu.memory_space<vmem>>
      %dma_wait3A_290 = arith.constant 0 : i32
      %dma_wait3A_291 = arith.constant 0 : i32
      %dma_wait3A_292 = tpu.memref_slice %arg3[%dma_wait3A_290, %dma_wait3A_291] : memref<64x1000000xf32, #tpu.memory_space<hbm>> -> memref<64x128xf32, #tpu.memory_space<hbm>>
      tpu.wait_dma2 semaphore(%arg8 : memref<!tpu.dma_semaphore, #tpu.memory_space<semaphore_mem>>) src(%dma_wait3A_292 : memref<64x128xf32, #tpu.memory_space<hbm>>) dst(%dma_wait3A_289 : memref<64x128xf32, #tpu.memory_space<vmem>>)
      %slice3A_293 = vector.extract_strided_slice %get3A_118 {offsets = [2], sizes = [1], strides = [1]} : vector<16xi32> to vector<1xi32>
      %squeeze3A_294 = vector.extract %slice3A_293[0] : i32 from vector<1xi32>
      %and3A_295 = arith.constant 127 : i32
      %and3A_296 = arith.andi %squeeze3A_294, %and3A_295 : i32
      %broadcast_in_dim3A_297 = vector.broadcast %and3A_296 : i32 to vector<16xi32>
      %mul3A_298 = arith.constant 16 : i32
      %mul3A_299 = arith.muli %scan3A_110, %mul3A_298 : i32
      %add3A_300 = arith.constant 0 : i32
      %add3A_301 = arith.addi %mul3A_299, %add3A_300 : i32
      %add3A_302 = arith.constant 2 : i32
      %add3A_303 = arith.addi %add3A_301, %add3A_302 : i32
      %gather3A_304 = arith.constant 2 : i32
      %gather3A_305 = arith.constant 0 : i32
      %gather3A_306 = arith.constant 0 : i32
      %gather3A_307 = tpu.memref_slice %arg6[%gather3A_304, %gather3A_305, %gather3A_306] : memref<4x64x128xf32, #tpu.memory_space<vmem>> -> memref<1x64x128xf32, #tpu.memory_space<vmem>>
      %gather3A_308 = tpu.memref_squeeze %gather3A_307 : memref<1x64x128xf32, #tpu.memory_space<vmem>> -> memref<64x128xf32, #tpu.memory_space<vmem>>
      %gather3A_309 = tpu.vector_load_idx %gather3A_308[%add3A_3, %broadcast_in_dim3A_297] : memref<64x128xf32, #tpu.memory_space<vmem>>[vector<16xi32>, vector<16xi32>], vector<16xf32>,
      %swap3A_310 = arith.index_cast %add3A_303 : i32 to index
      %swap3A_311 = arith.constant 0 : index
      %swap3A_312 = tpu.vector_load %arg7[%swap3A_310, %swap3A_311] {strides = array<i32>} : memref<256x64xf32, #tpu.memory_space<vmem>>, vector<16xf32>,
      tpu.vector_store %arg7[%swap3A_310, %swap3A_311], %gather3A_309 {strides = array<i32>} : memref<256x64xf32, #tpu.memory_space<vmem>>, vector<16xf32>,
      %gather3A_313 = arith.constant 2 : i32
      %gather3A_314 = arith.constant 0 : i32
      %gather3A_315 = arith.constant 0 : i32
      %gather3A_316 = tpu.memref_slice %arg6[%gather3A_313, %gather3A_314, %gather3A_315] : memref<4x64x128xf32, #tpu.memory_space<vmem>> -> memref<1x64x128xf32, #tpu.memory_space<vmem>>
      %gather3A_317 = tpu.memref_squeeze %gather3A_316 : memref<1x64x128xf32, #tpu.memory_space<vmem>> -> memref<64x128xf32, #tpu.memory_space<vmem>>
      %gather3A_318 = tpu.vector_load_idx %gather3A_317[%add3A_6, %broadcast_in_dim3A_297] : memref<64x128xf32, #tpu.memory_space<vmem>>[vector<16xi32>, vector<16xi32>], vector<16xf32>,
      %swap3A_319 = arith.index_cast %add3A_303 : i32 to index
      %swap3A_320 = arith.constant 16 : index
      %swap3A_321 = tpu.vector_load %arg7[%swap3A_319, %swap3A_320] {strides = array<i32>} : memref<256x64xf32, #tpu.memory_space<vmem>>, vector<16xf32>,
      tpu.vector_store %arg7[%swap3A_319, %swap3A_320], %gather3A_318 {strides = array<i32>} : memref<256x64xf32, #tpu.memory_space<vmem>>, vector<16xf32>,
      %gather3A_322 = arith.constant 2 : i32
      %gather3A_323 = arith.constant 0 : i32
      %gather3A_324 = arith.constant 0 : i32
      %gather3A_325 = tpu.memref_slice %arg6[%gather3A_322, %gather3A_323, %gather3A_324] : memref<4x64x128xf32, #tpu.memory_space<vmem>> -> memref<1x64x128xf32, #tpu.memory_space<vmem>>
      %gather3A_326 = tpu.memref_squeeze %gather3A_325 : memref<1x64x128xf32, #tpu.memory_space<vmem>> -> memref<64x128xf32, #tpu.memory_space<vmem>>
      %gather3A_327 = tpu.vector_load_idx %gather3A_326[%add3A_9, %broadcast_in_dim3A_297] : memref<64x128xf32, #tpu.memory_space<vmem>>[vector<16xi32>, vector<16xi32>], vector<16xf32>,
      %swap3A_328 = arith.index_cast %add3A_303 : i32 to index
      %swap3A_329 = arith.constant 32 : index
      %swap3A_330 = tpu.vector_load %arg7[%swap3A_328, %swap3A_329] {strides = array<i32>} : memref<256x64xf32, #tpu.memory_space<vmem>>, vector<16xf32>,
      tpu.vector_store %arg7[%swap3A_328, %swap3A_329], %gather3A_327 {strides = array<i32>} : memref<256x64xf32, #tpu.memory_space<vmem>>, vector<16xf32>,
      %gather3A_331 = arith.constant 2 : i32
      %gather3A_332 = arith.constant 0 : i32
      %gather3A_333 = arith.constant 0 : i32
      %gather3A_334 = tpu.memref_slice %arg6[%gather3A_331, %gather3A_332, %gather3A_333] : memref<4x64x128xf32, #tpu.memory_space<vmem>> -> memref<1x64x128xf32, #tpu.memory_space<vmem>>
      %gather3A_335 = tpu.memref_squeeze %gather3A_334 : memref<1x64x128xf32, #tpu.memory_space<vmem>> -> memref<64x128xf32, #tpu.memory_space<vmem>>
      %gather3A_336 = tpu.vector_load_idx %gather3A_335[%add3A_12, %broadcast_in_dim3A_297] : memref<64x128xf32, #tpu.memory_space<vmem>>[vector<16xi32>, vector<16xi32>], vector<16xf32>,
      %swap3A_337 = arith.index_cast %add3A_303 : i32 to index
      %swap3A_338 = arith.constant 48 : index
      %swap3A_339 = tpu.vector_load %arg7[%swap3A_337, %swap3A_338] {strides = array<i32>} : memref<256x64xf32, #tpu.memory_space<vmem>>, vector<16xf32>,
      tpu.vector_store %arg7[%swap3A_337, %swap3A_338], %gather3A_336 {strides = array<i32>} : memref<256x64xf32, #tpu.memory_space<vmem>>, vector<16xf32>,
      %slice3A_340 = vector.extract_strided_slice %get3A_118 {offsets = [6], sizes = [1], strides = [1]} : vector<16xi32> to vector<1xi32>
      %squeeze3A_341 = vector.extract %slice3A_340[0] : i32 from vector<1xi32>
      %shift_right_arithmetic3A_342 = arith.constant 7 : i32
      %shift_right_arithmetic3A_343 = arith.shrsi %squeeze3A_341, %shift_right_arithmetic3A_342 : i32
      %mul3A_344 = arith.constant 128 : i32
      %mul3A_345 = arith.muli %shift_right_arithmetic3A_343, %mul3A_344 : i32
      %multiple_of3A_346 = tpu.assume_multiple %mul3A_345, 128 : i32
      %dma_start3A_347 = arith.constant 2 : i32
      %dma_start3A_348 = arith.constant 0 : i32
      %dma_start3A_349 = arith.constant 0 : i32
      %dma_start3A_350 = tpu.memref_slice %arg6[%dma_start3A_347, %dma_start3A_348, %dma_start3A_349] : memref<4x64x128xf32, #tpu.memory_space<vmem>> -> memref<1x64x128xf32, #tpu.memory_space<vmem>>
      %dma_start3A_351 = tpu.memref_squeeze %dma_start3A_350 : memref<1x64x128xf32, #tpu.memory_space<vmem>> -> memref<64x128xf32, #tpu.memory_space<vmem>>
      %dma_start3A_352 = arith.constant 0 : i32
      %dma_start3A_353 = tpu.memref_slice %arg3[%dma_start3A_352, %multiple_of3A_346] : memref<64x1000000xf32, #tpu.memory_space<hbm>> -> memref<64x128xf32, #tpu.memory_space<hbm>>
      %dma_start3A_354 = arith.constant 0 : i32
      %dma_start3A_355 = arith.constant 0 : i32
      %dma_start3A_356 = tpu.memref_slice %arg6[%dma_start3A_347, %dma_start3A_354, %dma_start3A_355] : memref<4x64x128xf32, #tpu.memory_space<vmem>> -> memref<1x64x128xf32, #tpu.memory_space<vmem>>
      %dma_start3A_357 = tpu.memref_squeeze %dma_start3A_356 : memref<1x64x128xf32, #tpu.memory_space<vmem>> -> memref<64x128xf32, #tpu.memory_space<vmem>>
      %dma_start3A_358 = arith.constant 0 : i32
      %dma_start3A_359 = tpu.memref_slice %arg3[%dma_start3A_358, %multiple_of3A_346] : memref<64x1000000xf32, #tpu.memory_space<hbm>> -> memref<64x128xf32, #tpu.memory_space<hbm>>
      tpu.enqueue_dma source(%dma_start3A_359 : memref<64x128xf32, #tpu.memory_space<hbm>>) target(%dma_start3A_357 : memref<64x128xf32, #tpu.memory_space<vmem>>) target_semaphore(%arg8 : memref<!tpu.dma_semaphore, #tpu.memory_space<semaphore_mem>>)
      %dma_wait3A_360 = arith.constant 0 : i32
      %dma_wait3A_361 = arith.constant 0 : i32
      %dma_wait3A_362 = arith.constant 0 : i32
      %dma_wait3A_363 = tpu.memref_slice %arg6[%dma_wait3A_360, %dma_wait3A_361, %dma_wait3A_362] : memref<4x64x128xf32, #tpu.memory_space<vmem>> -> memref<1x64x128xf32, #tpu.memory_space<vmem>>
      %dma_wait3A_364 = tpu.memref_squeeze %dma_wait3A_363 : memref<1x64x128xf32, #tpu.memory_space<vmem>> -> memref<64x128xf32, #tpu.memory_space<vmem>>
      %dma_wait3A_365 = arith.constant 0 : i32
      %dma_wait3A_366 = arith.constant 0 : i32
      %dma_wait3A_367 = tpu.memref_slice %arg3[%dma_wait3A_365, %dma_wait3A_366] : memref<64x1000000xf32, #tpu.memory_space<hbm>> -> memref<64x128xf32, #tpu.memory_space<hbm>>
      %dma_wait3A_368 = arith.constant 0 : i32
      %dma_wait3A_369 = arith.constant 0 : i32
      %dma_wait3A_370 = tpu.memref_slice %arg6[%dma_wait3A_360, %dma_wait3A_368, %dma_wait3A_369] : memref<4x64x128xf32, #tpu.memory_space<vmem>> -> memref<1x64x128xf32, #tpu.memory_space<vmem>>
      %dma_wait3A_371 = tpu.memref_squeeze %dma_wait3A_370 : memref<1x64x128xf32, #tpu.memory_space<vmem>> -> memref<64x128xf32, #tpu.memory_space<vmem>>
      %dma_wait3A_372 = arith.constant 0 : i32
      %dma_wait3A_373 = arith.constant 0 : i32
      %dma_wait3A_374 = tpu.memref_slice %arg3[%dma_wait3A_372, %dma_wait3A_373] : memref<64x1000000xf32, #tpu.memory_space<hbm>> -> memref<64x128xf32, #tpu.memory_space<hbm>>
      tpu.wait_dma2 semaphore(%arg8 : memref<!tpu.dma_semaphore, #tpu.memory_space<semaphore_mem>>) src(%dma_wait3A_374 : memref<64x128xf32, #tpu.memory_space<hbm>>) dst(%dma_wait3A_371 : memref<64x128xf32, #tpu.memory_space<vmem>>)
      %slice3A_375 = vector.extract_strided_slice %get3A_118 {offsets = [3], sizes = [1], strides = [1]} : vector<16xi32> to vector<1xi32>
      %squeeze3A_376 = vector.extract %slice3A_375[0] : i32 from vector<1xi32>
      %and3A_377 = arith.constant 127 : i32
      %and3A_378 = arith.andi %squeeze3A_376, %and3A_377 : i32
      %broadcast_in_dim3A_379 = vector.broadcast %and3A_378 : i32 to vector<16xi32>
      %mul3A_380 = arith.constant 16 : i32
      %mul3A_381 = arith.muli %scan3A_110, %mul3A_380 : i32
      %add3A_382 = arith.constant 0 : i32
      %add3A_383 = arith.addi %mul3A_381, %add3A_382 : i32
      %add3A_384 = arith.constant 3 : i32
      %add3A_385 = arith.addi %add3A_383, %add3A_384 : i32
      %gather3A_386 = arith.constant 3 : i32
      %gather3A_387 = arith.constant 0 : i32
      %gather3A_388 = arith.constant 0 : i32
      %gather3A_389 = tpu.memref_slice %arg6[%gather3A_386, %gather3A_387, %gather3A_388] : memref<4x64x128xf32, #tpu.memory_space<vmem>> -> memref<1x64x128xf32, #tpu.memory_space<vmem>>
      %gather3A_390 = tpu.memref_squeeze %gather3A_389 : memref<1x64x128xf32, #tpu.memory_space<vmem>> -> memref<64x128xf32, #tpu.memory_space<vmem>>
      %gather3A_391 = tpu.vector_load_idx %gather3A_390[%add3A_3, %broadcast_in_dim3A_379] : memref<64x128xf32, #tpu.memory_space<vmem>>[vector<16xi32>, vector<16xi32>], vector<16xf32>,
      %swap3A_392 = arith.index_cast %add3A_385 : i32 to index
      %swap3A_393 = arith.constant 0 : index
      %swap3A_394 = tpu.vector_load %arg7[%swap3A_392, %swap3A_393] {strides = array<i32>} : memref<256x64xf32, #tpu.memory_space<vmem>>, vector<16xf32>,
      tpu.vector_store %arg7[%swap3A_392, %swap3A_393], %gather3A_391 {strides = array<i32>} : memref<256x64xf32, #tpu.memory_space<vmem>>, vector<16xf32>,
      %gather3A_395 = arith.constant 3 : i32
      %gather3A_396 = arith.constant 0 : i32
      %gather3A_397 = arith.constant 0 : i32
      %gather3A_398 = tpu.memref_slice %arg6[%gather3A_395, %gather3A_396, %gather3A_397] : memref<4x64x128xf32, #tpu.memory_space<vmem>> -> memref<1x64x128xf32, #tpu.memory_space<vmem>>
      %gather3A_399 = tpu.memref_squeeze %gather3A_398 : memref<1x64x128xf32, #tpu.memory_space<vmem>> -> memref<64x128xf32, #tpu.memory_space<vmem>>
      %gather3A_400 = tpu.vector_load_idx %gather3A_399[%add3A_6, %broadcast_in_dim3A_379] : memref<64x128xf32, #tpu.memory_space<vmem>>[vector<16xi32>, vector<16xi32>], vector<16xf32>,
      %swap3A_401 = arith.index_cast %add3A_385 : i32 to index
      %swap3A_402 = arith.constant 16 : index
      %swap3A_403 = tpu.vector_load %arg7[%swap3A_401, %swap3A_402] {strides = array<i32>} : memref<256x64xf32, #tpu.memory_space<vmem>>, vector<16xf32>,
      tpu.vector_store %arg7[%swap3A_401, %swap3A_402], %gather3A_400 {strides = array<i32>} : memref<256x64xf32, #tpu.memory_space<vmem>>, vector<16xf32>,
      %gather3A_404 = arith.constant 3 : i32
      %gather3A_405 = arith.constant 0 : i32
      %gather3A_406 = arith.constant 0 : i32
      %gather3A_407 = tpu.memref_slice %arg6[%gather3A_404, %gather3A_405, %gather3A_406] : memref<4x64x128xf32, #tpu.memory_space<vmem>> -> memref<1x64x128xf32, #tpu.memory_space<vmem>>
      %gather3A_408 = tpu.memref_squeeze %gather3A_407 : memref<1x64x128xf32, #tpu.memory_space<vmem>> -> memref<64x128xf32, #tpu.memory_space<vmem>>
      %gather3A_409 = tpu.vector_load_idx %gather3A_408[%add3A_9, %broadcast_in_dim3A_379] : memref<64x128xf32, #tpu.memory_space<vmem>>[vector<16xi32>, vector<16xi32>], vector<16xf32>,
      %swap3A_410 = arith.index_cast %add3A_385 : i32 to index
      %swap3A_411 = arith.constant 32 : index
      %swap3A_412 = tpu.vector_load %arg7[%swap3A_410, %swap3A_411] {strides = array<i32>} : memref<256x64xf32, #tpu.memory_space<vmem>>, vector<16xf32>,
      tpu.vector_store %arg7[%swap3A_410, %swap3A_411], %gather3A_409 {strides = array<i32>} : memref<256x64xf32, #tpu.memory_space<vmem>>, vector<16xf32>,
      %gather3A_413 = arith.constant 3 : i32
      %gather3A_414 = arith.constant 0 : i32
      %gather3A_415 = arith.constant 0 : i32
      %gather3A_416 = tpu.memref_slice %arg6[%gather3A_413, %gather3A_414, %gather3A_415] : memref<4x64x128xf32, #tpu.memory_space<vmem>> -> memref<1x64x128xf32, #tpu.memory_space<vmem>>
      %gather3A_417 = tpu.memref_squeeze %gather3A_416 : memref<1x64x128xf32, #tpu.memory_space<vmem>> -> memref<64x128xf32, #tpu.memory_space<vmem>>
      %gather3A_418 = tpu.vector_load_idx %gather3A_417[%add3A_12, %broadcast_in_dim3A_379] : memref<64x128xf32, #tpu.memory_space<vmem>>[vector<16xi32>, vector<16xi32>], vector<16xf32>,
      %swap3A_419 = arith.index_cast %add3A_385 : i32 to index
      %swap3A_420 = arith.constant 48 : index
      %swap3A_421 = tpu.vector_load %arg7[%swap3A_419, %swap3A_420] {strides = array<i32>} : memref<256x64xf32, #tpu.memory_space<vmem>>, vector<16xf32>,
      tpu.vector_store %arg7[%swap3A_419, %swap3A_420], %gather3A_418 {strides = array<i32>} : memref<256x64xf32, #tpu.memory_space<vmem>>, vector<16xf32>,
      %slice3A_422 = vector.extract_strided_slice %get3A_118 {offsets = [7], sizes = [1], strides = [1]} : vector<16xi32> to vector<1xi32>
      %squeeze3A_423 = vector.extract %slice3A_422[0] : i32 from vector<1xi32>
      %shift_right_arithmetic3A_424 = arith.constant 7 : i32
      %shift_right_arithmetic3A_425 = arith.shrsi %squeeze3A_423, %shift_right_arithmetic3A_424 : i32
      %mul3A_426 = arith.constant 128 : i32
      %mul3A_427 = arith.muli %shift_right_arithmetic3A_425, %mul3A_426 : i32
      %multiple_of3A_428 = tpu.assume_multiple %mul3A_427, 128 : i32
      %dma_start3A_429 = arith.constant 3 : i32
      %dma_start3A_430 = arith.constant 0 : i32
      %dma_start3A_431 = arith.constant 0 : i32
      %dma_start3A_432 = tpu.memref_slice %arg6[%dma_start3A_429, %dma_start3A_430, %dma_start3A_431] : memref<4x64x128xf32, #tpu.memory_space<vmem>> -> memref<1x64x128xf32, #tpu.memory_space<vmem>>
      %dma_start3A_433 = tpu.memref_squeeze %dma_start3A_432 : memref<1x64x128xf32, #tpu.memory_space<vmem>> -> memref<64x128xf32, #tpu.memory_space<vmem>>
      %dma_start3A_434 = arith.constant 0 : i32
      %dma_start3A_435 = tpu.memref_slice %arg3[%dma_start3A_434, %multiple_of3A_428] : memref<64x1000000xf32, #tpu.memory_space<hbm>> -> memref<64x128xf32, #tpu.memory_space<hbm>>
      %dma_start3A_436 = arith.constant 0 : i32
      %dma_start3A_437 = arith.constant 0 : i32
      %dma_start3A_438 = tpu.memref_slice %arg6[%dma_start3A_429, %dma_start3A_436, %dma_start3A_437] : memref<4x64x128xf32, #tpu.memory_space<vmem>> -> memref<1x64x128xf32, #tpu.memory_space<vmem>>
      %dma_start3A_439 = tpu.memref_squeeze %dma_start3A_438 : memref<1x64x128xf32, #tpu.memory_space<vmem>> -> memref<64x128xf32, #tpu.memory_space<vmem>>
      %dma_start3A_440 = arith.constant 0 : i32
      %dma_start3A_441 = tpu.memref_slice %arg3[%dma_start3A_440, %multiple_of3A_428] : memref<64x1000000xf32, #tpu.memory_space<hbm>> -> memref<64x128xf32, #tpu.memory_space<hbm>>
      tpu.enqueue_dma source(%dma_start3A_441 : memref<64x128xf32, #tpu.memory_space<hbm>>) target(%dma_start3A_439 : memref<64x128xf32, #tpu.memory_space<vmem>>) target_semaphore(%arg8 : memref<!tpu.dma_semaphore, #tpu.memory_space<semaphore_mem>>)
      %dma_wait3A_442 = arith.constant 0 : i32
      %dma_wait3A_443 = arith.constant 0 : i32
      %dma_wait3A_444 = arith.constant 0 : i32
      %dma_wait3A_445 = tpu.memref_slice %arg6[%dma_wait3A_442, %dma_wait3A_443, %dma_wait3A_444] : memref<4x64x128xf32, #tpu.memory_space<vmem>> -> memref<1x64x128xf32, #tpu.memory_space<vmem>>
      %dma_wait3A_446 = tpu.memref_squeeze %dma_wait3A_445 : memref<1x64x128xf32, #tpu.memory_space<vmem>> -> memref<64x128xf32, #tpu.memory_space<vmem>>
      %dma_wait3A_447 = arith.constant 0 : i32
      %dma_wait3A_448 = arith.constant 0 : i32
      %dma_wait3A_449 = tpu.memref_slice %arg3[%dma_wait3A_447, %dma_wait3A_448] : memref<64x1000000xf32, #tpu.memory_space<hbm>> -> memref<64x128xf32, #tpu.memory_space<hbm>>
      %dma_wait3A_450 = arith.constant 0 : i32
      %dma_wait3A_451 = arith.constant 0 : i32
      %dma_wait3A_452 = tpu.memref_slice %arg6[%dma_wait3A_442, %dma_wait3A_450, %dma_wait3A_451] : memref<4x64x128xf32, #tpu.memory_space<vmem>> -> memref<1x64x128xf32, #tpu.memory_space<vmem>>
      %dma_wait3A_453 = tpu.memref_squeeze %dma_wait3A_452 : memref<1x64x128xf32, #tpu.memory_space<vmem>> -> memref<64x128xf32, #tpu.memory_space<vmem>>
      %dma_wait3A_454 = arith.constant 0 : i32
      %dma_wait3A_455 = arith.constant 0 : i32
      %dma_wait3A_456 = tpu.memref_slice %arg3[%dma_wait3A_454, %dma_wait3A_455] : memref<64x1000000xf32, #tpu.memory_space<hbm>> -> memref<64x128xf32, #tpu.memory_space<hbm>>
      tpu.wait_dma2 semaphore(%arg8 : memref<!tpu.dma_semaphore, #tpu.memory_space<semaphore_mem>>) src(%dma_wait3A_456 : memref<64x128xf32, #tpu.memory_space<hbm>>) dst(%dma_wait3A_453 : memref<64x128xf32, #tpu.memory_space<vmem>>)
      %slice3A_457 = vector.extract_strided_slice %get3A_118 {offsets = [4], sizes = [1], strides = [1]} : vector<16xi32> to vector<1xi32>
      %squeeze3A_458 = vector.extract %slice3A_457[0] : i32 from vector<1xi32>
      %and3A_459 = arith.constant 127 : i32
      %and3A_460 = arith.andi %squeeze3A_458, %and3A_459 : i32
      %broadcast_in_dim3A_461 = vector.broadcast %and3A_460 : i32 to vector<16xi32>
      %mul3A_462 = arith.constant 16 : i32
      %mul3A_463 = arith.muli %scan3A_110, %mul3A_462 : i32
      %add3A_464 = arith.constant 4 : i32
      %add3A_465 = arith.addi %mul3A_463, %add3A_464 : i32
      %add3A_466 = arith.constant 0 : i32
      %add3A_467 = arith.addi %add3A_465, %add3A_466 : i32
      %gather3A_468 = arith.constant 0 : i32
      %gather3A_469 = arith.constant 0 : i32
      %gather3A_470 = arith.constant 0 : i32
      %gather3A_471 = tpu.memref_slice %arg6[%gather3A_468, %gather3A_469, %gather3A_470] : memref<4x64x128xf32, #tpu.memory_space<vmem>> -> memref<1x64x128xf32, #tpu.memory_space<vmem>>
      %gather3A_472 = tpu.memref_squeeze %gather3A_471 : memref<1x64x128xf32, #tpu.memory_space<vmem>> -> memref<64x128xf32, #tpu.memory_space<vmem>>
      %gather3A_473 = tpu.vector_load_idx %gather3A_472[%add3A_3, %broadcast_in_dim3A_461] : memref<64x128xf32, #tpu.memory_space<vmem>>[vector<16xi32>, vector<16xi32>], vector<16xf32>,
      %swap3A_474 = arith.index_cast %add3A_467 : i32 to index
      %swap3A_475 = arith.constant 0 : index
      %swap3A_476 = tpu.vector_load %arg7[%swap3A_474, %swap3A_475] {strides = array<i32>} : memref<256x64xf32, #tpu.memory_space<vmem>>, vector<16xf32>,
      tpu.vector_store %arg7[%swap3A_474, %swap3A_475], %gather3A_473 {strides = array<i32>} : memref<256x64xf32, #tpu.memory_space<vmem>>, vector<16xf32>,
      %gather3A_477 = arith.constant 0 : i32
      %gather3A_478 = arith.constant 0 : i32
      %gather3A_479 = arith.constant 0 : i32
      %gather3A_480 = tpu.memref_slice %arg6[%gather3A_477, %gather3A_478, %gather3A_479] : memref<4x64x128xf32, #tpu.memory_space<vmem>> -> memref<1x64x128xf32, #tpu.memory_space<vmem>>
      %gather3A_481 = tpu.memref_squeeze %gather3A_480 : memref<1x64x128xf32, #tpu.memory_space<vmem>> -> memref<64x128xf32, #tpu.memory_space<vmem>>
      %gather3A_482 = tpu.vector_load_idx %gather3A_481[%add3A_6, %broadcast_in_dim3A_461] : memref<64x128xf32, #tpu.memory_space<vmem>>[vector<16xi32>, vector<16xi32>], vector<16xf32>,
      %swap3A_483 = arith.index_cast %add3A_467 : i32 to index
      %swap3A_484 = arith.constant 16 : index
      %swap3A_485 = tpu.vector_load %arg7[%swap3A_483, %swap3A_484] {strides = array<i32>} : memref<256x64xf32, #tpu.memory_space<vmem>>, vector<16xf32>,
      tpu.vector_store %arg7[%swap3A_483, %swap3A_484], %gather3A_482 {strides = array<i32>} : memref<256x64xf32, #tpu.memory_space<vmem>>, vector<16xf32>,
      %gather3A_486 = arith.constant 0 : i32
      %gather3A_487 = arith.constant 0 : i32
      %gather3A_488 = arith.constant 0 : i32
      %gather3A_489 = tpu.memref_slice %arg6[%gather3A_486, %gather3A_487, %gather3A_488] : memref<4x64x128xf32, #tpu.memory_space<vmem>> -> memref<1x64x128xf32, #tpu.memory_space<vmem>>
      %gather3A_490 = tpu.memref_squeeze %gather3A_489 : memref<1x64x128xf32, #tpu.memory_space<vmem>> -> memref<64x128xf32, #tpu.memory_space<vmem>>
      %gather3A_491 = tpu.vector_load_idx %gather3A_490[%add3A_9, %broadcast_in_dim3A_461] : memref<64x128xf32, #tpu.memory_space<vmem>>[vector<16xi32>, vector<16xi32>], vector<16xf32>,
      %swap3A_492 = arith.index_cast %add3A_467 : i32 to index
      %swap3A_493 = arith.constant 32 : index
      %swap3A_494 = tpu.vector_load %arg7[%swap3A_492, %swap3A_493] {strides = array<i32>} : memref<256x64xf32, #tpu.memory_space<vmem>>, vector<16xf32>,
      tpu.vector_store %arg7[%swap3A_492, %swap3A_493], %gather3A_491 {strides = array<i32>} : memref<256x64xf32, #tpu.memory_space<vmem>>, vector<16xf32>,
      %gather3A_495 = arith.constant 0 : i32
      %gather3A_496 = arith.constant 0 : i32
      %gather3A_497 = arith.constant 0 : i32
      %gather3A_498 = tpu.memref_slice %arg6[%gather3A_495, %gather3A_496, %gather3A_497] : memref<4x64x128xf32, #tpu.memory_space<vmem>> -> memref<1x64x128xf32, #tpu.memory_space<vmem>>
      %gather3A_499 = tpu.memref_squeeze %gather3A_498 : memref<1x64x128xf32, #tpu.memory_space<vmem>> -> memref<64x128xf32, #tpu.memory_space<vmem>>
      %gather3A_500 = tpu.vector_load_idx %gather3A_499[%add3A_12, %broadcast_in_dim3A_461] : memref<64x128xf32, #tpu.memory_space<vmem>>[vector<16xi32>, vector<16xi32>], vector<16xf32>,
      %swap3A_501 = arith.index_cast %add3A_467 : i32 to index
      %swap3A_502 = arith.constant 48 : index
      %swap3A_503 = tpu.vector_load %arg7[%swap3A_501, %swap3A_502] {strides = array<i32>} : memref<256x64xf32, #tpu.memory_space<vmem>>, vector<16xf32>,
      tpu.vector_store %arg7[%swap3A_501, %swap3A_502], %gather3A_500 {strides = array<i32>} : memref<256x64xf32, #tpu.memory_space<vmem>>, vector<16xf32>,
      %slice3A_504 = vector.extract_strided_slice %get3A_118 {offsets = [8], sizes = [1], strides = [1]} : vector<16xi32> to vector<1xi32>
      %squeeze3A_505 = vector.extract %slice3A_504[0] : i32 from vector<1xi32>
      %shift_right_arithmetic3A_506 = arith.constant 7 : i32
      %shift_right_arithmetic3A_507 = arith.shrsi %squeeze3A_505, %shift_right_arithmetic3A_506 : i32
      %mul3A_508 = arith.constant 128 : i32
      %mul3A_509 = arith.muli %shift_right_arithmetic3A_507, %mul3A_508 : i32
      %multiple_of3A_510 = tpu.assume_multiple %mul3A_509, 128 : i32
      %dma_start3A_511 = arith.constant 0 : i32
      %dma_start3A_512 = arith.constant 0 : i32
      %dma_start3A_513 = arith.constant 0 : i32
      %dma_start3A_514 = tpu.memref_slice %arg6[%dma_start3A_511, %dma_start3A_512, %dma_start3A_513] : memref<4x64x128xf32, #tpu.memory_space<vmem>> -> memref<1x64x128xf32, #tpu.memory_space<vmem>>
      %dma_start3A_515 = tpu.memref_squeeze %dma_start3A_514 : memref<1x64x128xf32, #tpu.memory_space<vmem>> -> memref<64x128xf32, #tpu.memory_space<vmem>>
      %dma_start3A_516 = arith.constant 0 : i32
      %dma_start3A_517 = tpu.memref_slice %arg3[%dma_start3A_516, %multiple_of3A_510] : memref<64x1000000xf32, #tpu.memory_space<hbm>> -> memref<64x128xf32, #tpu.memory_space<hbm>>
      %dma_start3A_518 = arith.constant 0 : i32
      %dma_start3A_519 = arith.constant 0 : i32
      %dma_start3A_520 = tpu.memref_slice %arg6[%dma_start3A_511, %dma_start3A_518, %dma_start3A_519] : memref<4x64x128xf32, #tpu.memory_space<vmem>> -> memref<1x64x128xf32, #tpu.memory_space<vmem>>
      %dma_start3A_521 = tpu.memref_squeeze %dma_start3A_520 : memref<1x64x128xf32, #tpu.memory_space<vmem>> -> memref<64x128xf32, #tpu.memory_space<vmem>>
      %dma_start3A_522 = arith.constant 0 : i32
      %dma_start3A_523 = tpu.memref_slice %arg3[%dma_start3A_522, %multiple_of3A_510] : memref<64x1000000xf32, #tpu.memory_space<hbm>> -> memref<64x128xf32, #tpu.memory_space<hbm>>
      tpu.enqueue_dma source(%dma_start3A_523 : memref<64x128xf32, #tpu.memory_space<hbm>>) target(%dma_start3A_521 : memref<64x128xf32, #tpu.memory_space<vmem>>) target_semaphore(%arg8 : memref<!tpu.dma_semaphore, #tpu.memory_space<semaphore_mem>>)
      %dma_wait3A_524 = arith.constant 0 : i32
      %dma_wait3A_525 = arith.constant 0 : i32
      %dma_wait3A_526 = arith.constant 0 : i32
      %dma_wait3A_527 = tpu.memref_slice %arg6[%dma_wait3A_524, %dma_wait3A_525, %dma_wait3A_526] : memref<4x64x128xf32, #tpu.memory_space<vmem>> -> memref<1x64x128xf32, #tpu.memory_space<vmem>>
      %dma_wait3A_528 = tpu.memref_squeeze %dma_wait3A_527 : memref<1x64x128xf32, #tpu.memory_space<vmem>> -> memref<64x128xf32, #tpu.memory_space<vmem>>
      %dma_wait3A_529 = arith.constant 0 : i32
      %dma_wait3A_530 = arith.constant 0 : i32
      %dma_wait3A_531 = tpu.memref_slice %arg3[%dma_wait3A_529, %dma_wait3A_530] : memref<64x1000000xf32, #tpu.memory_space<hbm>> -> memref<64x128xf32, #tpu.memory_space<hbm>>
      %dma_wait3A_532 = arith.constant 0 : i32
      %dma_wait3A_533 = arith.constant 0 : i32
      %dma_wait3A_534 = tpu.memref_slice %arg6[%dma_wait3A_524, %dma_wait3A_532, %dma_wait3A_533] : memref<4x64x128xf32, #tpu.memory_space<vmem>> -> memref<1x64x128xf32, #tpu.memory_space<vmem>>
      %dma_wait3A_535 = tpu.memref_squeeze %dma_wait3A_534 : memref<1x64x128xf32, #tpu.memory_space<vmem>> -> memref<64x128xf32, #tpu.memory_space<vmem>>
      %dma_wait3A_536 = arith.constant 0 : i32
      %dma_wait3A_537 = arith.constant 0 : i32
      %dma_wait3A_538 = tpu.memref_slice %arg3[%dma_wait3A_536, %dma_wait3A_537] : memref<64x1000000xf32, #tpu.memory_space<hbm>> -> memref<64x128xf32, #tpu.memory_space<hbm>>
      tpu.wait_dma2 semaphore(%arg8 : memref<!tpu.dma_semaphore, #tpu.memory_space<semaphore_mem>>) src(%dma_wait3A_538 : memref<64x128xf32, #tpu.memory_space<hbm>>) dst(%dma_wait3A_535 : memref<64x128xf32, #tpu.memory_space<vmem>>)
      %slice3A_539 = vector.extract_strided_slice %get3A_118 {offsets = [5], sizes = [1], strides = [1]} : vector<16xi32> to vector<1xi32>
      %squeeze3A_540 = vector.extract %slice3A_539[0] : i32 from vector<1xi32>
      %and3A_541 = arith.constant 127 : i32
      %and3A_542 = arith.andi %squeeze3A_540, %and3A_541 : i32
      %broadcast_in_dim3A_543 = vector.broadcast %and3A_542 : i32 to vector<16xi32>
      %mul3A_544 = arith.constant 16 : i32
      %mul3A_545 = arith.muli %scan3A_110, %mul3A_544 : i32
      %add3A_546 = arith.constant 4 : i32
      %add3A_547 = arith.addi %mul3A_545, %add3A_546 : i32
      %add3A_548 = arith.constant 1 : i32
      %add3A_549 = arith.addi %add3A_547, %add3A_548 : i32
      %gather3A_550 = arith.constant 1 : i32
      %gather3A_551 = arith.constant 0 : i32
      %gather3A_552 = arith.constant 0 : i32
      %gather3A_553 = tpu.memref_slice %arg6[%gather3A_550, %gather3A_551, %gather3A_552] : memref<4x64x128xf32, #tpu.memory_space<vmem>> -> memref<1x64x128xf32, #tpu.memory_space<vmem>>
      %gather3A_554 = tpu.memref_squeeze %gather3A_553 : memref<1x64x128xf32, #tpu.memory_space<vmem>> -> memref<64x128xf32, #tpu.memory_space<vmem>>
      %gather3A_555 = tpu.vector_load_idx %gather3A_554[%add3A_3, %broadcast_in_dim3A_543] : memref<64x128xf32, #tpu.memory_space<vmem>>[vector<16xi32>, vector<16xi32>], vector<16xf32>,
      %swap3A_556 = arith.index_cast %add3A_549 : i32 to index
      %swap3A_557 = arith.constant 0 : index
      %swap3A_558 = tpu.vector_load %arg7[%swap3A_556, %swap3A_557] {strides = array<i32>} : memref<256x64xf32, #tpu.memory_space<vmem>>, vector<16xf32>,
      tpu.vector_store %arg7[%swap3A_556, %swap3A_557], %gather3A_555 {strides = array<i32>} : memref<256x64xf32, #tpu.memory_space<vmem>>, vector<16xf32>,
      %gather3A_559 = arith.constant 1 : i32
      %gather3A_560 = arith.constant 0 : i32
      %gather3A_561 = arith.constant 0 : i32
      %gather3A_562 = tpu.memref_slice %arg6[%gather3A_559, %gather3A_560, %gather3A_561] : memref<4x64x128xf32, #tpu.memory_space<vmem>> -> memref<1x64x128xf32, #tpu.memory_space<vmem>>
      %gather3A_563 = tpu.memref_squeeze %gather3A_562 : memref<1x64x128xf32, #tpu.memory_space<vmem>> -> memref<64x128xf32, #tpu.memory_space<vmem>>
      %gather3A_564 = tpu.vector_load_idx %gather3A_563[%add3A_6, %broadcast_in_dim3A_543] : memref<64x128xf32, #tpu.memory_space<vmem>>[vector<16xi32>, vector<16xi32>], vector<16xf32>,
      %swap3A_565 = arith.index_cast %add3A_549 : i32 to index
      %swap3A_566 = arith.constant 16 : index
      %swap3A_567 = tpu.vector_load %arg7[%swap3A_565, %swap3A_566] {strides = array<i32>} : memref<256x64xf32, #tpu.memory_space<vmem>>, vector<16xf32>,
      tpu.vector_store %arg7[%swap3A_565, %swap3A_566], %gather3A_564 {strides = array<i32>} : memref<256x64xf32, #tpu.memory_space<vmem>>, vector<16xf32>,
      %gather3A_568 = arith.constant 1 : i32
      %gather3A_569 = arith.constant 0 : i32
      %gather3A_570 = arith.constant 0 : i32
      %gather3A_571 = tpu.memref_slice %arg6[%gather3A_568, %gather3A_569, %gather3A_570] : memref<4x64x128xf32, #tpu.memory_space<vmem>> -> memref<1x64x128xf32, #tpu.memory_space<vmem>>
      %gather3A_572 = tpu.memref_squeeze %gather3A_571 : memref<1x64x128xf32, #tpu.memory_space<vmem>> -> memref<64x128xf32, #tpu.memory_space<vmem>>
      %gather3A_573 = tpu.vector_load_idx %gather3A_572[%add3A_9, %broadcast_in_dim3A_543] : memref<64x128xf32, #tpu.memory_space<vmem>>[vector<16xi32>, vector<16xi32>], vector<16xf32>,
      %swap3A_574 = arith.index_cast %add3A_549 : i32 to index
      %swap3A_575 = arith.constant 32 : index
      %swap3A_576 = tpu.vector_load %arg7[%swap3A_574, %swap3A_575] {strides = array<i32>} : memref<256x64xf32, #tpu.memory_space<vmem>>, vector<16xf32>,
      tpu.vector_store %arg7[%swap3A_574, %swap3A_575], %gather3A_573 {strides = array<i32>} : memref<256x64xf32, #tpu.memory_space<vmem>>, vector<16xf32>,
      %gather3A_577 = arith.constant 1 : i32
      %gather3A_578 = arith.constant 0 : i32
      %gather3A_579 = arith.constant 0 : i32
      %gather3A_580 = tpu.memref_slice %arg6[%gather3A_577, %gather3A_578, %gather3A_579] : memref<4x64x128xf32, #tpu.memory_space<vmem>> -> memref<1x64x128xf32, #tpu.memory_space<vmem>>
      %gather3A_581 = tpu.memref_squeeze %gather3A_580 : memref<1x64x128xf32, #tpu.memory_space<vmem>> -> memref<64x128xf32, #tpu.memory_space<vmem>>
      %gather3A_582 = tpu.vector_load_idx %gather3A_581[%add3A_12, %broadcast_in_dim3A_543] : memref<64x128xf32, #tpu.memory_space<vmem>>[vector<16xi32>, vector<16xi32>], vector<16xf32>,
      %swap3A_583 = arith.index_cast %add3A_549 : i32 to index
      %swap3A_584 = arith.constant 48 : index
      %swap3A_585 = tpu.vector_load %arg7[%swap3A_583, %swap3A_584] {strides = array<i32>} : memref<256x64xf32, #tpu.memory_space<vmem>>, vector<16xf32>,
      tpu.vector_store %arg7[%swap3A_583, %swap3A_584], %gather3A_582 {strides = array<i32>} : memref<256x64xf32, #tpu.memory_space<vmem>>, vector<16xf32>,
      %slice3A_586 = vector.extract_strided_slice %get3A_118 {offsets = [9], sizes = [1], strides = [1]} : vector<16xi32> to vector<1xi32>
      %squeeze3A_587 = vector.extract %slice3A_586[0] : i32 from vector<1xi32>
      %shift_right_arithmetic3A_588 = arith.constant 7 : i32
      %shift_right_arithmetic3A_589 = arith.shrsi %squeeze3A_587, %shift_right_arithmetic3A_588 : i32
      %mul3A_590 = arith.constant 128 : i32
      %mul3A_591 = arith.muli %shift_right_arithmetic3A_589, %mul3A_590 : i32
      %multiple_of3A_592 = tpu.assume_multiple %mul3A_591, 128 : i32
      %dma_start3A_593 = arith.constant 1 : i32
      %dma_start3A_594 = arith.constant 0 : i32
      %dma_start3A_595 = arith.constant 0 : i32
      %dma_start3A_596 = tpu.memref_slice %arg6[%dma_start3A_593, %dma_start3A_594, %dma_start3A_595] : memref<4x64x128xf32, #tpu.memory_space<vmem>> -> memref<1x64x128xf32, #tpu.memory_space<vmem>>
      %dma_start3A_597 = tpu.memref_squeeze %dma_start3A_596 : memref<1x64x128xf32, #tpu.memory_space<vmem>> -> memref<64x128xf32, #tpu.memory_space<vmem>>
      %dma_start3A_598 = arith.constant 0 : i32
      %dma_start3A_599 = tpu.memref_slice %arg3[%dma_start3A_598, %multiple_of3A_592] : memref<64x1000000xf32, #tpu.memory_space<hbm>> -> memref<64x128xf32, #tpu.memory_space<hbm>>
      %dma_start3A_600 = arith.constant 0 : i32
      %dma_start3A_601 = arith.constant 0 : i32
      %dma_start3A_602 = tpu.memref_slice %arg6[%dma_start3A_593, %dma_start3A_600, %dma_start3A_601] : memref<4x64x128xf32, #tpu.memory_space<vmem>> -> memref<1x64x128xf32, #tpu.memory_space<vmem>>
      %dma_start3A_603 = tpu.memref_squeeze %dma_start3A_602 : memref<1x64x128xf32, #tpu.memory_space<vmem>> -> memref<64x128xf32, #tpu.memory_space<vmem>>
      %dma_start3A_604 = arith.constant 0 : i32
      %dma_start3A_605 = tpu.memref_slice %arg3[%dma_start3A_604, %multiple_of3A_592] : memref<64x1000000xf32, #tpu.memory_space<hbm>> -> memref<64x128xf32, #tpu.memory_space<hbm>>
      tpu.enqueue_dma source(%dma_start3A_605 : memref<64x128xf32, #tpu.memory_space<hbm>>) target(%dma_start3A_603 : memref<64x128xf32, #tpu.memory_space<vmem>>) target_semaphore(%arg8 : memref<!tpu.dma_semaphore, #tpu.memory_space<semaphore_mem>>)
      %dma_wait3A_606 = arith.constant 0 : i32
      %dma_wait3A_607 = arith.constant 0 : i32
      %dma_wait3A_608 = arith.constant 0 : i32
      %dma_wait3A_609 = tpu.memref_slice %arg6[%dma_wait3A_606, %dma_wait3A_607, %dma_wait3A_608] : memref<4x64x128xf32, #tpu.memory_space<vmem>> -> memref<1x64x128xf32, #tpu.memory_space<vmem>>
      %dma_wait3A_610 = tpu.memref_squeeze %dma_wait3A_609 : memref<1x64x128xf32, #tpu.memory_space<vmem>> -> memref<64x128xf32, #tpu.memory_space<vmem>>
      %dma_wait3A_611 = arith.constant 0 : i32
      %dma_wait3A_612 = arith.constant 0 : i32
      %dma_wait3A_613 = tpu.memref_slice %arg3[%dma_wait3A_611, %dma_wait3A_612] : memref<64x1000000xf32, #tpu.memory_space<hbm>> -> memref<64x128xf32, #tpu.memory_space<hbm>>
      %dma_wait3A_614 = arith.constant 0 : i32
      %dma_wait3A_615 = arith.constant 0 : i32
      %dma_wait3A_616 = tpu.memref_slice %arg6[%dma_wait3A_606, %dma_wait3A_614, %dma_wait3A_615] : memref<4x64x128xf32, #tpu.memory_space<vmem>> -> memref<1x64x128xf32, #tpu.memory_space<vmem>>
      %dma_wait3A_617 = tpu.memref_squeeze %dma_wait3A_616 : memref<1x64x128xf32, #tpu.memory_space<vmem>> -> memref<64x128xf32, #tpu.memory_space<vmem>>
      %dma_wait3A_618 = arith.constant 0 : i32
      %dma_wait3A_619 = arith.constant 0 : i32
      %dma_wait3A_620 = tpu.memref_slice %arg3[%dma_wait3A_618, %dma_wait3A_619] : memref<64x1000000xf32, #tpu.memory_space<hbm>> -> memref<64x128xf32, #tpu.memory_space<hbm>>
      tpu.wait_dma2 semaphore(%arg8 : memref<!tpu.dma_semaphore, #tpu.memory_space<semaphore_mem>>) src(%dma_wait3A_620 : memref<64x128xf32, #tpu.memory_space<hbm>>) dst(%dma_wait3A_617 : memref<64x128xf32, #tpu.memory_space<vmem>>)
      %slice3A_621 = vector.extract_strided_slice %get3A_118 {offsets = [6], sizes = [1], strides = [1]} : vector<16xi32> to vector<1xi32>
      %squeeze3A_622 = vector.extract %slice3A_621[0] : i32 from vector<1xi32>
      %and3A_623 = arith.constant 127 : i32
      %and3A_624 = arith.andi %squeeze3A_622, %and3A_623 : i32
      %broadcast_in_dim3A_625 = vector.broadcast %and3A_624 : i32 to vector<16xi32>
      %mul3A_626 = arith.constant 16 : i32
      %mul3A_627 = arith.muli %scan3A_110, %mul3A_626 : i32
      %add3A_628 = arith.constant 4 : i32
      %add3A_629 = arith.addi %mul3A_627, %add3A_628 : i32
      %add3A_630 = arith.constant 2 : i32
      %add3A_631 = arith.addi %add3A_629, %add3A_630 : i32
      %gather3A_632 = arith.constant 2 : i32
      %gather3A_633 = arith.constant 0 : i32
      %gather3A_634 = arith.constant 0 : i32
      %gather3A_635 = tpu.memref_slice %arg6[%gather3A_632, %gather3A_633, %gather3A_634] : memref<4x64x128xf32, #tpu.memory_space<vmem>> -> memref<1x64x128xf32, #tpu.memory_space<vmem>>
      %gather3A_636 = tpu.memref_squeeze %gather3A_635 : memref<1x64x128xf32, #tpu.memory_space<vmem>> -> memref<64x128xf32, #tpu.memory_space<vmem>>
      %gather3A_637 = tpu.vector_load_idx %gather3A_636[%add3A_3, %broadcast_in_dim3A_625] : memref<64x128xf32, #tpu.memory_space<vmem>>[vector<16xi32>, vector<16xi32>], vector<16xf32>,
      %swap3A_638 = arith.index_cast %add3A_631 : i32 to index
      %swap3A_639 = arith.constant 0 : index
      %swap3A_640 = tpu.vector_load %arg7[%swap3A_638, %swap3A_639] {strides = array<i32>} : memref<256x64xf32, #tpu.memory_space<vmem>>, vector<16xf32>,
      tpu.vector_store %arg7[%swap3A_638, %swap3A_639], %gather3A_637 {strides = array<i32>} : memref<256x64xf32, #tpu.memory_space<vmem>>, vector<16xf32>,
      %gather3A_641 = arith.constant 2 : i32
      %gather3A_642 = arith.constant 0 : i32
      %gather3A_643 = arith.constant 0 : i32
      %gather3A_644 = tpu.memref_slice %arg6[%gather3A_641, %gather3A_642, %gather3A_643] : memref<4x64x128xf32, #tpu.memory_space<vmem>> -> memref<1x64x128xf32, #tpu.memory_space<vmem>>
      %gather3A_645 = tpu.memref_squeeze %gather3A_644 : memref<1x64x128xf32, #tpu.memory_space<vmem>> -> memref<64x128xf32, #tpu.memory_space<vmem>>
      %gather3A_646 = tpu.vector_load_idx %gather3A_645[%add3A_6, %broadcast_in_dim3A_625] : memref<64x128xf32, #tpu.memory_space<vmem>>[vector<16xi32>, vector<16xi32>], vector<16xf32>,
      %swap3A_647 = arith.index_cast %add3A_631 : i32 to index
      %swap3A_648 = arith.constant 16 : index
      %swap3A_649 = tpu.vector_load %arg7[%swap3A_647, %swap3A_648] {strides = array<i32>} : memref<256x64xf32, #tpu.memory_space<vmem>>, vector<16xf32>,
      tpu.vector_store %arg7[%swap3A_647, %swap3A_648], %gather3A_646 {strides = array<i32>} : memref<256x64xf32, #tpu.memory_space<vmem>>, vector<16xf32>,
      %gather3A_650 = arith.constant 2 : i32
      %gather3A_651 = arith.constant 0 : i32
      %gather3A_652 = arith.constant 0 : i32
      %gather3A_653 = tpu.memref_slice %arg6[%gather3A_650, %gather3A_651, %gather3A_652] : memref<4x64x128xf32, #tpu.memory_space<vmem>> -> memref<1x64x128xf32, #tpu.memory_space<vmem>>
      %gather3A_654 = tpu.memref_squeeze %gather3A_653 : memref<1x64x128xf32, #tpu.memory_space<vmem>> -> memref<64x128xf32, #tpu.memory_space<vmem>>
      %gather3A_655 = tpu.vector_load_idx %gather3A_654[%add3A_9, %broadcast_in_dim3A_625] : memref<64x128xf32, #tpu.memory_space<vmem>>[vector<16xi32>, vector<16xi32>], vector<16xf32>,
      %swap3A_656 = arith.index_cast %add3A_631 : i32 to index
      %swap3A_657 = arith.constant 32 : index
      %swap3A_658 = tpu.vector_load %arg7[%swap3A_656, %swap3A_657] {strides = array<i32>} : memref<256x64xf32, #tpu.memory_space<vmem>>, vector<16xf32>,
      tpu.vector_store %arg7[%swap3A_656, %swap3A_657], %gather3A_655 {strides = array<i32>} : memref<256x64xf32, #tpu.memory_space<vmem>>, vector<16xf32>,
      %gather3A_659 = arith.constant 2 : i32
      %gather3A_660 = arith.constant 0 : i32
      %gather3A_661 = arith.constant 0 : i32
      %gather3A_662 = tpu.memref_slice %arg6[%gather3A_659, %gather3A_660, %gather3A_661] : memref<4x64x128xf32, #tpu.memory_space<vmem>> -> memref<1x64x128xf32, #tpu.memory_space<vmem>>
      %gather3A_663 = tpu.memref_squeeze %gather3A_662 : memref<1x64x128xf32, #tpu.memory_space<vmem>> -> memref<64x128xf32, #tpu.memory_space<vmem>>
      %gather3A_664 = tpu.vector_load_idx %gather3A_663[%add3A_12, %broadcast_in_dim3A_625] : memref<64x128xf32, #tpu.memory_space<vmem>>[vector<16xi32>, vector<16xi32>], vector<16xf32>,
      %swap3A_665 = arith.index_cast %add3A_631 : i32 to index
      %swap3A_666 = arith.constant 48 : index
      %swap3A_667 = tpu.vector_load %arg7[%swap3A_665, %swap3A_666] {strides = array<i32>} : memref<256x64xf32, #tpu.memory_space<vmem>>, vector<16xf32>,
      tpu.vector_store %arg7[%swap3A_665, %swap3A_666], %gather3A_664 {strides = array<i32>} : memref<256x64xf32, #tpu.memory_space<vmem>>, vector<16xf32>,
      %slice3A_668 = vector.extract_strided_slice %get3A_118 {offsets = [10], sizes = [1], strides = [1]} : vector<16xi32> to vector<1xi32>
      %squeeze3A_669 = vector.extract %slice3A_668[0] : i32 from vector<1xi32>
      %shift_right_arithmetic3A_670 = arith.constant 7 : i32
      %shift_right_arithmetic3A_671 = arith.shrsi %squeeze3A_669, %shift_right_arithmetic3A_670 : i32
      %mul3A_672 = arith.constant 128 : i32
      %mul3A_673 = arith.muli %shift_right_arithmetic3A_671, %mul3A_672 : i32
      %multiple_of3A_674 = tpu.assume_multiple %mul3A_673, 128 : i32
      %dma_start3A_675 = arith.constant 2 : i32
      %dma_start3A_676 = arith.constant 0 : i32
      %dma_start3A_677 = arith.constant 0 : i32
      %dma_start3A_678 = tpu.memref_slice %arg6[%dma_start3A_675, %dma_start3A_676, %dma_start3A_677] : memref<4x64x128xf32, #tpu.memory_space<vmem>> -> memref<1x64x128xf32, #tpu.memory_space<vmem>>
      %dma_start3A_679 = tpu.memref_squeeze %dma_start3A_678 : memref<1x64x128xf32, #tpu.memory_space<vmem>> -> memref<64x128xf32, #tpu.memory_space<vmem>>
      %dma_start3A_680 = arith.constant 0 : i32
      %dma_start3A_681 = tpu.memref_slice %arg3[%dma_start3A_680, %multiple_of3A_674] : memref<64x1000000xf32, #tpu.memory_space<hbm>> -> memref<64x128xf32, #tpu.memory_space<hbm>>
      %dma_start3A_682 = arith.constant 0 : i32
      %dma_start3A_683 = arith.constant 0 : i32
      %dma_start3A_684 = tpu.memref_slice %arg6[%dma_start3A_675, %dma_start3A_682, %dma_start3A_683] : memref<4x64x128xf32, #tpu.memory_space<vmem>> -> memref<1x64x128xf32, #tpu.memory_space<vmem>>
      %dma_start3A_685 = tpu.memref_squeeze %dma_start3A_684 : memref<1x64x128xf32, #tpu.memory_space<vmem>> -> memref<64x128xf32, #tpu.memory_space<vmem>>
      %dma_start3A_686 = arith.constant 0 : i32
      %dma_start3A_687 = tpu.memref_slice %arg3[%dma_start3A_686, %multiple_of3A_674] : memref<64x1000000xf32, #tpu.memory_space<hbm>> -> memref<64x128xf32, #tpu.memory_space<hbm>>
      tpu.enqueue_dma source(%dma_start3A_687 : memref<64x128xf32, #tpu.memory_space<hbm>>) target(%dma_start3A_685 : memref<64x128xf32, #tpu.memory_space<vmem>>) target_semaphore(%arg8 : memref<!tpu.dma_semaphore, #tpu.memory_space<semaphore_mem>>)
      %dma_wait3A_688 = arith.constant 0 : i32
      %dma_wait3A_689 = arith.constant 0 : i32
      %dma_wait3A_690 = arith.constant 0 : i32
      %dma_wait3A_691 = tpu.memref_slice %arg6[%dma_wait3A_688, %dma_wait3A_689, %dma_wait3A_690] : memref<4x64x128xf32, #tpu.memory_space<vmem>> -> memref<1x64x128xf32, #tpu.memory_space<vmem>>
      %dma_wait3A_692 = tpu.memref_squeeze %dma_wait3A_691 : memref<1x64x128xf32, #tpu.memory_space<vmem>> -> memref<64x128xf32, #tpu.memory_space<vmem>>
      %dma_wait3A_693 = arith.constant 0 : i32
      %dma_wait3A_694 = arith.constant 0 : i32
      %dma_wait3A_695 = tpu.memref_slice %arg3[%dma_wait3A_693, %dma_wait3A_694] : memref<64x1000000xf32, #tpu.memory_space<hbm>> -> memref<64x128xf32, #tpu.memory_space<hbm>>
      %dma_wait3A_696 = arith.constant 0 : i32
      %dma_wait3A_697 = arith.constant 0 : i32
      %dma_wait3A_698 = tpu.memref_slice %arg6[%dma_wait3A_688, %dma_wait3A_696, %dma_wait3A_697] : memref<4x64x128xf32, #tpu.memory_space<vmem>> -> memref<1x64x128xf32, #tpu.memory_space<vmem>>
      %dma_wait3A_699 = tpu.memref_squeeze %dma_wait3A_698 : memref<1x64x128xf32, #tpu.memory_space<vmem>> -> memref<64x128xf32, #tpu.memory_space<vmem>>
      %dma_wait3A_700 = arith.constant 0 : i32
      %dma_wait3A_701 = arith.constant 0 : i32
      %dma_wait3A_702 = tpu.memref_slice %arg3[%dma_wait3A_700, %dma_wait3A_701] : memref<64x1000000xf32, #tpu.memory_space<hbm>> -> memref<64x128xf32, #tpu.memory_space<hbm>>
      tpu.wait_dma2 semaphore(%arg8 : memref<!tpu.dma_semaphore, #tpu.memory_space<semaphore_mem>>) src(%dma_wait3A_702 : memref<64x128xf32, #tpu.memory_space<hbm>>) dst(%dma_wait3A_699 : memref<64x128xf32, #tpu.memory_space<vmem>>)
      %slice3A_703 = vector.extract_strided_slice %get3A_118 {offsets = [7], sizes = [1], strides = [1]} : vector<16xi32> to vector<1xi32>
      %squeeze3A_704 = vector.extract %slice3A_703[0] : i32 from vector<1xi32>
      %and3A_705 = arith.constant 127 : i32
      %and3A_706 = arith.andi %squeeze3A_704, %and3A_705 : i32
      %broadcast_in_dim3A_707 = vector.broadcast %and3A_706 : i32 to vector<16xi32>
      %mul3A_708 = arith.constant 16 : i32
      %mul3A_709 = arith.muli %scan3A_110, %mul3A_708 : i32
      %add3A_710 = arith.constant 4 : i32
      %add3A_711 = arith.addi %mul3A_709, %add3A_710 : i32
      %add3A_712 = arith.constant 3 : i32
      %add3A_713 = arith.addi %add3A_711, %add3A_712 : i32
      %gather3A_714 = arith.constant 3 : i32
      %gather3A_715 = arith.constant 0 : i32
      %gather3A_716 = arith.constant 0 : i32
      %gather3A_717 = tpu.memref_slice %arg6[%gather3A_714, %gather3A_715, %gather3A_716] : memref<4x64x128xf32, #tpu.memory_space<vmem>> -> memref<1x64x128xf32, #tpu.memory_space<vmem>>
      %gather3A_718 = tpu.memref_squeeze %gather3A_717 : memref<1x64x128xf32, #tpu.memory_space<vmem>> -> memref<64x128xf32, #tpu.memory_space<vmem>>
      %gather3A_719 = tpu.vector_load_idx %gather3A_718[%add3A_3, %broadcast_in_dim3A_707] : memref<64x128xf32, #tpu.memory_space<vmem>>[vector<16xi32>, vector<16xi32>], vector<16xf32>,
      %swap3A_720 = arith.index_cast %add3A_713 : i32 to index
      %swap3A_721 = arith.constant 0 : index
      %swap3A_722 = tpu.vector_load %arg7[%swap3A_720, %swap3A_721] {strides = array<i32>} : memref<256x64xf32, #tpu.memory_space<vmem>>, vector<16xf32>,
      tpu.vector_store %arg7[%swap3A_720, %swap3A_721], %gather3A_719 {strides = array<i32>} : memref<256x64xf32, #tpu.memory_space<vmem>>, vector<16xf32>,
      %gather3A_723 = arith.constant 3 : i32
      %gather3A_724 = arith.constant 0 : i32
      %gather3A_725 = arith.constant 0 : i32
      %gather3A_726 = tpu.memref_slice %arg6[%gather3A_723, %gather3A_724, %gather3A_725] : memref<4x64x128xf32, #tpu.memory_space<vmem>> -> memref<1x64x128xf32, #tpu.memory_space<vmem>>
      %gather3A_727 = tpu.memref_squeeze %gather3A_726 : memref<1x64x128xf32, #tpu.memory_space<vmem>> -> memref<64x128xf32, #tpu.memory_space<vmem>>
      %gather3A_728 = tpu.vector_load_idx %gather3A_727[%add3A_6, %broadcast_in_dim3A_707] : memref<64x128xf32, #tpu.memory_space<vmem>>[vector<16xi32>, vector<16xi32>], vector<16xf32>,
      %swap3A_729 = arith.index_cast %add3A_713 : i32 to index
      %swap3A_730 = arith.constant 16 : index
      %swap3A_731 = tpu.vector_load %arg7[%swap3A_729, %swap3A_730] {strides = array<i32>} : memref<256x64xf32, #tpu.memory_space<vmem>>, vector<16xf32>,
      tpu.vector_store %arg7[%swap3A_729, %swap3A_730], %gather3A_728 {strides = array<i32>} : memref<256x64xf32, #tpu.memory_space<vmem>>, vector<16xf32>,
      %gather3A_732 = arith.constant 3 : i32
      %gather3A_733 = arith.constant 0 : i32
      %gather3A_734 = arith.constant 0 : i32
      %gather3A_735 = tpu.memref_slice %arg6[%gather3A_732, %gather3A_733, %gather3A_734] : memref<4x64x128xf32, #tpu.memory_space<vmem>> -> memref<1x64x128xf32, #tpu.memory_space<vmem>>
      %gather3A_736 = tpu.memref_squeeze %gather3A_735 : memref<1x64x128xf32, #tpu.memory_space<vmem>> -> memref<64x128xf32, #tpu.memory_space<vmem>>
      %gather3A_737 = tpu.vector_load_idx %gather3A_736[%add3A_9, %broadcast_in_dim3A_707] : memref<64x128xf32, #tpu.memory_space<vmem>>[vector<16xi32>, vector<16xi32>], vector<16xf32>,
      %swap3A_738 = arith.index_cast %add3A_713 : i32 to index
      %swap3A_739 = arith.constant 32 : index
      %swap3A_740 = tpu.vector_load %arg7[%swap3A_738, %swap3A_739] {strides = array<i32>} : memref<256x64xf32, #tpu.memory_space<vmem>>, vector<16xf32>,
      tpu.vector_store %arg7[%swap3A_738, %swap3A_739], %gather3A_737 {strides = array<i32>} : memref<256x64xf32, #tpu.memory_space<vmem>>, vector<16xf32>,
      %gather3A_741 = arith.constant 3 : i32
      %gather3A_742 = arith.constant 0 : i32
      %gather3A_743 = arith.constant 0 : i32
      %gather3A_744 = tpu.memref_slice %arg6[%gather3A_741, %gather3A_742, %gather3A_743] : memref<4x64x128xf32, #tpu.memory_space<vmem>> -> memref<1x64x128xf32, #tpu.memory_space<vmem>>
      %gather3A_745 = tpu.memref_squeeze %gather3A_744 : memref<1x64x128xf32, #tpu.memory_space<vmem>> -> memref<64x128xf32, #tpu.memory_space<vmem>>
      %gather3A_746 = tpu.vector_load_idx %gather3A_745[%add3A_12, %broadcast_in_dim3A_707] : memref<64x128xf32, #tpu.memory_space<vmem>>[vector<16xi32>, vector<16xi32>], vector<16xf32>,
      %swap3A_747 = arith.index_cast %add3A_713 : i32 to index
      %swap3A_748 = arith.constant 48 : index
      %swap3A_749 = tpu.vector_load %arg7[%swap3A_747, %swap3A_748] {strides = array<i32>} : memref<256x64xf32, #tpu.memory_space<vmem>>, vector<16xf32>,
      tpu.vector_store %arg7[%swap3A_747, %swap3A_748], %gather3A_746 {strides = array<i32>} : memref<256x64xf32, #tpu.memory_space<vmem>>, vector<16xf32>,
      %slice3A_750 = vector.extract_strided_slice %get3A_118 {offsets = [11], sizes = [1], strides = [1]} : vector<16xi32> to vector<1xi32>
      %squeeze3A_751 = vector.extract %slice3A_750[0] : i32 from vector<1xi32>
      %shift_right_arithmetic3A_752 = arith.constant 7 : i32
      %shift_right_arithmetic3A_753 = arith.shrsi %squeeze3A_751, %shift_right_arithmetic3A_752 : i32
      %mul3A_754 = arith.constant 128 : i32
      %mul3A_755 = arith.muli %shift_right_arithmetic3A_753, %mul3A_754 : i32
      %multiple_of3A_756 = tpu.assume_multiple %mul3A_755, 128 : i32
      %dma_start3A_757 = arith.constant 3 : i32
      %dma_start3A_758 = arith.constant 0 : i32
      %dma_start3A_759 = arith.constant 0 : i32
      %dma_start3A_760 = tpu.memref_slice %arg6[%dma_start3A_757, %dma_start3A_758, %dma_start3A_759] : memref<4x64x128xf32, #tpu.memory_space<vmem>> -> memref<1x64x128xf32, #tpu.memory_space<vmem>>
      %dma_start3A_761 = tpu.memref_squeeze %dma_start3A_760 : memref<1x64x128xf32, #tpu.memory_space<vmem>> -> memref<64x128xf32, #tpu.memory_space<vmem>>
      %dma_start3A_762 = arith.constant 0 : i32
      %dma_start3A_763 = tpu.memref_slice %arg3[%dma_start3A_762, %multiple_of3A_756] : memref<64x1000000xf32, #tpu.memory_space<hbm>> -> memref<64x128xf32, #tpu.memory_space<hbm>>
      %dma_start3A_764 = arith.constant 0 : i32
      %dma_start3A_765 = arith.constant 0 : i32
      %dma_start3A_766 = tpu.memref_slice %arg6[%dma_start3A_757, %dma_start3A_764, %dma_start3A_765] : memref<4x64x128xf32, #tpu.memory_space<vmem>> -> memref<1x64x128xf32, #tpu.memory_space<vmem>>
      %dma_start3A_767 = tpu.memref_squeeze %dma_start3A_766 : memref<1x64x128xf32, #tpu.memory_space<vmem>> -> memref<64x128xf32, #tpu.memory_space<vmem>>
      %dma_start3A_768 = arith.constant 0 : i32
      %dma_start3A_769 = tpu.memref_slice %arg3[%dma_start3A_768, %multiple_of3A_756] : memref<64x1000000xf32, #tpu.memory_space<hbm>> -> memref<64x128xf32, #tpu.memory_space<hbm>>
      tpu.enqueue_dma source(%dma_start3A_769 : memref<64x128xf32, #tpu.memory_space<hbm>>) target(%dma_start3A_767 : memref<64x128xf32, #tpu.memory_space<vmem>>) target_semaphore(%arg8 : memref<!tpu.dma_semaphore, #tpu.memory_space<semaphore_mem>>)
      %dma_wait3A_770 = arith.constant 0 : i32
      %dma_wait3A_771 = arith.constant 0 : i32
      %dma_wait3A_772 = arith.constant 0 : i32
      %dma_wait3A_773 = tpu.memref_slice %arg6[%dma_wait3A_770, %dma_wait3A_771, %dma_wait3A_772] : memref<4x64x128xf32, #tpu.memory_space<vmem>> -> memref<1x64x128xf32, #tpu.memory_space<vmem>>
      %dma_wait3A_774 = tpu.memref_squeeze %dma_wait3A_773 : memref<1x64x128xf32, #tpu.memory_space<vmem>> -> memref<64x128xf32, #tpu.memory_space<vmem>>
      %dma_wait3A_775 = arith.constant 0 : i32
      %dma_wait3A_776 = arith.constant 0 : i32
      %dma_wait3A_777 = tpu.memref_slice %arg3[%dma_wait3A_775, %dma_wait3A_776] : memref<64x1000000xf32, #tpu.memory_space<hbm>> -> memref<64x128xf32, #tpu.memory_space<hbm>>
      %dma_wait3A_778 = arith.constant 0 : i32
      %dma_wait3A_779 = arith.constant 0 : i32
      %dma_wait3A_780 = tpu.memref_slice %arg6[%dma_wait3A_770, %dma_wait3A_778, %dma_wait3A_779] : memref<4x64x128xf32, #tpu.memory_space<vmem>> -> memref<1x64x128xf32, #tpu.memory_space<vmem>>
      %dma_wait3A_781 = tpu.memref_squeeze %dma_wait3A_780 : memref<1x64x128xf32, #tpu.memory_space<vmem>> -> memref<64x128xf32, #tpu.memory_space<vmem>>
      %dma_wait3A_782 = arith.constant 0 : i32
      %dma_wait3A_783 = arith.constant 0 : i32
      %dma_wait3A_784 = tpu.memref_slice %arg3[%dma_wait3A_782, %dma_wait3A_783] : memref<64x1000000xf32, #tpu.memory_space<hbm>> -> memref<64x128xf32, #tpu.memory_space<hbm>>
      tpu.wait_dma2 semaphore(%arg8 : memref<!tpu.dma_semaphore, #tpu.memory_space<semaphore_mem>>) src(%dma_wait3A_784 : memref<64x128xf32, #tpu.memory_space<hbm>>) dst(%dma_wait3A_781 : memref<64x128xf32, #tpu.memory_space<vmem>>)
      %slice3A_785 = vector.extract_strided_slice %get3A_118 {offsets = [8], sizes = [1], strides = [1]} : vector<16xi32> to vector<1xi32>
      %squeeze3A_786 = vector.extract %slice3A_785[0] : i32 from vector<1xi32>
      %and3A_787 = arith.constant 127 : i32
      %and3A_788 = arith.andi %squeeze3A_786, %and3A_787 : i32
      %broadcast_in_dim3A_789 = vector.broadcast %and3A_788 : i32 to vector<16xi32>
      %mul3A_790 = arith.constant 16 : i32
      %mul3A_791 = arith.muli %scan3A_110, %mul3A_790 : i32
      %add3A_792 = arith.constant 8 : i32
      %add3A_793 = arith.addi %mul3A_791, %add3A_792 : i32
      %add3A_794 = arith.constant 0 : i32
      %add3A_795 = arith.addi %add3A_793, %add3A_794 : i32
      %gather3A_796 = arith.constant 0 : i32
      %gather3A_797 = arith.constant 0 : i32
      %gather3A_798 = arith.constant 0 : i32
      %gather3A_799 = tpu.memref_slice %arg6[%gather3A_796, %gather3A_797, %gather3A_798] : memref<4x64x128xf32, #tpu.memory_space<vmem>> -> memref<1x64x128xf32, #tpu.memory_space<vmem>>
      %gather3A_800 = tpu.memref_squeeze %gather3A_799 : memref<1x64x128xf32, #tpu.memory_space<vmem>> -> memref<64x128xf32, #tpu.memory_space<vmem>>
      %gather3A_801 = tpu.vector_load_idx %gather3A_800[%add3A_3, %broadcast_in_dim3A_789] : memref<64x128xf32, #tpu.memory_space<vmem>>[vector<16xi32>, vector<16xi32>], vector<16xf32>,
      %swap3A_802 = arith.index_cast %add3A_795 : i32 to index
      %swap3A_803 = arith.constant 0 : index
      %swap3A_804 = tpu.vector_load %arg7[%swap3A_802, %swap3A_803] {strides = array<i32>} : memref<256x64xf32, #tpu.memory_space<vmem>>, vector<16xf32>,
      tpu.vector_store %arg7[%swap3A_802, %swap3A_803], %gather3A_801 {strides = array<i32>} : memref<256x64xf32, #tpu.memory_space<vmem>>, vector<16xf32>,
      %gather3A_805 = arith.constant 0 : i32
      %gather3A_806 = arith.constant 0 : i32
      %gather3A_807 = arith.constant 0 : i32
      %gather3A_808 = tpu.memref_slice %arg6[%gather3A_805, %gather3A_806, %gather3A_807] : memref<4x64x128xf32, #tpu.memory_space<vmem>> -> memref<1x64x128xf32, #tpu.memory_space<vmem>>
      %gather3A_809 = tpu.memref_squeeze %gather3A_808 : memref<1x64x128xf32, #tpu.memory_space<vmem>> -> memref<64x128xf32, #tpu.memory_space<vmem>>
      %gather3A_810 = tpu.vector_load_idx %gather3A_809[%add3A_6, %broadcast_in_dim3A_789] : memref<64x128xf32, #tpu.memory_space<vmem>>[vector<16xi32>, vector<16xi32>], vector<16xf32>,
      %swap3A_811 = arith.index_cast %add3A_795 : i32 to index
      %swap3A_812 = arith.constant 16 : index
      %swap3A_813 = tpu.vector_load %arg7[%swap3A_811, %swap3A_812] {strides = array<i32>} : memref<256x64xf32, #tpu.memory_space<vmem>>, vector<16xf32>,
      tpu.vector_store %arg7[%swap3A_811, %swap3A_812], %gather3A_810 {strides = array<i32>} : memref<256x64xf32, #tpu.memory_space<vmem>>, vector<16xf32>,
      %gather3A_814 = arith.constant 0 : i32
      %gather3A_815 = arith.constant 0 : i32
      %gather3A_816 = arith.constant 0 : i32
      %gather3A_817 = tpu.memref_slice %arg6[%gather3A_814, %gather3A_815, %gather3A_816] : memref<4x64x128xf32, #tpu.memory_space<vmem>> -> memref<1x64x128xf32, #tpu.memory_space<vmem>>
      %gather3A_818 = tpu.memref_squeeze %gather3A_817 : memref<1x64x128xf32, #tpu.memory_space<vmem>> -> memref<64x128xf32, #tpu.memory_space<vmem>>
      %gather3A_819 = tpu.vector_load_idx %gather3A_818[%add3A_9, %broadcast_in_dim3A_789] : memref<64x128xf32, #tpu.memory_space<vmem>>[vector<16xi32>, vector<16xi32>], vector<16xf32>,
      %swap3A_820 = arith.index_cast %add3A_795 : i32 to index
      %swap3A_821 = arith.constant 32 : index
      %swap3A_822 = tpu.vector_load %arg7[%swap3A_820, %swap3A_821] {strides = array<i32>} : memref<256x64xf32, #tpu.memory_space<vmem>>, vector<16xf32>,
      tpu.vector_store %arg7[%swap3A_820, %swap3A_821], %gather3A_819 {strides = array<i32>} : memref<256x64xf32, #tpu.memory_space<vmem>>, vector<16xf32>,
      %gather3A_823 = arith.constant 0 : i32
      %gather3A_824 = arith.constant 0 : i32
      %gather3A_825 = arith.constant 0 : i32
      %gather3A_826 = tpu.memref_slice %arg6[%gather3A_823, %gather3A_824, %gather3A_825] : memref<4x64x128xf32, #tpu.memory_space<vmem>> -> memref<1x64x128xf32, #tpu.memory_space<vmem>>
      %gather3A_827 = tpu.memref_squeeze %gather3A_826 : memref<1x64x128xf32, #tpu.memory_space<vmem>> -> memref<64x128xf32, #tpu.memory_space<vmem>>
      %gather3A_828 = tpu.vector_load_idx %gather3A_827[%add3A_12, %broadcast_in_dim3A_789] : memref<64x128xf32, #tpu.memory_space<vmem>>[vector<16xi32>, vector<16xi32>], vector<16xf32>,
      %swap3A_829 = arith.index_cast %add3A_795 : i32 to index
      %swap3A_830 = arith.constant 48 : index
      %swap3A_831 = tpu.vector_load %arg7[%swap3A_829, %swap3A_830] {strides = array<i32>} : memref<256x64xf32, #tpu.memory_space<vmem>>, vector<16xf32>,
      tpu.vector_store %arg7[%swap3A_829, %swap3A_830], %gather3A_828 {strides = array<i32>} : memref<256x64xf32, #tpu.memory_space<vmem>>, vector<16xf32>,
      %slice3A_832 = vector.extract_strided_slice %get3A_118 {offsets = [12], sizes = [1], strides = [1]} : vector<16xi32> to vector<1xi32>
      %squeeze3A_833 = vector.extract %slice3A_832[0] : i32 from vector<1xi32>
      %shift_right_arithmetic3A_834 = arith.constant 7 : i32
      %shift_right_arithmetic3A_835 = arith.shrsi %squeeze3A_833, %shift_right_arithmetic3A_834 : i32
      %mul3A_836 = arith.constant 128 : i32
      %mul3A_837 = arith.muli %shift_right_arithmetic3A_835, %mul3A_836 : i32
      %multiple_of3A_838 = tpu.assume_multiple %mul3A_837, 128 : i32
      %dma_start3A_839 = arith.constant 0 : i32
      %dma_start3A_840 = arith.constant 0 : i32
      %dma_start3A_841 = arith.constant 0 : i32
      %dma_start3A_842 = tpu.memref_slice %arg6[%dma_start3A_839, %dma_start3A_840, %dma_start3A_841] : memref<4x64x128xf32, #tpu.memory_space<vmem>> -> memref<1x64x128xf32, #tpu.memory_space<vmem>>
      %dma_start3A_843 = tpu.memref_squeeze %dma_start3A_842 : memref<1x64x128xf32, #tpu.memory_space<vmem>> -> memref<64x128xf32, #tpu.memory_space<vmem>>
      %dma_start3A_844 = arith.constant 0 : i32
      %dma_start3A_845 = tpu.memref_slice %arg3[%dma_start3A_844, %multiple_of3A_838] : memref<64x1000000xf32, #tpu.memory_space<hbm>> -> memref<64x128xf32, #tpu.memory_space<hbm>>
      %dma_start3A_846 = arith.constant 0 : i32
      %dma_start3A_847 = arith.constant 0 : i32
      %dma_start3A_848 = tpu.memref_slice %arg6[%dma_start3A_839, %dma_start3A_846, %dma_start3A_847] : memref<4x64x128xf32, #tpu.memory_space<vmem>> -> memref<1x64x128xf32, #tpu.memory_space<vmem>>
      %dma_start3A_849 = tpu.memref_squeeze %dma_start3A_848 : memref<1x64x128xf32, #tpu.memory_space<vmem>> -> memref<64x128xf32, #tpu.memory_space<vmem>>
      %dma_start3A_850 = arith.constant 0 : i32
      %dma_start3A_851 = tpu.memref_slice %arg3[%dma_start3A_850, %multiple_of3A_838] : memref<64x1000000xf32, #tpu.memory_space<hbm>> -> memref<64x128xf32, #tpu.memory_space<hbm>>
      tpu.enqueue_dma source(%dma_start3A_851 : memref<64x128xf32, #tpu.memory_space<hbm>>) target(%dma_start3A_849 : memref<64x128xf32, #tpu.memory_space<vmem>>) target_semaphore(%arg8 : memref<!tpu.dma_semaphore, #tpu.memory_space<semaphore_mem>>)
      %dma_wait3A_852 = arith.constant 0 : i32
      %dma_wait3A_853 = arith.constant 0 : i32
      %dma_wait3A_854 = arith.constant 0 : i32
      %dma_wait3A_855 = tpu.memref_slice %arg6[%dma_wait3A_852, %dma_wait3A_853, %dma_wait3A_854] : memref<4x64x128xf32, #tpu.memory_space<vmem>> -> memref<1x64x128xf32, #tpu.memory_space<vmem>>
      %dma_wait3A_856 = tpu.memref_squeeze %dma_wait3A_855 : memref<1x64x128xf32, #tpu.memory_space<vmem>> -> memref<64x128xf32, #tpu.memory_space<vmem>>
      %dma_wait3A_857 = arith.constant 0 : i32
      %dma_wait3A_858 = arith.constant 0 : i32
      %dma_wait3A_859 = tpu.memref_slice %arg3[%dma_wait3A_857, %dma_wait3A_858] : memref<64x1000000xf32, #tpu.memory_space<hbm>> -> memref<64x128xf32, #tpu.memory_space<hbm>>
      %dma_wait3A_860 = arith.constant 0 : i32
      %dma_wait3A_861 = arith.constant 0 : i32
      %dma_wait3A_862 = tpu.memref_slice %arg6[%dma_wait3A_852, %dma_wait3A_860, %dma_wait3A_861] : memref<4x64x128xf32, #tpu.memory_space<vmem>> -> memref<1x64x128xf32, #tpu.memory_space<vmem>>
      %dma_wait3A_863 = tpu.memref_squeeze %dma_wait3A_862 : memref<1x64x128xf32, #tpu.memory_space<vmem>> -> memref<64x128xf32, #tpu.memory_space<vmem>>
      %dma_wait3A_864 = arith.constant 0 : i32
      %dma_wait3A_865 = arith.constant 0 : i32
      %dma_wait3A_866 = tpu.memref_slice %arg3[%dma_wait3A_864, %dma_wait3A_865] : memref<64x1000000xf32, #tpu.memory_space<hbm>> -> memref<64x128xf32, #tpu.memory_space<hbm>>
      tpu.wait_dma2 semaphore(%arg8 : memref<!tpu.dma_semaphore, #tpu.memory_space<semaphore_mem>>) src(%dma_wait3A_866 : memref<64x128xf32, #tpu.memory_space<hbm>>) dst(%dma_wait3A_863 : memref<64x128xf32, #tpu.memory_space<vmem>>)
      %slice3A_867 = vector.extract_strided_slice %get3A_118 {offsets = [9], sizes = [1], strides = [1]} : vector<16xi32> to vector<1xi32>
      %squeeze3A_868 = vector.extract %slice3A_867[0] : i32 from vector<1xi32>
      %and3A_869 = arith.constant 127 : i32
      %and3A_870 = arith.andi %squeeze3A_868, %and3A_869 : i32
      %broadcast_in_dim3A_871 = vector.broadcast %and3A_870 : i32 to vector<16xi32>
      %mul3A_872 = arith.constant 16 : i32
      %mul3A_873 = arith.muli %scan3A_110, %mul3A_872 : i32
      %add3A_874 = arith.constant 8 : i32
      %add3A_875 = arith.addi %mul3A_873, %add3A_874 : i32
      %add3A_876 = arith.constant 1 : i32
      %add3A_877 = arith.addi %add3A_875, %add3A_876 : i32
      %gather3A_878 = arith.constant 1 : i32
      %gather3A_879 = arith.constant 0 : i32
      %gather3A_880 = arith.constant 0 : i32
      %gather3A_881 = tpu.memref_slice %arg6[%gather3A_878, %gather3A_879, %gather3A_880] : memref<4x64x128xf32, #tpu.memory_space<vmem>> -> memref<1x64x128xf32, #tpu.memory_space<vmem>>
      %gather3A_882 = tpu.memref_squeeze %gather3A_881 : memref<1x64x128xf32, #tpu.memory_space<vmem>> -> memref<64x128xf32, #tpu.memory_space<vmem>>
      %gather3A_883 = tpu.vector_load_idx %gather3A_882[%add3A_3, %broadcast_in_dim3A_871] : memref<64x128xf32, #tpu.memory_space<vmem>>[vector<16xi32>, vector<16xi32>], vector<16xf32>,
      %swap3A_884 = arith.index_cast %add3A_877 : i32 to index
      %swap3A_885 = arith.constant 0 : index
      %swap3A_886 = tpu.vector_load %arg7[%swap3A_884, %swap3A_885] {strides = array<i32>} : memref<256x64xf32, #tpu.memory_space<vmem>>, vector<16xf32>,
      tpu.vector_store %arg7[%swap3A_884, %swap3A_885], %gather3A_883 {strides = array<i32>} : memref<256x64xf32, #tpu.memory_space<vmem>>, vector<16xf32>,
      %gather3A_887 = arith.constant 1 : i32
      %gather3A_888 = arith.constant 0 : i32
      %gather3A_889 = arith.constant 0 : i32
      %gather3A_890 = tpu.memref_slice %arg6[%gather3A_887, %gather3A_888, %gather3A_889] : memref<4x64x128xf32, #tpu.memory_space<vmem>> -> memref<1x64x128xf32, #tpu.memory_space<vmem>>
      %gather3A_891 = tpu.memref_squeeze %gather3A_890 : memref<1x64x128xf32, #tpu.memory_space<vmem>> -> memref<64x128xf32, #tpu.memory_space<vmem>>
      %gather3A_892 = tpu.vector_load_idx %gather3A_891[%add3A_6, %broadcast_in_dim3A_871] : memref<64x128xf32, #tpu.memory_space<vmem>>[vector<16xi32>, vector<16xi32>], vector<16xf32>,
      %swap3A_893 = arith.index_cast %add3A_877 : i32 to index
      %swap3A_894 = arith.constant 16 : index
      %swap3A_895 = tpu.vector_load %arg7[%swap3A_893, %swap3A_894] {strides = array<i32>} : memref<256x64xf32, #tpu.memory_space<vmem>>, vector<16xf32>,
      tpu.vector_store %arg7[%swap3A_893, %swap3A_894], %gather3A_892 {strides = array<i32>} : memref<256x64xf32, #tpu.memory_space<vmem>>, vector<16xf32>,
      %gather3A_896 = arith.constant 1 : i32
      %gather3A_897 = arith.constant 0 : i32
      %gather3A_898 = arith.constant 0 : i32
      %gather3A_899 = tpu.memref_slice %arg6[%gather3A_896, %gather3A_897, %gather3A_898] : memref<4x64x128xf32, #tpu.memory_space<vmem>> -> memref<1x64x128xf32, #tpu.memory_space<vmem>>
      %gather3A_900 = tpu.memref_squeeze %gather3A_899 : memref<1x64x128xf32, #tpu.memory_space<vmem>> -> memref<64x128xf32, #tpu.memory_space<vmem>>
      %gather3A_901 = tpu.vector_load_idx %gather3A_900[%add3A_9, %broadcast_in_dim3A_871] : memref<64x128xf32, #tpu.memory_space<vmem>>[vector<16xi32>, vector<16xi32>], vector<16xf32>,
      %swap3A_902 = arith.index_cast %add3A_877 : i32 to index
      %swap3A_903 = arith.constant 32 : index
      %swap3A_904 = tpu.vector_load %arg7[%swap3A_902, %swap3A_903] {strides = array<i32>} : memref<256x64xf32, #tpu.memory_space<vmem>>, vector<16xf32>,
      tpu.vector_store %arg7[%swap3A_902, %swap3A_903], %gather3A_901 {strides = array<i32>} : memref<256x64xf32, #tpu.memory_space<vmem>>, vector<16xf32>,
      %gather3A_905 = arith.constant 1 : i32
      %gather3A_906 = arith.constant 0 : i32
      %gather3A_907 = arith.constant 0 : i32
      %gather3A_908 = tpu.memref_slice %arg6[%gather3A_905, %gather3A_906, %gather3A_907] : memref<4x64x128xf32, #tpu.memory_space<vmem>> -> memref<1x64x128xf32, #tpu.memory_space<vmem>>
      %gather3A_909 = tpu.memref_squeeze %gather3A_908 : memref<1x64x128xf32, #tpu.memory_space<vmem>> -> memref<64x128xf32, #tpu.memory_space<vmem>>
      %gather3A_910 = tpu.vector_load_idx %gather3A_909[%add3A_12, %broadcast_in_dim3A_871] : memref<64x128xf32, #tpu.memory_space<vmem>>[vector<16xi32>, vector<16xi32>], vector<16xf32>,
      %swap3A_911 = arith.index_cast %add3A_877 : i32 to index
      %swap3A_912 = arith.constant 48 : index
      %swap3A_913 = tpu.vector_load %arg7[%swap3A_911, %swap3A_912] {strides = array<i32>} : memref<256x64xf32, #tpu.memory_space<vmem>>, vector<16xf32>,
      tpu.vector_store %arg7[%swap3A_911, %swap3A_912], %gather3A_910 {strides = array<i32>} : memref<256x64xf32, #tpu.memory_space<vmem>>, vector<16xf32>,
      %slice3A_914 = vector.extract_strided_slice %get3A_118 {offsets = [13], sizes = [1], strides = [1]} : vector<16xi32> to vector<1xi32>
      %squeeze3A_915 = vector.extract %slice3A_914[0] : i32 from vector<1xi32>
      %shift_right_arithmetic3A_916 = arith.constant 7 : i32
      %shift_right_arithmetic3A_917 = arith.shrsi %squeeze3A_915, %shift_right_arithmetic3A_916 : i32
      %mul3A_918 = arith.constant 128 : i32
      %mul3A_919 = arith.muli %shift_right_arithmetic3A_917, %mul3A_918 : i32
      %multiple_of3A_920 = tpu.assume_multiple %mul3A_919, 128 : i32
      %dma_start3A_921 = arith.constant 1 : i32
      %dma_start3A_922 = arith.constant 0 : i32
      %dma_start3A_923 = arith.constant 0 : i32
      %dma_start3A_924 = tpu.memref_slice %arg6[%dma_start3A_921, %dma_start3A_922, %dma_start3A_923] : memref<4x64x128xf32, #tpu.memory_space<vmem>> -> memref<1x64x128xf32, #tpu.memory_space<vmem>>
      %dma_start3A_925 = tpu.memref_squeeze %dma_start3A_924 : memref<1x64x128xf32, #tpu.memory_space<vmem>> -> memref<64x128xf32, #tpu.memory_space<vmem>>
      %dma_start3A_926 = arith.constant 0 : i32
      %dma_start3A_927 = tpu.memref_slice %arg3[%dma_start3A_926, %multiple_of3A_920] : memref<64x1000000xf32, #tpu.memory_space<hbm>> -> memref<64x128xf32, #tpu.memory_space<hbm>>
      %dma_start3A_928 = arith.constant 0 : i32
      %dma_start3A_929 = arith.constant 0 : i32
      %dma_start3A_930 = tpu.memref_slice %arg6[%dma_start3A_921, %dma_start3A_928, %dma_start3A_929] : memref<4x64x128xf32, #tpu.memory_space<vmem>> -> memref<1x64x128xf32, #tpu.memory_space<vmem>>
      %dma_start3A_931 = tpu.memref_squeeze %dma_start3A_930 : memref<1x64x128xf32, #tpu.memory_space<vmem>> -> memref<64x128xf32, #tpu.memory_space<vmem>>
      %dma_start3A_932 = arith.constant 0 : i32
      %dma_start3A_933 = tpu.memref_slice %arg3[%dma_start3A_932, %multiple_of3A_920] : memref<64x1000000xf32, #tpu.memory_space<hbm>> -> memref<64x128xf32, #tpu.memory_space<hbm>>
      tpu.enqueue_dma source(%dma_start3A_933 : memref<64x128xf32, #tpu.memory_space<hbm>>) target(%dma_start3A_931 : memref<64x128xf32, #tpu.memory_space<vmem>>) target_semaphore(%arg8 : memref<!tpu.dma_semaphore, #tpu.memory_space<semaphore_mem>>)
      %dma_wait3A_934 = arith.constant 0 : i32
      %dma_wait3A_935 = arith.constant 0 : i32
      %dma_wait3A_936 = arith.constant 0 : i32
      %dma_wait3A_937 = tpu.memref_slice %arg6[%dma_wait3A_934, %dma_wait3A_935, %dma_wait3A_936] : memref<4x64x128xf32, #tpu.memory_space<vmem>> -> memref<1x64x128xf32, #tpu.memory_space<vmem>>
      %dma_wait3A_938 = tpu.memref_squeeze %dma_wait3A_937 : memref<1x64x128xf32, #tpu.memory_space<vmem>> -> memref<64x128xf32, #tpu.memory_space<vmem>>
      %dma_wait3A_939 = arith.constant 0 : i32
      %dma_wait3A_940 = arith.constant 0 : i32
      %dma_wait3A_941 = tpu.memref_slice %arg3[%dma_wait3A_939, %dma_wait3A_940] : memref<64x1000000xf32, #tpu.memory_space<hbm>> -> memref<64x128xf32, #tpu.memory_space<hbm>>
      %dma_wait3A_942 = arith.constant 0 : i32
      %dma_wait3A_943 = arith.constant 0 : i32
      %dma_wait3A_944 = tpu.memref_slice %arg6[%dma_wait3A_934, %dma_wait3A_942, %dma_wait3A_943] : memref<4x64x128xf32, #tpu.memory_space<vmem>> -> memref<1x64x128xf32, #tpu.memory_space<vmem>>
      %dma_wait3A_945 = tpu.memref_squeeze %dma_wait3A_944 : memref<1x64x128xf32, #tpu.memory_space<vmem>> -> memref<64x128xf32, #tpu.memory_space<vmem>>
      %dma_wait3A_946 = arith.constant 0 : i32
      %dma_wait3A_947 = arith.constant 0 : i32
      %dma_wait3A_948 = tpu.memref_slice %arg3[%dma_wait3A_946, %dma_wait3A_947] : memref<64x1000000xf32, #tpu.memory_space<hbm>> -> memref<64x128xf32, #tpu.memory_space<hbm>>
      tpu.wait_dma2 semaphore(%arg8 : memref<!tpu.dma_semaphore, #tpu.memory_space<semaphore_mem>>) src(%dma_wait3A_948 : memref<64x128xf32, #tpu.memory_space<hbm>>) dst(%dma_wait3A_945 : memref<64x128xf32, #tpu.memory_space<vmem>>)
      %slice3A_949 = vector.extract_strided_slice %get3A_118 {offsets = [10], sizes = [1], strides = [1]} : vector<16xi32> to vector<1xi32>
      %squeeze3A_950 = vector.extract %slice3A_949[0] : i32 from vector<1xi32>
      %and3A_951 = arith.constant 127 : i32
      %and3A_952 = arith.andi %squeeze3A_950, %and3A_951 : i32
      %broadcast_in_dim3A_953 = vector.broadcast %and3A_952 : i32 to vector<16xi32>
      %mul3A_954 = arith.constant 16 : i32
      %mul3A_955 = arith.muli %scan3A_110, %mul3A_954 : i32
      %add3A_956 = arith.constant 8 : i32
      %add3A_957 = arith.addi %mul3A_955, %add3A_956 : i32
      %add3A_958 = arith.constant 2 : i32
      %add3A_959 = arith.addi %add3A_957, %add3A_958 : i32
      %gather3A_960 = arith.constant 2 : i32
      %gather3A_961 = arith.constant 0 : i32
      %gather3A_962 = arith.constant 0 : i32
      %gather3A_963 = tpu.memref_slice %arg6[%gather3A_960, %gather3A_961, %gather3A_962] : memref<4x64x128xf32, #tpu.memory_space<vmem>> -> memref<1x64x128xf32, #tpu.memory_space<vmem>>
      %gather3A_964 = tpu.memref_squeeze %gather3A_963 : memref<1x64x128xf32, #tpu.memory_space<vmem>> -> memref<64x128xf32, #tpu.memory_space<vmem>>
      %gather3A_965 = tpu.vector_load_idx %gather3A_964[%add3A_3, %broadcast_in_dim3A_953] : memref<64x128xf32, #tpu.memory_space<vmem>>[vector<16xi32>, vector<16xi32>], vector<16xf32>,
      %swap3A_966 = arith.index_cast %add3A_959 : i32 to index
      %swap3A_967 = arith.constant 0 : index
      %swap3A_968 = tpu.vector_load %arg7[%swap3A_966, %swap3A_967] {strides = array<i32>} : memref<256x64xf32, #tpu.memory_space<vmem>>, vector<16xf32>,
      tpu.vector_store %arg7[%swap3A_966, %swap3A_967], %gather3A_965 {strides = array<i32>} : memref<256x64xf32, #tpu.memory_space<vmem>>, vector<16xf32>,
      %gather3A_969 = arith.constant 2 : i32
      %gather3A_970 = arith.constant 0 : i32
      %gather3A_971 = arith.constant 0 : i32
      %gather3A_972 = tpu.memref_slice %arg6[%gather3A_969, %gather3A_970, %gather3A_971] : memref<4x64x128xf32, #tpu.memory_space<vmem>> -> memref<1x64x128xf32, #tpu.memory_space<vmem>>
      %gather3A_973 = tpu.memref_squeeze %gather3A_972 : memref<1x64x128xf32, #tpu.memory_space<vmem>> -> memref<64x128xf32, #tpu.memory_space<vmem>>
      %gather3A_974 = tpu.vector_load_idx %gather3A_973[%add3A_6, %broadcast_in_dim3A_953] : memref<64x128xf32, #tpu.memory_space<vmem>>[vector<16xi32>, vector<16xi32>], vector<16xf32>,
      %swap3A_975 = arith.index_cast %add3A_959 : i32 to index
      %swap3A_976 = arith.constant 16 : index
      %swap3A_977 = tpu.vector_load %arg7[%swap3A_975, %swap3A_976] {strides = array<i32>} : memref<256x64xf32, #tpu.memory_space<vmem>>, vector<16xf32>,
      tpu.vector_store %arg7[%swap3A_975, %swap3A_976], %gather3A_974 {strides = array<i32>} : memref<256x64xf32, #tpu.memory_space<vmem>>, vector<16xf32>,
      %gather3A_978 = arith.constant 2 : i32
      %gather3A_979 = arith.constant 0 : i32
      %gather3A_980 = arith.constant 0 : i32
      %gather3A_981 = tpu.memref_slice %arg6[%gather3A_978, %gather3A_979, %gather3A_980] : memref<4x64x128xf32, #tpu.memory_space<vmem>> -> memref<1x64x128xf32, #tpu.memory_space<vmem>>
      %gather3A_982 = tpu.memref_squeeze %gather3A_981 : memref<1x64x128xf32, #tpu.memory_space<vmem>> -> memref<64x128xf32, #tpu.memory_space<vmem>>
      %gather3A_983 = tpu.vector_load_idx %gather3A_982[%add3A_9, %broadcast_in_dim3A_953] : memref<64x128xf32, #tpu.memory_space<vmem>>[vector<16xi32>, vector<16xi32>], vector<16xf32>,
      %swap3A_984 = arith.index_cast %add3A_959 : i32 to index
      %swap3A_985 = arith.constant 32 : index
      %swap3A_986 = tpu.vector_load %arg7[%swap3A_984, %swap3A_985] {strides = array<i32>} : memref<256x64xf32, #tpu.memory_space<vmem>>, vector<16xf32>,
      tpu.vector_store %arg7[%swap3A_984, %swap3A_985], %gather3A_983 {strides = array<i32>} : memref<256x64xf32, #tpu.memory_space<vmem>>, vector<16xf32>,
      %gather3A_987 = arith.constant 2 : i32
      %gather3A_988 = arith.constant 0 : i32
      %gather3A_989 = arith.constant 0 : i32
      %gather3A_990 = tpu.memref_slice %arg6[%gather3A_987, %gather3A_988, %gather3A_989] : memref<4x64x128xf32, #tpu.memory_space<vmem>> -> memref<1x64x128xf32, #tpu.memory_space<vmem>>
      %gather3A_991 = tpu.memref_squeeze %gather3A_990 : memref<1x64x128xf32, #tpu.memory_space<vmem>> -> memref<64x128xf32, #tpu.memory_space<vmem>>
      %gather3A_992 = tpu.vector_load_idx %gather3A_991[%add3A_12, %broadcast_in_dim3A_953] : memref<64x128xf32, #tpu.memory_space<vmem>>[vector<16xi32>, vector<16xi32>], vector<16xf32>,
      %swap3A_993 = arith.index_cast %add3A_959 : i32 to index
      %swap3A_994 = arith.constant 48 : index
      %swap3A_995 = tpu.vector_load %arg7[%swap3A_993, %swap3A_994] {strides = array<i32>} : memref<256x64xf32, #tpu.memory_space<vmem>>, vector<16xf32>,
      tpu.vector_store %arg7[%swap3A_993, %swap3A_994], %gather3A_992 {strides = array<i32>} : memref<256x64xf32, #tpu.memory_space<vmem>>, vector<16xf32>,
      %slice3A_996 = vector.extract_strided_slice %get3A_118 {offsets = [14], sizes = [1], strides = [1]} : vector<16xi32> to vector<1xi32>
      %squeeze3A_997 = vector.extract %slice3A_996[0] : i32 from vector<1xi32>
      %shift_right_arithmetic3A_998 = arith.constant 7 : i32
      %shift_right_arithmetic3A_999 = arith.shrsi %squeeze3A_997, %shift_right_arithmetic3A_998 : i32
      %mul3A_1000 = arith.constant 128 : i32
      %mul3A_1001 = arith.muli %shift_right_arithmetic3A_999, %mul3A_1000 : i32
      %multiple_of3A_1002 = tpu.assume_multiple %mul3A_1001, 128 : i32
      %dma_start3A_1003 = arith.constant 2 : i32
      %dma_start3A_1004 = arith.constant 0 : i32
      %dma_start3A_1005 = arith.constant 0 : i32
      %dma_start3A_1006 = tpu.memref_slice %arg6[%dma_start3A_1003, %dma_start3A_1004, %dma_start3A_1005] : memref<4x64x128xf32, #tpu.memory_space<vmem>> -> memref<1x64x128xf32, #tpu.memory_space<vmem>>
      %dma_start3A_1007 = tpu.memref_squeeze %dma_start3A_1006 : memref<1x64x128xf32, #tpu.memory_space<vmem>> -> memref<64x128xf32, #tpu.memory_space<vmem>>
      %dma_start3A_1008 = arith.constant 0 : i32
      %dma_start3A_1009 = tpu.memref_slice %arg3[%dma_start3A_1008, %multiple_of3A_1002] : memref<64x1000000xf32, #tpu.memory_space<hbm>> -> memref<64x128xf32, #tpu.memory_space<hbm>>
      %dma_start3A_1010 = arith.constant 0 : i32
      %dma_start3A_1011 = arith.constant 0 : i32
      %dma_start3A_1012 = tpu.memref_slice %arg6[%dma_start3A_1003, %dma_start3A_1010, %dma_start3A_1011] : memref<4x64x128xf32, #tpu.memory_space<vmem>> -> memref<1x64x128xf32, #tpu.memory_space<vmem>>
      %dma_start3A_1013 = tpu.memref_squeeze %dma_start3A_1012 : memref<1x64x128xf32, #tpu.memory_space<vmem>> -> memref<64x128xf32, #tpu.memory_space<vmem>>
      %dma_start3A_1014 = arith.constant 0 : i32
      %dma_start3A_1015 = tpu.memref_slice %arg3[%dma_start3A_1014, %multiple_of3A_1002] : memref<64x1000000xf32, #tpu.memory_space<hbm>> -> memref<64x128xf32, #tpu.memory_space<hbm>>
      tpu.enqueue_dma source(%dma_start3A_1015 : memref<64x128xf32, #tpu.memory_space<hbm>>) target(%dma_start3A_1013 : memref<64x128xf32, #tpu.memory_space<vmem>>) target_semaphore(%arg8 : memref<!tpu.dma_semaphore, #tpu.memory_space<semaphore_mem>>)
      %dma_wait3A_1016 = arith.constant 0 : i32
      %dma_wait3A_1017 = arith.constant 0 : i32
      %dma_wait3A_1018 = arith.constant 0 : i32
      %dma_wait3A_1019 = tpu.memref_slice %arg6[%dma_wait3A_1016, %dma_wait3A_1017, %dma_wait3A_1018] : memref<4x64x128xf32, #tpu.memory_space<vmem>> -> memref<1x64x128xf32, #tpu.memory_space<vmem>>
      %dma_wait3A_1020 = tpu.memref_squeeze %dma_wait3A_1019 : memref<1x64x128xf32, #tpu.memory_space<vmem>> -> memref<64x128xf32, #tpu.memory_space<vmem>>
      %dma_wait3A_1021 = arith.constant 0 : i32
      %dma_wait3A_1022 = arith.constant 0 : i32
      %dma_wait3A_1023 = tpu.memref_slice %arg3[%dma_wait3A_1021, %dma_wait3A_1022] : memref<64x1000000xf32, #tpu.memory_space<hbm>> -> memref<64x128xf32, #tpu.memory_space<hbm>>
      %dma_wait3A_1024 = arith.constant 0 : i32
      %dma_wait3A_1025 = arith.constant 0 : i32
      %dma_wait3A_1026 = tpu.memref_slice %arg6[%dma_wait3A_1016, %dma_wait3A_1024, %dma_wait3A_1025] : memref<4x64x128xf32, #tpu.memory_space<vmem>> -> memref<1x64x128xf32, #tpu.memory_space<vmem>>
      %dma_wait3A_1027 = tpu.memref_squeeze %dma_wait3A_1026 : memref<1x64x128xf32, #tpu.memory_space<vmem>> -> memref<64x128xf32, #tpu.memory_space<vmem>>
      %dma_wait3A_1028 = arith.constant 0 : i32
      %dma_wait3A_1029 = arith.constant 0 : i32
      %dma_wait3A_1030 = tpu.memref_slice %arg3[%dma_wait3A_1028, %dma_wait3A_1029] : memref<64x1000000xf32, #tpu.memory_space<hbm>> -> memref<64x128xf32, #tpu.memory_space<hbm>>
      tpu.wait_dma2 semaphore(%arg8 : memref<!tpu.dma_semaphore, #tpu.memory_space<semaphore_mem>>) src(%dma_wait3A_1030 : memref<64x128xf32, #tpu.memory_space<hbm>>) dst(%dma_wait3A_1027 : memref<64x128xf32, #tpu.memory_space<vmem>>)
      %slice3A_1031 = vector.extract_strided_slice %get3A_118 {offsets = [11], sizes = [1], strides = [1]} : vector<16xi32> to vector<1xi32>
      %squeeze3A_1032 = vector.extract %slice3A_1031[0] : i32 from vector<1xi32>
      %and3A_1033 = arith.constant 127 : i32
      %and3A_1034 = arith.andi %squeeze3A_1032, %and3A_1033 : i32
      %broadcast_in_dim3A_1035 = vector.broadcast %and3A_1034 : i32 to vector<16xi32>
      %mul3A_1036 = arith.constant 16 : i32
      %mul3A_1037 = arith.muli %scan3A_110, %mul3A_1036 : i32
      %add3A_1038 = arith.constant 8 : i32
      %add3A_1039 = arith.addi %mul3A_1037, %add3A_1038 : i32
      %add3A_1040 = arith.constant 3 : i32
      %add3A_1041 = arith.addi %add3A_1039, %add3A_1040 : i32
      %gather3A_1042 = arith.constant 3 : i32
      %gather3A_1043 = arith.constant 0 : i32
      %gather3A_1044 = arith.constant 0 : i32
      %gather3A_1045 = tpu.memref_slice %arg6[%gather3A_1042, %gather3A_1043, %gather3A_1044] : memref<4x64x128xf32, #tpu.memory_space<vmem>> -> memref<1x64x128xf32, #tpu.memory_space<vmem>>
      %gather3A_1046 = tpu.memref_squeeze %gather3A_1045 : memref<1x64x128xf32, #tpu.memory_space<vmem>> -> memref<64x128xf32, #tpu.memory_space<vmem>>
      %gather3A_1047 = tpu.vector_load_idx %gather3A_1046[%add3A_3, %broadcast_in_dim3A_1035] : memref<64x128xf32, #tpu.memory_space<vmem>>[vector<16xi32>, vector<16xi32>], vector<16xf32>,
      %swap3A_1048 = arith.index_cast %add3A_1041 : i32 to index
      %swap3A_1049 = arith.constant 0 : index
      %swap3A_1050 = tpu.vector_load %arg7[%swap3A_1048, %swap3A_1049] {strides = array<i32>} : memref<256x64xf32, #tpu.memory_space<vmem>>, vector<16xf32>,
      tpu.vector_store %arg7[%swap3A_1048, %swap3A_1049], %gather3A_1047 {strides = array<i32>} : memref<256x64xf32, #tpu.memory_space<vmem>>, vector<16xf32>,
      %gather3A_1051 = arith.constant 3 : i32
      %gather3A_1052 = arith.constant 0 : i32
      %gather3A_1053 = arith.constant 0 : i32
      %gather3A_1054 = tpu.memref_slice %arg6[%gather3A_1051, %gather3A_1052, %gather3A_1053] : memref<4x64x128xf32, #tpu.memory_space<vmem>> -> memref<1x64x128xf32, #tpu.memory_space<vmem>>
      %gather3A_1055 = tpu.memref_squeeze %gather3A_1054 : memref<1x64x128xf32, #tpu.memory_space<vmem>> -> memref<64x128xf32, #tpu.memory_space<vmem>>
      %gather3A_1056 = tpu.vector_load_idx %gather3A_1055[%add3A_6, %broadcast_in_dim3A_1035] : memref<64x128xf32, #tpu.memory_space<vmem>>[vector<16xi32>, vector<16xi32>], vector<16xf32>,
      %swap3A_1057 = arith.index_cast %add3A_1041 : i32 to index
      %swap3A_1058 = arith.constant 16 : index
      %swap3A_1059 = tpu.vector_load %arg7[%swap3A_1057, %swap3A_1058] {strides = array<i32>} : memref<256x64xf32, #tpu.memory_space<vmem>>, vector<16xf32>,
      tpu.vector_store %arg7[%swap3A_1057, %swap3A_1058], %gather3A_1056 {strides = array<i32>} : memref<256x64xf32, #tpu.memory_space<vmem>>, vector<16xf32>,
      %gather3A_1060 = arith.constant 3 : i32
      %gather3A_1061 = arith.constant 0 : i32
      %gather3A_1062 = arith.constant 0 : i32
      %gather3A_1063 = tpu.memref_slice %arg6[%gather3A_1060, %gather3A_1061, %gather3A_1062] : memref<4x64x128xf32, #tpu.memory_space<vmem>> -> memref<1x64x128xf32, #tpu.memory_space<vmem>>
      %gather3A_1064 = tpu.memref_squeeze %gather3A_1063 : memref<1x64x128xf32, #tpu.memory_space<vmem>> -> memref<64x128xf32, #tpu.memory_space<vmem>>
      %gather3A_1065 = tpu.vector_load_idx %gather3A_1064[%add3A_9, %broadcast_in_dim3A_1035] : memref<64x128xf32, #tpu.memory_space<vmem>>[vector<16xi32>, vector<16xi32>], vector<16xf32>,
      %swap3A_1066 = arith.index_cast %add3A_1041 : i32 to index
      %swap3A_1067 = arith.constant 32 : index
      %swap3A_1068 = tpu.vector_load %arg7[%swap3A_1066, %swap3A_1067] {strides = array<i32>} : memref<256x64xf32, #tpu.memory_space<vmem>>, vector<16xf32>,
      tpu.vector_store %arg7[%swap3A_1066, %swap3A_1067], %gather3A_1065 {strides = array<i32>} : memref<256x64xf32, #tpu.memory_space<vmem>>, vector<16xf32>,
      %gather3A_1069 = arith.constant 3 : i32
      %gather3A_1070 = arith.constant 0 : i32
      %gather3A_1071 = arith.constant 0 : i32
      %gather3A_1072 = tpu.memref_slice %arg6[%gather3A_1069, %gather3A_1070, %gather3A_1071] : memref<4x64x128xf32, #tpu.memory_space<vmem>> -> memref<1x64x128xf32, #tpu.memory_space<vmem>>
      %gather3A_1073 = tpu.memref_squeeze %gather3A_1072 : memref<1x64x128xf32, #tpu.memory_space<vmem>> -> memref<64x128xf32, #tpu.memory_space<vmem>>
      %gather3A_1074 = tpu.vector_load_idx %gather3A_1073[%add3A_12, %broadcast_in_dim3A_1035] : memref<64x128xf32, #tpu.memory_space<vmem>>[vector<16xi32>, vector<16xi32>], vector<16xf32>,
      %swap3A_1075 = arith.index_cast %add3A_1041 : i32 to index
      %swap3A_1076 = arith.constant 48 : index
      %swap3A_1077 = tpu.vector_load %arg7[%swap3A_1075, %swap3A_1076] {strides = array<i32>} : memref<256x64xf32, #tpu.memory_space<vmem>>, vector<16xf32>,
      tpu.vector_store %arg7[%swap3A_1075, %swap3A_1076], %gather3A_1074 {strides = array<i32>} : memref<256x64xf32, #tpu.memory_space<vmem>>, vector<16xf32>,
      %slice3A_1078 = vector.extract_strided_slice %get3A_118 {offsets = [15], sizes = [1], strides = [1]} : vector<16xi32> to vector<1xi32>
      %squeeze3A_1079 = vector.extract %slice3A_1078[0] : i32 from vector<1xi32>
      %shift_right_arithmetic3A_1080 = arith.constant 7 : i32
      %shift_right_arithmetic3A_1081 = arith.shrsi %squeeze3A_1079, %shift_right_arithmetic3A_1080 : i32
      %mul3A_1082 = arith.constant 128 : i32
      %mul3A_1083 = arith.muli %shift_right_arithmetic3A_1081, %mul3A_1082 : i32
      %multiple_of3A_1084 = tpu.assume_multiple %mul3A_1083, 128 : i32
      %dma_start3A_1085 = arith.constant 3 : i32
      %dma_start3A_1086 = arith.constant 0 : i32
      %dma_start3A_1087 = arith.constant 0 : i32
      %dma_start3A_1088 = tpu.memref_slice %arg6[%dma_start3A_1085, %dma_start3A_1086, %dma_start3A_1087] : memref<4x64x128xf32, #tpu.memory_space<vmem>> -> memref<1x64x128xf32, #tpu.memory_space<vmem>>
      %dma_start3A_1089 = tpu.memref_squeeze %dma_start3A_1088 : memref<1x64x128xf32, #tpu.memory_space<vmem>> -> memref<64x128xf32, #tpu.memory_space<vmem>>
      %dma_start3A_1090 = arith.constant 0 : i32
      %dma_start3A_1091 = tpu.memref_slice %arg3[%dma_start3A_1090, %multiple_of3A_1084] : memref<64x1000000xf32, #tpu.memory_space<hbm>> -> memref<64x128xf32, #tpu.memory_space<hbm>>
      %dma_start3A_1092 = arith.constant 0 : i32
      %dma_start3A_1093 = arith.constant 0 : i32
      %dma_start3A_1094 = tpu.memref_slice %arg6[%dma_start3A_1085, %dma_start3A_1092, %dma_start3A_1093] : memref<4x64x128xf32, #tpu.memory_space<vmem>> -> memref<1x64x128xf32, #tpu.memory_space<vmem>>
      %dma_start3A_1095 = tpu.memref_squeeze %dma_start3A_1094 : memref<1x64x128xf32, #tpu.memory_space<vmem>> -> memref<64x128xf32, #tpu.memory_space<vmem>>
      %dma_start3A_1096 = arith.constant 0 : i32
      %dma_start3A_1097 = tpu.memref_slice %arg3[%dma_start3A_1096, %multiple_of3A_1084] : memref<64x1000000xf32, #tpu.memory_space<hbm>> -> memref<64x128xf32, #tpu.memory_space<hbm>>
      tpu.enqueue_dma source(%dma_start3A_1097 : memref<64x128xf32, #tpu.memory_space<hbm>>) target(%dma_start3A_1095 : memref<64x128xf32, #tpu.memory_space<vmem>>) target_semaphore(%arg8 : memref<!tpu.dma_semaphore, #tpu.memory_space<semaphore_mem>>)
      %dma_wait3A_1098 = arith.constant 0 : i32
      %dma_wait3A_1099 = arith.constant 0 : i32
      %dma_wait3A_1100 = arith.constant 0 : i32
      %dma_wait3A_1101 = tpu.memref_slice %arg6[%dma_wait3A_1098, %dma_wait3A_1099, %dma_wait3A_1100] : memref<4x64x128xf32, #tpu.memory_space<vmem>> -> memref<1x64x128xf32, #tpu.memory_space<vmem>>
      %dma_wait3A_1102 = tpu.memref_squeeze %dma_wait3A_1101 : memref<1x64x128xf32, #tpu.memory_space<vmem>> -> memref<64x128xf32, #tpu.memory_space<vmem>>
      %dma_wait3A_1103 = arith.constant 0 : i32
      %dma_wait3A_1104 = arith.constant 0 : i32
      %dma_wait3A_1105 = tpu.memref_slice %arg3[%dma_wait3A_1103, %dma_wait3A_1104] : memref<64x1000000xf32, #tpu.memory_space<hbm>> -> memref<64x128xf32, #tpu.memory_space<hbm>>
      %dma_wait3A_1106 = arith.constant 0 : i32
      %dma_wait3A_1107 = arith.constant 0 : i32
      %dma_wait3A_1108 = tpu.memref_slice %arg6[%dma_wait3A_1098, %dma_wait3A_1106, %dma_wait3A_1107] : memref<4x64x128xf32, #tpu.memory_space<vmem>> -> memref<1x64x128xf32, #tpu.memory_space<vmem>>
      %dma_wait3A_1109 = tpu.memref_squeeze %dma_wait3A_1108 : memref<1x64x128xf32, #tpu.memory_space<vmem>> -> memref<64x128xf32, #tpu.memory_space<vmem>>
      %dma_wait3A_1110 = arith.constant 0 : i32
      %dma_wait3A_1111 = arith.constant 0 : i32
      %dma_wait3A_1112 = tpu.memref_slice %arg3[%dma_wait3A_1110, %dma_wait3A_1111] : memref<64x1000000xf32, #tpu.memory_space<hbm>> -> memref<64x128xf32, #tpu.memory_space<hbm>>
      tpu.wait_dma2 semaphore(%arg8 : memref<!tpu.dma_semaphore, #tpu.memory_space<semaphore_mem>>) src(%dma_wait3A_1112 : memref<64x128xf32, #tpu.memory_space<hbm>>) dst(%dma_wait3A_1109 : memref<64x128xf32, #tpu.memory_space<vmem>>)
      %slice3A_1113 = vector.extract_strided_slice %get3A_118 {offsets = [12], sizes = [1], strides = [1]} : vector<16xi32> to vector<1xi32>
      %squeeze3A_1114 = vector.extract %slice3A_1113[0] : i32 from vector<1xi32>
      %and3A_1115 = arith.constant 127 : i32
      %and3A_1116 = arith.andi %squeeze3A_1114, %and3A_1115 : i32
      %broadcast_in_dim3A_1117 = vector.broadcast %and3A_1116 : i32 to vector<16xi32>
      %mul3A_1118 = arith.constant 16 : i32
      %mul3A_1119 = arith.muli %scan3A_110, %mul3A_1118 : i32
      %add3A_1120 = arith.constant 12 : i32
      %add3A_1121 = arith.addi %mul3A_1119, %add3A_1120 : i32
      %add3A_1122 = arith.constant 0 : i32
      %add3A_1123 = arith.addi %add3A_1121, %add3A_1122 : i32
      %gather3A_1124 = arith.constant 0 : i32
      %gather3A_1125 = arith.constant 0 : i32
      %gather3A_1126 = arith.constant 0 : i32
      %gather3A_1127 = tpu.memref_slice %arg6[%gather3A_1124, %gather3A_1125, %gather3A_1126] : memref<4x64x128xf32, #tpu.memory_space<vmem>> -> memref<1x64x128xf32, #tpu.memory_space<vmem>>
      %gather3A_1128 = tpu.memref_squeeze %gather3A_1127 : memref<1x64x128xf32, #tpu.memory_space<vmem>> -> memref<64x128xf32, #tpu.memory_space<vmem>>
      %gather3A_1129 = tpu.vector_load_idx %gather3A_1128[%add3A_3, %broadcast_in_dim3A_1117] : memref<64x128xf32, #tpu.memory_space<vmem>>[vector<16xi32>, vector<16xi32>], vector<16xf32>,
      %swap3A_1130 = arith.index_cast %add3A_1123 : i32 to index
      %swap3A_1131 = arith.constant 0 : index
      %swap3A_1132 = tpu.vector_load %arg7[%swap3A_1130, %swap3A_1131] {strides = array<i32>} : memref<256x64xf32, #tpu.memory_space<vmem>>, vector<16xf32>,
      tpu.vector_store %arg7[%swap3A_1130, %swap3A_1131], %gather3A_1129 {strides = array<i32>} : memref<256x64xf32, #tpu.memory_space<vmem>>, vector<16xf32>,
      %gather3A_1133 = arith.constant 0 : i32
      %gather3A_1134 = arith.constant 0 : i32
      %gather3A_1135 = arith.constant 0 : i32
      %gather3A_1136 = tpu.memref_slice %arg6[%gather3A_1133, %gather3A_1134, %gather3A_1135] : memref<4x64x128xf32, #tpu.memory_space<vmem>> -> memref<1x64x128xf32, #tpu.memory_space<vmem>>
      %gather3A_1137 = tpu.memref_squeeze %gather3A_1136 : memref<1x64x128xf32, #tpu.memory_space<vmem>> -> memref<64x128xf32, #tpu.memory_space<vmem>>
      %gather3A_1138 = tpu.vector_load_idx %gather3A_1137[%add3A_6, %broadcast_in_dim3A_1117] : memref<64x128xf32, #tpu.memory_space<vmem>>[vector<16xi32>, vector<16xi32>], vector<16xf32>,
      %swap3A_1139 = arith.index_cast %add3A_1123 : i32 to index
      %swap3A_1140 = arith.constant 16 : index
      %swap3A_1141 = tpu.vector_load %arg7[%swap3A_1139, %swap3A_1140] {strides = array<i32>} : memref<256x64xf32, #tpu.memory_space<vmem>>, vector<16xf32>,
      tpu.vector_store %arg7[%swap3A_1139, %swap3A_1140], %gather3A_1138 {strides = array<i32>} : memref<256x64xf32, #tpu.memory_space<vmem>>, vector<16xf32>,
      %gather3A_1142 = arith.constant 0 : i32
      %gather3A_1143 = arith.constant 0 : i32
      %gather3A_1144 = arith.constant 0 : i32
      %gather3A_1145 = tpu.memref_slice %arg6[%gather3A_1142, %gather3A_1143, %gather3A_1144] : memref<4x64x128xf32, #tpu.memory_space<vmem>> -> memref<1x64x128xf32, #tpu.memory_space<vmem>>
      %gather3A_1146 = tpu.memref_squeeze %gather3A_1145 : memref<1x64x128xf32, #tpu.memory_space<vmem>> -> memref<64x128xf32, #tpu.memory_space<vmem>>
      %gather3A_1147 = tpu.vector_load_idx %gather3A_1146[%add3A_9, %broadcast_in_dim3A_1117] : memref<64x128xf32, #tpu.memory_space<vmem>>[vector<16xi32>, vector<16xi32>], vector<16xf32>,
      %swap3A_1148 = arith.index_cast %add3A_1123 : i32 to index
      %swap3A_1149 = arith.constant 32 : index
      %swap3A_1150 = tpu.vector_load %arg7[%swap3A_1148, %swap3A_1149] {strides = array<i32>} : memref<256x64xf32, #tpu.memory_space<vmem>>, vector<16xf32>,
      tpu.vector_store %arg7[%swap3A_1148, %swap3A_1149], %gather3A_1147 {strides = array<i32>} : memref<256x64xf32, #tpu.memory_space<vmem>>, vector<16xf32>,
      %gather3A_1151 = arith.constant 0 : i32
      %gather3A_1152 = arith.constant 0 : i32
      %gather3A_1153 = arith.constant 0 : i32
      %gather3A_1154 = tpu.memref_slice %arg6[%gather3A_1151, %gather3A_1152, %gather3A_1153] : memref<4x64x128xf32, #tpu.memory_space<vmem>> -> memref<1x64x128xf32, #tpu.memory_space<vmem>>
      %gather3A_1155 = tpu.memref_squeeze %gather3A_1154 : memref<1x64x128xf32, #tpu.memory_space<vmem>> -> memref<64x128xf32, #tpu.memory_space<vmem>>
      %gather3A_1156 = tpu.vector_load_idx %gather3A_1155[%add3A_12, %broadcast_in_dim3A_1117] : memref<64x128xf32, #tpu.memory_space<vmem>>[vector<16xi32>, vector<16xi32>], vector<16xf32>,
      %swap3A_1157 = arith.index_cast %add3A_1123 : i32 to index
      %swap3A_1158 = arith.constant 48 : index
      %swap3A_1159 = tpu.vector_load %arg7[%swap3A_1157, %swap3A_1158] {strides = array<i32>} : memref<256x64xf32, #tpu.memory_space<vmem>>, vector<16xf32>,
      tpu.vector_store %arg7[%swap3A_1157, %swap3A_1158], %gather3A_1156 {strides = array<i32>} : memref<256x64xf32, #tpu.memory_space<vmem>>, vector<16xf32>,
      %add3A_1160 = arith.constant 1 : i32
      %add3A_1161 = arith.addi %scan3A_110, %add3A_1160 : i32
      %mul3A_1162 = arith.constant 16 : i32
      %mul3A_1163 = arith.muli %add3A_1161, %mul3A_1162 : i32
      %add3A_1164 = arith.constant 0 : i32
      %add3A_1165 = arith.addi %add3A_1164, %mul3A_1163 : i32
      %get3A_1166 = arith.constant 0 : i32
      %get3A_1167 = arith.index_cast %get3A_1166 : i32 to index
      %get3A_1168 = arith.index_cast %add3A_1165 : i32 to index
      %get3A_1169 = tpu.vector_load %arg5[%get3A_1167, %get3A_1168] {strides = array<i32>} : memref<1x512xi32, #tpu.memory_space<vmem>>, vector<16xi32>,
      %slice3A_1170 = vector.extract_strided_slice %get3A_1169 {offsets = [0], sizes = [1], strides = [1]} : vector<16xi32> to vector<1xi32>
      %squeeze3A_1171 = vector.extract %slice3A_1170[0] : i32 from vector<1xi32>
      %shift_right_arithmetic3A_1172 = arith.constant 7 : i32
      %shift_right_arithmetic3A_1173 = arith.shrsi %squeeze3A_1171, %shift_right_arithmetic3A_1172 : i32
      %mul3A_1174 = arith.constant 128 : i32
      %mul3A_1175 = arith.muli %shift_right_arithmetic3A_1173, %mul3A_1174 : i32
      %multiple_of3A_1176 = tpu.assume_multiple %mul3A_1175, 128 : i32
      %dma_start3A_1177 = arith.constant 0 : i32
      %dma_start3A_1178 = arith.constant 0 : i32
      %dma_start3A_1179 = arith.constant 0 : i32
      %dma_start3A_1180 = tpu.memref_slice %arg6[%dma_start3A_1177, %dma_start3A_1178, %dma_start3A_1179] : memref<4x64x128xf32, #tpu.memory_space<vmem>> -> memref<1x64x128xf32, #tpu.memory_space<vmem>>
      %dma_start3A_1181 = tpu.memref_squeeze %dma_start3A_1180 : memref<1x64x128xf32, #tpu.memory_space<vmem>> -> memref<64x128xf32, #tpu.memory_space<vmem>>
      %dma_start3A_1182 = arith.constant 0 : i32
      %dma_start3A_1183 = tpu.memref_slice %arg3[%dma_start3A_1182, %multiple_of3A_1176] : memref<64x1000000xf32, #tpu.memory_space<hbm>> -> memref<64x128xf32, #tpu.memory_space<hbm>>
      %dma_start3A_1184 = arith.constant 0 : i32
      %dma_start3A_1185 = arith.constant 0 : i32
      %dma_start3A_1186 = tpu.memref_slice %arg6[%dma_start3A_1177, %dma_start3A_1184, %dma_start3A_1185] : memref<4x64x128xf32, #tpu.memory_space<vmem>> -> memref<1x64x128xf32, #tpu.memory_space<vmem>>
      %dma_start3A_1187 = tpu.memref_squeeze %dma_start3A_1186 : memref<1x64x128xf32, #tpu.memory_space<vmem>> -> memref<64x128xf32, #tpu.memory_space<vmem>>
      %dma_start3A_1188 = arith.constant 0 : i32
      %dma_start3A_1189 = tpu.memref_slice %arg3[%dma_start3A_1188, %multiple_of3A_1176] : memref<64x1000000xf32, #tpu.memory_space<hbm>> -> memref<64x128xf32, #tpu.memory_space<hbm>>
      tpu.enqueue_dma source(%dma_start3A_1189 : memref<64x128xf32, #tpu.memory_space<hbm>>) target(%dma_start3A_1187 : memref<64x128xf32, #tpu.memory_space<vmem>>) target_semaphore(%arg8 : memref<!tpu.dma_semaphore, #tpu.memory_space<semaphore_mem>>)
      %dma_wait3A_1190 = arith.constant 0 : i32
      %dma_wait3A_1191 = arith.constant 0 : i32
      %dma_wait3A_1192 = arith.constant 0 : i32
      %dma_wait3A_1193 = tpu.memref_slice %arg6[%dma_wait3A_1190, %dma_wait3A_1191, %dma_wait3A_1192] : memref<4x64x128xf32, #tpu.memory_space<vmem>> -> memref<1x64x128xf32, #tpu.memory_space<vmem>>
      %dma_wait3A_1194 = tpu.memref_squeeze %dma_wait3A_1193 : memref<1x64x128xf32, #tpu.memory_space<vmem>> -> memref<64x128xf32, #tpu.memory_space<vmem>>
      %dma_wait3A_1195 = arith.constant 0 : i32
      %dma_wait3A_1196 = arith.constant 0 : i32
      %dma_wait3A_1197 = tpu.memref_slice %arg3[%dma_wait3A_1195, %dma_wait3A_1196] : memref<64x1000000xf32, #tpu.memory_space<hbm>> -> memref<64x128xf32, #tpu.memory_space<hbm>>
      %dma_wait3A_1198 = arith.constant 0 : i32
      %dma_wait3A_1199 = arith.constant 0 : i32
      %dma_wait3A_1200 = tpu.memref_slice %arg6[%dma_wait3A_1190, %dma_wait3A_1198, %dma_wait3A_1199] : memref<4x64x128xf32, #tpu.memory_space<vmem>> -> memref<1x64x128xf32, #tpu.memory_space<vmem>>
      %dma_wait3A_1201 = tpu.memref_squeeze %dma_wait3A_1200 : memref<1x64x128xf32, #tpu.memory_space<vmem>> -> memref<64x128xf32, #tpu.memory_space<vmem>>
      %dma_wait3A_1202 = arith.constant 0 : i32
      %dma_wait3A_1203 = arith.constant 0 : i32
      %dma_wait3A_1204 = tpu.memref_slice %arg3[%dma_wait3A_1202, %dma_wait3A_1203] : memref<64x1000000xf32, #tpu.memory_space<hbm>> -> memref<64x128xf32, #tpu.memory_space<hbm>>
      tpu.wait_dma2 semaphore(%arg8 : memref<!tpu.dma_semaphore, #tpu.memory_space<semaphore_mem>>) src(%dma_wait3A_1204 : memref<64x128xf32, #tpu.memory_space<hbm>>) dst(%dma_wait3A_1201 : memref<64x128xf32, #tpu.memory_space<vmem>>)
      %slice3A_1205 = vector.extract_strided_slice %get3A_118 {offsets = [13], sizes = [1], strides = [1]} : vector<16xi32> to vector<1xi32>
      %squeeze3A_1206 = vector.extract %slice3A_1205[0] : i32 from vector<1xi32>
      %and3A_1207 = arith.constant 127 : i32
      %and3A_1208 = arith.andi %squeeze3A_1206, %and3A_1207 : i32
      %broadcast_in_dim3A_1209 = vector.broadcast %and3A_1208 : i32 to vector<16xi32>
      %mul3A_1210 = arith.constant 16 : i32
      %mul3A_1211 = arith.muli %scan3A_110, %mul3A_1210 : i32
      %add3A_1212 = arith.constant 12 : i32
      %add3A_1213 = arith.addi %mul3A_1211, %add3A_1212 : i32
      %add3A_1214 = arith.constant 1 : i32
      %add3A_1215 = arith.addi %add3A_1213, %add3A_1214 : i32
      %gather3A_1216 = arith.constant 1 : i32
      %gather3A_1217 = arith.constant 0 : i32
      %gather3A_1218 = arith.constant 0 : i32
      %gather3A_1219 = tpu.memref_slice %arg6[%gather3A_1216, %gather3A_1217, %gather3A_1218] : memref<4x64x128xf32, #tpu.memory_space<vmem>> -> memref<1x64x128xf32, #tpu.memory_space<vmem>>
      %gather3A_1220 = tpu.memref_squeeze %gather3A_1219 : memref<1x64x128xf32, #tpu.memory_space<vmem>> -> memref<64x128xf32, #tpu.memory_space<vmem>>
      %gather3A_1221 = tpu.vector_load_idx %gather3A_1220[%add3A_3, %broadcast_in_dim3A_1209] : memref<64x128xf32, #tpu.memory_space<vmem>>[vector<16xi32>, vector<16xi32>], vector<16xf32>,
      %swap3A_1222 = arith.index_cast %add3A_1215 : i32 to index
      %swap3A_1223 = arith.constant 0 : index
      %swap3A_1224 = tpu.vector_load %arg7[%swap3A_1222, %swap3A_1223] {strides = array<i32>} : memref<256x64xf32, #tpu.memory_space<vmem>>, vector<16xf32>,
      tpu.vector_store %arg7[%swap3A_1222, %swap3A_1223], %gather3A_1221 {strides = array<i32>} : memref<256x64xf32, #tpu.memory_space<vmem>>, vector<16xf32>,
      %gather3A_1225 = arith.constant 1 : i32
      %gather3A_1226 = arith.constant 0 : i32
      %gather3A_1227 = arith.constant 0 : i32
      %gather3A_1228 = tpu.memref_slice %arg6[%gather3A_1225, %gather3A_1226, %gather3A_1227] : memref<4x64x128xf32, #tpu.memory_space<vmem>> -> memref<1x64x128xf32, #tpu.memory_space<vmem>>
      %gather3A_1229 = tpu.memref_squeeze %gather3A_1228 : memref<1x64x128xf32, #tpu.memory_space<vmem>> -> memref<64x128xf32, #tpu.memory_space<vmem>>
      %gather3A_1230 = tpu.vector_load_idx %gather3A_1229[%add3A_6, %broadcast_in_dim3A_1209] : memref<64x128xf32, #tpu.memory_space<vmem>>[vector<16xi32>, vector<16xi32>], vector<16xf32>,
      %swap3A_1231 = arith.index_cast %add3A_1215 : i32 to index
      %swap3A_1232 = arith.constant 16 : index
      %swap3A_1233 = tpu.vector_load %arg7[%swap3A_1231, %swap3A_1232] {strides = array<i32>} : memref<256x64xf32, #tpu.memory_space<vmem>>, vector<16xf32>,
      tpu.vector_store %arg7[%swap3A_1231, %swap3A_1232], %gather3A_1230 {strides = array<i32>} : memref<256x64xf32, #tpu.memory_space<vmem>>, vector<16xf32>,
      %gather3A_1234 = arith.constant 1 : i32
      %gather3A_1235 = arith.constant 0 : i32
      %gather3A_1236 = arith.constant 0 : i32
      %gather3A_1237 = tpu.memref_slice %arg6[%gather3A_1234, %gather3A_1235, %gather3A_1236] : memref<4x64x128xf32, #tpu.memory_space<vmem>> -> memref<1x64x128xf32, #tpu.memory_space<vmem>>
      %gather3A_1238 = tpu.memref_squeeze %gather3A_1237 : memref<1x64x128xf32, #tpu.memory_space<vmem>> -> memref<64x128xf32, #tpu.memory_space<vmem>>
      %gather3A_1239 = tpu.vector_load_idx %gather3A_1238[%add3A_9, %broadcast_in_dim3A_1209] : memref<64x128xf32, #tpu.memory_space<vmem>>[vector<16xi32>, vector<16xi32>], vector<16xf32>,
      %swap3A_1240 = arith.index_cast %add3A_1215 : i32 to index
      %swap3A_1241 = arith.constant 32 : index
      %swap3A_1242 = tpu.vector_load %arg7[%swap3A_1240, %swap3A_1241] {strides = array<i32>} : memref<256x64xf32, #tpu.memory_space<vmem>>, vector<16xf32>,
      tpu.vector_store %arg7[%swap3A_1240, %swap3A_1241], %gather3A_1239 {strides = array<i32>} : memref<256x64xf32, #tpu.memory_space<vmem>>, vector<16xf32>,
      %gather3A_1243 = arith.constant 1 : i32
      %gather3A_1244 = arith.constant 0 : i32
      %gather3A_1245 = arith.constant 0 : i32
      %gather3A_1246 = tpu.memref_slice %arg6[%gather3A_1243, %gather3A_1244, %gather3A_1245] : memref<4x64x128xf32, #tpu.memory_space<vmem>> -> memref<1x64x128xf32, #tpu.memory_space<vmem>>
      %gather3A_1247 = tpu.memref_squeeze %gather3A_1246 : memref<1x64x128xf32, #tpu.memory_space<vmem>> -> memref<64x128xf32, #tpu.memory_space<vmem>>
      %gather3A_1248 = tpu.vector_load_idx %gather3A_1247[%add3A_12, %broadcast_in_dim3A_1209] : memref<64x128xf32, #tpu.memory_space<vmem>>[vector<16xi32>, vector<16xi32>], vector<16xf32>,
      %swap3A_1249 = arith.index_cast %add3A_1215 : i32 to index
      %swap3A_1250 = arith.constant 48 : index
      %swap3A_1251 = tpu.vector_load %arg7[%swap3A_1249, %swap3A_1250] {strides = array<i32>} : memref<256x64xf32, #tpu.memory_space<vmem>>, vector<16xf32>,
      tpu.vector_store %arg7[%swap3A_1249, %swap3A_1250], %gather3A_1248 {strides = array<i32>} : memref<256x64xf32, #tpu.memory_space<vmem>>, vector<16xf32>,
      %add3A_1252 = arith.constant 1 : i32
      %add3A_1253 = arith.addi %scan3A_110, %add3A_1252 : i32
      %mul3A_1254 = arith.constant 16 : i32
      %mul3A_1255 = arith.muli %add3A_1253, %mul3A_1254 : i32
      %add3A_1256 = arith.constant 0 : i32
      %add3A_1257 = arith.addi %add3A_1256, %mul3A_1255 : i32
      %get3A_1258 = arith.constant 0 : i32
      %get3A_1259 = arith.index_cast %get3A_1258 : i32 to index
      %get3A_1260 = arith.index_cast %add3A_1257 : i32 to index
      %get3A_1261 = tpu.vector_load %arg5[%get3A_1259, %get3A_1260] {strides = array<i32>} : memref<1x512xi32, #tpu.memory_space<vmem>>, vector<16xi32>,
      %slice3A_1262 = vector.extract_strided_slice %get3A_1261 {offsets = [1], sizes = [1], strides = [1]} : vector<16xi32> to vector<1xi32>
      %squeeze3A_1263 = vector.extract %slice3A_1262[0] : i32 from vector<1xi32>
      %shift_right_arithmetic3A_1264 = arith.constant 7 : i32
      %shift_right_arithmetic3A_1265 = arith.shrsi %squeeze3A_1263, %shift_right_arithmetic3A_1264 : i32
      %mul3A_1266 = arith.constant 128 : i32
      %mul3A_1267 = arith.muli %shift_right_arithmetic3A_1265, %mul3A_1266 : i32
      %multiple_of3A_1268 = tpu.assume_multiple %mul3A_1267, 128 : i32
      %dma_start3A_1269 = arith.constant 1 : i32
      %dma_start3A_1270 = arith.constant 0 : i32
      %dma_start3A_1271 = arith.constant 0 : i32
      %dma_start3A_1272 = tpu.memref_slice %arg6[%dma_start3A_1269, %dma_start3A_1270, %dma_start3A_1271] : memref<4x64x128xf32, #tpu.memory_space<vmem>> -> memref<1x64x128xf32, #tpu.memory_space<vmem>>
      %dma_start3A_1273 = tpu.memref_squeeze %dma_start3A_1272 : memref<1x64x128xf32, #tpu.memory_space<vmem>> -> memref<64x128xf32, #tpu.memory_space<vmem>>
      %dma_start3A_1274 = arith.constant 0 : i32
      %dma_start3A_1275 = tpu.memref_slice %arg3[%dma_start3A_1274, %multiple_of3A_1268] : memref<64x1000000xf32, #tpu.memory_space<hbm>> -> memref<64x128xf32, #tpu.memory_space<hbm>>
      %dma_start3A_1276 = arith.constant 0 : i32
      %dma_start3A_1277 = arith.constant 0 : i32
      %dma_start3A_1278 = tpu.memref_slice %arg6[%dma_start3A_1269, %dma_start3A_1276, %dma_start3A_1277] : memref<4x64x128xf32, #tpu.memory_space<vmem>> -> memref<1x64x128xf32, #tpu.memory_space<vmem>>
      %dma_start3A_1279 = tpu.memref_squeeze %dma_start3A_1278 : memref<1x64x128xf32, #tpu.memory_space<vmem>> -> memref<64x128xf32, #tpu.memory_space<vmem>>
      %dma_start3A_1280 = arith.constant 0 : i32
      %dma_start3A_1281 = tpu.memref_slice %arg3[%dma_start3A_1280, %multiple_of3A_1268] : memref<64x1000000xf32, #tpu.memory_space<hbm>> -> memref<64x128xf32, #tpu.memory_space<hbm>>
      tpu.enqueue_dma source(%dma_start3A_1281 : memref<64x128xf32, #tpu.memory_space<hbm>>) target(%dma_start3A_1279 : memref<64x128xf32, #tpu.memory_space<vmem>>) target_semaphore(%arg8 : memref<!tpu.dma_semaphore, #tpu.memory_space<semaphore_mem>>)
      %dma_wait3A_1282 = arith.constant 0 : i32
      %dma_wait3A_1283 = arith.constant 0 : i32
      %dma_wait3A_1284 = arith.constant 0 : i32
      %dma_wait3A_1285 = tpu.memref_slice %arg6[%dma_wait3A_1282, %dma_wait3A_1283, %dma_wait3A_1284] : memref<4x64x128xf32, #tpu.memory_space<vmem>> -> memref<1x64x128xf32, #tpu.memory_space<vmem>>
      %dma_wait3A_1286 = tpu.memref_squeeze %dma_wait3A_1285 : memref<1x64x128xf32, #tpu.memory_space<vmem>> -> memref<64x128xf32, #tpu.memory_space<vmem>>
      %dma_wait3A_1287 = arith.constant 0 : i32
      %dma_wait3A_1288 = arith.constant 0 : i32
      %dma_wait3A_1289 = tpu.memref_slice %arg3[%dma_wait3A_1287, %dma_wait3A_1288] : memref<64x1000000xf32, #tpu.memory_space<hbm>> -> memref<64x128xf32, #tpu.memory_space<hbm>>
      %dma_wait3A_1290 = arith.constant 0 : i32
      %dma_wait3A_1291 = arith.constant 0 : i32
      %dma_wait3A_1292 = tpu.memref_slice %arg6[%dma_wait3A_1282, %dma_wait3A_1290, %dma_wait3A_1291] : memref<4x64x128xf32, #tpu.memory_space<vmem>> -> memref<1x64x128xf32, #tpu.memory_space<vmem>>
      %dma_wait3A_1293 = tpu.memref_squeeze %dma_wait3A_1292 : memref<1x64x128xf32, #tpu.memory_space<vmem>> -> memref<64x128xf32, #tpu.memory_space<vmem>>
      %dma_wait3A_1294 = arith.constant 0 : i32
      %dma_wait3A_1295 = arith.constant 0 : i32
      %dma_wait3A_1296 = tpu.memref_slice %arg3[%dma_wait3A_1294, %dma_wait3A_1295] : memref<64x1000000xf32, #tpu.memory_space<hbm>> -> memref<64x128xf32, #tpu.memory_space<hbm>>
      tpu.wait_dma2 semaphore(%arg8 : memref<!tpu.dma_semaphore, #tpu.memory_space<semaphore_mem>>) src(%dma_wait3A_1296 : memref<64x128xf32, #tpu.memory_space<hbm>>) dst(%dma_wait3A_1293 : memref<64x128xf32, #tpu.memory_space<vmem>>)
      %slice3A_1297 = vector.extract_strided_slice %get3A_118 {offsets = [14], sizes = [1], strides = [1]} : vector<16xi32> to vector<1xi32>
      %squeeze3A_1298 = vector.extract %slice3A_1297[0] : i32 from vector<1xi32>
      %and3A_1299 = arith.constant 127 : i32
      %and3A_1300 = arith.andi %squeeze3A_1298, %and3A_1299 : i32
      %broadcast_in_dim3A_1301 = vector.broadcast %and3A_1300 : i32 to vector<16xi32>
      %mul3A_1302 = arith.constant 16 : i32
      %mul3A_1303 = arith.muli %scan3A_110, %mul3A_1302 : i32
      %add3A_1304 = arith.constant 12 : i32
      %add3A_1305 = arith.addi %mul3A_1303, %add3A_1304 : i32
      %add3A_1306 = arith.constant 2 : i32
      %add3A_1307 = arith.addi %add3A_1305, %add3A_1306 : i32
      %gather3A_1308 = arith.constant 2 : i32
      %gather3A_1309 = arith.constant 0 : i32
      %gather3A_1310 = arith.constant 0 : i32
      %gather3A_1311 = tpu.memref_slice %arg6[%gather3A_1308, %gather3A_1309, %gather3A_1310] : memref<4x64x128xf32, #tpu.memory_space<vmem>> -> memref<1x64x128xf32, #tpu.memory_space<vmem>>
      %gather3A_1312 = tpu.memref_squeeze %gather3A_1311 : memref<1x64x128xf32, #tpu.memory_space<vmem>> -> memref<64x128xf32, #tpu.memory_space<vmem>>
      %gather3A_1313 = tpu.vector_load_idx %gather3A_1312[%add3A_3, %broadcast_in_dim3A_1301] : memref<64x128xf32, #tpu.memory_space<vmem>>[vector<16xi32>, vector<16xi32>], vector<16xf32>,
      %swap3A_1314 = arith.index_cast %add3A_1307 : i32 to index
      %swap3A_1315 = arith.constant 0 : index
      %swap3A_1316 = tpu.vector_load %arg7[%swap3A_1314, %swap3A_1315] {strides = array<i32>} : memref<256x64xf32, #tpu.memory_space<vmem>>, vector<16xf32>,
      tpu.vector_store %arg7[%swap3A_1314, %swap3A_1315], %gather3A_1313 {strides = array<i32>} : memref<256x64xf32, #tpu.memory_space<vmem>>, vector<16xf32>,
      %gather3A_1317 = arith.constant 2 : i32
      %gather3A_1318 = arith.constant 0 : i32
      %gather3A_1319 = arith.constant 0 : i32
      %gather3A_1320 = tpu.memref_slice %arg6[%gather3A_1317, %gather3A_1318, %gather3A_1319] : memref<4x64x128xf32, #tpu.memory_space<vmem>> -> memref<1x64x128xf32, #tpu.memory_space<vmem>>
      %gather3A_1321 = tpu.memref_squeeze %gather3A_1320 : memref<1x64x128xf32, #tpu.memory_space<vmem>> -> memref<64x128xf32, #tpu.memory_space<vmem>>
      %gather3A_1322 = tpu.vector_load_idx %gather3A_1321[%add3A_6, %broadcast_in_dim3A_1301] : memref<64x128xf32, #tpu.memory_space<vmem>>[vector<16xi32>, vector<16xi32>], vector<16xf32>,
      %swap3A_1323 = arith.index_cast %add3A_1307 : i32 to index
      %swap3A_1324 = arith.constant 16 : index
      %swap3A_1325 = tpu.vector_load %arg7[%swap3A_1323, %swap3A_1324] {strides = array<i32>} : memref<256x64xf32, #tpu.memory_space<vmem>>, vector<16xf32>,
      tpu.vector_store %arg7[%swap3A_1323, %swap3A_1324], %gather3A_1322 {strides = array<i32>} : memref<256x64xf32, #tpu.memory_space<vmem>>, vector<16xf32>,
      %gather3A_1326 = arith.constant 2 : i32
      %gather3A_1327 = arith.constant 0 : i32
      %gather3A_1328 = arith.constant 0 : i32
      %gather3A_1329 = tpu.memref_slice %arg6[%gather3A_1326, %gather3A_1327, %gather3A_1328] : memref<4x64x128xf32, #tpu.memory_space<vmem>> -> memref<1x64x128xf32, #tpu.memory_space<vmem>>
      %gather3A_1330 = tpu.memref_squeeze %gather3A_1329 : memref<1x64x128xf32, #tpu.memory_space<vmem>> -> memref<64x128xf32, #tpu.memory_space<vmem>>
      %gather3A_1331 = tpu.vector_load_idx %gather3A_1330[%add3A_9, %broadcast_in_dim3A_1301] : memref<64x128xf32, #tpu.memory_space<vmem>>[vector<16xi32>, vector<16xi32>], vector<16xf32>,
      %swap3A_1332 = arith.index_cast %add3A_1307 : i32 to index
      %swap3A_1333 = arith.constant 32 : index
      %swap3A_1334 = tpu.vector_load %arg7[%swap3A_1332, %swap3A_1333] {strides = array<i32>} : memref<256x64xf32, #tpu.memory_space<vmem>>, vector<16xf32>,
      tpu.vector_store %arg7[%swap3A_1332, %swap3A_1333], %gather3A_1331 {strides = array<i32>} : memref<256x64xf32, #tpu.memory_space<vmem>>, vector<16xf32>,
      %gather3A_1335 = arith.constant 2 : i32
      %gather3A_1336 = arith.constant 0 : i32
      %gather3A_1337 = arith.constant 0 : i32
      %gather3A_1338 = tpu.memref_slice %arg6[%gather3A_1335, %gather3A_1336, %gather3A_1337] : memref<4x64x128xf32, #tpu.memory_space<vmem>> -> memref<1x64x128xf32, #tpu.memory_space<vmem>>
      %gather3A_1339 = tpu.memref_squeeze %gather3A_1338 : memref<1x64x128xf32, #tpu.memory_space<vmem>> -> memref<64x128xf32, #tpu.memory_space<vmem>>
      %gather3A_1340 = tpu.vector_load_idx %gather3A_1339[%add3A_12, %broadcast_in_dim3A_1301] : memref<64x128xf32, #tpu.memory_space<vmem>>[vector<16xi32>, vector<16xi32>], vector<16xf32>,
      %swap3A_1341 = arith.index_cast %add3A_1307 : i32 to index
      %swap3A_1342 = arith.constant 48 : index
      %swap3A_1343 = tpu.vector_load %arg7[%swap3A_1341, %swap3A_1342] {strides = array<i32>} : memref<256x64xf32, #tpu.memory_space<vmem>>, vector<16xf32>,
      tpu.vector_store %arg7[%swap3A_1341, %swap3A_1342], %gather3A_1340 {strides = array<i32>} : memref<256x64xf32, #tpu.memory_space<vmem>>, vector<16xf32>,
      %add3A_1344 = arith.constant 1 : i32
      %add3A_1345 = arith.addi %scan3A_110, %add3A_1344 : i32
      %mul3A_1346 = arith.constant 16 : i32
      %mul3A_1347 = arith.muli %add3A_1345, %mul3A_1346 : i32
      %add3A_1348 = arith.constant 0 : i32
      %add3A_1349 = arith.addi %add3A_1348, %mul3A_1347 : i32
      %get3A_1350 = arith.constant 0 : i32
      %get3A_1351 = arith.index_cast %get3A_1350 : i32 to index
      %get3A_1352 = arith.index_cast %add3A_1349 : i32 to index
      %get3A_1353 = tpu.vector_load %arg5[%get3A_1351, %get3A_1352] {strides = array<i32>} : memref<1x512xi32, #tpu.memory_space<vmem>>, vector<16xi32>,
      %slice3A_1354 = vector.extract_strided_slice %get3A_1353 {offsets = [2], sizes = [1], strides = [1]} : vector<16xi32> to vector<1xi32>
      %squeeze3A_1355 = vector.extract %slice3A_1354[0] : i32 from vector<1xi32>
      %shift_right_arithmetic3A_1356 = arith.constant 7 : i32
      %shift_right_arithmetic3A_1357 = arith.shrsi %squeeze3A_1355, %shift_right_arithmetic3A_1356 : i32
      %mul3A_1358 = arith.constant 128 : i32
      %mul3A_1359 = arith.muli %shift_right_arithmetic3A_1357, %mul3A_1358 : i32
      %multiple_of3A_1360 = tpu.assume_multiple %mul3A_1359, 128 : i32
      %dma_start3A_1361 = arith.constant 2 : i32
      %dma_start3A_1362 = arith.constant 0 : i32
      %dma_start3A_1363 = arith.constant 0 : i32
      %dma_start3A_1364 = tpu.memref_slice %arg6[%dma_start3A_1361, %dma_start3A_1362, %dma_start3A_1363] : memref<4x64x128xf32, #tpu.memory_space<vmem>> -> memref<1x64x128xf32, #tpu.memory_space<vmem>>
      %dma_start3A_1365 = tpu.memref_squeeze %dma_start3A_1364 : memref<1x64x128xf32, #tpu.memory_space<vmem>> -> memref<64x128xf32, #tpu.memory_space<vmem>>
      %dma_start3A_1366 = arith.constant 0 : i32
      %dma_start3A_1367 = tpu.memref_slice %arg3[%dma_start3A_1366, %multiple_of3A_1360] : memref<64x1000000xf32, #tpu.memory_space<hbm>> -> memref<64x128xf32, #tpu.memory_space<hbm>>
      %dma_start3A_1368 = arith.constant 0 : i32
      %dma_start3A_1369 = arith.constant 0 : i32
      %dma_start3A_1370 = tpu.memref_slice %arg6[%dma_start3A_1361, %dma_start3A_1368, %dma_start3A_1369] : memref<4x64x128xf32, #tpu.memory_space<vmem>> -> memref<1x64x128xf32, #tpu.memory_space<vmem>>
      %dma_start3A_1371 = tpu.memref_squeeze %dma_start3A_1370 : memref<1x64x128xf32, #tpu.memory_space<vmem>> -> memref<64x128xf32, #tpu.memory_space<vmem>>
      %dma_start3A_1372 = arith.constant 0 : i32
      %dma_start3A_1373 = tpu.memref_slice %arg3[%dma_start3A_1372, %multiple_of3A_1360] : memref<64x1000000xf32, #tpu.memory_space<hbm>> -> memref<64x128xf32, #tpu.memory_space<hbm>>
      tpu.enqueue_dma source(%dma_start3A_1373 : memref<64x128xf32, #tpu.memory_space<hbm>>) target(%dma_start3A_1371 : memref<64x128xf32, #tpu.memory_space<vmem>>) target_semaphore(%arg8 : memref<!tpu.dma_semaphore, #tpu.memory_space<semaphore_mem>>)
      %dma_wait3A_1374 = arith.constant 0 : i32
      %dma_wait3A_1375 = arith.constant 0 : i32
      %dma_wait3A_1376 = arith.constant 0 : i32
      %dma_wait3A_1377 = tpu.memref_slice %arg6[%dma_wait3A_1374, %dma_wait3A_1375, %dma_wait3A_1376] : memref<4x64x128xf32, #tpu.memory_space<vmem>> -> memref<1x64x128xf32, #tpu.memory_space<vmem>>
      %dma_wait3A_1378 = tpu.memref_squeeze %dma_wait3A_1377 : memref<1x64x128xf32, #tpu.memory_space<vmem>> -> memref<64x128xf32, #tpu.memory_space<vmem>>
      %dma_wait3A_1379 = arith.constant 0 : i32
      %dma_wait3A_1380 = arith.constant 0 : i32
      %dma_wait3A_1381 = tpu.memref_slice %arg3[%dma_wait3A_1379, %dma_wait3A_1380] : memref<64x1000000xf32, #tpu.memory_space<hbm>> -> memref<64x128xf32, #tpu.memory_space<hbm>>
      %dma_wait3A_1382 = arith.constant 0 : i32
      %dma_wait3A_1383 = arith.constant 0 : i32
      %dma_wait3A_1384 = tpu.memref_slice %arg6[%dma_wait3A_1374, %dma_wait3A_1382, %dma_wait3A_1383] : memref<4x64x128xf32, #tpu.memory_space<vmem>> -> memref<1x64x128xf32, #tpu.memory_space<vmem>>
      %dma_wait3A_1385 = tpu.memref_squeeze %dma_wait3A_1384 : memref<1x64x128xf32, #tpu.memory_space<vmem>> -> memref<64x128xf32, #tpu.memory_space<vmem>>
      %dma_wait3A_1386 = arith.constant 0 : i32
      %dma_wait3A_1387 = arith.constant 0 : i32
      %dma_wait3A_1388 = tpu.memref_slice %arg3[%dma_wait3A_1386, %dma_wait3A_1387] : memref<64x1000000xf32, #tpu.memory_space<hbm>> -> memref<64x128xf32, #tpu.memory_space<hbm>>
      tpu.wait_dma2 semaphore(%arg8 : memref<!tpu.dma_semaphore, #tpu.memory_space<semaphore_mem>>) src(%dma_wait3A_1388 : memref<64x128xf32, #tpu.memory_space<hbm>>) dst(%dma_wait3A_1385 : memref<64x128xf32, #tpu.memory_space<vmem>>)
      %slice3A_1389 = vector.extract_strided_slice %get3A_118 {offsets = [15], sizes = [1], strides = [1]} : vector<16xi32> to vector<1xi32>
      %squeeze3A_1390 = vector.extract %slice3A_1389[0] : i32 from vector<1xi32>
      %and3A_1391 = arith.constant 127 : i32
      %and3A_1392 = arith.andi %squeeze3A_1390, %and3A_1391 : i32
      %broadcast_in_dim3A_1393 = vector.broadcast %and3A_1392 : i32 to vector<16xi32>
      %mul3A_1394 = arith.constant 16 : i32
      %mul3A_1395 = arith.muli %scan3A_110, %mul3A_1394 : i32
      %add3A_1396 = arith.constant 12 : i32
      %add3A_1397 = arith.addi %mul3A_1395, %add3A_1396 : i32
      %add3A_1398 = arith.constant 3 : i32
      %add3A_1399 = arith.addi %add3A_1397, %add3A_1398 : i32
      %gather3A_1400 = arith.constant 3 : i32
      %gather3A_1401 = arith.constant 0 : i32
      %gather3A_1402 = arith.constant 0 : i32
      %gather3A_1403 = tpu.memref_slice %arg6[%gather3A_1400, %gather3A_1401, %gather3A_1402] : memref<4x64x128xf32, #tpu.memory_space<vmem>> -> memref<1x64x128xf32, #tpu.memory_space<vmem>>
      %gather3A_1404 = tpu.memref_squeeze %gather3A_1403 : memref<1x64x128xf32, #tpu.memory_space<vmem>> -> memref<64x128xf32, #tpu.memory_space<vmem>>
      %gather3A_1405 = tpu.vector_load_idx %gather3A_1404[%add3A_3, %broadcast_in_dim3A_1393] : memref<64x128xf32, #tpu.memory_space<vmem>>[vector<16xi32>, vector<16xi32>], vector<16xf32>,
      %swap3A_1406 = arith.index_cast %add3A_1399 : i32 to index
      %swap3A_1407 = arith.constant 0 : index
      %swap3A_1408 = tpu.vector_load %arg7[%swap3A_1406, %swap3A_1407] {strides = array<i32>} : memref<256x64xf32, #tpu.memory_space<vmem>>, vector<16xf32>,
      tpu.vector_store %arg7[%swap3A_1406, %swap3A_1407], %gather3A_1405 {strides = array<i32>} : memref<256x64xf32, #tpu.memory_space<vmem>>, vector<16xf32>,
      %gather3A_1409 = arith.constant 3 : i32
      %gather3A_1410 = arith.constant 0 : i32
      %gather3A_1411 = arith.constant 0 : i32
      %gather3A_1412 = tpu.memref_slice %arg6[%gather3A_1409, %gather3A_1410, %gather3A_1411] : memref<4x64x128xf32, #tpu.memory_space<vmem>> -> memref<1x64x128xf32, #tpu.memory_space<vmem>>
      %gather3A_1413 = tpu.memref_squeeze %gather3A_1412 : memref<1x64x128xf32, #tpu.memory_space<vmem>> -> memref<64x128xf32, #tpu.memory_space<vmem>>
      %gather3A_1414 = tpu.vector_load_idx %gather3A_1413[%add3A_6, %broadcast_in_dim3A_1393] : memref<64x128xf32, #tpu.memory_space<vmem>>[vector<16xi32>, vector<16xi32>], vector<16xf32>,
      %swap3A_1415 = arith.index_cast %add3A_1399 : i32 to index
      %swap3A_1416 = arith.constant 16 : index
      %swap3A_1417 = tpu.vector_load %arg7[%swap3A_1415, %swap3A_1416] {strides = array<i32>} : memref<256x64xf32, #tpu.memory_space<vmem>>, vector<16xf32>,
      tpu.vector_store %arg7[%swap3A_1415, %swap3A_1416], %gather3A_1414 {strides = array<i32>} : memref<256x64xf32, #tpu.memory_space<vmem>>, vector<16xf32>,
      %gather3A_1418 = arith.constant 3 : i32
      %gather3A_1419 = arith.constant 0 : i32
      %gather3A_1420 = arith.constant 0 : i32
      %gather3A_1421 = tpu.memref_slice %arg6[%gather3A_1418, %gather3A_1419, %gather3A_1420] : memref<4x64x128xf32, #tpu.memory_space<vmem>> -> memref<1x64x128xf32, #tpu.memory_space<vmem>>
      %gather3A_1422 = tpu.memref_squeeze %gather3A_1421 : memref<1x64x128xf32, #tpu.memory_space<vmem>> -> memref<64x128xf32, #tpu.memory_space<vmem>>
      %gather3A_1423 = tpu.vector_load_idx %gather3A_1422[%add3A_9, %broadcast_in_dim3A_1393] : memref<64x128xf32, #tpu.memory_space<vmem>>[vector<16xi32>, vector<16xi32>], vector<16xf32>,
      %swap3A_1424 = arith.index_cast %add3A_1399 : i32 to index
      %swap3A_1425 = arith.constant 32 : index
      %swap3A_1426 = tpu.vector_load %arg7[%swap3A_1424, %swap3A_1425] {strides = array<i32>} : memref<256x64xf32, #tpu.memory_space<vmem>>, vector<16xf32>,
      tpu.vector_store %arg7[%swap3A_1424, %swap3A_1425], %gather3A_1423 {strides = array<i32>} : memref<256x64xf32, #tpu.memory_space<vmem>>, vector<16xf32>,
      %gather3A_1427 = arith.constant 3 : i32
      %gather3A_1428 = arith.constant 0 : i32
      %gather3A_1429 = arith.constant 0 : i32
      %gather3A_1430 = tpu.memref_slice %arg6[%gather3A_1427, %gather3A_1428, %gather3A_1429] : memref<4x64x128xf32, #tpu.memory_space<vmem>> -> memref<1x64x128xf32, #tpu.memory_space<vmem>>
      %gather3A_1431 = tpu.memref_squeeze %gather3A_1430 : memref<1x64x128xf32, #tpu.memory_space<vmem>> -> memref<64x128xf32, #tpu.memory_space<vmem>>
      %gather3A_1432 = tpu.vector_load_idx %gather3A_1431[%add3A_12, %broadcast_in_dim3A_1393] : memref<64x128xf32, #tpu.memory_space<vmem>>[vector<16xi32>, vector<16xi32>], vector<16xf32>,
      %swap3A_1433 = arith.index_cast %add3A_1399 : i32 to index
      %swap3A_1434 = arith.constant 48 : index
      %swap3A_1435 = tpu.vector_load %arg7[%swap3A_1433, %swap3A_1434] {strides = array<i32>} : memref<256x64xf32, #tpu.memory_space<vmem>>, vector<16xf32>,
      tpu.vector_store %arg7[%swap3A_1433, %swap3A_1434], %gather3A_1432 {strides = array<i32>} : memref<256x64xf32, #tpu.memory_space<vmem>>, vector<16xf32>,
      %add3A_1436 = arith.constant 1 : i32
      %add3A_1437 = arith.addi %scan3A_110, %add3A_1436 : i32
      %mul3A_1438 = arith.constant 16 : i32
      %mul3A_1439 = arith.muli %add3A_1437, %mul3A_1438 : i32
      %add3A_1440 = arith.constant 0 : i32
      %add3A_1441 = arith.addi %add3A_1440, %mul3A_1439 : i32
      %get3A_1442 = arith.constant 0 : i32
      %get3A_1443 = arith.index_cast %get3A_1442 : i32 to index
      %get3A_1444 = arith.index_cast %add3A_1441 : i32 to index
      %get3A_1445 = tpu.vector_load %arg5[%get3A_1443, %get3A_1444] {strides = array<i32>} : memref<1x512xi32, #tpu.memory_space<vmem>>, vector<16xi32>,
      %slice3A_1446 = vector.extract_strided_slice %get3A_1445 {offsets = [3], sizes = [1], strides = [1]} : vector<16xi32> to vector<1xi32>
      %squeeze3A_1447 = vector.extract %slice3A_1446[0] : i32 from vector<1xi32>
      %shift_right_arithmetic3A_1448 = arith.constant 7 : i32
      %shift_right_arithmetic3A_1449 = arith.shrsi %squeeze3A_1447, %shift_right_arithmetic3A_1448 : i32
      %mul3A_1450 = arith.constant 128 : i32
      %mul3A_1451 = arith.muli %shift_right_arithmetic3A_1449, %mul3A_1450 : i32
      %multiple_of3A_1452 = tpu.assume_multiple %mul3A_1451, 128 : i32
      %dma_start3A_1453 = arith.constant 3 : i32
      %dma_start3A_1454 = arith.constant 0 : i32
      %dma_start3A_1455 = arith.constant 0 : i32
      %dma_start3A_1456 = tpu.memref_slice %arg6[%dma_start3A_1453, %dma_start3A_1454, %dma_start3A_1455] : memref<4x64x128xf32, #tpu.memory_space<vmem>> -> memref<1x64x128xf32, #tpu.memory_space<vmem>>
      %dma_start3A_1457 = tpu.memref_squeeze %dma_start3A_1456 : memref<1x64x128xf32, #tpu.memory_space<vmem>> -> memref<64x128xf32, #tpu.memory_space<vmem>>
      %dma_start3A_1458 = arith.constant 0 : i32
      %dma_start3A_1459 = tpu.memref_slice %arg3[%dma_start3A_1458, %multiple_of3A_1452] : memref<64x1000000xf32, #tpu.memory_space<hbm>> -> memref<64x128xf32, #tpu.memory_space<hbm>>
      %dma_start3A_1460 = arith.constant 0 : i32
      %dma_start3A_1461 = arith.constant 0 : i32
      %dma_start3A_1462 = tpu.memref_slice %arg6[%dma_start3A_1453, %dma_start3A_1460, %dma_start3A_1461] : memref<4x64x128xf32, #tpu.memory_space<vmem>> -> memref<1x64x128xf32, #tpu.memory_space<vmem>>
      %dma_start3A_1463 = tpu.memref_squeeze %dma_start3A_1462 : memref<1x64x128xf32, #tpu.memory_space<vmem>> -> memref<64x128xf32, #tpu.memory_space<vmem>>
      %dma_start3A_1464 = arith.constant 0 : i32
      %dma_start3A_1465 = tpu.memref_slice %arg3[%dma_start3A_1464, %multiple_of3A_1452] : memref<64x1000000xf32, #tpu.memory_space<hbm>> -> memref<64x128xf32, #tpu.memory_space<hbm>>
      tpu.enqueue_dma source(%dma_start3A_1465 : memref<64x128xf32, #tpu.memory_space<hbm>>) target(%dma_start3A_1463 : memref<64x128xf32, #tpu.memory_space<vmem>>) target_semaphore(%arg8 : memref<!tpu.dma_semaphore, #tpu.memory_space<semaphore_mem>>)
    }
    %scan3A_95 = arith.constant 16 : i32
    %mul3A_96 = arith.constant 512 : i32
    %mul3A_97 = arith.muli %add3A, %mul3A_96 : i32
    %add3A_98 = arith.constant 0 : i32
    %add3A_99 = arith.addi %mul3A_97, %add3A_98 : i32
    "tpu.region"() ({
      %run_scoped3A = tpu.sem_alloc : memref<!tpu.dma_semaphore, #tpu.memory_space<semaphore_mem>>
      %dma_start3A_110 = arith.constant 0 : i32
      %dma_start3A_111 = tpu.memref_slice %arg4[%add3A_99, %dma_start3A_110] : memref<16384x64xf32, #tpu.memory_space<hbm>> -> memref<256x64xf32, #tpu.memory_space<hbm>>
      %dma_start3A_112 = arith.constant 0 : i32
      %dma_start3A_113 = tpu.memref_slice %arg4[%add3A_99, %dma_start3A_112] : memref<16384x64xf32, #tpu.memory_space<hbm>> -> memref<256x64xf32, #tpu.memory_space<hbm>>
      tpu.enqueue_dma source(%arg7 : memref<256x64xf32, #tpu.memory_space<vmem>>) target(%dma_start3A_113 : memref<256x64xf32, #tpu.memory_space<hbm>>) target_semaphore(%run_scoped3A : memref<!tpu.dma_semaphore, #tpu.memory_space<semaphore_mem>>)
      %dma_wait3A = arith.constant 0 : i32
      %dma_wait3A_114 = tpu.memref_slice %arg4[%add3A_99, %dma_wait3A] : memref<16384x64xf32, #tpu.memory_space<hbm>> -> memref<256x64xf32, #tpu.memory_space<hbm>>
      %dma_wait3A_115 = arith.constant 0 : i32
      %dma_wait3A_116 = tpu.memref_slice %arg4[%add3A_99, %dma_wait3A_115] : memref<16384x64xf32, #tpu.memory_space<hbm>> -> memref<256x64xf32, #tpu.memory_space<hbm>>
      tpu.wait_dma2 semaphore(%run_scoped3A : memref<!tpu.dma_semaphore, #tpu.memory_space<semaphore_mem>>) src(%arg7 : memref<256x64xf32, #tpu.memory_space<vmem>>) dst(%dma_wait3A_116 : memref<256x64xf32, #tpu.memory_space<hbm>>)
      tpu.yield
    }) : () -> ()
    %scan3A_100 = arith.constant 0 : i32
    %scan3A_101 = arith.constant 0 : i32
    %scan3A_102 = arith.constant 16 : i32
    %scan3A_103 = arith.addi %scan3A_101, %scan3A_102 : i32
    %scan3A_104 = arith.constant 1 : i32
    scf.for %scan3A_110 = %scan3A_101 to %scan3A_103 step %scan3A_104  : i32 {
      %mul3A_111 = arith.constant 16 : i32
      %mul3A_112 = arith.muli %scan3A_110, %mul3A_111 : i32
      %add3A_113 = arith.constant 256 : i32
      %add3A_114 = arith.addi %add3A_113, %mul3A_112 : i32
      %get3A_115 = arith.constant 0 : i32
      %get3A_116 = arith.index_cast %get3A_115 : i32 to index
      %get3A_117 = arith.index_cast %add3A_114 : i32 to index
      %get3A_118 = tpu.vector_load %arg5[%get3A_116, %get3A_117] {strides = array<i32>} : memref<1x512xi32, #tpu.memory_space<vmem>>, vector<16xi32>,
      %dma_wait3A = arith.constant 0 : i32
      %dma_wait3A_119 = arith.constant 0 : i32
      %dma_wait3A_120 = arith.constant 0 : i32
      %dma_wait3A_121 = tpu.memref_slice %arg6[%dma_wait3A, %dma_wait3A_119, %dma_wait3A_120] : memref<4x64x128xf32, #tpu.memory_space<vmem>> -> memref<1x64x128xf32, #tpu.memory_space<vmem>>
      %dma_wait3A_122 = tpu.memref_squeeze %dma_wait3A_121 : memref<1x64x128xf32, #tpu.memory_space<vmem>> -> memref<64x128xf32, #tpu.memory_space<vmem>>
      %dma_wait3A_123 = arith.constant 0 : i32
      %dma_wait3A_124 = arith.constant 0 : i32
      %dma_wait3A_125 = tpu.memref_slice %arg3[%dma_wait3A_123, %dma_wait3A_124] : memref<64x1000000xf32, #tpu.memory_space<hbm>> -> memref<64x128xf32, #tpu.memory_space<hbm>>
      %dma_wait3A_126 = arith.constant 0 : i32
      %dma_wait3A_127 = arith.constant 0 : i32
      %dma_wait3A_128 = tpu.memref_slice %arg6[%dma_wait3A, %dma_wait3A_126, %dma_wait3A_127] : memref<4x64x128xf32, #tpu.memory_space<vmem>> -> memref<1x64x128xf32, #tpu.memory_space<vmem>>
      %dma_wait3A_129 = tpu.memref_squeeze %dma_wait3A_128 : memref<1x64x128xf32, #tpu.memory_space<vmem>> -> memref<64x128xf32, #tpu.memory_space<vmem>>
      %dma_wait3A_130 = arith.constant 0 : i32
      %dma_wait3A_131 = arith.constant 0 : i32
      %dma_wait3A_132 = tpu.memref_slice %arg3[%dma_wait3A_130, %dma_wait3A_131] : memref<64x1000000xf32, #tpu.memory_space<hbm>> -> memref<64x128xf32, #tpu.memory_space<hbm>>
      tpu.wait_dma2 semaphore(%arg8 : memref<!tpu.dma_semaphore, #tpu.memory_space<semaphore_mem>>) src(%dma_wait3A_132 : memref<64x128xf32, #tpu.memory_space<hbm>>) dst(%dma_wait3A_129 : memref<64x128xf32, #tpu.memory_space<vmem>>)
      %slice3A_133 = vector.extract_strided_slice %get3A_118 {offsets = [0], sizes = [1], strides = [1]} : vector<16xi32> to vector<1xi32>
      %squeeze3A_134 = vector.extract %slice3A_133[0] : i32 from vector<1xi32>
      %and3A = arith.constant 127 : i32
      %and3A_135 = arith.andi %squeeze3A_134, %and3A : i32
      %broadcast_in_dim3A = vector.broadcast %and3A_135 : i32 to vector<16xi32>
      %mul3A_136 = arith.constant 16 : i32
      %mul3A_137 = arith.muli %scan3A_110, %mul3A_136 : i32
      %add3A_138 = arith.constant 0 : i32
      %add3A_139 = arith.addi %mul3A_137, %add3A_138 : i32
      %add3A_140 = arith.constant 0 : i32
      %add3A_141 = arith.addi %add3A_139, %add3A_140 : i32
      %gather3A = arith.constant 0 : i32
      %gather3A_142 = arith.constant 0 : i32
      %gather3A_143 = arith.constant 0 : i32
      %gather3A_144 = tpu.memref_slice %arg6[%gather3A, %gather3A_142, %gather3A_143] : memref<4x64x128xf32, #tpu.memory_space<vmem>> -> memref<1x64x128xf32, #tpu.memory_space<vmem>>
      %gather3A_145 = tpu.memref_squeeze %gather3A_144 : memref<1x64x128xf32, #tpu.memory_space<vmem>> -> memref<64x128xf32, #tpu.memory_space<vmem>>
      %gather3A_146 = tpu.vector_load_idx %gather3A_145[%add3A_3, %broadcast_in_dim3A] : memref<64x128xf32, #tpu.memory_space<vmem>>[vector<16xi32>, vector<16xi32>], vector<16xf32>,
      %swap3A = arith.index_cast %add3A_141 : i32 to index
      %swap3A_147 = arith.constant 0 : index
      %swap3A_148 = tpu.vector_load %arg7[%swap3A, %swap3A_147] {strides = array<i32>} : memref<256x64xf32, #tpu.memory_space<vmem>>, vector<16xf32>,
      tpu.vector_store %arg7[%swap3A, %swap3A_147], %gather3A_146 {strides = array<i32>} : memref<256x64xf32, #tpu.memory_space<vmem>>, vector<16xf32>,
      %gather3A_149 = arith.constant 0 : i32
      %gather3A_150 = arith.constant 0 : i32
      %gather3A_151 = arith.constant 0 : i32
      %gather3A_152 = tpu.memref_slice %arg6[%gather3A_149, %gather3A_150, %gather3A_151] : memref<4x64x128xf32, #tpu.memory_space<vmem>> -> memref<1x64x128xf32, #tpu.memory_space<vmem>>
      %gather3A_153 = tpu.memref_squeeze %gather3A_152 : memref<1x64x128xf32, #tpu.memory_space<vmem>> -> memref<64x128xf32, #tpu.memory_space<vmem>>
      %gather3A_154 = tpu.vector_load_idx %gather3A_153[%add3A_6, %broadcast_in_dim3A] : memref<64x128xf32, #tpu.memory_space<vmem>>[vector<16xi32>, vector<16xi32>], vector<16xf32>,
      %swap3A_155 = arith.index_cast %add3A_141 : i32 to index
      %swap3A_156 = arith.constant 16 : index
      %swap3A_157 = tpu.vector_load %arg7[%swap3A_155, %swap3A_156] {strides = array<i32>} : memref<256x64xf32, #tpu.memory_space<vmem>>, vector<16xf32>,
      tpu.vector_store %arg7[%swap3A_155, %swap3A_156], %gather3A_154 {strides = array<i32>} : memref<256x64xf32, #tpu.memory_space<vmem>>, vector<16xf32>,
      %gather3A_158 = arith.constant 0 : i32
      %gather3A_159 = arith.constant 0 : i32
      %gather3A_160 = arith.constant 0 : i32
      %gather3A_161 = tpu.memref_slice %arg6[%gather3A_158, %gather3A_159, %gather3A_160] : memref<4x64x128xf32, #tpu.memory_space<vmem>> -> memref<1x64x128xf32, #tpu.memory_space<vmem>>
      %gather3A_162 = tpu.memref_squeeze %gather3A_161 : memref<1x64x128xf32, #tpu.memory_space<vmem>> -> memref<64x128xf32, #tpu.memory_space<vmem>>
      %gather3A_163 = tpu.vector_load_idx %gather3A_162[%add3A_9, %broadcast_in_dim3A] : memref<64x128xf32, #tpu.memory_space<vmem>>[vector<16xi32>, vector<16xi32>], vector<16xf32>,
      %swap3A_164 = arith.index_cast %add3A_141 : i32 to index
      %swap3A_165 = arith.constant 32 : index
      %swap3A_166 = tpu.vector_load %arg7[%swap3A_164, %swap3A_165] {strides = array<i32>} : memref<256x64xf32, #tpu.memory_space<vmem>>, vector<16xf32>,
      tpu.vector_store %arg7[%swap3A_164, %swap3A_165], %gather3A_163 {strides = array<i32>} : memref<256x64xf32, #tpu.memory_space<vmem>>, vector<16xf32>,
      %gather3A_167 = arith.constant 0 : i32
      %gather3A_168 = arith.constant 0 : i32
      %gather3A_169 = arith.constant 0 : i32
      %gather3A_170 = tpu.memref_slice %arg6[%gather3A_167, %gather3A_168, %gather3A_169] : memref<4x64x128xf32, #tpu.memory_space<vmem>> -> memref<1x64x128xf32, #tpu.memory_space<vmem>>
      %gather3A_171 = tpu.memref_squeeze %gather3A_170 : memref<1x64x128xf32, #tpu.memory_space<vmem>> -> memref<64x128xf32, #tpu.memory_space<vmem>>
      %gather3A_172 = tpu.vector_load_idx %gather3A_171[%add3A_12, %broadcast_in_dim3A] : memref<64x128xf32, #tpu.memory_space<vmem>>[vector<16xi32>, vector<16xi32>], vector<16xf32>,
      %swap3A_173 = arith.index_cast %add3A_141 : i32 to index
      %swap3A_174 = arith.constant 48 : index
      %swap3A_175 = tpu.vector_load %arg7[%swap3A_173, %swap3A_174] {strides = array<i32>} : memref<256x64xf32, #tpu.memory_space<vmem>>, vector<16xf32>,
      tpu.vector_store %arg7[%swap3A_173, %swap3A_174], %gather3A_172 {strides = array<i32>} : memref<256x64xf32, #tpu.memory_space<vmem>>, vector<16xf32>,
      %slice3A_176 = vector.extract_strided_slice %get3A_118 {offsets = [4], sizes = [1], strides = [1]} : vector<16xi32> to vector<1xi32>
      %squeeze3A_177 = vector.extract %slice3A_176[0] : i32 from vector<1xi32>
      %shift_right_arithmetic3A_178 = arith.constant 7 : i32
      %shift_right_arithmetic3A_179 = arith.shrsi %squeeze3A_177, %shift_right_arithmetic3A_178 : i32
      %mul3A_180 = arith.constant 128 : i32
      %mul3A_181 = arith.muli %shift_right_arithmetic3A_179, %mul3A_180 : i32
      %multiple_of3A_182 = tpu.assume_multiple %mul3A_181, 128 : i32
      %dma_start3A_183 = arith.constant 0 : i32
      %dma_start3A_184 = arith.constant 0 : i32
      %dma_start3A_185 = arith.constant 0 : i32
      %dma_start3A_186 = tpu.memref_slice %arg6[%dma_start3A_183, %dma_start3A_184, %dma_start3A_185] : memref<4x64x128xf32, #tpu.memory_space<vmem>> -> memref<1x64x128xf32, #tpu.memory_space<vmem>>
      %dma_start3A_187 = tpu.memref_squeeze %dma_start3A_186 : memref<1x64x128xf32, #tpu.memory_space<vmem>> -> memref<64x128xf32, #tpu.memory_space<vmem>>
      %dma_start3A_188 = arith.constant 0 : i32
      %dma_start3A_189 = tpu.memref_slice %arg3[%dma_start3A_188, %multiple_of3A_182] : memref<64x1000000xf32, #tpu.memory_space<hbm>> -> memref<64x128xf32, #tpu.memory_space<hbm>>
      %dma_start3A_190 = arith.constant 0 : i32
      %dma_start3A_191 = arith.constant 0 : i32
      %dma_start3A_192 = tpu.memref_slice %arg6[%dma_start3A_183, %dma_start3A_190, %dma_start3A_191] : memref<4x64x128xf32, #tpu.memory_space<vmem>> -> memref<1x64x128xf32, #tpu.memory_space<vmem>>
      %dma_start3A_193 = tpu.memref_squeeze %dma_start3A_192 : memref<1x64x128xf32, #tpu.memory_space<vmem>> -> memref<64x128xf32, #tpu.memory_space<vmem>>
      %dma_start3A_194 = arith.constant 0 : i32
      %dma_start3A_195 = tpu.memref_slice %arg3[%dma_start3A_194, %multiple_of3A_182] : memref<64x1000000xf32, #tpu.memory_space<hbm>> -> memref<64x128xf32, #tpu.memory_space<hbm>>
      tpu.enqueue_dma source(%dma_start3A_195 : memref<64x128xf32, #tpu.memory_space<hbm>>) target(%dma_start3A_193 : memref<64x128xf32, #tpu.memory_space<vmem>>) target_semaphore(%arg8 : memref<!tpu.dma_semaphore, #tpu.memory_space<semaphore_mem>>)
      %dma_wait3A_196 = arith.constant 0 : i32
      %dma_wait3A_197 = arith.constant 0 : i32
      %dma_wait3A_198 = arith.constant 0 : i32
      %dma_wait3A_199 = tpu.memref_slice %arg6[%dma_wait3A_196, %dma_wait3A_197, %dma_wait3A_198] : memref<4x64x128xf32, #tpu.memory_space<vmem>> -> memref<1x64x128xf32, #tpu.memory_space<vmem>>
      %dma_wait3A_200 = tpu.memref_squeeze %dma_wait3A_199 : memref<1x64x128xf32, #tpu.memory_space<vmem>> -> memref<64x128xf32, #tpu.memory_space<vmem>>
      %dma_wait3A_201 = arith.constant 0 : i32
      %dma_wait3A_202 = arith.constant 0 : i32
      %dma_wait3A_203 = tpu.memref_slice %arg3[%dma_wait3A_201, %dma_wait3A_202] : memref<64x1000000xf32, #tpu.memory_space<hbm>> -> memref<64x128xf32, #tpu.memory_space<hbm>>
      %dma_wait3A_204 = arith.constant 0 : i32
      %dma_wait3A_205 = arith.constant 0 : i32
      %dma_wait3A_206 = tpu.memref_slice %arg6[%dma_wait3A_196, %dma_wait3A_204, %dma_wait3A_205] : memref<4x64x128xf32, #tpu.memory_space<vmem>> -> memref<1x64x128xf32, #tpu.memory_space<vmem>>
      %dma_wait3A_207 = tpu.memref_squeeze %dma_wait3A_206 : memref<1x64x128xf32, #tpu.memory_space<vmem>> -> memref<64x128xf32, #tpu.memory_space<vmem>>
      %dma_wait3A_208 = arith.constant 0 : i32
      %dma_wait3A_209 = arith.constant 0 : i32
      %dma_wait3A_210 = tpu.memref_slice %arg3[%dma_wait3A_208, %dma_wait3A_209] : memref<64x1000000xf32, #tpu.memory_space<hbm>> -> memref<64x128xf32, #tpu.memory_space<hbm>>
      tpu.wait_dma2 semaphore(%arg8 : memref<!tpu.dma_semaphore, #tpu.memory_space<semaphore_mem>>) src(%dma_wait3A_210 : memref<64x128xf32, #tpu.memory_space<hbm>>) dst(%dma_wait3A_207 : memref<64x128xf32, #tpu.memory_space<vmem>>)
      %slice3A_211 = vector.extract_strided_slice %get3A_118 {offsets = [1], sizes = [1], strides = [1]} : vector<16xi32> to vector<1xi32>
      %squeeze3A_212 = vector.extract %slice3A_211[0] : i32 from vector<1xi32>
      %and3A_213 = arith.constant 127 : i32
      %and3A_214 = arith.andi %squeeze3A_212, %and3A_213 : i32
      %broadcast_in_dim3A_215 = vector.broadcast %and3A_214 : i32 to vector<16xi32>
      %mul3A_216 = arith.constant 16 : i32
      %mul3A_217 = arith.muli %scan3A_110, %mul3A_216 : i32
      %add3A_218 = arith.constant 0 : i32
      %add3A_219 = arith.addi %mul3A_217, %add3A_218 : i32
      %add3A_220 = arith.constant 1 : i32
      %add3A_221 = arith.addi %add3A_219, %add3A_220 : i32
      %gather3A_222 = arith.constant 1 : i32
      %gather3A_223 = arith.constant 0 : i32
      %gather3A_224 = arith.constant 0 : i32
      %gather3A_225 = tpu.memref_slice %arg6[%gather3A_222, %gather3A_223, %gather3A_224] : memref<4x64x128xf32, #tpu.memory_space<vmem>> -> memref<1x64x128xf32, #tpu.memory_space<vmem>>
      %gather3A_226 = tpu.memref_squeeze %gather3A_225 : memref<1x64x128xf32, #tpu.memory_space<vmem>> -> memref<64x128xf32, #tpu.memory_space<vmem>>
      %gather3A_227 = tpu.vector_load_idx %gather3A_226[%add3A_3, %broadcast_in_dim3A_215] : memref<64x128xf32, #tpu.memory_space<vmem>>[vector<16xi32>, vector<16xi32>], vector<16xf32>,
      %swap3A_228 = arith.index_cast %add3A_221 : i32 to index
      %swap3A_229 = arith.constant 0 : index
      %swap3A_230 = tpu.vector_load %arg7[%swap3A_228, %swap3A_229] {strides = array<i32>} : memref<256x64xf32, #tpu.memory_space<vmem>>, vector<16xf32>,
      tpu.vector_store %arg7[%swap3A_228, %swap3A_229], %gather3A_227 {strides = array<i32>} : memref<256x64xf32, #tpu.memory_space<vmem>>, vector<16xf32>,
      %gather3A_231 = arith.constant 1 : i32
      %gather3A_232 = arith.constant 0 : i32
      %gather3A_233 = arith.constant 0 : i32
      %gather3A_234 = tpu.memref_slice %arg6[%gather3A_231, %gather3A_232, %gather3A_233] : memref<4x64x128xf32, #tpu.memory_space<vmem>> -> memref<1x64x128xf32, #tpu.memory_space<vmem>>
      %gather3A_235 = tpu.memref_squeeze %gather3A_234 : memref<1x64x128xf32, #tpu.memory_space<vmem>> -> memref<64x128xf32, #tpu.memory_space<vmem>>
      %gather3A_236 = tpu.vector_load_idx %gather3A_235[%add3A_6, %broadcast_in_dim3A_215] : memref<64x128xf32, #tpu.memory_space<vmem>>[vector<16xi32>, vector<16xi32>], vector<16xf32>,
      %swap3A_237 = arith.index_cast %add3A_221 : i32 to index
      %swap3A_238 = arith.constant 16 : index
      %swap3A_239 = tpu.vector_load %arg7[%swap3A_237, %swap3A_238] {strides = array<i32>} : memref<256x64xf32, #tpu.memory_space<vmem>>, vector<16xf32>,
      tpu.vector_store %arg7[%swap3A_237, %swap3A_238], %gather3A_236 {strides = array<i32>} : memref<256x64xf32, #tpu.memory_space<vmem>>, vector<16xf32>,
      %gather3A_240 = arith.constant 1 : i32
      %gather3A_241 = arith.constant 0 : i32
      %gather3A_242 = arith.constant 0 : i32
      %gather3A_243 = tpu.memref_slice %arg6[%gather3A_240, %gather3A_241, %gather3A_242] : memref<4x64x128xf32, #tpu.memory_space<vmem>> -> memref<1x64x128xf32, #tpu.memory_space<vmem>>
      %gather3A_244 = tpu.memref_squeeze %gather3A_243 : memref<1x64x128xf32, #tpu.memory_space<vmem>> -> memref<64x128xf32, #tpu.memory_space<vmem>>
      %gather3A_245 = tpu.vector_load_idx %gather3A_244[%add3A_9, %broadcast_in_dim3A_215] : memref<64x128xf32, #tpu.memory_space<vmem>>[vector<16xi32>, vector<16xi32>], vector<16xf32>,
      %swap3A_246 = arith.index_cast %add3A_221 : i32 to index
      %swap3A_247 = arith.constant 32 : index
      %swap3A_248 = tpu.vector_load %arg7[%swap3A_246, %swap3A_247] {strides = array<i32>} : memref<256x64xf32, #tpu.memory_space<vmem>>, vector<16xf32>,
      tpu.vector_store %arg7[%swap3A_246, %swap3A_247], %gather3A_245 {strides = array<i32>} : memref<256x64xf32, #tpu.memory_space<vmem>>, vector<16xf32>,
      %gather3A_249 = arith.constant 1 : i32
      %gather3A_250 = arith.constant 0 : i32
      %gather3A_251 = arith.constant 0 : i32
      %gather3A_252 = tpu.memref_slice %arg6[%gather3A_249, %gather3A_250, %gather3A_251] : memref<4x64x128xf32, #tpu.memory_space<vmem>> -> memref<1x64x128xf32, #tpu.memory_space<vmem>>
      %gather3A_253 = tpu.memref_squeeze %gather3A_252 : memref<1x64x128xf32, #tpu.memory_space<vmem>> -> memref<64x128xf32, #tpu.memory_space<vmem>>
      %gather3A_254 = tpu.vector_load_idx %gather3A_253[%add3A_12, %broadcast_in_dim3A_215] : memref<64x128xf32, #tpu.memory_space<vmem>>[vector<16xi32>, vector<16xi32>], vector<16xf32>,
      %swap3A_255 = arith.index_cast %add3A_221 : i32 to index
      %swap3A_256 = arith.constant 48 : index
      %swap3A_257 = tpu.vector_load %arg7[%swap3A_255, %swap3A_256] {strides = array<i32>} : memref<256x64xf32, #tpu.memory_space<vmem>>, vector<16xf32>,
      tpu.vector_store %arg7[%swap3A_255, %swap3A_256], %gather3A_254 {strides = array<i32>} : memref<256x64xf32, #tpu.memory_space<vmem>>, vector<16xf32>,
      %slice3A_258 = vector.extract_strided_slice %get3A_118 {offsets = [5], sizes = [1], strides = [1]} : vector<16xi32> to vector<1xi32>
      %squeeze3A_259 = vector.extract %slice3A_258[0] : i32 from vector<1xi32>
      %shift_right_arithmetic3A_260 = arith.constant 7 : i32
      %shift_right_arithmetic3A_261 = arith.shrsi %squeeze3A_259, %shift_right_arithmetic3A_260 : i32
      %mul3A_262 = arith.constant 128 : i32
      %mul3A_263 = arith.muli %shift_right_arithmetic3A_261, %mul3A_262 : i32
      %multiple_of3A_264 = tpu.assume_multiple %mul3A_263, 128 : i32
      %dma_start3A_265 = arith.constant 1 : i32
      %dma_start3A_266 = arith.constant 0 : i32
      %dma_start3A_267 = arith.constant 0 : i32
      %dma_start3A_268 = tpu.memref_slice %arg6[%dma_start3A_265, %dma_start3A_266, %dma_start3A_267] : memref<4x64x128xf32, #tpu.memory_space<vmem>> -> memref<1x64x128xf32, #tpu.memory_space<vmem>>
      %dma_start3A_269 = tpu.memref_squeeze %dma_start3A_268 : memref<1x64x128xf32, #tpu.memory_space<vmem>> -> memref<64x128xf32, #tpu.memory_space<vmem>>
      %dma_start3A_270 = arith.constant 0 : i32
      %dma_start3A_271 = tpu.memref_slice %arg3[%dma_start3A_270, %multiple_of3A_264] : memref<64x1000000xf32, #tpu.memory_space<hbm>> -> memref<64x128xf32, #tpu.memory_space<hbm>>
      %dma_start3A_272 = arith.constant 0 : i32
      %dma_start3A_273 = arith.constant 0 : i32
      %dma_start3A_274 = tpu.memref_slice %arg6[%dma_start3A_265, %dma_start3A_272, %dma_start3A_273] : memref<4x64x128xf32, #tpu.memory_space<vmem>> -> memref<1x64x128xf32, #tpu.memory_space<vmem>>
      %dma_start3A_275 = tpu.memref_squeeze %dma_start3A_274 : memref<1x64x128xf32, #tpu.memory_space<vmem>> -> memref<64x128xf32, #tpu.memory_space<vmem>>
      %dma_start3A_276 = arith.constant 0 : i32
      %dma_start3A_277 = tpu.memref_slice %arg3[%dma_start3A_276, %multiple_of3A_264] : memref<64x1000000xf32, #tpu.memory_space<hbm>> -> memref<64x128xf32, #tpu.memory_space<hbm>>
      tpu.enqueue_dma source(%dma_start3A_277 : memref<64x128xf32, #tpu.memory_space<hbm>>) target(%dma_start3A_275 : memref<64x128xf32, #tpu.memory_space<vmem>>) target_semaphore(%arg8 : memref<!tpu.dma_semaphore, #tpu.memory_space<semaphore_mem>>)
      %dma_wait3A_278 = arith.constant 0 : i32
      %dma_wait3A_279 = arith.constant 0 : i32
      %dma_wait3A_280 = arith.constant 0 : i32
      %dma_wait3A_281 = tpu.memref_slice %arg6[%dma_wait3A_278, %dma_wait3A_279, %dma_wait3A_280] : memref<4x64x128xf32, #tpu.memory_space<vmem>> -> memref<1x64x128xf32, #tpu.memory_space<vmem>>
      %dma_wait3A_282 = tpu.memref_squeeze %dma_wait3A_281 : memref<1x64x128xf32, #tpu.memory_space<vmem>> -> memref<64x128xf32, #tpu.memory_space<vmem>>
      %dma_wait3A_283 = arith.constant 0 : i32
      %dma_wait3A_284 = arith.constant 0 : i32
      %dma_wait3A_285 = tpu.memref_slice %arg3[%dma_wait3A_283, %dma_wait3A_284] : memref<64x1000000xf32, #tpu.memory_space<hbm>> -> memref<64x128xf32, #tpu.memory_space<hbm>>
      %dma_wait3A_286 = arith.constant 0 : i32
      %dma_wait3A_287 = arith.constant 0 : i32
      %dma_wait3A_288 = tpu.memref_slice %arg6[%dma_wait3A_278, %dma_wait3A_286, %dma_wait3A_287] : memref<4x64x128xf32, #tpu.memory_space<vmem>> -> memref<1x64x128xf32, #tpu.memory_space<vmem>>
      %dma_wait3A_289 = tpu.memref_squeeze %dma_wait3A_288 : memref<1x64x128xf32, #tpu.memory_space<vmem>> -> memref<64x128xf32, #tpu.memory_space<vmem>>
      %dma_wait3A_290 = arith.constant 0 : i32
      %dma_wait3A_291 = arith.constant 0 : i32
      %dma_wait3A_292 = tpu.memref_slice %arg3[%dma_wait3A_290, %dma_wait3A_291] : memref<64x1000000xf32, #tpu.memory_space<hbm>> -> memref<64x128xf32, #tpu.memory_space<hbm>>
      tpu.wait_dma2 semaphore(%arg8 : memref<!tpu.dma_semaphore, #tpu.memory_space<semaphore_mem>>) src(%dma_wait3A_292 : memref<64x128xf32, #tpu.memory_space<hbm>>) dst(%dma_wait3A_289 : memref<64x128xf32, #tpu.memory_space<vmem>>)
      %slice3A_293 = vector.extract_strided_slice %get3A_118 {offsets = [2], sizes = [1], strides = [1]} : vector<16xi32> to vector<1xi32>
      %squeeze3A_294 = vector.extract %slice3A_293[0] : i32 from vector<1xi32>
      %and3A_295 = arith.constant 127 : i32
      %and3A_296 = arith.andi %squeeze3A_294, %and3A_295 : i32
      %broadcast_in_dim3A_297 = vector.broadcast %and3A_296 : i32 to vector<16xi32>
      %mul3A_298 = arith.constant 16 : i32
      %mul3A_299 = arith.muli %scan3A_110, %mul3A_298 : i32
      %add3A_300 = arith.constant 0 : i32
      %add3A_301 = arith.addi %mul3A_299, %add3A_300 : i32
      %add3A_302 = arith.constant 2 : i32
      %add3A_303 = arith.addi %add3A_301, %add3A_302 : i32
      %gather3A_304 = arith.constant 2 : i32
      %gather3A_305 = arith.constant 0 : i32
      %gather3A_306 = arith.constant 0 : i32
      %gather3A_307 = tpu.memref_slice %arg6[%gather3A_304, %gather3A_305, %gather3A_306] : memref<4x64x128xf32, #tpu.memory_space<vmem>> -> memref<1x64x128xf32, #tpu.memory_space<vmem>>
      %gather3A_308 = tpu.memref_squeeze %gather3A_307 : memref<1x64x128xf32, #tpu.memory_space<vmem>> -> memref<64x128xf32, #tpu.memory_space<vmem>>
      %gather3A_309 = tpu.vector_load_idx %gather3A_308[%add3A_3, %broadcast_in_dim3A_297] : memref<64x128xf32, #tpu.memory_space<vmem>>[vector<16xi32>, vector<16xi32>], vector<16xf32>,
      %swap3A_310 = arith.index_cast %add3A_303 : i32 to index
      %swap3A_311 = arith.constant 0 : index
      %swap3A_312 = tpu.vector_load %arg7[%swap3A_310, %swap3A_311] {strides = array<i32>} : memref<256x64xf32, #tpu.memory_space<vmem>>, vector<16xf32>,
      tpu.vector_store %arg7[%swap3A_310, %swap3A_311], %gather3A_309 {strides = array<i32>} : memref<256x64xf32, #tpu.memory_space<vmem>>, vector<16xf32>,
      %gather3A_313 = arith.constant 2 : i32
      %gather3A_314 = arith.constant 0 : i32
      %gather3A_315 = arith.constant 0 : i32
      %gather3A_316 = tpu.memref_slice %arg6[%gather3A_313, %gather3A_314, %gather3A_315] : memref<4x64x128xf32, #tpu.memory_space<vmem>> -> memref<1x64x128xf32, #tpu.memory_space<vmem>>
      %gather3A_317 = tpu.memref_squeeze %gather3A_316 : memref<1x64x128xf32, #tpu.memory_space<vmem>> -> memref<64x128xf32, #tpu.memory_space<vmem>>
      %gather3A_318 = tpu.vector_load_idx %gather3A_317[%add3A_6, %broadcast_in_dim3A_297] : memref<64x128xf32, #tpu.memory_space<vmem>>[vector<16xi32>, vector<16xi32>], vector<16xf32>,
      %swap3A_319 = arith.index_cast %add3A_303 : i32 to index
      %swap3A_320 = arith.constant 16 : index
      %swap3A_321 = tpu.vector_load %arg7[%swap3A_319, %swap3A_320] {strides = array<i32>} : memref<256x64xf32, #tpu.memory_space<vmem>>, vector<16xf32>,
      tpu.vector_store %arg7[%swap3A_319, %swap3A_320], %gather3A_318 {strides = array<i32>} : memref<256x64xf32, #tpu.memory_space<vmem>>, vector<16xf32>,
      %gather3A_322 = arith.constant 2 : i32
      %gather3A_323 = arith.constant 0 : i32
      %gather3A_324 = arith.constant 0 : i32
      %gather3A_325 = tpu.memref_slice %arg6[%gather3A_322, %gather3A_323, %gather3A_324] : memref<4x64x128xf32, #tpu.memory_space<vmem>> -> memref<1x64x128xf32, #tpu.memory_space<vmem>>
      %gather3A_326 = tpu.memref_squeeze %gather3A_325 : memref<1x64x128xf32, #tpu.memory_space<vmem>> -> memref<64x128xf32, #tpu.memory_space<vmem>>
      %gather3A_327 = tpu.vector_load_idx %gather3A_326[%add3A_9, %broadcast_in_dim3A_297] : memref<64x128xf32, #tpu.memory_space<vmem>>[vector<16xi32>, vector<16xi32>], vector<16xf32>,
      %swap3A_328 = arith.index_cast %add3A_303 : i32 to index
      %swap3A_329 = arith.constant 32 : index
      %swap3A_330 = tpu.vector_load %arg7[%swap3A_328, %swap3A_329] {strides = array<i32>} : memref<256x64xf32, #tpu.memory_space<vmem>>, vector<16xf32>,
      tpu.vector_store %arg7[%swap3A_328, %swap3A_329], %gather3A_327 {strides = array<i32>} : memref<256x64xf32, #tpu.memory_space<vmem>>, vector<16xf32>,
      %gather3A_331 = arith.constant 2 : i32
      %gather3A_332 = arith.constant 0 : i32
      %gather3A_333 = arith.constant 0 : i32
      %gather3A_334 = tpu.memref_slice %arg6[%gather3A_331, %gather3A_332, %gather3A_333] : memref<4x64x128xf32, #tpu.memory_space<vmem>> -> memref<1x64x128xf32, #tpu.memory_space<vmem>>
      %gather3A_335 = tpu.memref_squeeze %gather3A_334 : memref<1x64x128xf32, #tpu.memory_space<vmem>> -> memref<64x128xf32, #tpu.memory_space<vmem>>
      %gather3A_336 = tpu.vector_load_idx %gather3A_335[%add3A_12, %broadcast_in_dim3A_297] : memref<64x128xf32, #tpu.memory_space<vmem>>[vector<16xi32>, vector<16xi32>], vector<16xf32>,
      %swap3A_337 = arith.index_cast %add3A_303 : i32 to index
      %swap3A_338 = arith.constant 48 : index
      %swap3A_339 = tpu.vector_load %arg7[%swap3A_337, %swap3A_338] {strides = array<i32>} : memref<256x64xf32, #tpu.memory_space<vmem>>, vector<16xf32>,
      tpu.vector_store %arg7[%swap3A_337, %swap3A_338], %gather3A_336 {strides = array<i32>} : memref<256x64xf32, #tpu.memory_space<vmem>>, vector<16xf32>,
      %slice3A_340 = vector.extract_strided_slice %get3A_118 {offsets = [6], sizes = [1], strides = [1]} : vector<16xi32> to vector<1xi32>
      %squeeze3A_341 = vector.extract %slice3A_340[0] : i32 from vector<1xi32>
      %shift_right_arithmetic3A_342 = arith.constant 7 : i32
      %shift_right_arithmetic3A_343 = arith.shrsi %squeeze3A_341, %shift_right_arithmetic3A_342 : i32
      %mul3A_344 = arith.constant 128 : i32
      %mul3A_345 = arith.muli %shift_right_arithmetic3A_343, %mul3A_344 : i32
      %multiple_of3A_346 = tpu.assume_multiple %mul3A_345, 128 : i32
      %dma_start3A_347 = arith.constant 2 : i32
      %dma_start3A_348 = arith.constant 0 : i32
      %dma_start3A_349 = arith.constant 0 : i32
      %dma_start3A_350 = tpu.memref_slice %arg6[%dma_start3A_347, %dma_start3A_348, %dma_start3A_349] : memref<4x64x128xf32, #tpu.memory_space<vmem>> -> memref<1x64x128xf32, #tpu.memory_space<vmem>>
      %dma_start3A_351 = tpu.memref_squeeze %dma_start3A_350 : memref<1x64x128xf32, #tpu.memory_space<vmem>> -> memref<64x128xf32, #tpu.memory_space<vmem>>
      %dma_start3A_352 = arith.constant 0 : i32
      %dma_start3A_353 = tpu.memref_slice %arg3[%dma_start3A_352, %multiple_of3A_346] : memref<64x1000000xf32, #tpu.memory_space<hbm>> -> memref<64x128xf32, #tpu.memory_space<hbm>>
      %dma_start3A_354 = arith.constant 0 : i32
      %dma_start3A_355 = arith.constant 0 : i32
      %dma_start3A_356 = tpu.memref_slice %arg6[%dma_start3A_347, %dma_start3A_354, %dma_start3A_355] : memref<4x64x128xf32, #tpu.memory_space<vmem>> -> memref<1x64x128xf32, #tpu.memory_space<vmem>>
      %dma_start3A_357 = tpu.memref_squeeze %dma_start3A_356 : memref<1x64x128xf32, #tpu.memory_space<vmem>> -> memref<64x128xf32, #tpu.memory_space<vmem>>
      %dma_start3A_358 = arith.constant 0 : i32
      %dma_start3A_359 = tpu.memref_slice %arg3[%dma_start3A_358, %multiple_of3A_346] : memref<64x1000000xf32, #tpu.memory_space<hbm>> -> memref<64x128xf32, #tpu.memory_space<hbm>>
      tpu.enqueue_dma source(%dma_start3A_359 : memref<64x128xf32, #tpu.memory_space<hbm>>) target(%dma_start3A_357 : memref<64x128xf32, #tpu.memory_space<vmem>>) target_semaphore(%arg8 : memref<!tpu.dma_semaphore, #tpu.memory_space<semaphore_mem>>)
      %dma_wait3A_360 = arith.constant 0 : i32
      %dma_wait3A_361 = arith.constant 0 : i32
      %dma_wait3A_362 = arith.constant 0 : i32
      %dma_wait3A_363 = tpu.memref_slice %arg6[%dma_wait3A_360, %dma_wait3A_361, %dma_wait3A_362] : memref<4x64x128xf32, #tpu.memory_space<vmem>> -> memref<1x64x128xf32, #tpu.memory_space<vmem>>
      %dma_wait3A_364 = tpu.memref_squeeze %dma_wait3A_363 : memref<1x64x128xf32, #tpu.memory_space<vmem>> -> memref<64x128xf32, #tpu.memory_space<vmem>>
      %dma_wait3A_365 = arith.constant 0 : i32
      %dma_wait3A_366 = arith.constant 0 : i32
      %dma_wait3A_367 = tpu.memref_slice %arg3[%dma_wait3A_365, %dma_wait3A_366] : memref<64x1000000xf32, #tpu.memory_space<hbm>> -> memref<64x128xf32, #tpu.memory_space<hbm>>
      %dma_wait3A_368 = arith.constant 0 : i32
      %dma_wait3A_369 = arith.constant 0 : i32
      %dma_wait3A_370 = tpu.memref_slice %arg6[%dma_wait3A_360, %dma_wait3A_368, %dma_wait3A_369] : memref<4x64x128xf32, #tpu.memory_space<vmem>> -> memref<1x64x128xf32, #tpu.memory_space<vmem>>
      %dma_wait3A_371 = tpu.memref_squeeze %dma_wait3A_370 : memref<1x64x128xf32, #tpu.memory_space<vmem>> -> memref<64x128xf32, #tpu.memory_space<vmem>>
      %dma_wait3A_372 = arith.constant 0 : i32
      %dma_wait3A_373 = arith.constant 0 : i32
      %dma_wait3A_374 = tpu.memref_slice %arg3[%dma_wait3A_372, %dma_wait3A_373] : memref<64x1000000xf32, #tpu.memory_space<hbm>> -> memref<64x128xf32, #tpu.memory_space<hbm>>
      tpu.wait_dma2 semaphore(%arg8 : memref<!tpu.dma_semaphore, #tpu.memory_space<semaphore_mem>>) src(%dma_wait3A_374 : memref<64x128xf32, #tpu.memory_space<hbm>>) dst(%dma_wait3A_371 : memref<64x128xf32, #tpu.memory_space<vmem>>)
      %slice3A_375 = vector.extract_strided_slice %get3A_118 {offsets = [3], sizes = [1], strides = [1]} : vector<16xi32> to vector<1xi32>
      %squeeze3A_376 = vector.extract %slice3A_375[0] : i32 from vector<1xi32>
      %and3A_377 = arith.constant 127 : i32
      %and3A_378 = arith.andi %squeeze3A_376, %and3A_377 : i32
      %broadcast_in_dim3A_379 = vector.broadcast %and3A_378 : i32 to vector<16xi32>
      %mul3A_380 = arith.constant 16 : i32
      %mul3A_381 = arith.muli %scan3A_110, %mul3A_380 : i32
      %add3A_382 = arith.constant 0 : i32
      %add3A_383 = arith.addi %mul3A_381, %add3A_382 : i32
      %add3A_384 = arith.constant 3 : i32
      %add3A_385 = arith.addi %add3A_383, %add3A_384 : i32
      %gather3A_386 = arith.constant 3 : i32
      %gather3A_387 = arith.constant 0 : i32
      %gather3A_388 = arith.constant 0 : i32
      %gather3A_389 = tpu.memref_slice %arg6[%gather3A_386, %gather3A_387, %gather3A_388] : memref<4x64x128xf32, #tpu.memory_space<vmem>> -> memref<1x64x128xf32, #tpu.memory_space<vmem>>
      %gather3A_390 = tpu.memref_squeeze %gather3A_389 : memref<1x64x128xf32, #tpu.memory_space<vmem>> -> memref<64x128xf32, #tpu.memory_space<vmem>>
      %gather3A_391 = tpu.vector_load_idx %gather3A_390[%add3A_3, %broadcast_in_dim3A_379] : memref<64x128xf32, #tpu.memory_space<vmem>>[vector<16xi32>, vector<16xi32>], vector<16xf32>,
      %swap3A_392 = arith.index_cast %add3A_385 : i32 to index
      %swap3A_393 = arith.constant 0 : index
      %swap3A_394 = tpu.vector_load %arg7[%swap3A_392, %swap3A_393] {strides = array<i32>} : memref<256x64xf32, #tpu.memory_space<vmem>>, vector<16xf32>,
      tpu.vector_store %arg7[%swap3A_392, %swap3A_393], %gather3A_391 {strides = array<i32>} : memref<256x64xf32, #tpu.memory_space<vmem>>, vector<16xf32>,
      %gather3A_395 = arith.constant 3 : i32
      %gather3A_396 = arith.constant 0 : i32
      %gather3A_397 = arith.constant 0 : i32
      %gather3A_398 = tpu.memref_slice %arg6[%gather3A_395, %gather3A_396, %gather3A_397] : memref<4x64x128xf32, #tpu.memory_space<vmem>> -> memref<1x64x128xf32, #tpu.memory_space<vmem>>
      %gather3A_399 = tpu.memref_squeeze %gather3A_398 : memref<1x64x128xf32, #tpu.memory_space<vmem>> -> memref<64x128xf32, #tpu.memory_space<vmem>>
      %gather3A_400 = tpu.vector_load_idx %gather3A_399[%add3A_6, %broadcast_in_dim3A_379] : memref<64x128xf32, #tpu.memory_space<vmem>>[vector<16xi32>, vector<16xi32>], vector<16xf32>,
      %swap3A_401 = arith.index_cast %add3A_385 : i32 to index
      %swap3A_402 = arith.constant 16 : index
      %swap3A_403 = tpu.vector_load %arg7[%swap3A_401, %swap3A_402] {strides = array<i32>} : memref<256x64xf32, #tpu.memory_space<vmem>>, vector<16xf32>,
      tpu.vector_store %arg7[%swap3A_401, %swap3A_402], %gather3A_400 {strides = array<i32>} : memref<256x64xf32, #tpu.memory_space<vmem>>, vector<16xf32>,
      %gather3A_404 = arith.constant 3 : i32
      %gather3A_405 = arith.constant 0 : i32
      %gather3A_406 = arith.constant 0 : i32
      %gather3A_407 = tpu.memref_slice %arg6[%gather3A_404, %gather3A_405, %gather3A_406] : memref<4x64x128xf32, #tpu.memory_space<vmem>> -> memref<1x64x128xf32, #tpu.memory_space<vmem>>
      %gather3A_408 = tpu.memref_squeeze %gather3A_407 : memref<1x64x128xf32, #tpu.memory_space<vmem>> -> memref<64x128xf32, #tpu.memory_space<vmem>>
      %gather3A_409 = tpu.vector_load_idx %gather3A_408[%add3A_9, %broadcast_in_dim3A_379] : memref<64x128xf32, #tpu.memory_space<vmem>>[vector<16xi32>, vector<16xi32>], vector<16xf32>,
      %swap3A_410 = arith.index_cast %add3A_385 : i32 to index
      %swap3A_411 = arith.constant 32 : index
      %swap3A_412 = tpu.vector_load %arg7[%swap3A_410, %swap3A_411] {strides = array<i32>} : memref<256x64xf32, #tpu.memory_space<vmem>>, vector<16xf32>,
      tpu.vector_store %arg7[%swap3A_410, %swap3A_411], %gather3A_409 {strides = array<i32>} : memref<256x64xf32, #tpu.memory_space<vmem>>, vector<16xf32>,
      %gather3A_413 = arith.constant 3 : i32
      %gather3A_414 = arith.constant 0 : i32
      %gather3A_415 = arith.constant 0 : i32
      %gather3A_416 = tpu.memref_slice %arg6[%gather3A_413, %gather3A_414, %gather3A_415] : memref<4x64x128xf32, #tpu.memory_space<vmem>> -> memref<1x64x128xf32, #tpu.memory_space<vmem>>
      %gather3A_417 = tpu.memref_squeeze %gather3A_416 : memref<1x64x128xf32, #tpu.memory_space<vmem>> -> memref<64x128xf32, #tpu.memory_space<vmem>>
      %gather3A_418 = tpu.vector_load_idx %gather3A_417[%add3A_12, %broadcast_in_dim3A_379] : memref<64x128xf32, #tpu.memory_space<vmem>>[vector<16xi32>, vector<16xi32>], vector<16xf32>,
      %swap3A_419 = arith.index_cast %add3A_385 : i32 to index
      %swap3A_420 = arith.constant 48 : index
      %swap3A_421 = tpu.vector_load %arg7[%swap3A_419, %swap3A_420] {strides = array<i32>} : memref<256x64xf32, #tpu.memory_space<vmem>>, vector<16xf32>,
      tpu.vector_store %arg7[%swap3A_419, %swap3A_420], %gather3A_418 {strides = array<i32>} : memref<256x64xf32, #tpu.memory_space<vmem>>, vector<16xf32>,
      %slice3A_422 = vector.extract_strided_slice %get3A_118 {offsets = [7], sizes = [1], strides = [1]} : vector<16xi32> to vector<1xi32>
      %squeeze3A_423 = vector.extract %slice3A_422[0] : i32 from vector<1xi32>
      %shift_right_arithmetic3A_424 = arith.constant 7 : i32
      %shift_right_arithmetic3A_425 = arith.shrsi %squeeze3A_423, %shift_right_arithmetic3A_424 : i32
      %mul3A_426 = arith.constant 128 : i32
      %mul3A_427 = arith.muli %shift_right_arithmetic3A_425, %mul3A_426 : i32
      %multiple_of3A_428 = tpu.assume_multiple %mul3A_427, 128 : i32
      %dma_start3A_429 = arith.constant 3 : i32
      %dma_start3A_430 = arith.constant 0 : i32
      %dma_start3A_431 = arith.constant 0 : i32
      %dma_start3A_432 = tpu.memref_slice %arg6[%dma_start3A_429, %dma_start3A_430, %dma_start3A_431] : memref<4x64x128xf32, #tpu.memory_space<vmem>> -> memref<1x64x128xf32, #tpu.memory_space<vmem>>
      %dma_start3A_433 = tpu.memref_squeeze %dma_start3A_432 : memref<1x64x128xf32, #tpu.memory_space<vmem>> -> memref<64x128xf32, #tpu.memory_space<vmem>>
      %dma_start3A_434 = arith.constant 0 : i32
      %dma_start3A_435 = tpu.memref_slice %arg3[%dma_start3A_434, %multiple_of3A_428] : memref<64x1000000xf32, #tpu.memory_space<hbm>> -> memref<64x128xf32, #tpu.memory_space<hbm>>
      %dma_start3A_436 = arith.constant 0 : i32
      %dma_start3A_437 = arith.constant 0 : i32
      %dma_start3A_438 = tpu.memref_slice %arg6[%dma_start3A_429, %dma_start3A_436, %dma_start3A_437] : memref<4x64x128xf32, #tpu.memory_space<vmem>> -> memref<1x64x128xf32, #tpu.memory_space<vmem>>
      %dma_start3A_439 = tpu.memref_squeeze %dma_start3A_438 : memref<1x64x128xf32, #tpu.memory_space<vmem>> -> memref<64x128xf32, #tpu.memory_space<vmem>>
      %dma_start3A_440 = arith.constant 0 : i32
      %dma_start3A_441 = tpu.memref_slice %arg3[%dma_start3A_440, %multiple_of3A_428] : memref<64x1000000xf32, #tpu.memory_space<hbm>> -> memref<64x128xf32, #tpu.memory_space<hbm>>
      tpu.enqueue_dma source(%dma_start3A_441 : memref<64x128xf32, #tpu.memory_space<hbm>>) target(%dma_start3A_439 : memref<64x128xf32, #tpu.memory_space<vmem>>) target_semaphore(%arg8 : memref<!tpu.dma_semaphore, #tpu.memory_space<semaphore_mem>>)
      %dma_wait3A_442 = arith.constant 0 : i32
      %dma_wait3A_443 = arith.constant 0 : i32
      %dma_wait3A_444 = arith.constant 0 : i32
      %dma_wait3A_445 = tpu.memref_slice %arg6[%dma_wait3A_442, %dma_wait3A_443, %dma_wait3A_444] : memref<4x64x128xf32, #tpu.memory_space<vmem>> -> memref<1x64x128xf32, #tpu.memory_space<vmem>>
      %dma_wait3A_446 = tpu.memref_squeeze %dma_wait3A_445 : memref<1x64x128xf32, #tpu.memory_space<vmem>> -> memref<64x128xf32, #tpu.memory_space<vmem>>
      %dma_wait3A_447 = arith.constant 0 : i32
      %dma_wait3A_448 = arith.constant 0 : i32
      %dma_wait3A_449 = tpu.memref_slice %arg3[%dma_wait3A_447, %dma_wait3A_448] : memref<64x1000000xf32, #tpu.memory_space<hbm>> -> memref<64x128xf32, #tpu.memory_space<hbm>>
      %dma_wait3A_450 = arith.constant 0 : i32
      %dma_wait3A_451 = arith.constant 0 : i32
      %dma_wait3A_452 = tpu.memref_slice %arg6[%dma_wait3A_442, %dma_wait3A_450, %dma_wait3A_451] : memref<4x64x128xf32, #tpu.memory_space<vmem>> -> memref<1x64x128xf32, #tpu.memory_space<vmem>>
      %dma_wait3A_453 = tpu.memref_squeeze %dma_wait3A_452 : memref<1x64x128xf32, #tpu.memory_space<vmem>> -> memref<64x128xf32, #tpu.memory_space<vmem>>
      %dma_wait3A_454 = arith.constant 0 : i32
      %dma_wait3A_455 = arith.constant 0 : i32
      %dma_wait3A_456 = tpu.memref_slice %arg3[%dma_wait3A_454, %dma_wait3A_455] : memref<64x1000000xf32, #tpu.memory_space<hbm>> -> memref<64x128xf32, #tpu.memory_space<hbm>>
      tpu.wait_dma2 semaphore(%arg8 : memref<!tpu.dma_semaphore, #tpu.memory_space<semaphore_mem>>) src(%dma_wait3A_456 : memref<64x128xf32, #tpu.memory_space<hbm>>) dst(%dma_wait3A_453 : memref<64x128xf32, #tpu.memory_space<vmem>>)
      %slice3A_457 = vector.extract_strided_slice %get3A_118 {offsets = [4], sizes = [1], strides = [1]} : vector<16xi32> to vector<1xi32>
      %squeeze3A_458 = vector.extract %slice3A_457[0] : i32 from vector<1xi32>
      %and3A_459 = arith.constant 127 : i32
      %and3A_460 = arith.andi %squeeze3A_458, %and3A_459 : i32
      %broadcast_in_dim3A_461 = vector.broadcast %and3A_460 : i32 to vector<16xi32>
      %mul3A_462 = arith.constant 16 : i32
      %mul3A_463 = arith.muli %scan3A_110, %mul3A_462 : i32
      %add3A_464 = arith.constant 4 : i32
      %add3A_465 = arith.addi %mul3A_463, %add3A_464 : i32
      %add3A_466 = arith.constant 0 : i32
      %add3A_467 = arith.addi %add3A_465, %add3A_466 : i32
      %gather3A_468 = arith.constant 0 : i32
      %gather3A_469 = arith.constant 0 : i32
      %gather3A_470 = arith.constant 0 : i32
      %gather3A_471 = tpu.memref_slice %arg6[%gather3A_468, %gather3A_469, %gather3A_470] : memref<4x64x128xf32, #tpu.memory_space<vmem>> -> memref<1x64x128xf32, #tpu.memory_space<vmem>>
      %gather3A_472 = tpu.memref_squeeze %gather3A_471 : memref<1x64x128xf32, #tpu.memory_space<vmem>> -> memref<64x128xf32, #tpu.memory_space<vmem>>
      %gather3A_473 = tpu.vector_load_idx %gather3A_472[%add3A_3, %broadcast_in_dim3A_461] : memref<64x128xf32, #tpu.memory_space<vmem>>[vector<16xi32>, vector<16xi32>], vector<16xf32>,
      %swap3A_474 = arith.index_cast %add3A_467 : i32 to index
      %swap3A_475 = arith.constant 0 : index
      %swap3A_476 = tpu.vector_load %arg7[%swap3A_474, %swap3A_475] {strides = array<i32>} : memref<256x64xf32, #tpu.memory_space<vmem>>, vector<16xf32>,
      tpu.vector_store %arg7[%swap3A_474, %swap3A_475], %gather3A_473 {strides = array<i32>} : memref<256x64xf32, #tpu.memory_space<vmem>>, vector<16xf32>,
      %gather3A_477 = arith.constant 0 : i32
      %gather3A_478 = arith.constant 0 : i32
      %gather3A_479 = arith.constant 0 : i32
      %gather3A_480 = tpu.memref_slice %arg6[%gather3A_477, %gather3A_478, %gather3A_479] : memref<4x64x128xf32, #tpu.memory_space<vmem>> -> memref<1x64x128xf32, #tpu.memory_space<vmem>>
      %gather3A_481 = tpu.memref_squeeze %gather3A_480 : memref<1x64x128xf32, #tpu.memory_space<vmem>> -> memref<64x128xf32, #tpu.memory_space<vmem>>
      %gather3A_482 = tpu.vector_load_idx %gather3A_481[%add3A_6, %broadcast_in_dim3A_461] : memref<64x128xf32, #tpu.memory_space<vmem>>[vector<16xi32>, vector<16xi32>], vector<16xf32>,
      %swap3A_483 = arith.index_cast %add3A_467 : i32 to index
      %swap3A_484 = arith.constant 16 : index
      %swap3A_485 = tpu.vector_load %arg7[%swap3A_483, %swap3A_484] {strides = array<i32>} : memref<256x64xf32, #tpu.memory_space<vmem>>, vector<16xf32>,
      tpu.vector_store %arg7[%swap3A_483, %swap3A_484], %gather3A_482 {strides = array<i32>} : memref<256x64xf32, #tpu.memory_space<vmem>>, vector<16xf32>,
      %gather3A_486 = arith.constant 0 : i32
      %gather3A_487 = arith.constant 0 : i32
      %gather3A_488 = arith.constant 0 : i32
      %gather3A_489 = tpu.memref_slice %arg6[%gather3A_486, %gather3A_487, %gather3A_488] : memref<4x64x128xf32, #tpu.memory_space<vmem>> -> memref<1x64x128xf32, #tpu.memory_space<vmem>>
      %gather3A_490 = tpu.memref_squeeze %gather3A_489 : memref<1x64x128xf32, #tpu.memory_space<vmem>> -> memref<64x128xf32, #tpu.memory_space<vmem>>
      %gather3A_491 = tpu.vector_load_idx %gather3A_490[%add3A_9, %broadcast_in_dim3A_461] : memref<64x128xf32, #tpu.memory_space<vmem>>[vector<16xi32>, vector<16xi32>], vector<16xf32>,
      %swap3A_492 = arith.index_cast %add3A_467 : i32 to index
      %swap3A_493 = arith.constant 32 : index
      %swap3A_494 = tpu.vector_load %arg7[%swap3A_492, %swap3A_493] {strides = array<i32>} : memref<256x64xf32, #tpu.memory_space<vmem>>, vector<16xf32>,
      tpu.vector_store %arg7[%swap3A_492, %swap3A_493], %gather3A_491 {strides = array<i32>} : memref<256x64xf32, #tpu.memory_space<vmem>>, vector<16xf32>,
      %gather3A_495 = arith.constant 0 : i32
      %gather3A_496 = arith.constant 0 : i32
      %gather3A_497 = arith.constant 0 : i32
      %gather3A_498 = tpu.memref_slice %arg6[%gather3A_495, %gather3A_496, %gather3A_497] : memref<4x64x128xf32, #tpu.memory_space<vmem>> -> memref<1x64x128xf32, #tpu.memory_space<vmem>>
      %gather3A_499 = tpu.memref_squeeze %gather3A_498 : memref<1x64x128xf32, #tpu.memory_space<vmem>> -> memref<64x128xf32, #tpu.memory_space<vmem>>
      %gather3A_500 = tpu.vector_load_idx %gather3A_499[%add3A_12, %broadcast_in_dim3A_461] : memref<64x128xf32, #tpu.memory_space<vmem>>[vector<16xi32>, vector<16xi32>], vector<16xf32>,
      %swap3A_501 = arith.index_cast %add3A_467 : i32 to index
      %swap3A_502 = arith.constant 48 : index
      %swap3A_503 = tpu.vector_load %arg7[%swap3A_501, %swap3A_502] {strides = array<i32>} : memref<256x64xf32, #tpu.memory_space<vmem>>, vector<16xf32>,
      tpu.vector_store %arg7[%swap3A_501, %swap3A_502], %gather3A_500 {strides = array<i32>} : memref<256x64xf32, #tpu.memory_space<vmem>>, vector<16xf32>,
      %slice3A_504 = vector.extract_strided_slice %get3A_118 {offsets = [8], sizes = [1], strides = [1]} : vector<16xi32> to vector<1xi32>
      %squeeze3A_505 = vector.extract %slice3A_504[0] : i32 from vector<1xi32>
      %shift_right_arithmetic3A_506 = arith.constant 7 : i32
      %shift_right_arithmetic3A_507 = arith.shrsi %squeeze3A_505, %shift_right_arithmetic3A_506 : i32
      %mul3A_508 = arith.constant 128 : i32
      %mul3A_509 = arith.muli %shift_right_arithmetic3A_507, %mul3A_508 : i32
      %multiple_of3A_510 = tpu.assume_multiple %mul3A_509, 128 : i32
      %dma_start3A_511 = arith.constant 0 : i32
      %dma_start3A_512 = arith.constant 0 : i32
      %dma_start3A_513 = arith.constant 0 : i32
      %dma_start3A_514 = tpu.memref_slice %arg6[%dma_start3A_511, %dma_start3A_512, %dma_start3A_513] : memref<4x64x128xf32, #tpu.memory_space<vmem>> -> memref<1x64x128xf32, #tpu.memory_space<vmem>>
      %dma_start3A_515 = tpu.memref_squeeze %dma_start3A_514 : memref<1x64x128xf32, #tpu.memory_space<vmem>> -> memref<64x128xf32, #tpu.memory_space<vmem>>
      %dma_start3A_516 = arith.constant 0 : i32
      %dma_start3A_517 = tpu.memref_slice %arg3[%dma_start3A_516, %multiple_of3A_510] : memref<64x1000000xf32, #tpu.memory_space<hbm>> -> memref<64x128xf32, #tpu.memory_space<hbm>>
      %dma_start3A_518 = arith.constant 0 : i32
      %dma_start3A_519 = arith.constant 0 : i32
      %dma_start3A_520 = tpu.memref_slice %arg6[%dma_start3A_511, %dma_start3A_518, %dma_start3A_519] : memref<4x64x128xf32, #tpu.memory_space<vmem>> -> memref<1x64x128xf32, #tpu.memory_space<vmem>>
      %dma_start3A_521 = tpu.memref_squeeze %dma_start3A_520 : memref<1x64x128xf32, #tpu.memory_space<vmem>> -> memref<64x128xf32, #tpu.memory_space<vmem>>
      %dma_start3A_522 = arith.constant 0 : i32
      %dma_start3A_523 = tpu.memref_slice %arg3[%dma_start3A_522, %multiple_of3A_510] : memref<64x1000000xf32, #tpu.memory_space<hbm>> -> memref<64x128xf32, #tpu.memory_space<hbm>>
      tpu.enqueue_dma source(%dma_start3A_523 : memref<64x128xf32, #tpu.memory_space<hbm>>) target(%dma_start3A_521 : memref<64x128xf32, #tpu.memory_space<vmem>>) target_semaphore(%arg8 : memref<!tpu.dma_semaphore, #tpu.memory_space<semaphore_mem>>)
      %dma_wait3A_524 = arith.constant 0 : i32
      %dma_wait3A_525 = arith.constant 0 : i32
      %dma_wait3A_526 = arith.constant 0 : i32
      %dma_wait3A_527 = tpu.memref_slice %arg6[%dma_wait3A_524, %dma_wait3A_525, %dma_wait3A_526] : memref<4x64x128xf32, #tpu.memory_space<vmem>> -> memref<1x64x128xf32, #tpu.memory_space<vmem>>
      %dma_wait3A_528 = tpu.memref_squeeze %dma_wait3A_527 : memref<1x64x128xf32, #tpu.memory_space<vmem>> -> memref<64x128xf32, #tpu.memory_space<vmem>>
      %dma_wait3A_529 = arith.constant 0 : i32
      %dma_wait3A_530 = arith.constant 0 : i32
      %dma_wait3A_531 = tpu.memref_slice %arg3[%dma_wait3A_529, %dma_wait3A_530] : memref<64x1000000xf32, #tpu.memory_space<hbm>> -> memref<64x128xf32, #tpu.memory_space<hbm>>
      %dma_wait3A_532 = arith.constant 0 : i32
      %dma_wait3A_533 = arith.constant 0 : i32
      %dma_wait3A_534 = tpu.memref_slice %arg6[%dma_wait3A_524, %dma_wait3A_532, %dma_wait3A_533] : memref<4x64x128xf32, #tpu.memory_space<vmem>> -> memref<1x64x128xf32, #tpu.memory_space<vmem>>
      %dma_wait3A_535 = tpu.memref_squeeze %dma_wait3A_534 : memref<1x64x128xf32, #tpu.memory_space<vmem>> -> memref<64x128xf32, #tpu.memory_space<vmem>>
      %dma_wait3A_536 = arith.constant 0 : i32
      %dma_wait3A_537 = arith.constant 0 : i32
      %dma_wait3A_538 = tpu.memref_slice %arg3[%dma_wait3A_536, %dma_wait3A_537] : memref<64x1000000xf32, #tpu.memory_space<hbm>> -> memref<64x128xf32, #tpu.memory_space<hbm>>
      tpu.wait_dma2 semaphore(%arg8 : memref<!tpu.dma_semaphore, #tpu.memory_space<semaphore_mem>>) src(%dma_wait3A_538 : memref<64x128xf32, #tpu.memory_space<hbm>>) dst(%dma_wait3A_535 : memref<64x128xf32, #tpu.memory_space<vmem>>)
      %slice3A_539 = vector.extract_strided_slice %get3A_118 {offsets = [5], sizes = [1], strides = [1]} : vector<16xi32> to vector<1xi32>
      %squeeze3A_540 = vector.extract %slice3A_539[0] : i32 from vector<1xi32>
      %and3A_541 = arith.constant 127 : i32
      %and3A_542 = arith.andi %squeeze3A_540, %and3A_541 : i32
      %broadcast_in_dim3A_543 = vector.broadcast %and3A_542 : i32 to vector<16xi32>
      %mul3A_544 = arith.constant 16 : i32
      %mul3A_545 = arith.muli %scan3A_110, %mul3A_544 : i32
      %add3A_546 = arith.constant 4 : i32
      %add3A_547 = arith.addi %mul3A_545, %add3A_546 : i32
      %add3A_548 = arith.constant 1 : i32
      %add3A_549 = arith.addi %add3A_547, %add3A_548 : i32
      %gather3A_550 = arith.constant 1 : i32
      %gather3A_551 = arith.constant 0 : i32
      %gather3A_552 = arith.constant 0 : i32
      %gather3A_553 = tpu.memref_slice %arg6[%gather3A_550, %gather3A_551, %gather3A_552] : memref<4x64x128xf32, #tpu.memory_space<vmem>> -> memref<1x64x128xf32, #tpu.memory_space<vmem>>
      %gather3A_554 = tpu.memref_squeeze %gather3A_553 : memref<1x64x128xf32, #tpu.memory_space<vmem>> -> memref<64x128xf32, #tpu.memory_space<vmem>>
      %gather3A_555 = tpu.vector_load_idx %gather3A_554[%add3A_3, %broadcast_in_dim3A_543] : memref<64x128xf32, #tpu.memory_space<vmem>>[vector<16xi32>, vector<16xi32>], vector<16xf32>,
      %swap3A_556 = arith.index_cast %add3A_549 : i32 to index
      %swap3A_557 = arith.constant 0 : index
      %swap3A_558 = tpu.vector_load %arg7[%swap3A_556, %swap3A_557] {strides = array<i32>} : memref<256x64xf32, #tpu.memory_space<vmem>>, vector<16xf32>,
      tpu.vector_store %arg7[%swap3A_556, %swap3A_557], %gather3A_555 {strides = array<i32>} : memref<256x64xf32, #tpu.memory_space<vmem>>, vector<16xf32>,
      %gather3A_559 = arith.constant 1 : i32
      %gather3A_560 = arith.constant 0 : i32
      %gather3A_561 = arith.constant 0 : i32
      %gather3A_562 = tpu.memref_slice %arg6[%gather3A_559, %gather3A_560, %gather3A_561] : memref<4x64x128xf32, #tpu.memory_space<vmem>> -> memref<1x64x128xf32, #tpu.memory_space<vmem>>
      %gather3A_563 = tpu.memref_squeeze %gather3A_562 : memref<1x64x128xf32, #tpu.memory_space<vmem>> -> memref<64x128xf32, #tpu.memory_space<vmem>>
      %gather3A_564 = tpu.vector_load_idx %gather3A_563[%add3A_6, %broadcast_in_dim3A_543] : memref<64x128xf32, #tpu.memory_space<vmem>>[vector<16xi32>, vector<16xi32>], vector<16xf32>,
      %swap3A_565 = arith.index_cast %add3A_549 : i32 to index
      %swap3A_566 = arith.constant 16 : index
      %swap3A_567 = tpu.vector_load %arg7[%swap3A_565, %swap3A_566] {strides = array<i32>} : memref<256x64xf32, #tpu.memory_space<vmem>>, vector<16xf32>,
      tpu.vector_store %arg7[%swap3A_565, %swap3A_566], %gather3A_564 {strides = array<i32>} : memref<256x64xf32, #tpu.memory_space<vmem>>, vector<16xf32>,
      %gather3A_568 = arith.constant 1 : i32
      %gather3A_569 = arith.constant 0 : i32
      %gather3A_570 = arith.constant 0 : i32
      %gather3A_571 = tpu.memref_slice %arg6[%gather3A_568, %gather3A_569, %gather3A_570] : memref<4x64x128xf32, #tpu.memory_space<vmem>> -> memref<1x64x128xf32, #tpu.memory_space<vmem>>
      %gather3A_572 = tpu.memref_squeeze %gather3A_571 : memref<1x64x128xf32, #tpu.memory_space<vmem>> -> memref<64x128xf32, #tpu.memory_space<vmem>>
      %gather3A_573 = tpu.vector_load_idx %gather3A_572[%add3A_9, %broadcast_in_dim3A_543] : memref<64x128xf32, #tpu.memory_space<vmem>>[vector<16xi32>, vector<16xi32>], vector<16xf32>,
      %swap3A_574 = arith.index_cast %add3A_549 : i32 to index
      %swap3A_575 = arith.constant 32 : index
      %swap3A_576 = tpu.vector_load %arg7[%swap3A_574, %swap3A_575] {strides = array<i32>} : memref<256x64xf32, #tpu.memory_space<vmem>>, vector<16xf32>,
      tpu.vector_store %arg7[%swap3A_574, %swap3A_575], %gather3A_573 {strides = array<i32>} : memref<256x64xf32, #tpu.memory_space<vmem>>, vector<16xf32>,
      %gather3A_577 = arith.constant 1 : i32
      %gather3A_578 = arith.constant 0 : i32
      %gather3A_579 = arith.constant 0 : i32
      %gather3A_580 = tpu.memref_slice %arg6[%gather3A_577, %gather3A_578, %gather3A_579] : memref<4x64x128xf32, #tpu.memory_space<vmem>> -> memref<1x64x128xf32, #tpu.memory_space<vmem>>
      %gather3A_581 = tpu.memref_squeeze %gather3A_580 : memref<1x64x128xf32, #tpu.memory_space<vmem>> -> memref<64x128xf32, #tpu.memory_space<vmem>>
      %gather3A_582 = tpu.vector_load_idx %gather3A_581[%add3A_12, %broadcast_in_dim3A_543] : memref<64x128xf32, #tpu.memory_space<vmem>>[vector<16xi32>, vector<16xi32>], vector<16xf32>,
      %swap3A_583 = arith.index_cast %add3A_549 : i32 to index
      %swap3A_584 = arith.constant 48 : index
      %swap3A_585 = tpu.vector_load %arg7[%swap3A_583, %swap3A_584] {strides = array<i32>} : memref<256x64xf32, #tpu.memory_space<vmem>>, vector<16xf32>,
      tpu.vector_store %arg7[%swap3A_583, %swap3A_584], %gather3A_582 {strides = array<i32>} : memref<256x64xf32, #tpu.memory_space<vmem>>, vector<16xf32>,
      %slice3A_586 = vector.extract_strided_slice %get3A_118 {offsets = [9], sizes = [1], strides = [1]} : vector<16xi32> to vector<1xi32>
      %squeeze3A_587 = vector.extract %slice3A_586[0] : i32 from vector<1xi32>
      %shift_right_arithmetic3A_588 = arith.constant 7 : i32
      %shift_right_arithmetic3A_589 = arith.shrsi %squeeze3A_587, %shift_right_arithmetic3A_588 : i32
      %mul3A_590 = arith.constant 128 : i32
      %mul3A_591 = arith.muli %shift_right_arithmetic3A_589, %mul3A_590 : i32
      %multiple_of3A_592 = tpu.assume_multiple %mul3A_591, 128 : i32
      %dma_start3A_593 = arith.constant 1 : i32
      %dma_start3A_594 = arith.constant 0 : i32
      %dma_start3A_595 = arith.constant 0 : i32
      %dma_start3A_596 = tpu.memref_slice %arg6[%dma_start3A_593, %dma_start3A_594, %dma_start3A_595] : memref<4x64x128xf32, #tpu.memory_space<vmem>> -> memref<1x64x128xf32, #tpu.memory_space<vmem>>
      %dma_start3A_597 = tpu.memref_squeeze %dma_start3A_596 : memref<1x64x128xf32, #tpu.memory_space<vmem>> -> memref<64x128xf32, #tpu.memory_space<vmem>>
      %dma_start3A_598 = arith.constant 0 : i32
      %dma_start3A_599 = tpu.memref_slice %arg3[%dma_start3A_598, %multiple_of3A_592] : memref<64x1000000xf32, #tpu.memory_space<hbm>> -> memref<64x128xf32, #tpu.memory_space<hbm>>
      %dma_start3A_600 = arith.constant 0 : i32
      %dma_start3A_601 = arith.constant 0 : i32
      %dma_start3A_602 = tpu.memref_slice %arg6[%dma_start3A_593, %dma_start3A_600, %dma_start3A_601] : memref<4x64x128xf32, #tpu.memory_space<vmem>> -> memref<1x64x128xf32, #tpu.memory_space<vmem>>
      %dma_start3A_603 = tpu.memref_squeeze %dma_start3A_602 : memref<1x64x128xf32, #tpu.memory_space<vmem>> -> memref<64x128xf32, #tpu.memory_space<vmem>>
      %dma_start3A_604 = arith.constant 0 : i32
      %dma_start3A_605 = tpu.memref_slice %arg3[%dma_start3A_604, %multiple_of3A_592] : memref<64x1000000xf32, #tpu.memory_space<hbm>> -> memref<64x128xf32, #tpu.memory_space<hbm>>
      tpu.enqueue_dma source(%dma_start3A_605 : memref<64x128xf32, #tpu.memory_space<hbm>>) target(%dma_start3A_603 : memref<64x128xf32, #tpu.memory_space<vmem>>) target_semaphore(%arg8 : memref<!tpu.dma_semaphore, #tpu.memory_space<semaphore_mem>>)
      %dma_wait3A_606 = arith.constant 0 : i32
      %dma_wait3A_607 = arith.constant 0 : i32
      %dma_wait3A_608 = arith.constant 0 : i32
      %dma_wait3A_609 = tpu.memref_slice %arg6[%dma_wait3A_606, %dma_wait3A_607, %dma_wait3A_608] : memref<4x64x128xf32, #tpu.memory_space<vmem>> -> memref<1x64x128xf32, #tpu.memory_space<vmem>>
      %dma_wait3A_610 = tpu.memref_squeeze %dma_wait3A_609 : memref<1x64x128xf32, #tpu.memory_space<vmem>> -> memref<64x128xf32, #tpu.memory_space<vmem>>
      %dma_wait3A_611 = arith.constant 0 : i32
      %dma_wait3A_612 = arith.constant 0 : i32
      %dma_wait3A_613 = tpu.memref_slice %arg3[%dma_wait3A_611, %dma_wait3A_612] : memref<64x1000000xf32, #tpu.memory_space<hbm>> -> memref<64x128xf32, #tpu.memory_space<hbm>>
      %dma_wait3A_614 = arith.constant 0 : i32
      %dma_wait3A_615 = arith.constant 0 : i32
      %dma_wait3A_616 = tpu.memref_slice %arg6[%dma_wait3A_606, %dma_wait3A_614, %dma_wait3A_615] : memref<4x64x128xf32, #tpu.memory_space<vmem>> -> memref<1x64x128xf32, #tpu.memory_space<vmem>>
      %dma_wait3A_617 = tpu.memref_squeeze %dma_wait3A_616 : memref<1x64x128xf32, #tpu.memory_space<vmem>> -> memref<64x128xf32, #tpu.memory_space<vmem>>
      %dma_wait3A_618 = arith.constant 0 : i32
      %dma_wait3A_619 = arith.constant 0 : i32
      %dma_wait3A_620 = tpu.memref_slice %arg3[%dma_wait3A_618, %dma_wait3A_619] : memref<64x1000000xf32, #tpu.memory_space<hbm>> -> memref<64x128xf32, #tpu.memory_space<hbm>>
      tpu.wait_dma2 semaphore(%arg8 : memref<!tpu.dma_semaphore, #tpu.memory_space<semaphore_mem>>) src(%dma_wait3A_620 : memref<64x128xf32, #tpu.memory_space<hbm>>) dst(%dma_wait3A_617 : memref<64x128xf32, #tpu.memory_space<vmem>>)
      %slice3A_621 = vector.extract_strided_slice %get3A_118 {offsets = [6], sizes = [1], strides = [1]} : vector<16xi32> to vector<1xi32>
      %squeeze3A_622 = vector.extract %slice3A_621[0] : i32 from vector<1xi32>
      %and3A_623 = arith.constant 127 : i32
      %and3A_624 = arith.andi %squeeze3A_622, %and3A_623 : i32
      %broadcast_in_dim3A_625 = vector.broadcast %and3A_624 : i32 to vector<16xi32>
      %mul3A_626 = arith.constant 16 : i32
      %mul3A_627 = arith.muli %scan3A_110, %mul3A_626 : i32
      %add3A_628 = arith.constant 4 : i32
      %add3A_629 = arith.addi %mul3A_627, %add3A_628 : i32
      %add3A_630 = arith.constant 2 : i32
      %add3A_631 = arith.addi %add3A_629, %add3A_630 : i32
      %gather3A_632 = arith.constant 2 : i32
      %gather3A_633 = arith.constant 0 : i32
      %gather3A_634 = arith.constant 0 : i32
      %gather3A_635 = tpu.memref_slice %arg6[%gather3A_632, %gather3A_633, %gather3A_634] : memref<4x64x128xf32, #tpu.memory_space<vmem>> -> memref<1x64x128xf32, #tpu.memory_space<vmem>>
      %gather3A_636 = tpu.memref_squeeze %gather3A_635 : memref<1x64x128xf32, #tpu.memory_space<vmem>> -> memref<64x128xf32, #tpu.memory_space<vmem>>
      %gather3A_637 = tpu.vector_load_idx %gather3A_636[%add3A_3, %broadcast_in_dim3A_625] : memref<64x128xf32, #tpu.memory_space<vmem>>[vector<16xi32>, vector<16xi32>], vector<16xf32>,
      %swap3A_638 = arith.index_cast %add3A_631 : i32 to index
      %swap3A_639 = arith.constant 0 : index
      %swap3A_640 = tpu.vector_load %arg7[%swap3A_638, %swap3A_639] {strides = array<i32>} : memref<256x64xf32, #tpu.memory_space<vmem>>, vector<16xf32>,
      tpu.vector_store %arg7[%swap3A_638, %swap3A_639], %gather3A_637 {strides = array<i32>} : memref<256x64xf32, #tpu.memory_space<vmem>>, vector<16xf32>,
      %gather3A_641 = arith.constant 2 : i32
      %gather3A_642 = arith.constant 0 : i32
      %gather3A_643 = arith.constant 0 : i32
      %gather3A_644 = tpu.memref_slice %arg6[%gather3A_641, %gather3A_642, %gather3A_643] : memref<4x64x128xf32, #tpu.memory_space<vmem>> -> memref<1x64x128xf32, #tpu.memory_space<vmem>>
      %gather3A_645 = tpu.memref_squeeze %gather3A_644 : memref<1x64x128xf32, #tpu.memory_space<vmem>> -> memref<64x128xf32, #tpu.memory_space<vmem>>
      %gather3A_646 = tpu.vector_load_idx %gather3A_645[%add3A_6, %broadcast_in_dim3A_625] : memref<64x128xf32, #tpu.memory_space<vmem>>[vector<16xi32>, vector<16xi32>], vector<16xf32>,
      %swap3A_647 = arith.index_cast %add3A_631 : i32 to index
      %swap3A_648 = arith.constant 16 : index
      %swap3A_649 = tpu.vector_load %arg7[%swap3A_647, %swap3A_648] {strides = array<i32>} : memref<256x64xf32, #tpu.memory_space<vmem>>, vector<16xf32>,
      tpu.vector_store %arg7[%swap3A_647, %swap3A_648], %gather3A_646 {strides = array<i32>} : memref<256x64xf32, #tpu.memory_space<vmem>>, vector<16xf32>,
      %gather3A_650 = arith.constant 2 : i32
      %gather3A_651 = arith.constant 0 : i32
      %gather3A_652 = arith.constant 0 : i32
      %gather3A_653 = tpu.memref_slice %arg6[%gather3A_650, %gather3A_651, %gather3A_652] : memref<4x64x128xf32, #tpu.memory_space<vmem>> -> memref<1x64x128xf32, #tpu.memory_space<vmem>>
      %gather3A_654 = tpu.memref_squeeze %gather3A_653 : memref<1x64x128xf32, #tpu.memory_space<vmem>> -> memref<64x128xf32, #tpu.memory_space<vmem>>
      %gather3A_655 = tpu.vector_load_idx %gather3A_654[%add3A_9, %broadcast_in_dim3A_625] : memref<64x128xf32, #tpu.memory_space<vmem>>[vector<16xi32>, vector<16xi32>], vector<16xf32>,
      %swap3A_656 = arith.index_cast %add3A_631 : i32 to index
      %swap3A_657 = arith.constant 32 : index
      %swap3A_658 = tpu.vector_load %arg7[%swap3A_656, %swap3A_657] {strides = array<i32>} : memref<256x64xf32, #tpu.memory_space<vmem>>, vector<16xf32>,
      tpu.vector_store %arg7[%swap3A_656, %swap3A_657], %gather3A_655 {strides = array<i32>} : memref<256x64xf32, #tpu.memory_space<vmem>>, vector<16xf32>,
      %gather3A_659 = arith.constant 2 : i32
      %gather3A_660 = arith.constant 0 : i32
      %gather3A_661 = arith.constant 0 : i32
      %gather3A_662 = tpu.memref_slice %arg6[%gather3A_659, %gather3A_660, %gather3A_661] : memref<4x64x128xf32, #tpu.memory_space<vmem>> -> memref<1x64x128xf32, #tpu.memory_space<vmem>>
      %gather3A_663 = tpu.memref_squeeze %gather3A_662 : memref<1x64x128xf32, #tpu.memory_space<vmem>> -> memref<64x128xf32, #tpu.memory_space<vmem>>
      %gather3A_664 = tpu.vector_load_idx %gather3A_663[%add3A_12, %broadcast_in_dim3A_625] : memref<64x128xf32, #tpu.memory_space<vmem>>[vector<16xi32>, vector<16xi32>], vector<16xf32>,
      %swap3A_665 = arith.index_cast %add3A_631 : i32 to index
      %swap3A_666 = arith.constant 48 : index
      %swap3A_667 = tpu.vector_load %arg7[%swap3A_665, %swap3A_666] {strides = array<i32>} : memref<256x64xf32, #tpu.memory_space<vmem>>, vector<16xf32>,
      tpu.vector_store %arg7[%swap3A_665, %swap3A_666], %gather3A_664 {strides = array<i32>} : memref<256x64xf32, #tpu.memory_space<vmem>>, vector<16xf32>,
      %slice3A_668 = vector.extract_strided_slice %get3A_118 {offsets = [10], sizes = [1], strides = [1]} : vector<16xi32> to vector<1xi32>
      %squeeze3A_669 = vector.extract %slice3A_668[0] : i32 from vector<1xi32>
      %shift_right_arithmetic3A_670 = arith.constant 7 : i32
      %shift_right_arithmetic3A_671 = arith.shrsi %squeeze3A_669, %shift_right_arithmetic3A_670 : i32
      %mul3A_672 = arith.constant 128 : i32
      %mul3A_673 = arith.muli %shift_right_arithmetic3A_671, %mul3A_672 : i32
      %multiple_of3A_674 = tpu.assume_multiple %mul3A_673, 128 : i32
      %dma_start3A_675 = arith.constant 2 : i32
      %dma_start3A_676 = arith.constant 0 : i32
      %dma_start3A_677 = arith.constant 0 : i32
      %dma_start3A_678 = tpu.memref_slice %arg6[%dma_start3A_675, %dma_start3A_676, %dma_start3A_677] : memref<4x64x128xf32, #tpu.memory_space<vmem>> -> memref<1x64x128xf32, #tpu.memory_space<vmem>>
      %dma_start3A_679 = tpu.memref_squeeze %dma_start3A_678 : memref<1x64x128xf32, #tpu.memory_space<vmem>> -> memref<64x128xf32, #tpu.memory_space<vmem>>
      %dma_start3A_680 = arith.constant 0 : i32
      %dma_start3A_681 = tpu.memref_slice %arg3[%dma_start3A_680, %multiple_of3A_674] : memref<64x1000000xf32, #tpu.memory_space<hbm>> -> memref<64x128xf32, #tpu.memory_space<hbm>>
      %dma_start3A_682 = arith.constant 0 : i32
      %dma_start3A_683 = arith.constant 0 : i32
      %dma_start3A_684 = tpu.memref_slice %arg6[%dma_start3A_675, %dma_start3A_682, %dma_start3A_683] : memref<4x64x128xf32, #tpu.memory_space<vmem>> -> memref<1x64x128xf32, #tpu.memory_space<vmem>>
      %dma_start3A_685 = tpu.memref_squeeze %dma_start3A_684 : memref<1x64x128xf32, #tpu.memory_space<vmem>> -> memref<64x128xf32, #tpu.memory_space<vmem>>
      %dma_start3A_686 = arith.constant 0 : i32
      %dma_start3A_687 = tpu.memref_slice %arg3[%dma_start3A_686, %multiple_of3A_674] : memref<64x1000000xf32, #tpu.memory_space<hbm>> -> memref<64x128xf32, #tpu.memory_space<hbm>>
      tpu.enqueue_dma source(%dma_start3A_687 : memref<64x128xf32, #tpu.memory_space<hbm>>) target(%dma_start3A_685 : memref<64x128xf32, #tpu.memory_space<vmem>>) target_semaphore(%arg8 : memref<!tpu.dma_semaphore, #tpu.memory_space<semaphore_mem>>)
      %dma_wait3A_688 = arith.constant 0 : i32
      %dma_wait3A_689 = arith.constant 0 : i32
      %dma_wait3A_690 = arith.constant 0 : i32
      %dma_wait3A_691 = tpu.memref_slice %arg6[%dma_wait3A_688, %dma_wait3A_689, %dma_wait3A_690] : memref<4x64x128xf32, #tpu.memory_space<vmem>> -> memref<1x64x128xf32, #tpu.memory_space<vmem>>
      %dma_wait3A_692 = tpu.memref_squeeze %dma_wait3A_691 : memref<1x64x128xf32, #tpu.memory_space<vmem>> -> memref<64x128xf32, #tpu.memory_space<vmem>>
      %dma_wait3A_693 = arith.constant 0 : i32
      %dma_wait3A_694 = arith.constant 0 : i32
      %dma_wait3A_695 = tpu.memref_slice %arg3[%dma_wait3A_693, %dma_wait3A_694] : memref<64x1000000xf32, #tpu.memory_space<hbm>> -> memref<64x128xf32, #tpu.memory_space<hbm>>
      %dma_wait3A_696 = arith.constant 0 : i32
      %dma_wait3A_697 = arith.constant 0 : i32
      %dma_wait3A_698 = tpu.memref_slice %arg6[%dma_wait3A_688, %dma_wait3A_696, %dma_wait3A_697] : memref<4x64x128xf32, #tpu.memory_space<vmem>> -> memref<1x64x128xf32, #tpu.memory_space<vmem>>
      %dma_wait3A_699 = tpu.memref_squeeze %dma_wait3A_698 : memref<1x64x128xf32, #tpu.memory_space<vmem>> -> memref<64x128xf32, #tpu.memory_space<vmem>>
      %dma_wait3A_700 = arith.constant 0 : i32
      %dma_wait3A_701 = arith.constant 0 : i32
      %dma_wait3A_702 = tpu.memref_slice %arg3[%dma_wait3A_700, %dma_wait3A_701] : memref<64x1000000xf32, #tpu.memory_space<hbm>> -> memref<64x128xf32, #tpu.memory_space<hbm>>
      tpu.wait_dma2 semaphore(%arg8 : memref<!tpu.dma_semaphore, #tpu.memory_space<semaphore_mem>>) src(%dma_wait3A_702 : memref<64x128xf32, #tpu.memory_space<hbm>>) dst(%dma_wait3A_699 : memref<64x128xf32, #tpu.memory_space<vmem>>)
      %slice3A_703 = vector.extract_strided_slice %get3A_118 {offsets = [7], sizes = [1], strides = [1]} : vector<16xi32> to vector<1xi32>
      %squeeze3A_704 = vector.extract %slice3A_703[0] : i32 from vector<1xi32>
      %and3A_705 = arith.constant 127 : i32
      %and3A_706 = arith.andi %squeeze3A_704, %and3A_705 : i32
      %broadcast_in_dim3A_707 = vector.broadcast %and3A_706 : i32 to vector<16xi32>
      %mul3A_708 = arith.constant 16 : i32
      %mul3A_709 = arith.muli %scan3A_110, %mul3A_708 : i32
      %add3A_710 = arith.constant 4 : i32
      %add3A_711 = arith.addi %mul3A_709, %add3A_710 : i32
      %add3A_712 = arith.constant 3 : i32
      %add3A_713 = arith.addi %add3A_711, %add3A_712 : i32
      %gather3A_714 = arith.constant 3 : i32
      %gather3A_715 = arith.constant 0 : i32
      %gather3A_716 = arith.constant 0 : i32
      %gather3A_717 = tpu.memref_slice %arg6[%gather3A_714, %gather3A_715, %gather3A_716] : memref<4x64x128xf32, #tpu.memory_space<vmem>> -> memref<1x64x128xf32, #tpu.memory_space<vmem>>
      %gather3A_718 = tpu.memref_squeeze %gather3A_717 : memref<1x64x128xf32, #tpu.memory_space<vmem>> -> memref<64x128xf32, #tpu.memory_space<vmem>>
      %gather3A_719 = tpu.vector_load_idx %gather3A_718[%add3A_3, %broadcast_in_dim3A_707] : memref<64x128xf32, #tpu.memory_space<vmem>>[vector<16xi32>, vector<16xi32>], vector<16xf32>,
      %swap3A_720 = arith.index_cast %add3A_713 : i32 to index
      %swap3A_721 = arith.constant 0 : index
      %swap3A_722 = tpu.vector_load %arg7[%swap3A_720, %swap3A_721] {strides = array<i32>} : memref<256x64xf32, #tpu.memory_space<vmem>>, vector<16xf32>,
      tpu.vector_store %arg7[%swap3A_720, %swap3A_721], %gather3A_719 {strides = array<i32>} : memref<256x64xf32, #tpu.memory_space<vmem>>, vector<16xf32>,
      %gather3A_723 = arith.constant 3 : i32
      %gather3A_724 = arith.constant 0 : i32
      %gather3A_725 = arith.constant 0 : i32
      %gather3A_726 = tpu.memref_slice %arg6[%gather3A_723, %gather3A_724, %gather3A_725] : memref<4x64x128xf32, #tpu.memory_space<vmem>> -> memref<1x64x128xf32, #tpu.memory_space<vmem>>
      %gather3A_727 = tpu.memref_squeeze %gather3A_726 : memref<1x64x128xf32, #tpu.memory_space<vmem>> -> memref<64x128xf32, #tpu.memory_space<vmem>>
      %gather3A_728 = tpu.vector_load_idx %gather3A_727[%add3A_6, %broadcast_in_dim3A_707] : memref<64x128xf32, #tpu.memory_space<vmem>>[vector<16xi32>, vector<16xi32>], vector<16xf32>,
      %swap3A_729 = arith.index_cast %add3A_713 : i32 to index
      %swap3A_730 = arith.constant 16 : index
      %swap3A_731 = tpu.vector_load %arg7[%swap3A_729, %swap3A_730] {strides = array<i32>} : memref<256x64xf32, #tpu.memory_space<vmem>>, vector<16xf32>,
      tpu.vector_store %arg7[%swap3A_729, %swap3A_730], %gather3A_728 {strides = array<i32>} : memref<256x64xf32, #tpu.memory_space<vmem>>, vector<16xf32>,
      %gather3A_732 = arith.constant 3 : i32
      %gather3A_733 = arith.constant 0 : i32
      %gather3A_734 = arith.constant 0 : i32
      %gather3A_735 = tpu.memref_slice %arg6[%gather3A_732, %gather3A_733, %gather3A_734] : memref<4x64x128xf32, #tpu.memory_space<vmem>> -> memref<1x64x128xf32, #tpu.memory_space<vmem>>
      %gather3A_736 = tpu.memref_squeeze %gather3A_735 : memref<1x64x128xf32, #tpu.memory_space<vmem>> -> memref<64x128xf32, #tpu.memory_space<vmem>>
      %gather3A_737 = tpu.vector_load_idx %gather3A_736[%add3A_9, %broadcast_in_dim3A_707] : memref<64x128xf32, #tpu.memory_space<vmem>>[vector<16xi32>, vector<16xi32>], vector<16xf32>,
      %swap3A_738 = arith.index_cast %add3A_713 : i32 to index
      %swap3A_739 = arith.constant 32 : index
      %swap3A_740 = tpu.vector_load %arg7[%swap3A_738, %swap3A_739] {strides = array<i32>} : memref<256x64xf32, #tpu.memory_space<vmem>>, vector<16xf32>,
      tpu.vector_store %arg7[%swap3A_738, %swap3A_739], %gather3A_737 {strides = array<i32>} : memref<256x64xf32, #tpu.memory_space<vmem>>, vector<16xf32>,
      %gather3A_741 = arith.constant 3 : i32
      %gather3A_742 = arith.constant 0 : i32
      %gather3A_743 = arith.constant 0 : i32
      %gather3A_744 = tpu.memref_slice %arg6[%gather3A_741, %gather3A_742, %gather3A_743] : memref<4x64x128xf32, #tpu.memory_space<vmem>> -> memref<1x64x128xf32, #tpu.memory_space<vmem>>
      %gather3A_745 = tpu.memref_squeeze %gather3A_744 : memref<1x64x128xf32, #tpu.memory_space<vmem>> -> memref<64x128xf32, #tpu.memory_space<vmem>>
      %gather3A_746 = tpu.vector_load_idx %gather3A_745[%add3A_12, %broadcast_in_dim3A_707] : memref<64x128xf32, #tpu.memory_space<vmem>>[vector<16xi32>, vector<16xi32>], vector<16xf32>,
      %swap3A_747 = arith.index_cast %add3A_713 : i32 to index
      %swap3A_748 = arith.constant 48 : index
      %swap3A_749 = tpu.vector_load %arg7[%swap3A_747, %swap3A_748] {strides = array<i32>} : memref<256x64xf32, #tpu.memory_space<vmem>>, vector<16xf32>,
      tpu.vector_store %arg7[%swap3A_747, %swap3A_748], %gather3A_746 {strides = array<i32>} : memref<256x64xf32, #tpu.memory_space<vmem>>, vector<16xf32>,
      %slice3A_750 = vector.extract_strided_slice %get3A_118 {offsets = [11], sizes = [1], strides = [1]} : vector<16xi32> to vector<1xi32>
      %squeeze3A_751 = vector.extract %slice3A_750[0] : i32 from vector<1xi32>
      %shift_right_arithmetic3A_752 = arith.constant 7 : i32
      %shift_right_arithmetic3A_753 = arith.shrsi %squeeze3A_751, %shift_right_arithmetic3A_752 : i32
      %mul3A_754 = arith.constant 128 : i32
      %mul3A_755 = arith.muli %shift_right_arithmetic3A_753, %mul3A_754 : i32
      %multiple_of3A_756 = tpu.assume_multiple %mul3A_755, 128 : i32
      %dma_start3A_757 = arith.constant 3 : i32
      %dma_start3A_758 = arith.constant 0 : i32
      %dma_start3A_759 = arith.constant 0 : i32
      %dma_start3A_760 = tpu.memref_slice %arg6[%dma_start3A_757, %dma_start3A_758, %dma_start3A_759] : memref<4x64x128xf32, #tpu.memory_space<vmem>> -> memref<1x64x128xf32, #tpu.memory_space<vmem>>
      %dma_start3A_761 = tpu.memref_squeeze %dma_start3A_760 : memref<1x64x128xf32, #tpu.memory_space<vmem>> -> memref<64x128xf32, #tpu.memory_space<vmem>>
      %dma_start3A_762 = arith.constant 0 : i32
      %dma_start3A_763 = tpu.memref_slice %arg3[%dma_start3A_762, %multiple_of3A_756] : memref<64x1000000xf32, #tpu.memory_space<hbm>> -> memref<64x128xf32, #tpu.memory_space<hbm>>
      %dma_start3A_764 = arith.constant 0 : i32
      %dma_start3A_765 = arith.constant 0 : i32
      %dma_start3A_766 = tpu.memref_slice %arg6[%dma_start3A_757, %dma_start3A_764, %dma_start3A_765] : memref<4x64x128xf32, #tpu.memory_space<vmem>> -> memref<1x64x128xf32, #tpu.memory_space<vmem>>
      %dma_start3A_767 = tpu.memref_squeeze %dma_start3A_766 : memref<1x64x128xf32, #tpu.memory_space<vmem>> -> memref<64x128xf32, #tpu.memory_space<vmem>>
      %dma_start3A_768 = arith.constant 0 : i32
      %dma_start3A_769 = tpu.memref_slice %arg3[%dma_start3A_768, %multiple_of3A_756] : memref<64x1000000xf32, #tpu.memory_space<hbm>> -> memref<64x128xf32, #tpu.memory_space<hbm>>
      tpu.enqueue_dma source(%dma_start3A_769 : memref<64x128xf32, #tpu.memory_space<hbm>>) target(%dma_start3A_767 : memref<64x128xf32, #tpu.memory_space<vmem>>) target_semaphore(%arg8 : memref<!tpu.dma_semaphore, #tpu.memory_space<semaphore_mem>>)
      %dma_wait3A_770 = arith.constant 0 : i32
      %dma_wait3A_771 = arith.constant 0 : i32
      %dma_wait3A_772 = arith.constant 0 : i32
      %dma_wait3A_773 = tpu.memref_slice %arg6[%dma_wait3A_770, %dma_wait3A_771, %dma_wait3A_772] : memref<4x64x128xf32, #tpu.memory_space<vmem>> -> memref<1x64x128xf32, #tpu.memory_space<vmem>>
      %dma_wait3A_774 = tpu.memref_squeeze %dma_wait3A_773 : memref<1x64x128xf32, #tpu.memory_space<vmem>> -> memref<64x128xf32, #tpu.memory_space<vmem>>
      %dma_wait3A_775 = arith.constant 0 : i32
      %dma_wait3A_776 = arith.constant 0 : i32
      %dma_wait3A_777 = tpu.memref_slice %arg3[%dma_wait3A_775, %dma_wait3A_776] : memref<64x1000000xf32, #tpu.memory_space<hbm>> -> memref<64x128xf32, #tpu.memory_space<hbm>>
      %dma_wait3A_778 = arith.constant 0 : i32
      %dma_wait3A_779 = arith.constant 0 : i32
      %dma_wait3A_780 = tpu.memref_slice %arg6[%dma_wait3A_770, %dma_wait3A_778, %dma_wait3A_779] : memref<4x64x128xf32, #tpu.memory_space<vmem>> -> memref<1x64x128xf32, #tpu.memory_space<vmem>>
      %dma_wait3A_781 = tpu.memref_squeeze %dma_wait3A_780 : memref<1x64x128xf32, #tpu.memory_space<vmem>> -> memref<64x128xf32, #tpu.memory_space<vmem>>
      %dma_wait3A_782 = arith.constant 0 : i32
      %dma_wait3A_783 = arith.constant 0 : i32
      %dma_wait3A_784 = tpu.memref_slice %arg3[%dma_wait3A_782, %dma_wait3A_783] : memref<64x1000000xf32, #tpu.memory_space<hbm>> -> memref<64x128xf32, #tpu.memory_space<hbm>>
      tpu.wait_dma2 semaphore(%arg8 : memref<!tpu.dma_semaphore, #tpu.memory_space<semaphore_mem>>) src(%dma_wait3A_784 : memref<64x128xf32, #tpu.memory_space<hbm>>) dst(%dma_wait3A_781 : memref<64x128xf32, #tpu.memory_space<vmem>>)
      %slice3A_785 = vector.extract_strided_slice %get3A_118 {offsets = [8], sizes = [1], strides = [1]} : vector<16xi32> to vector<1xi32>
      %squeeze3A_786 = vector.extract %slice3A_785[0] : i32 from vector<1xi32>
      %and3A_787 = arith.constant 127 : i32
      %and3A_788 = arith.andi %squeeze3A_786, %and3A_787 : i32
      %broadcast_in_dim3A_789 = vector.broadcast %and3A_788 : i32 to vector<16xi32>
      %mul3A_790 = arith.constant 16 : i32
      %mul3A_791 = arith.muli %scan3A_110, %mul3A_790 : i32
      %add3A_792 = arith.constant 8 : i32
      %add3A_793 = arith.addi %mul3A_791, %add3A_792 : i32
      %add3A_794 = arith.constant 0 : i32
      %add3A_795 = arith.addi %add3A_793, %add3A_794 : i32
      %gather3A_796 = arith.constant 0 : i32
      %gather3A_797 = arith.constant 0 : i32
      %gather3A_798 = arith.constant 0 : i32
      %gather3A_799 = tpu.memref_slice %arg6[%gather3A_796, %gather3A_797, %gather3A_798] : memref<4x64x128xf32, #tpu.memory_space<vmem>> -> memref<1x64x128xf32, #tpu.memory_space<vmem>>
      %gather3A_800 = tpu.memref_squeeze %gather3A_799 : memref<1x64x128xf32, #tpu.memory_space<vmem>> -> memref<64x128xf32, #tpu.memory_space<vmem>>
      %gather3A_801 = tpu.vector_load_idx %gather3A_800[%add3A_3, %broadcast_in_dim3A_789] : memref<64x128xf32, #tpu.memory_space<vmem>>[vector<16xi32>, vector<16xi32>], vector<16xf32>,
      %swap3A_802 = arith.index_cast %add3A_795 : i32 to index
      %swap3A_803 = arith.constant 0 : index
      %swap3A_804 = tpu.vector_load %arg7[%swap3A_802, %swap3A_803] {strides = array<i32>} : memref<256x64xf32, #tpu.memory_space<vmem>>, vector<16xf32>,
      tpu.vector_store %arg7[%swap3A_802, %swap3A_803], %gather3A_801 {strides = array<i32>} : memref<256x64xf32, #tpu.memory_space<vmem>>, vector<16xf32>,
      %gather3A_805 = arith.constant 0 : i32
      %gather3A_806 = arith.constant 0 : i32
      %gather3A_807 = arith.constant 0 : i32
      %gather3A_808 = tpu.memref_slice %arg6[%gather3A_805, %gather3A_806, %gather3A_807] : memref<4x64x128xf32, #tpu.memory_space<vmem>> -> memref<1x64x128xf32, #tpu.memory_space<vmem>>
      %gather3A_809 = tpu.memref_squeeze %gather3A_808 : memref<1x64x128xf32, #tpu.memory_space<vmem>> -> memref<64x128xf32, #tpu.memory_space<vmem>>
      %gather3A_810 = tpu.vector_load_idx %gather3A_809[%add3A_6, %broadcast_in_dim3A_789] : memref<64x128xf32, #tpu.memory_space<vmem>>[vector<16xi32>, vector<16xi32>], vector<16xf32>,
      %swap3A_811 = arith.index_cast %add3A_795 : i32 to index
      %swap3A_812 = arith.constant 16 : index
      %swap3A_813 = tpu.vector_load %arg7[%swap3A_811, %swap3A_812] {strides = array<i32>} : memref<256x64xf32, #tpu.memory_space<vmem>>, vector<16xf32>,
      tpu.vector_store %arg7[%swap3A_811, %swap3A_812], %gather3A_810 {strides = array<i32>} : memref<256x64xf32, #tpu.memory_space<vmem>>, vector<16xf32>,
      %gather3A_814 = arith.constant 0 : i32
      %gather3A_815 = arith.constant 0 : i32
      %gather3A_816 = arith.constant 0 : i32
      %gather3A_817 = tpu.memref_slice %arg6[%gather3A_814, %gather3A_815, %gather3A_816] : memref<4x64x128xf32, #tpu.memory_space<vmem>> -> memref<1x64x128xf32, #tpu.memory_space<vmem>>
      %gather3A_818 = tpu.memref_squeeze %gather3A_817 : memref<1x64x128xf32, #tpu.memory_space<vmem>> -> memref<64x128xf32, #tpu.memory_space<vmem>>
      %gather3A_819 = tpu.vector_load_idx %gather3A_818[%add3A_9, %broadcast_in_dim3A_789] : memref<64x128xf32, #tpu.memory_space<vmem>>[vector<16xi32>, vector<16xi32>], vector<16xf32>,
      %swap3A_820 = arith.index_cast %add3A_795 : i32 to index
      %swap3A_821 = arith.constant 32 : index
      %swap3A_822 = tpu.vector_load %arg7[%swap3A_820, %swap3A_821] {strides = array<i32>} : memref<256x64xf32, #tpu.memory_space<vmem>>, vector<16xf32>,
      tpu.vector_store %arg7[%swap3A_820, %swap3A_821], %gather3A_819 {strides = array<i32>} : memref<256x64xf32, #tpu.memory_space<vmem>>, vector<16xf32>,
      %gather3A_823 = arith.constant 0 : i32
      %gather3A_824 = arith.constant 0 : i32
      %gather3A_825 = arith.constant 0 : i32
      %gather3A_826 = tpu.memref_slice %arg6[%gather3A_823, %gather3A_824, %gather3A_825] : memref<4x64x128xf32, #tpu.memory_space<vmem>> -> memref<1x64x128xf32, #tpu.memory_space<vmem>>
      %gather3A_827 = tpu.memref_squeeze %gather3A_826 : memref<1x64x128xf32, #tpu.memory_space<vmem>> -> memref<64x128xf32, #tpu.memory_space<vmem>>
      %gather3A_828 = tpu.vector_load_idx %gather3A_827[%add3A_12, %broadcast_in_dim3A_789] : memref<64x128xf32, #tpu.memory_space<vmem>>[vector<16xi32>, vector<16xi32>], vector<16xf32>,
      %swap3A_829 = arith.index_cast %add3A_795 : i32 to index
      %swap3A_830 = arith.constant 48 : index
      %swap3A_831 = tpu.vector_load %arg7[%swap3A_829, %swap3A_830] {strides = array<i32>} : memref<256x64xf32, #tpu.memory_space<vmem>>, vector<16xf32>,
      tpu.vector_store %arg7[%swap3A_829, %swap3A_830], %gather3A_828 {strides = array<i32>} : memref<256x64xf32, #tpu.memory_space<vmem>>, vector<16xf32>,
      %slice3A_832 = vector.extract_strided_slice %get3A_118 {offsets = [12], sizes = [1], strides = [1]} : vector<16xi32> to vector<1xi32>
      %squeeze3A_833 = vector.extract %slice3A_832[0] : i32 from vector<1xi32>
      %shift_right_arithmetic3A_834 = arith.constant 7 : i32
      %shift_right_arithmetic3A_835 = arith.shrsi %squeeze3A_833, %shift_right_arithmetic3A_834 : i32
      %mul3A_836 = arith.constant 128 : i32
      %mul3A_837 = arith.muli %shift_right_arithmetic3A_835, %mul3A_836 : i32
      %multiple_of3A_838 = tpu.assume_multiple %mul3A_837, 128 : i32
      %dma_start3A_839 = arith.constant 0 : i32
      %dma_start3A_840 = arith.constant 0 : i32
      %dma_start3A_841 = arith.constant 0 : i32
      %dma_start3A_842 = tpu.memref_slice %arg6[%dma_start3A_839, %dma_start3A_840, %dma_start3A_841] : memref<4x64x128xf32, #tpu.memory_space<vmem>> -> memref<1x64x128xf32, #tpu.memory_space<vmem>>
      %dma_start3A_843 = tpu.memref_squeeze %dma_start3A_842 : memref<1x64x128xf32, #tpu.memory_space<vmem>> -> memref<64x128xf32, #tpu.memory_space<vmem>>
      %dma_start3A_844 = arith.constant 0 : i32
      %dma_start3A_845 = tpu.memref_slice %arg3[%dma_start3A_844, %multiple_of3A_838] : memref<64x1000000xf32, #tpu.memory_space<hbm>> -> memref<64x128xf32, #tpu.memory_space<hbm>>
      %dma_start3A_846 = arith.constant 0 : i32
      %dma_start3A_847 = arith.constant 0 : i32
      %dma_start3A_848 = tpu.memref_slice %arg6[%dma_start3A_839, %dma_start3A_846, %dma_start3A_847] : memref<4x64x128xf32, #tpu.memory_space<vmem>> -> memref<1x64x128xf32, #tpu.memory_space<vmem>>
      %dma_start3A_849 = tpu.memref_squeeze %dma_start3A_848 : memref<1x64x128xf32, #tpu.memory_space<vmem>> -> memref<64x128xf32, #tpu.memory_space<vmem>>
      %dma_start3A_850 = arith.constant 0 : i32
      %dma_start3A_851 = tpu.memref_slice %arg3[%dma_start3A_850, %multiple_of3A_838] : memref<64x1000000xf32, #tpu.memory_space<hbm>> -> memref<64x128xf32, #tpu.memory_space<hbm>>
      tpu.enqueue_dma source(%dma_start3A_851 : memref<64x128xf32, #tpu.memory_space<hbm>>) target(%dma_start3A_849 : memref<64x128xf32, #tpu.memory_space<vmem>>) target_semaphore(%arg8 : memref<!tpu.dma_semaphore, #tpu.memory_space<semaphore_mem>>)
      %dma_wait3A_852 = arith.constant 0 : i32
      %dma_wait3A_853 = arith.constant 0 : i32
      %dma_wait3A_854 = arith.constant 0 : i32
      %dma_wait3A_855 = tpu.memref_slice %arg6[%dma_wait3A_852, %dma_wait3A_853, %dma_wait3A_854] : memref<4x64x128xf32, #tpu.memory_space<vmem>> -> memref<1x64x128xf32, #tpu.memory_space<vmem>>
      %dma_wait3A_856 = tpu.memref_squeeze %dma_wait3A_855 : memref<1x64x128xf32, #tpu.memory_space<vmem>> -> memref<64x128xf32, #tpu.memory_space<vmem>>
      %dma_wait3A_857 = arith.constant 0 : i32
      %dma_wait3A_858 = arith.constant 0 : i32
      %dma_wait3A_859 = tpu.memref_slice %arg3[%dma_wait3A_857, %dma_wait3A_858] : memref<64x1000000xf32, #tpu.memory_space<hbm>> -> memref<64x128xf32, #tpu.memory_space<hbm>>
      %dma_wait3A_860 = arith.constant 0 : i32
      %dma_wait3A_861 = arith.constant 0 : i32
      %dma_wait3A_862 = tpu.memref_slice %arg6[%dma_wait3A_852, %dma_wait3A_860, %dma_wait3A_861] : memref<4x64x128xf32, #tpu.memory_space<vmem>> -> memref<1x64x128xf32, #tpu.memory_space<vmem>>
      %dma_wait3A_863 = tpu.memref_squeeze %dma_wait3A_862 : memref<1x64x128xf32, #tpu.memory_space<vmem>> -> memref<64x128xf32, #tpu.memory_space<vmem>>
      %dma_wait3A_864 = arith.constant 0 : i32
      %dma_wait3A_865 = arith.constant 0 : i32
      %dma_wait3A_866 = tpu.memref_slice %arg3[%dma_wait3A_864, %dma_wait3A_865] : memref<64x1000000xf32, #tpu.memory_space<hbm>> -> memref<64x128xf32, #tpu.memory_space<hbm>>
      tpu.wait_dma2 semaphore(%arg8 : memref<!tpu.dma_semaphore, #tpu.memory_space<semaphore_mem>>) src(%dma_wait3A_866 : memref<64x128xf32, #tpu.memory_space<hbm>>) dst(%dma_wait3A_863 : memref<64x128xf32, #tpu.memory_space<vmem>>)
      %slice3A_867 = vector.extract_strided_slice %get3A_118 {offsets = [9], sizes = [1], strides = [1]} : vector<16xi32> to vector<1xi32>
      %squeeze3A_868 = vector.extract %slice3A_867[0] : i32 from vector<1xi32>
      %and3A_869 = arith.constant 127 : i32
      %and3A_870 = arith.andi %squeeze3A_868, %and3A_869 : i32
      %broadcast_in_dim3A_871 = vector.broadcast %and3A_870 : i32 to vector<16xi32>
      %mul3A_872 = arith.constant 16 : i32
      %mul3A_873 = arith.muli %scan3A_110, %mul3A_872 : i32
      %add3A_874 = arith.constant 8 : i32
      %add3A_875 = arith.addi %mul3A_873, %add3A_874 : i32
      %add3A_876 = arith.constant 1 : i32
      %add3A_877 = arith.addi %add3A_875, %add3A_876 : i32
      %gather3A_878 = arith.constant 1 : i32
      %gather3A_879 = arith.constant 0 : i32
      %gather3A_880 = arith.constant 0 : i32
      %gather3A_881 = tpu.memref_slice %arg6[%gather3A_878, %gather3A_879, %gather3A_880] : memref<4x64x128xf32, #tpu.memory_space<vmem>> -> memref<1x64x128xf32, #tpu.memory_space<vmem>>
      %gather3A_882 = tpu.memref_squeeze %gather3A_881 : memref<1x64x128xf32, #tpu.memory_space<vmem>> -> memref<64x128xf32, #tpu.memory_space<vmem>>
      %gather3A_883 = tpu.vector_load_idx %gather3A_882[%add3A_3, %broadcast_in_dim3A_871] : memref<64x128xf32, #tpu.memory_space<vmem>>[vector<16xi32>, vector<16xi32>], vector<16xf32>,
      %swap3A_884 = arith.index_cast %add3A_877 : i32 to index
      %swap3A_885 = arith.constant 0 : index
      %swap3A_886 = tpu.vector_load %arg7[%swap3A_884, %swap3A_885] {strides = array<i32>} : memref<256x64xf32, #tpu.memory_space<vmem>>, vector<16xf32>,
      tpu.vector_store %arg7[%swap3A_884, %swap3A_885], %gather3A_883 {strides = array<i32>} : memref<256x64xf32, #tpu.memory_space<vmem>>, vector<16xf32>,
      %gather3A_887 = arith.constant 1 : i32
      %gather3A_888 = arith.constant 0 : i32
      %gather3A_889 = arith.constant 0 : i32
      %gather3A_890 = tpu.memref_slice %arg6[%gather3A_887, %gather3A_888, %gather3A_889] : memref<4x64x128xf32, #tpu.memory_space<vmem>> -> memref<1x64x128xf32, #tpu.memory_space<vmem>>
      %gather3A_891 = tpu.memref_squeeze %gather3A_890 : memref<1x64x128xf32, #tpu.memory_space<vmem>> -> memref<64x128xf32, #tpu.memory_space<vmem>>
      %gather3A_892 = tpu.vector_load_idx %gather3A_891[%add3A_6, %broadcast_in_dim3A_871] : memref<64x128xf32, #tpu.memory_space<vmem>>[vector<16xi32>, vector<16xi32>], vector<16xf32>,
      %swap3A_893 = arith.index_cast %add3A_877 : i32 to index
      %swap3A_894 = arith.constant 16 : index
      %swap3A_895 = tpu.vector_load %arg7[%swap3A_893, %swap3A_894] {strides = array<i32>} : memref<256x64xf32, #tpu.memory_space<vmem>>, vector<16xf32>,
      tpu.vector_store %arg7[%swap3A_893, %swap3A_894], %gather3A_892 {strides = array<i32>} : memref<256x64xf32, #tpu.memory_space<vmem>>, vector<16xf32>,
      %gather3A_896 = arith.constant 1 : i32
      %gather3A_897 = arith.constant 0 : i32
      %gather3A_898 = arith.constant 0 : i32
      %gather3A_899 = tpu.memref_slice %arg6[%gather3A_896, %gather3A_897, %gather3A_898] : memref<4x64x128xf32, #tpu.memory_space<vmem>> -> memref<1x64x128xf32, #tpu.memory_space<vmem>>
      %gather3A_900 = tpu.memref_squeeze %gather3A_899 : memref<1x64x128xf32, #tpu.memory_space<vmem>> -> memref<64x128xf32, #tpu.memory_space<vmem>>
      %gather3A_901 = tpu.vector_load_idx %gather3A_900[%add3A_9, %broadcast_in_dim3A_871] : memref<64x128xf32, #tpu.memory_space<vmem>>[vector<16xi32>, vector<16xi32>], vector<16xf32>,
      %swap3A_902 = arith.index_cast %add3A_877 : i32 to index
      %swap3A_903 = arith.constant 32 : index
      %swap3A_904 = tpu.vector_load %arg7[%swap3A_902, %swap3A_903] {strides = array<i32>} : memref<256x64xf32, #tpu.memory_space<vmem>>, vector<16xf32>,
      tpu.vector_store %arg7[%swap3A_902, %swap3A_903], %gather3A_901 {strides = array<i32>} : memref<256x64xf32, #tpu.memory_space<vmem>>, vector<16xf32>,
      %gather3A_905 = arith.constant 1 : i32
      %gather3A_906 = arith.constant 0 : i32
      %gather3A_907 = arith.constant 0 : i32
      %gather3A_908 = tpu.memref_slice %arg6[%gather3A_905, %gather3A_906, %gather3A_907] : memref<4x64x128xf32, #tpu.memory_space<vmem>> -> memref<1x64x128xf32, #tpu.memory_space<vmem>>
      %gather3A_909 = tpu.memref_squeeze %gather3A_908 : memref<1x64x128xf32, #tpu.memory_space<vmem>> -> memref<64x128xf32, #tpu.memory_space<vmem>>
      %gather3A_910 = tpu.vector_load_idx %gather3A_909[%add3A_12, %broadcast_in_dim3A_871] : memref<64x128xf32, #tpu.memory_space<vmem>>[vector<16xi32>, vector<16xi32>], vector<16xf32>,
      %swap3A_911 = arith.index_cast %add3A_877 : i32 to index
      %swap3A_912 = arith.constant 48 : index
      %swap3A_913 = tpu.vector_load %arg7[%swap3A_911, %swap3A_912] {strides = array<i32>} : memref<256x64xf32, #tpu.memory_space<vmem>>, vector<16xf32>,
      tpu.vector_store %arg7[%swap3A_911, %swap3A_912], %gather3A_910 {strides = array<i32>} : memref<256x64xf32, #tpu.memory_space<vmem>>, vector<16xf32>,
      %slice3A_914 = vector.extract_strided_slice %get3A_118 {offsets = [13], sizes = [1], strides = [1]} : vector<16xi32> to vector<1xi32>
      %squeeze3A_915 = vector.extract %slice3A_914[0] : i32 from vector<1xi32>
      %shift_right_arithmetic3A_916 = arith.constant 7 : i32
      %shift_right_arithmetic3A_917 = arith.shrsi %squeeze3A_915, %shift_right_arithmetic3A_916 : i32
      %mul3A_918 = arith.constant 128 : i32
      %mul3A_919 = arith.muli %shift_right_arithmetic3A_917, %mul3A_918 : i32
      %multiple_of3A_920 = tpu.assume_multiple %mul3A_919, 128 : i32
      %dma_start3A_921 = arith.constant 1 : i32
      %dma_start3A_922 = arith.constant 0 : i32
      %dma_start3A_923 = arith.constant 0 : i32
      %dma_start3A_924 = tpu.memref_slice %arg6[%dma_start3A_921, %dma_start3A_922, %dma_start3A_923] : memref<4x64x128xf32, #tpu.memory_space<vmem>> -> memref<1x64x128xf32, #tpu.memory_space<vmem>>
      %dma_start3A_925 = tpu.memref_squeeze %dma_start3A_924 : memref<1x64x128xf32, #tpu.memory_space<vmem>> -> memref<64x128xf32, #tpu.memory_space<vmem>>
      %dma_start3A_926 = arith.constant 0 : i32
      %dma_start3A_927 = tpu.memref_slice %arg3[%dma_start3A_926, %multiple_of3A_920] : memref<64x1000000xf32, #tpu.memory_space<hbm>> -> memref<64x128xf32, #tpu.memory_space<hbm>>
      %dma_start3A_928 = arith.constant 0 : i32
      %dma_start3A_929 = arith.constant 0 : i32
      %dma_start3A_930 = tpu.memref_slice %arg6[%dma_start3A_921, %dma_start3A_928, %dma_start3A_929] : memref<4x64x128xf32, #tpu.memory_space<vmem>> -> memref<1x64x128xf32, #tpu.memory_space<vmem>>
      %dma_start3A_931 = tpu.memref_squeeze %dma_start3A_930 : memref<1x64x128xf32, #tpu.memory_space<vmem>> -> memref<64x128xf32, #tpu.memory_space<vmem>>
      %dma_start3A_932 = arith.constant 0 : i32
      %dma_start3A_933 = tpu.memref_slice %arg3[%dma_start3A_932, %multiple_of3A_920] : memref<64x1000000xf32, #tpu.memory_space<hbm>> -> memref<64x128xf32, #tpu.memory_space<hbm>>
      tpu.enqueue_dma source(%dma_start3A_933 : memref<64x128xf32, #tpu.memory_space<hbm>>) target(%dma_start3A_931 : memref<64x128xf32, #tpu.memory_space<vmem>>) target_semaphore(%arg8 : memref<!tpu.dma_semaphore, #tpu.memory_space<semaphore_mem>>)
      %dma_wait3A_934 = arith.constant 0 : i32
      %dma_wait3A_935 = arith.constant 0 : i32
      %dma_wait3A_936 = arith.constant 0 : i32
      %dma_wait3A_937 = tpu.memref_slice %arg6[%dma_wait3A_934, %dma_wait3A_935, %dma_wait3A_936] : memref<4x64x128xf32, #tpu.memory_space<vmem>> -> memref<1x64x128xf32, #tpu.memory_space<vmem>>
      %dma_wait3A_938 = tpu.memref_squeeze %dma_wait3A_937 : memref<1x64x128xf32, #tpu.memory_space<vmem>> -> memref<64x128xf32, #tpu.memory_space<vmem>>
      %dma_wait3A_939 = arith.constant 0 : i32
      %dma_wait3A_940 = arith.constant 0 : i32
      %dma_wait3A_941 = tpu.memref_slice %arg3[%dma_wait3A_939, %dma_wait3A_940] : memref<64x1000000xf32, #tpu.memory_space<hbm>> -> memref<64x128xf32, #tpu.memory_space<hbm>>
      %dma_wait3A_942 = arith.constant 0 : i32
      %dma_wait3A_943 = arith.constant 0 : i32
      %dma_wait3A_944 = tpu.memref_slice %arg6[%dma_wait3A_934, %dma_wait3A_942, %dma_wait3A_943] : memref<4x64x128xf32, #tpu.memory_space<vmem>> -> memref<1x64x128xf32, #tpu.memory_space<vmem>>
      %dma_wait3A_945 = tpu.memref_squeeze %dma_wait3A_944 : memref<1x64x128xf32, #tpu.memory_space<vmem>> -> memref<64x128xf32, #tpu.memory_space<vmem>>
      %dma_wait3A_946 = arith.constant 0 : i32
      %dma_wait3A_947 = arith.constant 0 : i32
      %dma_wait3A_948 = tpu.memref_slice %arg3[%dma_wait3A_946, %dma_wait3A_947] : memref<64x1000000xf32, #tpu.memory_space<hbm>> -> memref<64x128xf32, #tpu.memory_space<hbm>>
      tpu.wait_dma2 semaphore(%arg8 : memref<!tpu.dma_semaphore, #tpu.memory_space<semaphore_mem>>) src(%dma_wait3A_948 : memref<64x128xf32, #tpu.memory_space<hbm>>) dst(%dma_wait3A_945 : memref<64x128xf32, #tpu.memory_space<vmem>>)
      %slice3A_949 = vector.extract_strided_slice %get3A_118 {offsets = [10], sizes = [1], strides = [1]} : vector<16xi32> to vector<1xi32>
      %squeeze3A_950 = vector.extract %slice3A_949[0] : i32 from vector<1xi32>
      %and3A_951 = arith.constant 127 : i32
      %and3A_952 = arith.andi %squeeze3A_950, %and3A_951 : i32
      %broadcast_in_dim3A_953 = vector.broadcast %and3A_952 : i32 to vector<16xi32>
      %mul3A_954 = arith.constant 16 : i32
      %mul3A_955 = arith.muli %scan3A_110, %mul3A_954 : i32
      %add3A_956 = arith.constant 8 : i32
      %add3A_957 = arith.addi %mul3A_955, %add3A_956 : i32
      %add3A_958 = arith.constant 2 : i32
      %add3A_959 = arith.addi %add3A_957, %add3A_958 : i32
      %gather3A_960 = arith.constant 2 : i32
      %gather3A_961 = arith.constant 0 : i32
      %gather3A_962 = arith.constant 0 : i32
      %gather3A_963 = tpu.memref_slice %arg6[%gather3A_960, %gather3A_961, %gather3A_962] : memref<4x64x128xf32, #tpu.memory_space<vmem>> -> memref<1x64x128xf32, #tpu.memory_space<vmem>>
      %gather3A_964 = tpu.memref_squeeze %gather3A_963 : memref<1x64x128xf32, #tpu.memory_space<vmem>> -> memref<64x128xf32, #tpu.memory_space<vmem>>
      %gather3A_965 = tpu.vector_load_idx %gather3A_964[%add3A_3, %broadcast_in_dim3A_953] : memref<64x128xf32, #tpu.memory_space<vmem>>[vector<16xi32>, vector<16xi32>], vector<16xf32>,
      %swap3A_966 = arith.index_cast %add3A_959 : i32 to index
      %swap3A_967 = arith.constant 0 : index
      %swap3A_968 = tpu.vector_load %arg7[%swap3A_966, %swap3A_967] {strides = array<i32>} : memref<256x64xf32, #tpu.memory_space<vmem>>, vector<16xf32>,
      tpu.vector_store %arg7[%swap3A_966, %swap3A_967], %gather3A_965 {strides = array<i32>} : memref<256x64xf32, #tpu.memory_space<vmem>>, vector<16xf32>,
      %gather3A_969 = arith.constant 2 : i32
      %gather3A_970 = arith.constant 0 : i32
      %gather3A_971 = arith.constant 0 : i32
      %gather3A_972 = tpu.memref_slice %arg6[%gather3A_969, %gather3A_970, %gather3A_971] : memref<4x64x128xf32, #tpu.memory_space<vmem>> -> memref<1x64x128xf32, #tpu.memory_space<vmem>>
      %gather3A_973 = tpu.memref_squeeze %gather3A_972 : memref<1x64x128xf32, #tpu.memory_space<vmem>> -> memref<64x128xf32, #tpu.memory_space<vmem>>
      %gather3A_974 = tpu.vector_load_idx %gather3A_973[%add3A_6, %broadcast_in_dim3A_953] : memref<64x128xf32, #tpu.memory_space<vmem>>[vector<16xi32>, vector<16xi32>], vector<16xf32>,
      %swap3A_975 = arith.index_cast %add3A_959 : i32 to index
      %swap3A_976 = arith.constant 16 : index
      %swap3A_977 = tpu.vector_load %arg7[%swap3A_975, %swap3A_976] {strides = array<i32>} : memref<256x64xf32, #tpu.memory_space<vmem>>, vector<16xf32>,
      tpu.vector_store %arg7[%swap3A_975, %swap3A_976], %gather3A_974 {strides = array<i32>} : memref<256x64xf32, #tpu.memory_space<vmem>>, vector<16xf32>,
      %gather3A_978 = arith.constant 2 : i32
      %gather3A_979 = arith.constant 0 : i32
      %gather3A_980 = arith.constant 0 : i32
      %gather3A_981 = tpu.memref_slice %arg6[%gather3A_978, %gather3A_979, %gather3A_980] : memref<4x64x128xf32, #tpu.memory_space<vmem>> -> memref<1x64x128xf32, #tpu.memory_space<vmem>>
      %gather3A_982 = tpu.memref_squeeze %gather3A_981 : memref<1x64x128xf32, #tpu.memory_space<vmem>> -> memref<64x128xf32, #tpu.memory_space<vmem>>
      %gather3A_983 = tpu.vector_load_idx %gather3A_982[%add3A_9, %broadcast_in_dim3A_953] : memref<64x128xf32, #tpu.memory_space<vmem>>[vector<16xi32>, vector<16xi32>], vector<16xf32>,
      %swap3A_984 = arith.index_cast %add3A_959 : i32 to index
      %swap3A_985 = arith.constant 32 : index
      %swap3A_986 = tpu.vector_load %arg7[%swap3A_984, %swap3A_985] {strides = array<i32>} : memref<256x64xf32, #tpu.memory_space<vmem>>, vector<16xf32>,
      tpu.vector_store %arg7[%swap3A_984, %swap3A_985], %gather3A_983 {strides = array<i32>} : memref<256x64xf32, #tpu.memory_space<vmem>>, vector<16xf32>,
      %gather3A_987 = arith.constant 2 : i32
      %gather3A_988 = arith.constant 0 : i32
      %gather3A_989 = arith.constant 0 : i32
      %gather3A_990 = tpu.memref_slice %arg6[%gather3A_987, %gather3A_988, %gather3A_989] : memref<4x64x128xf32, #tpu.memory_space<vmem>> -> memref<1x64x128xf32, #tpu.memory_space<vmem>>
      %gather3A_991 = tpu.memref_squeeze %gather3A_990 : memref<1x64x128xf32, #tpu.memory_space<vmem>> -> memref<64x128xf32, #tpu.memory_space<vmem>>
      %gather3A_992 = tpu.vector_load_idx %gather3A_991[%add3A_12, %broadcast_in_dim3A_953] : memref<64x128xf32, #tpu.memory_space<vmem>>[vector<16xi32>, vector<16xi32>], vector<16xf32>,
      %swap3A_993 = arith.index_cast %add3A_959 : i32 to index
      %swap3A_994 = arith.constant 48 : index
      %swap3A_995 = tpu.vector_load %arg7[%swap3A_993, %swap3A_994] {strides = array<i32>} : memref<256x64xf32, #tpu.memory_space<vmem>>, vector<16xf32>,
      tpu.vector_store %arg7[%swap3A_993, %swap3A_994], %gather3A_992 {strides = array<i32>} : memref<256x64xf32, #tpu.memory_space<vmem>>, vector<16xf32>,
      %slice3A_996 = vector.extract_strided_slice %get3A_118 {offsets = [14], sizes = [1], strides = [1]} : vector<16xi32> to vector<1xi32>
      %squeeze3A_997 = vector.extract %slice3A_996[0] : i32 from vector<1xi32>
      %shift_right_arithmetic3A_998 = arith.constant 7 : i32
      %shift_right_arithmetic3A_999 = arith.shrsi %squeeze3A_997, %shift_right_arithmetic3A_998 : i32
      %mul3A_1000 = arith.constant 128 : i32
      %mul3A_1001 = arith.muli %shift_right_arithmetic3A_999, %mul3A_1000 : i32
      %multiple_of3A_1002 = tpu.assume_multiple %mul3A_1001, 128 : i32
      %dma_start3A_1003 = arith.constant 2 : i32
      %dma_start3A_1004 = arith.constant 0 : i32
      %dma_start3A_1005 = arith.constant 0 : i32
      %dma_start3A_1006 = tpu.memref_slice %arg6[%dma_start3A_1003, %dma_start3A_1004, %dma_start3A_1005] : memref<4x64x128xf32, #tpu.memory_space<vmem>> -> memref<1x64x128xf32, #tpu.memory_space<vmem>>
      %dma_start3A_1007 = tpu.memref_squeeze %dma_start3A_1006 : memref<1x64x128xf32, #tpu.memory_space<vmem>> -> memref<64x128xf32, #tpu.memory_space<vmem>>
      %dma_start3A_1008 = arith.constant 0 : i32
      %dma_start3A_1009 = tpu.memref_slice %arg3[%dma_start3A_1008, %multiple_of3A_1002] : memref<64x1000000xf32, #tpu.memory_space<hbm>> -> memref<64x128xf32, #tpu.memory_space<hbm>>
      %dma_start3A_1010 = arith.constant 0 : i32
      %dma_start3A_1011 = arith.constant 0 : i32
      %dma_start3A_1012 = tpu.memref_slice %arg6[%dma_start3A_1003, %dma_start3A_1010, %dma_start3A_1011] : memref<4x64x128xf32, #tpu.memory_space<vmem>> -> memref<1x64x128xf32, #tpu.memory_space<vmem>>
      %dma_start3A_1013 = tpu.memref_squeeze %dma_start3A_1012 : memref<1x64x128xf32, #tpu.memory_space<vmem>> -> memref<64x128xf32, #tpu.memory_space<vmem>>
      %dma_start3A_1014 = arith.constant 0 : i32
      %dma_start3A_1015 = tpu.memref_slice %arg3[%dma_start3A_1014, %multiple_of3A_1002] : memref<64x1000000xf32, #tpu.memory_space<hbm>> -> memref<64x128xf32, #tpu.memory_space<hbm>>
      tpu.enqueue_dma source(%dma_start3A_1015 : memref<64x128xf32, #tpu.memory_space<hbm>>) target(%dma_start3A_1013 : memref<64x128xf32, #tpu.memory_space<vmem>>) target_semaphore(%arg8 : memref<!tpu.dma_semaphore, #tpu.memory_space<semaphore_mem>>)
      %dma_wait3A_1016 = arith.constant 0 : i32
      %dma_wait3A_1017 = arith.constant 0 : i32
      %dma_wait3A_1018 = arith.constant 0 : i32
      %dma_wait3A_1019 = tpu.memref_slice %arg6[%dma_wait3A_1016, %dma_wait3A_1017, %dma_wait3A_1018] : memref<4x64x128xf32, #tpu.memory_space<vmem>> -> memref<1x64x128xf32, #tpu.memory_space<vmem>>
      %dma_wait3A_1020 = tpu.memref_squeeze %dma_wait3A_1019 : memref<1x64x128xf32, #tpu.memory_space<vmem>> -> memref<64x128xf32, #tpu.memory_space<vmem>>
      %dma_wait3A_1021 = arith.constant 0 : i32
      %dma_wait3A_1022 = arith.constant 0 : i32
      %dma_wait3A_1023 = tpu.memref_slice %arg3[%dma_wait3A_1021, %dma_wait3A_1022] : memref<64x1000000xf32, #tpu.memory_space<hbm>> -> memref<64x128xf32, #tpu.memory_space<hbm>>
      %dma_wait3A_1024 = arith.constant 0 : i32
      %dma_wait3A_1025 = arith.constant 0 : i32
      %dma_wait3A_1026 = tpu.memref_slice %arg6[%dma_wait3A_1016, %dma_wait3A_1024, %dma_wait3A_1025] : memref<4x64x128xf32, #tpu.memory_space<vmem>> -> memref<1x64x128xf32, #tpu.memory_space<vmem>>
      %dma_wait3A_1027 = tpu.memref_squeeze %dma_wait3A_1026 : memref<1x64x128xf32, #tpu.memory_space<vmem>> -> memref<64x128xf32, #tpu.memory_space<vmem>>
      %dma_wait3A_1028 = arith.constant 0 : i32
      %dma_wait3A_1029 = arith.constant 0 : i32
      %dma_wait3A_1030 = tpu.memref_slice %arg3[%dma_wait3A_1028, %dma_wait3A_1029] : memref<64x1000000xf32, #tpu.memory_space<hbm>> -> memref<64x128xf32, #tpu.memory_space<hbm>>
      tpu.wait_dma2 semaphore(%arg8 : memref<!tpu.dma_semaphore, #tpu.memory_space<semaphore_mem>>) src(%dma_wait3A_1030 : memref<64x128xf32, #tpu.memory_space<hbm>>) dst(%dma_wait3A_1027 : memref<64x128xf32, #tpu.memory_space<vmem>>)
      %slice3A_1031 = vector.extract_strided_slice %get3A_118 {offsets = [11], sizes = [1], strides = [1]} : vector<16xi32> to vector<1xi32>
      %squeeze3A_1032 = vector.extract %slice3A_1031[0] : i32 from vector<1xi32>
      %and3A_1033 = arith.constant 127 : i32
      %and3A_1034 = arith.andi %squeeze3A_1032, %and3A_1033 : i32
      %broadcast_in_dim3A_1035 = vector.broadcast %and3A_1034 : i32 to vector<16xi32>
      %mul3A_1036 = arith.constant 16 : i32
      %mul3A_1037 = arith.muli %scan3A_110, %mul3A_1036 : i32
      %add3A_1038 = arith.constant 8 : i32
      %add3A_1039 = arith.addi %mul3A_1037, %add3A_1038 : i32
      %add3A_1040 = arith.constant 3 : i32
      %add3A_1041 = arith.addi %add3A_1039, %add3A_1040 : i32
      %gather3A_1042 = arith.constant 3 : i32
      %gather3A_1043 = arith.constant 0 : i32
      %gather3A_1044 = arith.constant 0 : i32
      %gather3A_1045 = tpu.memref_slice %arg6[%gather3A_1042, %gather3A_1043, %gather3A_1044] : memref<4x64x128xf32, #tpu.memory_space<vmem>> -> memref<1x64x128xf32, #tpu.memory_space<vmem>>
      %gather3A_1046 = tpu.memref_squeeze %gather3A_1045 : memref<1x64x128xf32, #tpu.memory_space<vmem>> -> memref<64x128xf32, #tpu.memory_space<vmem>>
      %gather3A_1047 = tpu.vector_load_idx %gather3A_1046[%add3A_3, %broadcast_in_dim3A_1035] : memref<64x128xf32, #tpu.memory_space<vmem>>[vector<16xi32>, vector<16xi32>], vector<16xf32>,
      %swap3A_1048 = arith.index_cast %add3A_1041 : i32 to index
      %swap3A_1049 = arith.constant 0 : index
      %swap3A_1050 = tpu.vector_load %arg7[%swap3A_1048, %swap3A_1049] {strides = array<i32>} : memref<256x64xf32, #tpu.memory_space<vmem>>, vector<16xf32>,
      tpu.vector_store %arg7[%swap3A_1048, %swap3A_1049], %gather3A_1047 {strides = array<i32>} : memref<256x64xf32, #tpu.memory_space<vmem>>, vector<16xf32>,
      %gather3A_1051 = arith.constant 3 : i32
      %gather3A_1052 = arith.constant 0 : i32
      %gather3A_1053 = arith.constant 0 : i32
      %gather3A_1054 = tpu.memref_slice %arg6[%gather3A_1051, %gather3A_1052, %gather3A_1053] : memref<4x64x128xf32, #tpu.memory_space<vmem>> -> memref<1x64x128xf32, #tpu.memory_space<vmem>>
      %gather3A_1055 = tpu.memref_squeeze %gather3A_1054 : memref<1x64x128xf32, #tpu.memory_space<vmem>> -> memref<64x128xf32, #tpu.memory_space<vmem>>
      %gather3A_1056 = tpu.vector_load_idx %gather3A_1055[%add3A_6, %broadcast_in_dim3A_1035] : memref<64x128xf32, #tpu.memory_space<vmem>>[vector<16xi32>, vector<16xi32>], vector<16xf32>,
      %swap3A_1057 = arith.index_cast %add3A_1041 : i32 to index
      %swap3A_1058 = arith.constant 16 : index
      %swap3A_1059 = tpu.vector_load %arg7[%swap3A_1057, %swap3A_1058] {strides = array<i32>} : memref<256x64xf32, #tpu.memory_space<vmem>>, vector<16xf32>,
      tpu.vector_store %arg7[%swap3A_1057, %swap3A_1058], %gather3A_1056 {strides = array<i32>} : memref<256x64xf32, #tpu.memory_space<vmem>>, vector<16xf32>,
      %gather3A_1060 = arith.constant 3 : i32
      %gather3A_1061 = arith.constant 0 : i32
      %gather3A_1062 = arith.constant 0 : i32
      %gather3A_1063 = tpu.memref_slice %arg6[%gather3A_1060, %gather3A_1061, %gather3A_1062] : memref<4x64x128xf32, #tpu.memory_space<vmem>> -> memref<1x64x128xf32, #tpu.memory_space<vmem>>
      %gather3A_1064 = tpu.memref_squeeze %gather3A_1063 : memref<1x64x128xf32, #tpu.memory_space<vmem>> -> memref<64x128xf32, #tpu.memory_space<vmem>>
      %gather3A_1065 = tpu.vector_load_idx %gather3A_1064[%add3A_9, %broadcast_in_dim3A_1035] : memref<64x128xf32, #tpu.memory_space<vmem>>[vector<16xi32>, vector<16xi32>], vector<16xf32>,
      %swap3A_1066 = arith.index_cast %add3A_1041 : i32 to index
      %swap3A_1067 = arith.constant 32 : index
      %swap3A_1068 = tpu.vector_load %arg7[%swap3A_1066, %swap3A_1067] {strides = array<i32>} : memref<256x64xf32, #tpu.memory_space<vmem>>, vector<16xf32>,
      tpu.vector_store %arg7[%swap3A_1066, %swap3A_1067], %gather3A_1065 {strides = array<i32>} : memref<256x64xf32, #tpu.memory_space<vmem>>, vector<16xf32>,
      %gather3A_1069 = arith.constant 3 : i32
      %gather3A_1070 = arith.constant 0 : i32
      %gather3A_1071 = arith.constant 0 : i32
      %gather3A_1072 = tpu.memref_slice %arg6[%gather3A_1069, %gather3A_1070, %gather3A_1071] : memref<4x64x128xf32, #tpu.memory_space<vmem>> -> memref<1x64x128xf32, #tpu.memory_space<vmem>>
      %gather3A_1073 = tpu.memref_squeeze %gather3A_1072 : memref<1x64x128xf32, #tpu.memory_space<vmem>> -> memref<64x128xf32, #tpu.memory_space<vmem>>
      %gather3A_1074 = tpu.vector_load_idx %gather3A_1073[%add3A_12, %broadcast_in_dim3A_1035] : memref<64x128xf32, #tpu.memory_space<vmem>>[vector<16xi32>, vector<16xi32>], vector<16xf32>,
      %swap3A_1075 = arith.index_cast %add3A_1041 : i32 to index
      %swap3A_1076 = arith.constant 48 : index
      %swap3A_1077 = tpu.vector_load %arg7[%swap3A_1075, %swap3A_1076] {strides = array<i32>} : memref<256x64xf32, #tpu.memory_space<vmem>>, vector<16xf32>,
      tpu.vector_store %arg7[%swap3A_1075, %swap3A_1076], %gather3A_1074 {strides = array<i32>} : memref<256x64xf32, #tpu.memory_space<vmem>>, vector<16xf32>,
      %slice3A_1078 = vector.extract_strided_slice %get3A_118 {offsets = [15], sizes = [1], strides = [1]} : vector<16xi32> to vector<1xi32>
      %squeeze3A_1079 = vector.extract %slice3A_1078[0] : i32 from vector<1xi32>
      %shift_right_arithmetic3A_1080 = arith.constant 7 : i32
      %shift_right_arithmetic3A_1081 = arith.shrsi %squeeze3A_1079, %shift_right_arithmetic3A_1080 : i32
      %mul3A_1082 = arith.constant 128 : i32
      %mul3A_1083 = arith.muli %shift_right_arithmetic3A_1081, %mul3A_1082 : i32
      %multiple_of3A_1084 = tpu.assume_multiple %mul3A_1083, 128 : i32
      %dma_start3A_1085 = arith.constant 3 : i32
      %dma_start3A_1086 = arith.constant 0 : i32
      %dma_start3A_1087 = arith.constant 0 : i32
      %dma_start3A_1088 = tpu.memref_slice %arg6[%dma_start3A_1085, %dma_start3A_1086, %dma_start3A_1087] : memref<4x64x128xf32, #tpu.memory_space<vmem>> -> memref<1x64x128xf32, #tpu.memory_space<vmem>>
      %dma_start3A_1089 = tpu.memref_squeeze %dma_start3A_1088 : memref<1x64x128xf32, #tpu.memory_space<vmem>> -> memref<64x128xf32, #tpu.memory_space<vmem>>
      %dma_start3A_1090 = arith.constant 0 : i32
      %dma_start3A_1091 = tpu.memref_slice %arg3[%dma_start3A_1090, %multiple_of3A_1084] : memref<64x1000000xf32, #tpu.memory_space<hbm>> -> memref<64x128xf32, #tpu.memory_space<hbm>>
      %dma_start3A_1092 = arith.constant 0 : i32
      %dma_start3A_1093 = arith.constant 0 : i32
      %dma_start3A_1094 = tpu.memref_slice %arg6[%dma_start3A_1085, %dma_start3A_1092, %dma_start3A_1093] : memref<4x64x128xf32, #tpu.memory_space<vmem>> -> memref<1x64x128xf32, #tpu.memory_space<vmem>>
      %dma_start3A_1095 = tpu.memref_squeeze %dma_start3A_1094 : memref<1x64x128xf32, #tpu.memory_space<vmem>> -> memref<64x128xf32, #tpu.memory_space<vmem>>
      %dma_start3A_1096 = arith.constant 0 : i32
      %dma_start3A_1097 = tpu.memref_slice %arg3[%dma_start3A_1096, %multiple_of3A_1084] : memref<64x1000000xf32, #tpu.memory_space<hbm>> -> memref<64x128xf32, #tpu.memory_space<hbm>>
      tpu.enqueue_dma source(%dma_start3A_1097 : memref<64x128xf32, #tpu.memory_space<hbm>>) target(%dma_start3A_1095 : memref<64x128xf32, #tpu.memory_space<vmem>>) target_semaphore(%arg8 : memref<!tpu.dma_semaphore, #tpu.memory_space<semaphore_mem>>)
      %dma_wait3A_1098 = arith.constant 0 : i32
      %dma_wait3A_1099 = arith.constant 0 : i32
      %dma_wait3A_1100 = arith.constant 0 : i32
      %dma_wait3A_1101 = tpu.memref_slice %arg6[%dma_wait3A_1098, %dma_wait3A_1099, %dma_wait3A_1100] : memref<4x64x128xf32, #tpu.memory_space<vmem>> -> memref<1x64x128xf32, #tpu.memory_space<vmem>>
      %dma_wait3A_1102 = tpu.memref_squeeze %dma_wait3A_1101 : memref<1x64x128xf32, #tpu.memory_space<vmem>> -> memref<64x128xf32, #tpu.memory_space<vmem>>
      %dma_wait3A_1103 = arith.constant 0 : i32
      %dma_wait3A_1104 = arith.constant 0 : i32
      %dma_wait3A_1105 = tpu.memref_slice %arg3[%dma_wait3A_1103, %dma_wait3A_1104] : memref<64x1000000xf32, #tpu.memory_space<hbm>> -> memref<64x128xf32, #tpu.memory_space<hbm>>
      %dma_wait3A_1106 = arith.constant 0 : i32
      %dma_wait3A_1107 = arith.constant 0 : i32
      %dma_wait3A_1108 = tpu.memref_slice %arg6[%dma_wait3A_1098, %dma_wait3A_1106, %dma_wait3A_1107] : memref<4x64x128xf32, #tpu.memory_space<vmem>> -> memref<1x64x128xf32, #tpu.memory_space<vmem>>
      %dma_wait3A_1109 = tpu.memref_squeeze %dma_wait3A_1108 : memref<1x64x128xf32, #tpu.memory_space<vmem>> -> memref<64x128xf32, #tpu.memory_space<vmem>>
      %dma_wait3A_1110 = arith.constant 0 : i32
      %dma_wait3A_1111 = arith.constant 0 : i32
      %dma_wait3A_1112 = tpu.memref_slice %arg3[%dma_wait3A_1110, %dma_wait3A_1111] : memref<64x1000000xf32, #tpu.memory_space<hbm>> -> memref<64x128xf32, #tpu.memory_space<hbm>>
      tpu.wait_dma2 semaphore(%arg8 : memref<!tpu.dma_semaphore, #tpu.memory_space<semaphore_mem>>) src(%dma_wait3A_1112 : memref<64x128xf32, #tpu.memory_space<hbm>>) dst(%dma_wait3A_1109 : memref<64x128xf32, #tpu.memory_space<vmem>>)
      %slice3A_1113 = vector.extract_strided_slice %get3A_118 {offsets = [12], sizes = [1], strides = [1]} : vector<16xi32> to vector<1xi32>
      %squeeze3A_1114 = vector.extract %slice3A_1113[0] : i32 from vector<1xi32>
      %and3A_1115 = arith.constant 127 : i32
      %and3A_1116 = arith.andi %squeeze3A_1114, %and3A_1115 : i32
      %broadcast_in_dim3A_1117 = vector.broadcast %and3A_1116 : i32 to vector<16xi32>
      %mul3A_1118 = arith.constant 16 : i32
      %mul3A_1119 = arith.muli %scan3A_110, %mul3A_1118 : i32
      %add3A_1120 = arith.constant 12 : i32
      %add3A_1121 = arith.addi %mul3A_1119, %add3A_1120 : i32
      %add3A_1122 = arith.constant 0 : i32
      %add3A_1123 = arith.addi %add3A_1121, %add3A_1122 : i32
      %gather3A_1124 = arith.constant 0 : i32
      %gather3A_1125 = arith.constant 0 : i32
      %gather3A_1126 = arith.constant 0 : i32
      %gather3A_1127 = tpu.memref_slice %arg6[%gather3A_1124, %gather3A_1125, %gather3A_1126] : memref<4x64x128xf32, #tpu.memory_space<vmem>> -> memref<1x64x128xf32, #tpu.memory_space<vmem>>
      %gather3A_1128 = tpu.memref_squeeze %gather3A_1127 : memref<1x64x128xf32, #tpu.memory_space<vmem>> -> memref<64x128xf32, #tpu.memory_space<vmem>>
      %gather3A_1129 = tpu.vector_load_idx %gather3A_1128[%add3A_3, %broadcast_in_dim3A_1117] : memref<64x128xf32, #tpu.memory_space<vmem>>[vector<16xi32>, vector<16xi32>], vector<16xf32>,
      %swap3A_1130 = arith.index_cast %add3A_1123 : i32 to index
      %swap3A_1131 = arith.constant 0 : index
      %swap3A_1132 = tpu.vector_load %arg7[%swap3A_1130, %swap3A_1131] {strides = array<i32>} : memref<256x64xf32, #tpu.memory_space<vmem>>, vector<16xf32>,
      tpu.vector_store %arg7[%swap3A_1130, %swap3A_1131], %gather3A_1129 {strides = array<i32>} : memref<256x64xf32, #tpu.memory_space<vmem>>, vector<16xf32>,
      %gather3A_1133 = arith.constant 0 : i32
      %gather3A_1134 = arith.constant 0 : i32
      %gather3A_1135 = arith.constant 0 : i32
      %gather3A_1136 = tpu.memref_slice %arg6[%gather3A_1133, %gather3A_1134, %gather3A_1135] : memref<4x64x128xf32, #tpu.memory_space<vmem>> -> memref<1x64x128xf32, #tpu.memory_space<vmem>>
      %gather3A_1137 = tpu.memref_squeeze %gather3A_1136 : memref<1x64x128xf32, #tpu.memory_space<vmem>> -> memref<64x128xf32, #tpu.memory_space<vmem>>
      %gather3A_1138 = tpu.vector_load_idx %gather3A_1137[%add3A_6, %broadcast_in_dim3A_1117] : memref<64x128xf32, #tpu.memory_space<vmem>>[vector<16xi32>, vector<16xi32>], vector<16xf32>,
      %swap3A_1139 = arith.index_cast %add3A_1123 : i32 to index
      %swap3A_1140 = arith.constant 16 : index
      %swap3A_1141 = tpu.vector_load %arg7[%swap3A_1139, %swap3A_1140] {strides = array<i32>} : memref<256x64xf32, #tpu.memory_space<vmem>>, vector<16xf32>,
      tpu.vector_store %arg7[%swap3A_1139, %swap3A_1140], %gather3A_1138 {strides = array<i32>} : memref<256x64xf32, #tpu.memory_space<vmem>>, vector<16xf32>,
      %gather3A_1142 = arith.constant 0 : i32
      %gather3A_1143 = arith.constant 0 : i32
      %gather3A_1144 = arith.constant 0 : i32
      %gather3A_1145 = tpu.memref_slice %arg6[%gather3A_1142, %gather3A_1143, %gather3A_1144] : memref<4x64x128xf32, #tpu.memory_space<vmem>> -> memref<1x64x128xf32, #tpu.memory_space<vmem>>
      %gather3A_1146 = tpu.memref_squeeze %gather3A_1145 : memref<1x64x128xf32, #tpu.memory_space<vmem>> -> memref<64x128xf32, #tpu.memory_space<vmem>>
      %gather3A_1147 = tpu.vector_load_idx %gather3A_1146[%add3A_9, %broadcast_in_dim3A_1117] : memref<64x128xf32, #tpu.memory_space<vmem>>[vector<16xi32>, vector<16xi32>], vector<16xf32>,
      %swap3A_1148 = arith.index_cast %add3A_1123 : i32 to index
      %swap3A_1149 = arith.constant 32 : index
      %swap3A_1150 = tpu.vector_load %arg7[%swap3A_1148, %swap3A_1149] {strides = array<i32>} : memref<256x64xf32, #tpu.memory_space<vmem>>, vector<16xf32>,
      tpu.vector_store %arg7[%swap3A_1148, %swap3A_1149], %gather3A_1147 {strides = array<i32>} : memref<256x64xf32, #tpu.memory_space<vmem>>, vector<16xf32>,
      %gather3A_1151 = arith.constant 0 : i32
      %gather3A_1152 = arith.constant 0 : i32
      %gather3A_1153 = arith.constant 0 : i32
      %gather3A_1154 = tpu.memref_slice %arg6[%gather3A_1151, %gather3A_1152, %gather3A_1153] : memref<4x64x128xf32, #tpu.memory_space<vmem>> -> memref<1x64x128xf32, #tpu.memory_space<vmem>>
      %gather3A_1155 = tpu.memref_squeeze %gather3A_1154 : memref<1x64x128xf32, #tpu.memory_space<vmem>> -> memref<64x128xf32, #tpu.memory_space<vmem>>
      %gather3A_1156 = tpu.vector_load_idx %gather3A_1155[%add3A_12, %broadcast_in_dim3A_1117] : memref<64x128xf32, #tpu.memory_space<vmem>>[vector<16xi32>, vector<16xi32>], vector<16xf32>,
      %swap3A_1157 = arith.index_cast %add3A_1123 : i32 to index
      %swap3A_1158 = arith.constant 48 : index
      %swap3A_1159 = tpu.vector_load %arg7[%swap3A_1157, %swap3A_1158] {strides = array<i32>} : memref<256x64xf32, #tpu.memory_space<vmem>>, vector<16xf32>,
      tpu.vector_store %arg7[%swap3A_1157, %swap3A_1158], %gather3A_1156 {strides = array<i32>} : memref<256x64xf32, #tpu.memory_space<vmem>>, vector<16xf32>,
      %lt3A = arith.constant 15 : i32
      %lt3A_1160 = arith.cmpi slt, %scan3A_110, %lt3A : i32
      %convert_element_type3A = arith.extui %lt3A_1160 : i1 to i32
      %cond3A = arith.constant 0 : i32
      %cond3A_1161 = arith.cmpi ne, %convert_element_type3A, %cond3A : i32
      scf.if %cond3A_1161 {
        %add3A_1363 = arith.constant 1 : i32
        %add3A_1364 = arith.addi %scan3A_110, %add3A_1363 : i32
        %mul3A_1365 = arith.constant 16 : i32
        %mul3A_1366 = arith.muli %add3A_1364, %mul3A_1365 : i32
        %add3A_1367 = arith.constant 256 : i32
        %add3A_1368 = arith.addi %add3A_1367, %mul3A_1366 : i32
        %get3A_1369 = arith.constant 0 : i32
        %get3A_1370 = arith.index_cast %get3A_1369 : i32 to index
        %get3A_1371 = arith.index_cast %add3A_1368 : i32 to index
        %get3A_1372 = tpu.vector_load %arg5[%get3A_1370, %get3A_1371] {strides = array<i32>} : memref<1x512xi32, #tpu.memory_space<vmem>>, vector<16xi32>,
        %slice3A_1373 = vector.extract_strided_slice %get3A_1372 {offsets = [0], sizes = [1], strides = [1]} : vector<16xi32> to vector<1xi32>
        %squeeze3A_1374 = vector.extract %slice3A_1373[0] : i32 from vector<1xi32>
        %shift_right_arithmetic3A_1375 = arith.constant 7 : i32
        %shift_right_arithmetic3A_1376 = arith.shrsi %squeeze3A_1374, %shift_right_arithmetic3A_1375 : i32
        %mul3A_1377 = arith.constant 128 : i32
        %mul3A_1378 = arith.muli %shift_right_arithmetic3A_1376, %mul3A_1377 : i32
        %multiple_of3A_1379 = tpu.assume_multiple %mul3A_1378, 128 : i32
        %dma_start3A_1380 = arith.constant 0 : i32
        %dma_start3A_1381 = arith.constant 0 : i32
        %dma_start3A_1382 = arith.constant 0 : i32
        %dma_start3A_1383 = tpu.memref_slice %arg6[%dma_start3A_1380, %dma_start3A_1381, %dma_start3A_1382] : memref<4x64x128xf32, #tpu.memory_space<vmem>> -> memref<1x64x128xf32, #tpu.memory_space<vmem>>
        %dma_start3A_1384 = tpu.memref_squeeze %dma_start3A_1383 : memref<1x64x128xf32, #tpu.memory_space<vmem>> -> memref<64x128xf32, #tpu.memory_space<vmem>>
        %dma_start3A_1385 = arith.constant 0 : i32
        %dma_start3A_1386 = tpu.memref_slice %arg3[%dma_start3A_1385, %multiple_of3A_1379] : memref<64x1000000xf32, #tpu.memory_space<hbm>> -> memref<64x128xf32, #tpu.memory_space<hbm>>
        %dma_start3A_1387 = arith.constant 0 : i32
        %dma_start3A_1388 = arith.constant 0 : i32
        %dma_start3A_1389 = tpu.memref_slice %arg6[%dma_start3A_1380, %dma_start3A_1387, %dma_start3A_1388] : memref<4x64x128xf32, #tpu.memory_space<vmem>> -> memref<1x64x128xf32, #tpu.memory_space<vmem>>
        %dma_start3A_1390 = tpu.memref_squeeze %dma_start3A_1389 : memref<1x64x128xf32, #tpu.memory_space<vmem>> -> memref<64x128xf32, #tpu.memory_space<vmem>>
        %dma_start3A_1391 = arith.constant 0 : i32
        %dma_start3A_1392 = tpu.memref_slice %arg3[%dma_start3A_1391, %multiple_of3A_1379] : memref<64x1000000xf32, #tpu.memory_space<hbm>> -> memref<64x128xf32, #tpu.memory_space<hbm>>
        tpu.enqueue_dma source(%dma_start3A_1392 : memref<64x128xf32, #tpu.memory_space<hbm>>) target(%dma_start3A_1390 : memref<64x128xf32, #tpu.memory_space<vmem>>) target_semaphore(%arg8 : memref<!tpu.dma_semaphore, #tpu.memory_space<semaphore_mem>>)
      } else {
      }
      %dma_wait3A_1162 = arith.constant 0 : i32
      %dma_wait3A_1163 = arith.constant 0 : i32
      %dma_wait3A_1164 = arith.constant 0 : i32
      %dma_wait3A_1165 = tpu.memref_slice %arg6[%dma_wait3A_1162, %dma_wait3A_1163, %dma_wait3A_1164] : memref<4x64x128xf32, #tpu.memory_space<vmem>> -> memref<1x64x128xf32, #tpu.memory_space<vmem>>
      %dma_wait3A_1166 = tpu.memref_squeeze %dma_wait3A_1165 : memref<1x64x128xf32, #tpu.memory_space<vmem>> -> memref<64x128xf32, #tpu.memory_space<vmem>>
      %dma_wait3A_1167 = arith.constant 0 : i32
      %dma_wait3A_1168 = arith.constant 0 : i32
      %dma_wait3A_1169 = tpu.memref_slice %arg3[%dma_wait3A_1167, %dma_wait3A_1168] : memref<64x1000000xf32, #tpu.memory_space<hbm>> -> memref<64x128xf32, #tpu.memory_space<hbm>>
      %dma_wait3A_1170 = arith.constant 0 : i32
      %dma_wait3A_1171 = arith.constant 0 : i32
      %dma_wait3A_1172 = tpu.memref_slice %arg6[%dma_wait3A_1162, %dma_wait3A_1170, %dma_wait3A_1171] : memref<4x64x128xf32, #tpu.memory_space<vmem>> -> memref<1x64x128xf32, #tpu.memory_space<vmem>>
      %dma_wait3A_1173 = tpu.memref_squeeze %dma_wait3A_1172 : memref<1x64x128xf32, #tpu.memory_space<vmem>> -> memref<64x128xf32, #tpu.memory_space<vmem>>
      %dma_wait3A_1174 = arith.constant 0 : i32
      %dma_wait3A_1175 = arith.constant 0 : i32
      %dma_wait3A_1176 = tpu.memref_slice %arg3[%dma_wait3A_1174, %dma_wait3A_1175] : memref<64x1000000xf32, #tpu.memory_space<hbm>> -> memref<64x128xf32, #tpu.memory_space<hbm>>
      tpu.wait_dma2 semaphore(%arg8 : memref<!tpu.dma_semaphore, #tpu.memory_space<semaphore_mem>>) src(%dma_wait3A_1176 : memref<64x128xf32, #tpu.memory_space<hbm>>) dst(%dma_wait3A_1173 : memref<64x128xf32, #tpu.memory_space<vmem>>)
      %slice3A_1177 = vector.extract_strided_slice %get3A_118 {offsets = [13], sizes = [1], strides = [1]} : vector<16xi32> to vector<1xi32>
      %squeeze3A_1178 = vector.extract %slice3A_1177[0] : i32 from vector<1xi32>
      %and3A_1179 = arith.constant 127 : i32
      %and3A_1180 = arith.andi %squeeze3A_1178, %and3A_1179 : i32
      %broadcast_in_dim3A_1181 = vector.broadcast %and3A_1180 : i32 to vector<16xi32>
      %mul3A_1182 = arith.constant 16 : i32
      %mul3A_1183 = arith.muli %scan3A_110, %mul3A_1182 : i32
      %add3A_1184 = arith.constant 12 : i32
      %add3A_1185 = arith.addi %mul3A_1183, %add3A_1184 : i32
      %add3A_1186 = arith.constant 1 : i32
      %add3A_1187 = arith.addi %add3A_1185, %add3A_1186 : i32
      %gather3A_1188 = arith.constant 1 : i32
      %gather3A_1189 = arith.constant 0 : i32
      %gather3A_1190 = arith.constant 0 : i32
      %gather3A_1191 = tpu.memref_slice %arg6[%gather3A_1188, %gather3A_1189, %gather3A_1190] : memref<4x64x128xf32, #tpu.memory_space<vmem>> -> memref<1x64x128xf32, #tpu.memory_space<vmem>>
      %gather3A_1192 = tpu.memref_squeeze %gather3A_1191 : memref<1x64x128xf32, #tpu.memory_space<vmem>> -> memref<64x128xf32, #tpu.memory_space<vmem>>
      %gather3A_1193 = tpu.vector_load_idx %gather3A_1192[%add3A_3, %broadcast_in_dim3A_1181] : memref<64x128xf32, #tpu.memory_space<vmem>>[vector<16xi32>, vector<16xi32>], vector<16xf32>,
      %swap3A_1194 = arith.index_cast %add3A_1187 : i32 to index
      %swap3A_1195 = arith.constant 0 : index
      %swap3A_1196 = tpu.vector_load %arg7[%swap3A_1194, %swap3A_1195] {strides = array<i32>} : memref<256x64xf32, #tpu.memory_space<vmem>>, vector<16xf32>,
      tpu.vector_store %arg7[%swap3A_1194, %swap3A_1195], %gather3A_1193 {strides = array<i32>} : memref<256x64xf32, #tpu.memory_space<vmem>>, vector<16xf32>,
      %gather3A_1197 = arith.constant 1 : i32
      %gather3A_1198 = arith.constant 0 : i32
      %gather3A_1199 = arith.constant 0 : i32
      %gather3A_1200 = tpu.memref_slice %arg6[%gather3A_1197, %gather3A_1198, %gather3A_1199] : memref<4x64x128xf32, #tpu.memory_space<vmem>> -> memref<1x64x128xf32, #tpu.memory_space<vmem>>
      %gather3A_1201 = tpu.memref_squeeze %gather3A_1200 : memref<1x64x128xf32, #tpu.memory_space<vmem>> -> memref<64x128xf32, #tpu.memory_space<vmem>>
      %gather3A_1202 = tpu.vector_load_idx %gather3A_1201[%add3A_6, %broadcast_in_dim3A_1181] : memref<64x128xf32, #tpu.memory_space<vmem>>[vector<16xi32>, vector<16xi32>], vector<16xf32>,
      %swap3A_1203 = arith.index_cast %add3A_1187 : i32 to index
      %swap3A_1204 = arith.constant 16 : index
      %swap3A_1205 = tpu.vector_load %arg7[%swap3A_1203, %swap3A_1204] {strides = array<i32>} : memref<256x64xf32, #tpu.memory_space<vmem>>, vector<16xf32>,
      tpu.vector_store %arg7[%swap3A_1203, %swap3A_1204], %gather3A_1202 {strides = array<i32>} : memref<256x64xf32, #tpu.memory_space<vmem>>, vector<16xf32>,
      %gather3A_1206 = arith.constant 1 : i32
      %gather3A_1207 = arith.constant 0 : i32
      %gather3A_1208 = arith.constant 0 : i32
      %gather3A_1209 = tpu.memref_slice %arg6[%gather3A_1206, %gather3A_1207, %gather3A_1208] : memref<4x64x128xf32, #tpu.memory_space<vmem>> -> memref<1x64x128xf32, #tpu.memory_space<vmem>>
      %gather3A_1210 = tpu.memref_squeeze %gather3A_1209 : memref<1x64x128xf32, #tpu.memory_space<vmem>> -> memref<64x128xf32, #tpu.memory_space<vmem>>
      %gather3A_1211 = tpu.vector_load_idx %gather3A_1210[%add3A_9, %broadcast_in_dim3A_1181] : memref<64x128xf32, #tpu.memory_space<vmem>>[vector<16xi32>, vector<16xi32>], vector<16xf32>,
      %swap3A_1212 = arith.index_cast %add3A_1187 : i32 to index
      %swap3A_1213 = arith.constant 32 : index
      %swap3A_1214 = tpu.vector_load %arg7[%swap3A_1212, %swap3A_1213] {strides = array<i32>} : memref<256x64xf32, #tpu.memory_space<vmem>>, vector<16xf32>,
      tpu.vector_store %arg7[%swap3A_1212, %swap3A_1213], %gather3A_1211 {strides = array<i32>} : memref<256x64xf32, #tpu.memory_space<vmem>>, vector<16xf32>,
      %gather3A_1215 = arith.constant 1 : i32
      %gather3A_1216 = arith.constant 0 : i32
      %gather3A_1217 = arith.constant 0 : i32
      %gather3A_1218 = tpu.memref_slice %arg6[%gather3A_1215, %gather3A_1216, %gather3A_1217] : memref<4x64x128xf32, #tpu.memory_space<vmem>> -> memref<1x64x128xf32, #tpu.memory_space<vmem>>
      %gather3A_1219 = tpu.memref_squeeze %gather3A_1218 : memref<1x64x128xf32, #tpu.memory_space<vmem>> -> memref<64x128xf32, #tpu.memory_space<vmem>>
      %gather3A_1220 = tpu.vector_load_idx %gather3A_1219[%add3A_12, %broadcast_in_dim3A_1181] : memref<64x128xf32, #tpu.memory_space<vmem>>[vector<16xi32>, vector<16xi32>], vector<16xf32>,
      %swap3A_1221 = arith.index_cast %add3A_1187 : i32 to index
      %swap3A_1222 = arith.constant 48 : index
      %swap3A_1223 = tpu.vector_load %arg7[%swap3A_1221, %swap3A_1222] {strides = array<i32>} : memref<256x64xf32, #tpu.memory_space<vmem>>, vector<16xf32>,
      tpu.vector_store %arg7[%swap3A_1221, %swap3A_1222], %gather3A_1220 {strides = array<i32>} : memref<256x64xf32, #tpu.memory_space<vmem>>, vector<16xf32>,
      %lt3A_1224 = arith.constant 15 : i32
      %lt3A_1225 = arith.cmpi slt, %scan3A_110, %lt3A_1224 : i32
      %convert_element_type3A_1226 = arith.extui %lt3A_1225 : i1 to i32
      %cond3A_1227 = arith.constant 0 : i32
      %cond3A_1228 = arith.cmpi ne, %convert_element_type3A_1226, %cond3A_1227 : i32
      scf.if %cond3A_1228 {
        %add3A_1363 = arith.constant 1 : i32
        %add3A_1364 = arith.addi %scan3A_110, %add3A_1363 : i32
        %mul3A_1365 = arith.constant 16 : i32
        %mul3A_1366 = arith.muli %add3A_1364, %mul3A_1365 : i32
        %add3A_1367 = arith.constant 256 : i32
        %add3A_1368 = arith.addi %add3A_1367, %mul3A_1366 : i32
        %get3A_1369 = arith.constant 0 : i32
        %get3A_1370 = arith.index_cast %get3A_1369 : i32 to index
        %get3A_1371 = arith.index_cast %add3A_1368 : i32 to index
        %get3A_1372 = tpu.vector_load %arg5[%get3A_1370, %get3A_1371] {strides = array<i32>} : memref<1x512xi32, #tpu.memory_space<vmem>>, vector<16xi32>,
        %slice3A_1373 = vector.extract_strided_slice %get3A_1372 {offsets = [1], sizes = [1], strides = [1]} : vector<16xi32> to vector<1xi32>
        %squeeze3A_1374 = vector.extract %slice3A_1373[0] : i32 from vector<1xi32>
        %shift_right_arithmetic3A_1375 = arith.constant 7 : i32
        %shift_right_arithmetic3A_1376 = arith.shrsi %squeeze3A_1374, %shift_right_arithmetic3A_1375 : i32
        %mul3A_1377 = arith.constant 128 : i32
        %mul3A_1378 = arith.muli %shift_right_arithmetic3A_1376, %mul3A_1377 : i32
        %multiple_of3A_1379 = tpu.assume_multiple %mul3A_1378, 128 : i32
        %dma_start3A_1380 = arith.constant 1 : i32
        %dma_start3A_1381 = arith.constant 0 : i32
        %dma_start3A_1382 = arith.constant 0 : i32
        %dma_start3A_1383 = tpu.memref_slice %arg6[%dma_start3A_1380, %dma_start3A_1381, %dma_start3A_1382] : memref<4x64x128xf32, #tpu.memory_space<vmem>> -> memref<1x64x128xf32, #tpu.memory_space<vmem>>
        %dma_start3A_1384 = tpu.memref_squeeze %dma_start3A_1383 : memref<1x64x128xf32, #tpu.memory_space<vmem>> -> memref<64x128xf32, #tpu.memory_space<vmem>>
        %dma_start3A_1385 = arith.constant 0 : i32
        %dma_start3A_1386 = tpu.memref_slice %arg3[%dma_start3A_1385, %multiple_of3A_1379] : memref<64x1000000xf32, #tpu.memory_space<hbm>> -> memref<64x128xf32, #tpu.memory_space<hbm>>
        %dma_start3A_1387 = arith.constant 0 : i32
        %dma_start3A_1388 = arith.constant 0 : i32
        %dma_start3A_1389 = tpu.memref_slice %arg6[%dma_start3A_1380, %dma_start3A_1387, %dma_start3A_1388] : memref<4x64x128xf32, #tpu.memory_space<vmem>> -> memref<1x64x128xf32, #tpu.memory_space<vmem>>
        %dma_start3A_1390 = tpu.memref_squeeze %dma_start3A_1389 : memref<1x64x128xf32, #tpu.memory_space<vmem>> -> memref<64x128xf32, #tpu.memory_space<vmem>>
        %dma_start3A_1391 = arith.constant 0 : i32
        %dma_start3A_1392 = tpu.memref_slice %arg3[%dma_start3A_1391, %multiple_of3A_1379] : memref<64x1000000xf32, #tpu.memory_space<hbm>> -> memref<64x128xf32, #tpu.memory_space<hbm>>
        tpu.enqueue_dma source(%dma_start3A_1392 : memref<64x128xf32, #tpu.memory_space<hbm>>) target(%dma_start3A_1390 : memref<64x128xf32, #tpu.memory_space<vmem>>) target_semaphore(%arg8 : memref<!tpu.dma_semaphore, #tpu.memory_space<semaphore_mem>>)
      } else {
      }
      %dma_wait3A_1229 = arith.constant 0 : i32
      %dma_wait3A_1230 = arith.constant 0 : i32
      %dma_wait3A_1231 = arith.constant 0 : i32
      %dma_wait3A_1232 = tpu.memref_slice %arg6[%dma_wait3A_1229, %dma_wait3A_1230, %dma_wait3A_1231] : memref<4x64x128xf32, #tpu.memory_space<vmem>> -> memref<1x64x128xf32, #tpu.memory_space<vmem>>
      %dma_wait3A_1233 = tpu.memref_squeeze %dma_wait3A_1232 : memref<1x64x128xf32, #tpu.memory_space<vmem>> -> memref<64x128xf32, #tpu.memory_space<vmem>>
      %dma_wait3A_1234 = arith.constant 0 : i32
      %dma_wait3A_1235 = arith.constant 0 : i32
      %dma_wait3A_1236 = tpu.memref_slice %arg3[%dma_wait3A_1234, %dma_wait3A_1235] : memref<64x1000000xf32, #tpu.memory_space<hbm>> -> memref<64x128xf32, #tpu.memory_space<hbm>>
      %dma_wait3A_1237 = arith.constant 0 : i32
      %dma_wait3A_1238 = arith.constant 0 : i32
      %dma_wait3A_1239 = tpu.memref_slice %arg6[%dma_wait3A_1229, %dma_wait3A_1237, %dma_wait3A_1238] : memref<4x64x128xf32, #tpu.memory_space<vmem>> -> memref<1x64x128xf32, #tpu.memory_space<vmem>>
      %dma_wait3A_1240 = tpu.memref_squeeze %dma_wait3A_1239 : memref<1x64x128xf32, #tpu.memory_space<vmem>> -> memref<64x128xf32, #tpu.memory_space<vmem>>
      %dma_wait3A_1241 = arith.constant 0 : i32
      %dma_wait3A_1242 = arith.constant 0 : i32
      %dma_wait3A_1243 = tpu.memref_slice %arg3[%dma_wait3A_1241, %dma_wait3A_1242] : memref<64x1000000xf32, #tpu.memory_space<hbm>> -> memref<64x128xf32, #tpu.memory_space<hbm>>
      tpu.wait_dma2 semaphore(%arg8 : memref<!tpu.dma_semaphore, #tpu.memory_space<semaphore_mem>>) src(%dma_wait3A_1243 : memref<64x128xf32, #tpu.memory_space<hbm>>) dst(%dma_wait3A_1240 : memref<64x128xf32, #tpu.memory_space<vmem>>)
      %slice3A_1244 = vector.extract_strided_slice %get3A_118 {offsets = [14], sizes = [1], strides = [1]} : vector<16xi32> to vector<1xi32>
      %squeeze3A_1245 = vector.extract %slice3A_1244[0] : i32 from vector<1xi32>
      %and3A_1246 = arith.constant 127 : i32
      %and3A_1247 = arith.andi %squeeze3A_1245, %and3A_1246 : i32
      %broadcast_in_dim3A_1248 = vector.broadcast %and3A_1247 : i32 to vector<16xi32>
      %mul3A_1249 = arith.constant 16 : i32
      %mul3A_1250 = arith.muli %scan3A_110, %mul3A_1249 : i32
      %add3A_1251 = arith.constant 12 : i32
      %add3A_1252 = arith.addi %mul3A_1250, %add3A_1251 : i32
      %add3A_1253 = arith.constant 2 : i32
      %add3A_1254 = arith.addi %add3A_1252, %add3A_1253 : i32
      %gather3A_1255 = arith.constant 2 : i32
      %gather3A_1256 = arith.constant 0 : i32
      %gather3A_1257 = arith.constant 0 : i32
      %gather3A_1258 = tpu.memref_slice %arg6[%gather3A_1255, %gather3A_1256, %gather3A_1257] : memref<4x64x128xf32, #tpu.memory_space<vmem>> -> memref<1x64x128xf32, #tpu.memory_space<vmem>>
      %gather3A_1259 = tpu.memref_squeeze %gather3A_1258 : memref<1x64x128xf32, #tpu.memory_space<vmem>> -> memref<64x128xf32, #tpu.memory_space<vmem>>
      %gather3A_1260 = tpu.vector_load_idx %gather3A_1259[%add3A_3, %broadcast_in_dim3A_1248] : memref<64x128xf32, #tpu.memory_space<vmem>>[vector<16xi32>, vector<16xi32>], vector<16xf32>,
      %swap3A_1261 = arith.index_cast %add3A_1254 : i32 to index
      %swap3A_1262 = arith.constant 0 : index
      %swap3A_1263 = tpu.vector_load %arg7[%swap3A_1261, %swap3A_1262] {strides = array<i32>} : memref<256x64xf32, #tpu.memory_space<vmem>>, vector<16xf32>,
      tpu.vector_store %arg7[%swap3A_1261, %swap3A_1262], %gather3A_1260 {strides = array<i32>} : memref<256x64xf32, #tpu.memory_space<vmem>>, vector<16xf32>,
      %gather3A_1264 = arith.constant 2 : i32
      %gather3A_1265 = arith.constant 0 : i32
      %gather3A_1266 = arith.constant 0 : i32
      %gather3A_1267 = tpu.memref_slice %arg6[%gather3A_1264, %gather3A_1265, %gather3A_1266] : memref<4x64x128xf32, #tpu.memory_space<vmem>> -> memref<1x64x128xf32, #tpu.memory_space<vmem>>
      %gather3A_1268 = tpu.memref_squeeze %gather3A_1267 : memref<1x64x128xf32, #tpu.memory_space<vmem>> -> memref<64x128xf32, #tpu.memory_space<vmem>>
      %gather3A_1269 = tpu.vector_load_idx %gather3A_1268[%add3A_6, %broadcast_in_dim3A_1248] : memref<64x128xf32, #tpu.memory_space<vmem>>[vector<16xi32>, vector<16xi32>], vector<16xf32>,
      %swap3A_1270 = arith.index_cast %add3A_1254 : i32 to index
      %swap3A_1271 = arith.constant 16 : index
      %swap3A_1272 = tpu.vector_load %arg7[%swap3A_1270, %swap3A_1271] {strides = array<i32>} : memref<256x64xf32, #tpu.memory_space<vmem>>, vector<16xf32>,
      tpu.vector_store %arg7[%swap3A_1270, %swap3A_1271], %gather3A_1269 {strides = array<i32>} : memref<256x64xf32, #tpu.memory_space<vmem>>, vector<16xf32>,
      %gather3A_1273 = arith.constant 2 : i32
      %gather3A_1274 = arith.constant 0 : i32
      %gather3A_1275 = arith.constant 0 : i32
      %gather3A_1276 = tpu.memref_slice %arg6[%gather3A_1273, %gather3A_1274, %gather3A_1275] : memref<4x64x128xf32, #tpu.memory_space<vmem>> -> memref<1x64x128xf32, #tpu.memory_space<vmem>>
      %gather3A_1277 = tpu.memref_squeeze %gather3A_1276 : memref<1x64x128xf32, #tpu.memory_space<vmem>> -> memref<64x128xf32, #tpu.memory_space<vmem>>
      %gather3A_1278 = tpu.vector_load_idx %gather3A_1277[%add3A_9, %broadcast_in_dim3A_1248] : memref<64x128xf32, #tpu.memory_space<vmem>>[vector<16xi32>, vector<16xi32>], vector<16xf32>,
      %swap3A_1279 = arith.index_cast %add3A_1254 : i32 to index
      %swap3A_1280 = arith.constant 32 : index
      %swap3A_1281 = tpu.vector_load %arg7[%swap3A_1279, %swap3A_1280] {strides = array<i32>} : memref<256x64xf32, #tpu.memory_space<vmem>>, vector<16xf32>,
      tpu.vector_store %arg7[%swap3A_1279, %swap3A_1280], %gather3A_1278 {strides = array<i32>} : memref<256x64xf32, #tpu.memory_space<vmem>>, vector<16xf32>,
      %gather3A_1282 = arith.constant 2 : i32
      %gather3A_1283 = arith.constant 0 : i32
      %gather3A_1284 = arith.constant 0 : i32
      %gather3A_1285 = tpu.memref_slice %arg6[%gather3A_1282, %gather3A_1283, %gather3A_1284] : memref<4x64x128xf32, #tpu.memory_space<vmem>> -> memref<1x64x128xf32, #tpu.memory_space<vmem>>
      %gather3A_1286 = tpu.memref_squeeze %gather3A_1285 : memref<1x64x128xf32, #tpu.memory_space<vmem>> -> memref<64x128xf32, #tpu.memory_space<vmem>>
      %gather3A_1287 = tpu.vector_load_idx %gather3A_1286[%add3A_12, %broadcast_in_dim3A_1248] : memref<64x128xf32, #tpu.memory_space<vmem>>[vector<16xi32>, vector<16xi32>], vector<16xf32>,
      %swap3A_1288 = arith.index_cast %add3A_1254 : i32 to index
      %swap3A_1289 = arith.constant 48 : index
      %swap3A_1290 = tpu.vector_load %arg7[%swap3A_1288, %swap3A_1289] {strides = array<i32>} : memref<256x64xf32, #tpu.memory_space<vmem>>, vector<16xf32>,
      tpu.vector_store %arg7[%swap3A_1288, %swap3A_1289], %gather3A_1287 {strides = array<i32>} : memref<256x64xf32, #tpu.memory_space<vmem>>, vector<16xf32>,
      %lt3A_1291 = arith.constant 15 : i32
      %lt3A_1292 = arith.cmpi slt, %scan3A_110, %lt3A_1291 : i32
      %convert_element_type3A_1293 = arith.extui %lt3A_1292 : i1 to i32
      %cond3A_1294 = arith.constant 0 : i32
      %cond3A_1295 = arith.cmpi ne, %convert_element_type3A_1293, %cond3A_1294 : i32
      scf.if %cond3A_1295 {
        %add3A_1363 = arith.constant 1 : i32
        %add3A_1364 = arith.addi %scan3A_110, %add3A_1363 : i32
        %mul3A_1365 = arith.constant 16 : i32
        %mul3A_1366 = arith.muli %add3A_1364, %mul3A_1365 : i32
        %add3A_1367 = arith.constant 256 : i32
        %add3A_1368 = arith.addi %add3A_1367, %mul3A_1366 : i32
        %get3A_1369 = arith.constant 0 : i32
        %get3A_1370 = arith.index_cast %get3A_1369 : i32 to index
        %get3A_1371 = arith.index_cast %add3A_1368 : i32 to index
        %get3A_1372 = tpu.vector_load %arg5[%get3A_1370, %get3A_1371] {strides = array<i32>} : memref<1x512xi32, #tpu.memory_space<vmem>>, vector<16xi32>,
        %slice3A_1373 = vector.extract_strided_slice %get3A_1372 {offsets = [2], sizes = [1], strides = [1]} : vector<16xi32> to vector<1xi32>
        %squeeze3A_1374 = vector.extract %slice3A_1373[0] : i32 from vector<1xi32>
        %shift_right_arithmetic3A_1375 = arith.constant 7 : i32
        %shift_right_arithmetic3A_1376 = arith.shrsi %squeeze3A_1374, %shift_right_arithmetic3A_1375 : i32
        %mul3A_1377 = arith.constant 128 : i32
        %mul3A_1378 = arith.muli %shift_right_arithmetic3A_1376, %mul3A_1377 : i32
        %multiple_of3A_1379 = tpu.assume_multiple %mul3A_1378, 128 : i32
        %dma_start3A_1380 = arith.constant 2 : i32
        %dma_start3A_1381 = arith.constant 0 : i32
        %dma_start3A_1382 = arith.constant 0 : i32
        %dma_start3A_1383 = tpu.memref_slice %arg6[%dma_start3A_1380, %dma_start3A_1381, %dma_start3A_1382] : memref<4x64x128xf32, #tpu.memory_space<vmem>> -> memref<1x64x128xf32, #tpu.memory_space<vmem>>
        %dma_start3A_1384 = tpu.memref_squeeze %dma_start3A_1383 : memref<1x64x128xf32, #tpu.memory_space<vmem>> -> memref<64x128xf32, #tpu.memory_space<vmem>>
        %dma_start3A_1385 = arith.constant 0 : i32
        %dma_start3A_1386 = tpu.memref_slice %arg3[%dma_start3A_1385, %multiple_of3A_1379] : memref<64x1000000xf32, #tpu.memory_space<hbm>> -> memref<64x128xf32, #tpu.memory_space<hbm>>
        %dma_start3A_1387 = arith.constant 0 : i32
        %dma_start3A_1388 = arith.constant 0 : i32
        %dma_start3A_1389 = tpu.memref_slice %arg6[%dma_start3A_1380, %dma_start3A_1387, %dma_start3A_1388] : memref<4x64x128xf32, #tpu.memory_space<vmem>> -> memref<1x64x128xf32, #tpu.memory_space<vmem>>
        %dma_start3A_1390 = tpu.memref_squeeze %dma_start3A_1389 : memref<1x64x128xf32, #tpu.memory_space<vmem>> -> memref<64x128xf32, #tpu.memory_space<vmem>>
        %dma_start3A_1391 = arith.constant 0 : i32
        %dma_start3A_1392 = tpu.memref_slice %arg3[%dma_start3A_1391, %multiple_of3A_1379] : memref<64x1000000xf32, #tpu.memory_space<hbm>> -> memref<64x128xf32, #tpu.memory_space<hbm>>
        tpu.enqueue_dma source(%dma_start3A_1392 : memref<64x128xf32, #tpu.memory_space<hbm>>) target(%dma_start3A_1390 : memref<64x128xf32, #tpu.memory_space<vmem>>) target_semaphore(%arg8 : memref<!tpu.dma_semaphore, #tpu.memory_space<semaphore_mem>>)
      } else {
      }
      %dma_wait3A_1296 = arith.constant 0 : i32
      %dma_wait3A_1297 = arith.constant 0 : i32
      %dma_wait3A_1298 = arith.constant 0 : i32
      %dma_wait3A_1299 = tpu.memref_slice %arg6[%dma_wait3A_1296, %dma_wait3A_1297, %dma_wait3A_1298] : memref<4x64x128xf32, #tpu.memory_space<vmem>> -> memref<1x64x128xf32, #tpu.memory_space<vmem>>
      %dma_wait3A_1300 = tpu.memref_squeeze %dma_wait3A_1299 : memref<1x64x128xf32, #tpu.memory_space<vmem>> -> memref<64x128xf32, #tpu.memory_space<vmem>>
      %dma_wait3A_1301 = arith.constant 0 : i32
      %dma_wait3A_1302 = arith.constant 0 : i32
      %dma_wait3A_1303 = tpu.memref_slice %arg3[%dma_wait3A_1301, %dma_wait3A_1302] : memref<64x1000000xf32, #tpu.memory_space<hbm>> -> memref<64x128xf32, #tpu.memory_space<hbm>>
      %dma_wait3A_1304 = arith.constant 0 : i32
      %dma_wait3A_1305 = arith.constant 0 : i32
      %dma_wait3A_1306 = tpu.memref_slice %arg6[%dma_wait3A_1296, %dma_wait3A_1304, %dma_wait3A_1305] : memref<4x64x128xf32, #tpu.memory_space<vmem>> -> memref<1x64x128xf32, #tpu.memory_space<vmem>>
      %dma_wait3A_1307 = tpu.memref_squeeze %dma_wait3A_1306 : memref<1x64x128xf32, #tpu.memory_space<vmem>> -> memref<64x128xf32, #tpu.memory_space<vmem>>
      %dma_wait3A_1308 = arith.constant 0 : i32
      %dma_wait3A_1309 = arith.constant 0 : i32
      %dma_wait3A_1310 = tpu.memref_slice %arg3[%dma_wait3A_1308, %dma_wait3A_1309] : memref<64x1000000xf32, #tpu.memory_space<hbm>> -> memref<64x128xf32, #tpu.memory_space<hbm>>
      tpu.wait_dma2 semaphore(%arg8 : memref<!tpu.dma_semaphore, #tpu.memory_space<semaphore_mem>>) src(%dma_wait3A_1310 : memref<64x128xf32, #tpu.memory_space<hbm>>) dst(%dma_wait3A_1307 : memref<64x128xf32, #tpu.memory_space<vmem>>)
      %slice3A_1311 = vector.extract_strided_slice %get3A_118 {offsets = [15], sizes = [1], strides = [1]} : vector<16xi32> to vector<1xi32>
      %squeeze3A_1312 = vector.extract %slice3A_1311[0] : i32 from vector<1xi32>
      %and3A_1313 = arith.constant 127 : i32
      %and3A_1314 = arith.andi %squeeze3A_1312, %and3A_1313 : i32
      %broadcast_in_dim3A_1315 = vector.broadcast %and3A_1314 : i32 to vector<16xi32>
      %mul3A_1316 = arith.constant 16 : i32
      %mul3A_1317 = arith.muli %scan3A_110, %mul3A_1316 : i32
      %add3A_1318 = arith.constant 12 : i32
      %add3A_1319 = arith.addi %mul3A_1317, %add3A_1318 : i32
      %add3A_1320 = arith.constant 3 : i32
      %add3A_1321 = arith.addi %add3A_1319, %add3A_1320 : i32
      %gather3A_1322 = arith.constant 3 : i32
      %gather3A_1323 = arith.constant 0 : i32
      %gather3A_1324 = arith.constant 0 : i32
      %gather3A_1325 = tpu.memref_slice %arg6[%gather3A_1322, %gather3A_1323, %gather3A_1324] : memref<4x64x128xf32, #tpu.memory_space<vmem>> -> memref<1x64x128xf32, #tpu.memory_space<vmem>>
      %gather3A_1326 = tpu.memref_squeeze %gather3A_1325 : memref<1x64x128xf32, #tpu.memory_space<vmem>> -> memref<64x128xf32, #tpu.memory_space<vmem>>
      %gather3A_1327 = tpu.vector_load_idx %gather3A_1326[%add3A_3, %broadcast_in_dim3A_1315] : memref<64x128xf32, #tpu.memory_space<vmem>>[vector<16xi32>, vector<16xi32>], vector<16xf32>,
      %swap3A_1328 = arith.index_cast %add3A_1321 : i32 to index
      %swap3A_1329 = arith.constant 0 : index
      %swap3A_1330 = tpu.vector_load %arg7[%swap3A_1328, %swap3A_1329] {strides = array<i32>} : memref<256x64xf32, #tpu.memory_space<vmem>>, vector<16xf32>,
      tpu.vector_store %arg7[%swap3A_1328, %swap3A_1329], %gather3A_1327 {strides = array<i32>} : memref<256x64xf32, #tpu.memory_space<vmem>>, vector<16xf32>,
      %gather3A_1331 = arith.constant 3 : i32
      %gather3A_1332 = arith.constant 0 : i32
      %gather3A_1333 = arith.constant 0 : i32
      %gather3A_1334 = tpu.memref_slice %arg6[%gather3A_1331, %gather3A_1332, %gather3A_1333] : memref<4x64x128xf32, #tpu.memory_space<vmem>> -> memref<1x64x128xf32, #tpu.memory_space<vmem>>
      %gather3A_1335 = tpu.memref_squeeze %gather3A_1334 : memref<1x64x128xf32, #tpu.memory_space<vmem>> -> memref<64x128xf32, #tpu.memory_space<vmem>>
      %gather3A_1336 = tpu.vector_load_idx %gather3A_1335[%add3A_6, %broadcast_in_dim3A_1315] : memref<64x128xf32, #tpu.memory_space<vmem>>[vector<16xi32>, vector<16xi32>], vector<16xf32>,
      %swap3A_1337 = arith.index_cast %add3A_1321 : i32 to index
      %swap3A_1338 = arith.constant 16 : index
      %swap3A_1339 = tpu.vector_load %arg7[%swap3A_1337, %swap3A_1338] {strides = array<i32>} : memref<256x64xf32, #tpu.memory_space<vmem>>, vector<16xf32>,
      tpu.vector_store %arg7[%swap3A_1337, %swap3A_1338], %gather3A_1336 {strides = array<i32>} : memref<256x64xf32, #tpu.memory_space<vmem>>, vector<16xf32>,
      %gather3A_1340 = arith.constant 3 : i32
      %gather3A_1341 = arith.constant 0 : i32
      %gather3A_1342 = arith.constant 0 : i32
      %gather3A_1343 = tpu.memref_slice %arg6[%gather3A_1340, %gather3A_1341, %gather3A_1342] : memref<4x64x128xf32, #tpu.memory_space<vmem>> -> memref<1x64x128xf32, #tpu.memory_space<vmem>>
      %gather3A_1344 = tpu.memref_squeeze %gather3A_1343 : memref<1x64x128xf32, #tpu.memory_space<vmem>> -> memref<64x128xf32, #tpu.memory_space<vmem>>
      %gather3A_1345 = tpu.vector_load_idx %gather3A_1344[%add3A_9, %broadcast_in_dim3A_1315] : memref<64x128xf32, #tpu.memory_space<vmem>>[vector<16xi32>, vector<16xi32>], vector<16xf32>,
      %swap3A_1346 = arith.index_cast %add3A_1321 : i32 to index
      %swap3A_1347 = arith.constant 32 : index
      %swap3A_1348 = tpu.vector_load %arg7[%swap3A_1346, %swap3A_1347] {strides = array<i32>} : memref<256x64xf32, #tpu.memory_space<vmem>>, vector<16xf32>,
      tpu.vector_store %arg7[%swap3A_1346, %swap3A_1347], %gather3A_1345 {strides = array<i32>} : memref<256x64xf32, #tpu.memory_space<vmem>>, vector<16xf32>,
      %gather3A_1349 = arith.constant 3 : i32
      %gather3A_1350 = arith.constant 0 : i32
      %gather3A_1351 = arith.constant 0 : i32
      %gather3A_1352 = tpu.memref_slice %arg6[%gather3A_1349, %gather3A_1350, %gather3A_1351] : memref<4x64x128xf32, #tpu.memory_space<vmem>> -> memref<1x64x128xf32, #tpu.memory_space<vmem>>
      %gather3A_1353 = tpu.memref_squeeze %gather3A_1352 : memref<1x64x128xf32, #tpu.memory_space<vmem>> -> memref<64x128xf32, #tpu.memory_space<vmem>>
      %gather3A_1354 = tpu.vector_load_idx %gather3A_1353[%add3A_12, %broadcast_in_dim3A_1315] : memref<64x128xf32, #tpu.memory_space<vmem>>[vector<16xi32>, vector<16xi32>], vector<16xf32>,
      %swap3A_1355 = arith.index_cast %add3A_1321 : i32 to index
      %swap3A_1356 = arith.constant 48 : index
      %swap3A_1357 = tpu.vector_load %arg7[%swap3A_1355, %swap3A_1356] {strides = array<i32>} : memref<256x64xf32, #tpu.memory_space<vmem>>, vector<16xf32>,
      tpu.vector_store %arg7[%swap3A_1355, %swap3A_1356], %gather3A_1354 {strides = array<i32>} : memref<256x64xf32, #tpu.memory_space<vmem>>, vector<16xf32>,
      %lt3A_1358 = arith.constant 15 : i32
      %lt3A_1359 = arith.cmpi slt, %scan3A_110, %lt3A_1358 : i32
      %convert_element_type3A_1360 = arith.extui %lt3A_1359 : i1 to i32
      %cond3A_1361 = arith.constant 0 : i32
      %cond3A_1362 = arith.cmpi ne, %convert_element_type3A_1360, %cond3A_1361 : i32
      scf.if %cond3A_1362 {
        %add3A_1363 = arith.constant 1 : i32
        %add3A_1364 = arith.addi %scan3A_110, %add3A_1363 : i32
        %mul3A_1365 = arith.constant 16 : i32
        %mul3A_1366 = arith.muli %add3A_1364, %mul3A_1365 : i32
        %add3A_1367 = arith.constant 256 : i32
        %add3A_1368 = arith.addi %add3A_1367, %mul3A_1366 : i32
        %get3A_1369 = arith.constant 0 : i32
        %get3A_1370 = arith.index_cast %get3A_1369 : i32 to index
        %get3A_1371 = arith.index_cast %add3A_1368 : i32 to index
        %get3A_1372 = tpu.vector_load %arg5[%get3A_1370, %get3A_1371] {strides = array<i32>} : memref<1x512xi32, #tpu.memory_space<vmem>>, vector<16xi32>,
        %slice3A_1373 = vector.extract_strided_slice %get3A_1372 {offsets = [3], sizes = [1], strides = [1]} : vector<16xi32> to vector<1xi32>
        %squeeze3A_1374 = vector.extract %slice3A_1373[0] : i32 from vector<1xi32>
        %shift_right_arithmetic3A_1375 = arith.constant 7 : i32
        %shift_right_arithmetic3A_1376 = arith.shrsi %squeeze3A_1374, %shift_right_arithmetic3A_1375 : i32
        %mul3A_1377 = arith.constant 128 : i32
        %mul3A_1378 = arith.muli %shift_right_arithmetic3A_1376, %mul3A_1377 : i32
        %multiple_of3A_1379 = tpu.assume_multiple %mul3A_1378, 128 : i32
        %dma_start3A_1380 = arith.constant 3 : i32
        %dma_start3A_1381 = arith.constant 0 : i32
        %dma_start3A_1382 = arith.constant 0 : i32
        %dma_start3A_1383 = tpu.memref_slice %arg6[%dma_start3A_1380, %dma_start3A_1381, %dma_start3A_1382] : memref<4x64x128xf32, #tpu.memory_space<vmem>> -> memref<1x64x128xf32, #tpu.memory_space<vmem>>
        %dma_start3A_1384 = tpu.memref_squeeze %dma_start3A_1383 : memref<1x64x128xf32, #tpu.memory_space<vmem>> -> memref<64x128xf32, #tpu.memory_space<vmem>>
        %dma_start3A_1385 = arith.constant 0 : i32
        %dma_start3A_1386 = tpu.memref_slice %arg3[%dma_start3A_1385, %multiple_of3A_1379] : memref<64x1000000xf32, #tpu.memory_space<hbm>> -> memref<64x128xf32, #tpu.memory_space<hbm>>
        %dma_start3A_1387 = arith.constant 0 : i32
        %dma_start3A_1388 = arith.constant 0 : i32
        %dma_start3A_1389 = tpu.memref_slice %arg6[%dma_start3A_1380, %dma_start3A_1387, %dma_start3A_1388] : memref<4x64x128xf32, #tpu.memory_space<vmem>> -> memref<1x64x128xf32, #tpu.memory_space<vmem>>
        %dma_start3A_1390 = tpu.memref_squeeze %dma_start3A_1389 : memref<1x64x128xf32, #tpu.memory_space<vmem>> -> memref<64x128xf32, #tpu.memory_space<vmem>>
        %dma_start3A_1391 = arith.constant 0 : i32
        %dma_start3A_1392 = tpu.memref_slice %arg3[%dma_start3A_1391, %multiple_of3A_1379] : memref<64x1000000xf32, #tpu.memory_space<hbm>> -> memref<64x128xf32, #tpu.memory_space<hbm>>
        tpu.enqueue_dma source(%dma_start3A_1392 : memref<64x128xf32, #tpu.memory_space<hbm>>) target(%dma_start3A_1390 : memref<64x128xf32, #tpu.memory_space<vmem>>) target_semaphore(%arg8 : memref<!tpu.dma_semaphore, #tpu.memory_space<semaphore_mem>>)
      } else {
      }
    }
    %scan3A_105 = arith.constant 16 : i32
    %mul3A_106 = arith.constant 512 : i32
    %mul3A_107 = arith.muli %add3A, %mul3A_106 : i32
    %add3A_108 = arith.constant 256 : i32
    %add3A_109 = arith.addi %mul3A_107, %add3A_108 : i32
    "tpu.region"() ({
      %run_scoped3A = tpu.sem_alloc : memref<!tpu.dma_semaphore, #tpu.memory_space<semaphore_mem>>
      %dma_start3A_110 = arith.constant 0 : i32
      %dma_start3A_111 = tpu.memref_slice %arg4[%add3A_109, %dma_start3A_110] : memref<16384x64xf32, #tpu.memory_space<hbm>> -> memref<256x64xf32, #tpu.memory_space<hbm>>
      %dma_start3A_112 = arith.constant 0 : i32
      %dma_start3A_113 = tpu.memref_slice %arg4[%add3A_109, %dma_start3A_112] : memref<16384x64xf32, #tpu.memory_space<hbm>> -> memref<256x64xf32, #tpu.memory_space<hbm>>
      tpu.enqueue_dma source(%arg7 : memref<256x64xf32, #tpu.memory_space<vmem>>) target(%dma_start3A_113 : memref<256x64xf32, #tpu.memory_space<hbm>>) target_semaphore(%run_scoped3A : memref<!tpu.dma_semaphore, #tpu.memory_space<semaphore_mem>>)
      %dma_wait3A = arith.constant 0 : i32
      %dma_wait3A_114 = tpu.memref_slice %arg4[%add3A_109, %dma_wait3A] : memref<16384x64xf32, #tpu.memory_space<hbm>> -> memref<256x64xf32, #tpu.memory_space<hbm>>
      %dma_wait3A_115 = arith.constant 0 : i32
      %dma_wait3A_116 = tpu.memref_slice %arg4[%add3A_109, %dma_wait3A_115] : memref<16384x64xf32, #tpu.memory_space<hbm>> -> memref<256x64xf32, #tpu.memory_space<hbm>>
      tpu.wait_dma2 semaphore(%run_scoped3A : memref<!tpu.dma_semaphore, #tpu.memory_space<semaphore_mem>>) src(%arg7 : memref<256x64xf32, #tpu.memory_space<vmem>>) dst(%dma_wait3A_116 : memref<256x64xf32, #tpu.memory_space<hbm>>)
      tpu.yield
    }) : () -> ()
    return
  }
}

#map = affine_map<(d0, d1) -> (0, 0)>
module attributes {stable_mosaic.version = 14 : i64} {
  func.func @k(%arg0: i32, %arg1: i32, %arg2: memref<128x128xi32, #tpu.memory_space<hbm>>, %arg3: memref<100000x128xf32, #tpu.memory_space<hbm>>, %arg4: memref<16384x128xf32, #tpu.memory_space<hbm>>, %arg5: memref<4x128xi32, #tpu.memory_space<vmem>>, %arg6: memref<512x128xf32, #tpu.memory_space<vmem>>, %arg7: memref<!tpu.dma_semaphore, #tpu.memory_space<semaphore_mem>>) attributes {dimension_semantics = [#tpu.dimension_semantics<core_parallel>, #tpu.dimension_semantics<subcore_parallel>], iteration_bounds = array<i64: 2, 16>, scalar_prefetch = 0 : i64, scratch_operands = 3 : i64, tpu.core_type = #tpu.core_type<sc_vector_subcore>, window_params = [{transform_indices = #map}, {transform_indices = #map}, {transform_indices = #map}]} {
    %mul3A = arith.constant 2 : i32
    %mul3A_0 = arith.muli %arg1, %mul3A : i32
    %add3A = arith.addi %mul3A_0, %arg0 : i32
    %mul3A_1 = arith.constant 4 : i32
    %mul3A_2 = arith.muli %add3A, %mul3A_1 : i32
    "tpu.region"() ({
      %run_scoped3A = tpu.sem_alloc : memref<!tpu.dma_semaphore, #tpu.memory_space<semaphore_mem>>
      %dma_start3A_83 = arith.constant 0 : i32
      %dma_start3A_84 = tpu.memref_slice %arg2[%mul3A_2, %dma_start3A_83] : memref<128x128xi32, #tpu.memory_space<hbm>> -> memref<4x128xi32, #tpu.memory_space<hbm>>
      %dma_start3A_85 = arith.constant 0 : i32
      %dma_start3A_86 = tpu.memref_slice %arg2[%mul3A_2, %dma_start3A_85] : memref<128x128xi32, #tpu.memory_space<hbm>> -> memref<4x128xi32, #tpu.memory_space<hbm>>
      tpu.enqueue_dma source(%dma_start3A_86 : memref<4x128xi32, #tpu.memory_space<hbm>>) target(%arg5 : memref<4x128xi32, #tpu.memory_space<vmem>>) target_semaphore(%run_scoped3A : memref<!tpu.dma_semaphore, #tpu.memory_space<semaphore_mem>>)
      %dma_wait3A_87 = arith.constant 0 : i32
      %dma_wait3A_88 = tpu.memref_slice %arg2[%mul3A_2, %dma_wait3A_87] : memref<128x128xi32, #tpu.memory_space<hbm>> -> memref<4x128xi32, #tpu.memory_space<hbm>>
      %dma_wait3A_89 = arith.constant 0 : i32
      %dma_wait3A_90 = tpu.memref_slice %arg2[%mul3A_2, %dma_wait3A_89] : memref<128x128xi32, #tpu.memory_space<hbm>> -> memref<4x128xi32, #tpu.memory_space<hbm>>
      tpu.wait_dma2 semaphore(%run_scoped3A : memref<!tpu.dma_semaphore, #tpu.memory_space<semaphore_mem>>) src(%dma_wait3A_90 : memref<4x128xi32, #tpu.memory_space<hbm>>) dst(%arg5 : memref<4x128xi32, #tpu.memory_space<vmem>>)
      tpu.yield
    }) : () -> ()
    %dma_start3A = arith.constant 0 : i32
    %dma_start3A_3 = arith.constant 0 : i32
    %dma_start3A_4 = arith.constant 0 : i32
    %dma_start3A_5 = tpu.memref_slice %arg6[%dma_start3A_3, %dma_start3A_4] : memref<512x128xf32, #tpu.memory_space<vmem>> -> memref<128x128xf32, #tpu.memory_space<vmem>>
    %dma_start3A_6 = arith.constant 0 : i32
    %dma_start3A_7 = tpu.memref_slice %arg5[%dma_start3A, %dma_start3A_6] : memref<4x128xi32, #tpu.memory_space<vmem>> -> memref<1x128xi32, #tpu.memory_space<vmem>>
    %dma_start3A_8 = tpu.memref_squeeze %dma_start3A_7 : memref<1x128xi32, #tpu.memory_space<vmem>> -> memref<128xi32, #tpu.memory_space<vmem>>
    %dma_start3A_9 = arith.constant 0 : i32
    %dma_start3A_10 = arith.constant 0 : i32
    %dma_start3A_11 = tpu.memref_slice %arg3[%dma_start3A_9, %dma_start3A_10] : memref<100000x128xf32, #tpu.memory_space<hbm>> -> memref<100000x128xf32, #tpu.memory_space<hbm>>
    tpu.enqueue_indirect_dma source(%dma_start3A_11 : memref<100000x128xf32, #tpu.memory_space<hbm>>) target(%dma_start3A_5 : memref<128x128xf32, #tpu.memory_space<vmem>>) offsets(%dma_start3A_8 : memref<128xi32, #tpu.memory_space<vmem>>) semaphore(%arg7 : memref<!tpu.dma_semaphore, #tpu.memory_space<semaphore_mem>>)
    %dma_start3A_12 = arith.constant 1 : i32
    %dma_start3A_13 = arith.constant 128 : i32
    %dma_start3A_14 = arith.constant 0 : i32
    %dma_start3A_15 = tpu.memref_slice %arg6[%dma_start3A_13, %dma_start3A_14] : memref<512x128xf32, #tpu.memory_space<vmem>> -> memref<128x128xf32, #tpu.memory_space<vmem>>
    %dma_start3A_16 = arith.constant 0 : i32
    %dma_start3A_17 = tpu.memref_slice %arg5[%dma_start3A_12, %dma_start3A_16] : memref<4x128xi32, #tpu.memory_space<vmem>> -> memref<1x128xi32, #tpu.memory_space<vmem>>
    %dma_start3A_18 = tpu.memref_squeeze %dma_start3A_17 : memref<1x128xi32, #tpu.memory_space<vmem>> -> memref<128xi32, #tpu.memory_space<vmem>>
    %dma_start3A_19 = arith.constant 0 : i32
    %dma_start3A_20 = arith.constant 0 : i32
    %dma_start3A_21 = tpu.memref_slice %arg3[%dma_start3A_19, %dma_start3A_20] : memref<100000x128xf32, #tpu.memory_space<hbm>> -> memref<100000x128xf32, #tpu.memory_space<hbm>>
    tpu.enqueue_indirect_dma source(%dma_start3A_21 : memref<100000x128xf32, #tpu.memory_space<hbm>>) target(%dma_start3A_15 : memref<128x128xf32, #tpu.memory_space<vmem>>) offsets(%dma_start3A_18 : memref<128xi32, #tpu.memory_space<vmem>>) semaphore(%arg7 : memref<!tpu.dma_semaphore, #tpu.memory_space<semaphore_mem>>)
    %dma_start3A_22 = arith.constant 2 : i32
    %dma_start3A_23 = arith.constant 256 : i32
    %dma_start3A_24 = arith.constant 0 : i32
    %dma_start3A_25 = tpu.memref_slice %arg6[%dma_start3A_23, %dma_start3A_24] : memref<512x128xf32, #tpu.memory_space<vmem>> -> memref<128x128xf32, #tpu.memory_space<vmem>>
    %dma_start3A_26 = arith.constant 0 : i32
    %dma_start3A_27 = tpu.memref_slice %arg5[%dma_start3A_22, %dma_start3A_26] : memref<4x128xi32, #tpu.memory_space<vmem>> -> memref<1x128xi32, #tpu.memory_space<vmem>>
    %dma_start3A_28 = tpu.memref_squeeze %dma_start3A_27 : memref<1x128xi32, #tpu.memory_space<vmem>> -> memref<128xi32, #tpu.memory_space<vmem>>
    %dma_start3A_29 = arith.constant 0 : i32
    %dma_start3A_30 = arith.constant 0 : i32
    %dma_start3A_31 = tpu.memref_slice %arg3[%dma_start3A_29, %dma_start3A_30] : memref<100000x128xf32, #tpu.memory_space<hbm>> -> memref<100000x128xf32, #tpu.memory_space<hbm>>
    tpu.enqueue_indirect_dma source(%dma_start3A_31 : memref<100000x128xf32, #tpu.memory_space<hbm>>) target(%dma_start3A_25 : memref<128x128xf32, #tpu.memory_space<vmem>>) offsets(%dma_start3A_28 : memref<128xi32, #tpu.memory_space<vmem>>) semaphore(%arg7 : memref<!tpu.dma_semaphore, #tpu.memory_space<semaphore_mem>>)
    %dma_start3A_32 = arith.constant 3 : i32
    %dma_start3A_33 = arith.constant 384 : i32
    %dma_start3A_34 = arith.constant 0 : i32
    %dma_start3A_35 = tpu.memref_slice %arg6[%dma_start3A_33, %dma_start3A_34] : memref<512x128xf32, #tpu.memory_space<vmem>> -> memref<128x128xf32, #tpu.memory_space<vmem>>
    %dma_start3A_36 = arith.constant 0 : i32
    %dma_start3A_37 = tpu.memref_slice %arg5[%dma_start3A_32, %dma_start3A_36] : memref<4x128xi32, #tpu.memory_space<vmem>> -> memref<1x128xi32, #tpu.memory_space<vmem>>
    %dma_start3A_38 = tpu.memref_squeeze %dma_start3A_37 : memref<1x128xi32, #tpu.memory_space<vmem>> -> memref<128xi32, #tpu.memory_space<vmem>>
    %dma_start3A_39 = arith.constant 0 : i32
    %dma_start3A_40 = arith.constant 0 : i32
    %dma_start3A_41 = tpu.memref_slice %arg3[%dma_start3A_39, %dma_start3A_40] : memref<100000x128xf32, #tpu.memory_space<hbm>> -> memref<100000x128xf32, #tpu.memory_space<hbm>>
    tpu.enqueue_indirect_dma source(%dma_start3A_41 : memref<100000x128xf32, #tpu.memory_space<hbm>>) target(%dma_start3A_35 : memref<128x128xf32, #tpu.memory_space<vmem>>) offsets(%dma_start3A_38 : memref<128xi32, #tpu.memory_space<vmem>>) semaphore(%arg7 : memref<!tpu.dma_semaphore, #tpu.memory_space<semaphore_mem>>)
    %dma_wait3A = arith.constant 0 : i32
    %dma_wait3A_42 = arith.constant 0 : i32
    %dma_wait3A_43 = arith.constant 0 : i32
    %dma_wait3A_44 = tpu.memref_slice %arg6[%dma_wait3A_42, %dma_wait3A_43] : memref<512x128xf32, #tpu.memory_space<vmem>> -> memref<128x128xf32, #tpu.memory_space<vmem>>
    %dma_wait3A_45 = arith.constant 0 : i32
    %dma_wait3A_46 = tpu.memref_slice %arg5[%dma_wait3A, %dma_wait3A_45] : memref<4x128xi32, #tpu.memory_space<vmem>> -> memref<1x128xi32, #tpu.memory_space<vmem>>
    %dma_wait3A_47 = tpu.memref_squeeze %dma_wait3A_46 : memref<1x128xi32, #tpu.memory_space<vmem>> -> memref<128xi32, #tpu.memory_space<vmem>>
    %dma_wait3A_48 = arith.constant 0 : i32
    %dma_wait3A_49 = arith.constant 0 : i32
    %dma_wait3A_50 = tpu.memref_slice %arg3[%dma_wait3A_48, %dma_wait3A_49] : memref<100000x128xf32, #tpu.memory_space<hbm>> -> memref<100000x128xf32, #tpu.memory_space<hbm>>
    tpu.wait_indirect_dma semaphore(%arg7 : memref<!tpu.dma_semaphore, #tpu.memory_space<semaphore_mem>>) src(%dma_wait3A_50 : memref<100000x128xf32, #tpu.memory_space<hbm>>) dst(%dma_wait3A_44 : memref<128x128xf32, #tpu.memory_space<vmem>>)
    %dma_wait3A_51 = arith.constant 1 : i32
    %dma_wait3A_52 = arith.constant 128 : i32
    %dma_wait3A_53 = arith.constant 0 : i32
    %dma_wait3A_54 = tpu.memref_slice %arg6[%dma_wait3A_52, %dma_wait3A_53] : memref<512x128xf32, #tpu.memory_space<vmem>> -> memref<128x128xf32, #tpu.memory_space<vmem>>
    %dma_wait3A_55 = arith.constant 0 : i32
    %dma_wait3A_56 = tpu.memref_slice %arg5[%dma_wait3A_51, %dma_wait3A_55] : memref<4x128xi32, #tpu.memory_space<vmem>> -> memref<1x128xi32, #tpu.memory_space<vmem>>
    %dma_wait3A_57 = tpu.memref_squeeze %dma_wait3A_56 : memref<1x128xi32, #tpu.memory_space<vmem>> -> memref<128xi32, #tpu.memory_space<vmem>>
    %dma_wait3A_58 = arith.constant 0 : i32
    %dma_wait3A_59 = arith.constant 0 : i32
    %dma_wait3A_60 = tpu.memref_slice %arg3[%dma_wait3A_58, %dma_wait3A_59] : memref<100000x128xf32, #tpu.memory_space<hbm>> -> memref<100000x128xf32, #tpu.memory_space<hbm>>
    tpu.wait_indirect_dma semaphore(%arg7 : memref<!tpu.dma_semaphore, #tpu.memory_space<semaphore_mem>>) src(%dma_wait3A_60 : memref<100000x128xf32, #tpu.memory_space<hbm>>) dst(%dma_wait3A_54 : memref<128x128xf32, #tpu.memory_space<vmem>>)
    %dma_wait3A_61 = arith.constant 2 : i32
    %dma_wait3A_62 = arith.constant 256 : i32
    %dma_wait3A_63 = arith.constant 0 : i32
    %dma_wait3A_64 = tpu.memref_slice %arg6[%dma_wait3A_62, %dma_wait3A_63] : memref<512x128xf32, #tpu.memory_space<vmem>> -> memref<128x128xf32, #tpu.memory_space<vmem>>
    %dma_wait3A_65 = arith.constant 0 : i32
    %dma_wait3A_66 = tpu.memref_slice %arg5[%dma_wait3A_61, %dma_wait3A_65] : memref<4x128xi32, #tpu.memory_space<vmem>> -> memref<1x128xi32, #tpu.memory_space<vmem>>
    %dma_wait3A_67 = tpu.memref_squeeze %dma_wait3A_66 : memref<1x128xi32, #tpu.memory_space<vmem>> -> memref<128xi32, #tpu.memory_space<vmem>>
    %dma_wait3A_68 = arith.constant 0 : i32
    %dma_wait3A_69 = arith.constant 0 : i32
    %dma_wait3A_70 = tpu.memref_slice %arg3[%dma_wait3A_68, %dma_wait3A_69] : memref<100000x128xf32, #tpu.memory_space<hbm>> -> memref<100000x128xf32, #tpu.memory_space<hbm>>
    tpu.wait_indirect_dma semaphore(%arg7 : memref<!tpu.dma_semaphore, #tpu.memory_space<semaphore_mem>>) src(%dma_wait3A_70 : memref<100000x128xf32, #tpu.memory_space<hbm>>) dst(%dma_wait3A_64 : memref<128x128xf32, #tpu.memory_space<vmem>>)
    %dma_wait3A_71 = arith.constant 3 : i32
    %dma_wait3A_72 = arith.constant 384 : i32
    %dma_wait3A_73 = arith.constant 0 : i32
    %dma_wait3A_74 = tpu.memref_slice %arg6[%dma_wait3A_72, %dma_wait3A_73] : memref<512x128xf32, #tpu.memory_space<vmem>> -> memref<128x128xf32, #tpu.memory_space<vmem>>
    %dma_wait3A_75 = arith.constant 0 : i32
    %dma_wait3A_76 = tpu.memref_slice %arg5[%dma_wait3A_71, %dma_wait3A_75] : memref<4x128xi32, #tpu.memory_space<vmem>> -> memref<1x128xi32, #tpu.memory_space<vmem>>
    %dma_wait3A_77 = tpu.memref_squeeze %dma_wait3A_76 : memref<1x128xi32, #tpu.memory_space<vmem>> -> memref<128xi32, #tpu.memory_space<vmem>>
    %dma_wait3A_78 = arith.constant 0 : i32
    %dma_wait3A_79 = arith.constant 0 : i32
    %dma_wait3A_80 = tpu.memref_slice %arg3[%dma_wait3A_78, %dma_wait3A_79] : memref<100000x128xf32, #tpu.memory_space<hbm>> -> memref<100000x128xf32, #tpu.memory_space<hbm>>
    tpu.wait_indirect_dma semaphore(%arg7 : memref<!tpu.dma_semaphore, #tpu.memory_space<semaphore_mem>>) src(%dma_wait3A_80 : memref<100000x128xf32, #tpu.memory_space<hbm>>) dst(%dma_wait3A_74 : memref<128x128xf32, #tpu.memory_space<vmem>>)
    %mul3A_81 = arith.constant 512 : i32
    %mul3A_82 = arith.muli %add3A, %mul3A_81 : i32
    "tpu.region"() ({
      %run_scoped3A = tpu.sem_alloc : memref<!tpu.dma_semaphore, #tpu.memory_space<semaphore_mem>>
      %dma_start3A_83 = arith.constant 0 : i32
      %dma_start3A_84 = tpu.memref_slice %arg4[%mul3A_82, %dma_start3A_83] : memref<16384x128xf32, #tpu.memory_space<hbm>> -> memref<512x128xf32, #tpu.memory_space<hbm>>
      %dma_start3A_85 = arith.constant 0 : i32
      %dma_start3A_86 = tpu.memref_slice %arg4[%mul3A_82, %dma_start3A_85] : memref<16384x128xf32, #tpu.memory_space<hbm>> -> memref<512x128xf32, #tpu.memory_space<hbm>>
      tpu.enqueue_dma source(%arg6 : memref<512x128xf32, #tpu.memory_space<vmem>>) target(%dma_start3A_86 : memref<512x128xf32, #tpu.memory_space<hbm>>) target_semaphore(%run_scoped3A : memref<!tpu.dma_semaphore, #tpu.memory_space<semaphore_mem>>)
      %dma_wait3A_87 = arith.constant 0 : i32
      %dma_wait3A_88 = tpu.memref_slice %arg4[%mul3A_82, %dma_wait3A_87] : memref<16384x128xf32, #tpu.memory_space<hbm>> -> memref<512x128xf32, #tpu.memory_space<hbm>>
      %dma_wait3A_89 = arith.constant 0 : i32
      %dma_wait3A_90 = tpu.memref_slice %arg4[%mul3A_82, %dma_wait3A_89] : memref<16384x128xf32, #tpu.memory_space<hbm>> -> memref<512x128xf32, #tpu.memory_space<hbm>>
      tpu.wait_dma2 semaphore(%run_scoped3A : memref<!tpu.dma_semaphore, #tpu.memory_space<semaphore_mem>>) src(%arg6 : memref<512x128xf32, #tpu.memory_space<vmem>>) dst(%dma_wait3A_90 : memref<512x128xf32, #tpu.memory_space<hbm>>)
      tpu.yield
    }) : () -> ()
    return
  }
}

module attributes {stable_mosaic.version = 14 : i64} {
  func.func @_mlp_body(%arg0: i32, %arg1: memref<2048x128xf32, #tpu.memory_space<vmem>>, %arg2: memref<2048x1xf32, #tpu.memory_space<vmem>>, %arg3: memref<128x64xf32, #tpu.memory_space<vmem>>, %arg4: memref<1x64xf32, #tpu.memory_space<vmem>>, %arg5: memref<1x64xf32, #tpu.memory_space<vmem>>, %arg6: memref<64x64xf32, #tpu.memory_space<vmem>>, %arg7: memref<1x64xf32, #tpu.memory_space<vmem>>, %arg8: memref<64x2048xf32, #tpu.memory_space<vmem>>) attributes {dimension_semantics = [#tpu.dimension_semantics<arbitrary>], iteration_bounds = array<i64: 8>, scalar_prefetch = 0 : i64, scratch_operands = 0 : i64, tpu.core_type = #tpu.core_type<tc>, window_params = [{transform_indices = @transform_0, window_bounds = array<i64: 2048, 128>}, {transform_indices = @transform_1, window_bounds = array<i64: 2048, 1>}, {pipeline_mode = #tpu.pipeline_mode<synchronous>, transform_indices = @transform_2, window_bounds = array<i64: 128, 64>}, {pipeline_mode = #tpu.pipeline_mode<synchronous>, transform_indices = @transform_3, window_bounds = array<i64: 1, 64>}, {pipeline_mode = #tpu.pipeline_mode<synchronous>, transform_indices = @transform_4, window_bounds = array<i64: 1, 64>}, {pipeline_mode = #tpu.pipeline_mode<synchronous>, transform_indices = @transform_5, window_bounds = array<i64: 64, 64>}, {pipeline_mode = #tpu.pipeline_mode<synchronous>, transform_indices = @transform_6, window_bounds = array<i64: 1, 64>}, {transform_indices = @transform_7, window_bounds = array<i64: 64, 2048>}]} {
    %get3A = arith.constant 0 : index
    %get3A_0 = arith.constant 0 : index
    %get3A_1 = vector.load %arg1[%get3A, %get3A_0] : memref<2048x128xf32, #tpu.memory_space<vmem>>, vector<2048x128xf32>
    %get3A_2 = arith.constant 0 : index
    %get3A_3 = arith.constant 0 : index
    %get3A_4 = vector.load %arg3[%get3A_2, %get3A_3] : memref<128x64xf32, #tpu.memory_space<vmem>>, vector<128x64xf32>
    %dot_general3A = arith.constant dense<0.000000e+00> : vector<2048x64xf32>
    %dot_general3A_5 = tpu.matmul %get3A_1, %get3A_4, %dot_general3A {dimension_numbers = #tpu.dot_dimension_numbers<[1], [0], [0], [1], [0, 0, 1, 1], [], []>, transpose_lhs_hint = false} : vector<2048x128xf32>, vector<128x64xf32>, vector<2048x64xf32> -> vector<2048x64xf32>
    %get3A_6 = arith.constant 0 : index
    %get3A_7 = arith.constant 0 : index
    %get3A_8 = vector.load %arg2[%get3A_6, %get3A_7] : memref<2048x1xf32, #tpu.memory_space<vmem>>, vector<2048x1xf32>
    %get3A_9 = arith.constant 0 : index
    %get3A_10 = arith.constant 0 : index
    %get3A_11 = vector.load %arg4[%get3A_9, %get3A_10] : memref<1x64xf32, #tpu.memory_space<vmem>>, vector<1x64xf32>
    %mul3A = vector.broadcast %get3A_8 : vector<2048x1xf32> to vector<2048x64xf32>
    %mul3A_12 = vector.broadcast %get3A_11 : vector<1x64xf32> to vector<2048x64xf32>
    %mul3A_13 = arith.mulf %mul3A, %mul3A_12 : vector<2048x64xf32>
    %add3A = arith.addf %dot_general3A_5, %mul3A_13 : vector<2048x64xf32>
    %get3A_14 = arith.constant 0 : index
    %get3A_15 = arith.constant 0 : index
    %get3A_16 = vector.load %arg5[%get3A_14, %get3A_15] : memref<1x64xf32, #tpu.memory_space<vmem>>, vector<1x64xf32>
    %add3A_17 = vector.broadcast %get3A_16 : vector<1x64xf32> to vector<2048x64xf32>
    %add3A_18 = arith.addf %add3A, %add3A_17 : vector<2048x64xf32>
    %max3A = arith.constant 0.000000e+00 : f32
    %max3A_19 = vector.broadcast %max3A : f32 to vector<2048x64xf32>
    %max3A_20 = arith.maximumf %add3A_18, %max3A_19 : vector<2048x64xf32>
    %get3A_21 = arith.constant 0 : index
    %get3A_22 = arith.constant 0 : index
    %get3A_23 = vector.load %arg6[%get3A_21, %get3A_22] : memref<64x64xf32, #tpu.memory_space<vmem>>, vector<64x64xf32>
    %dot_general3A_24 = arith.constant dense<0.000000e+00> : vector<2048x64xf32>
    %dot_general3A_25 = tpu.matmul %max3A_20, %get3A_23, %dot_general3A_24 {dimension_numbers = #tpu.dot_dimension_numbers<[1], [0], [0], [1], [0, 0, 1, 1], [], []>, transpose_lhs_hint = false} : vector<2048x64xf32>, vector<64x64xf32>, vector<2048x64xf32> -> vector<2048x64xf32>
    %get3A_26 = arith.constant 0 : index
    %get3A_27 = arith.constant 0 : index
    %get3A_28 = vector.load %arg7[%get3A_26, %get3A_27] : memref<1x64xf32, #tpu.memory_space<vmem>>, vector<1x64xf32>
    %add3A_29 = vector.broadcast %get3A_28 : vector<1x64xf32> to vector<2048x64xf32>
    %add3A_30 = arith.addf %dot_general3A_25, %add3A_29 : vector<2048x64xf32>
    %transpose3A = tpu.transpose %add3A_30, [1, 0] : vector<2048x64xf32> -> vector<64x2048xf32>
    %swap3A = arith.constant 0 : index
    %swap3A_31 = arith.constant 0 : index
    %swap3A_32 = vector.load %arg8[%swap3A, %swap3A_31] : memref<64x2048xf32, #tpu.memory_space<vmem>>, vector<64x2048xf32>
    tpu.vector_store %arg8[%swap3A, %swap3A_31], %transpose3A {strides = array<i32>} : memref<64x2048xf32, #tpu.memory_space<vmem>>, vector<64x2048xf32>,
    return
  }
  func.func @transform_0(%arg0: i32) -> (i32, i32) {
    %c0_i32 = arith.constant 0 : i32
    %c0_i32_0 = arith.constant 0 : i32
    return %arg0, %c0_i32 : i32, i32
  }
  func.func @transform_1(%arg0: i32) -> (i32, i32) {
    %c0_i32 = arith.constant 0 : i32
    %c0_i32_0 = arith.constant 0 : i32
    return %arg0, %c0_i32 : i32, i32
  }
  func.func @transform_2(%arg0: i32) -> (i32, i32) {
    %c0_i32 = arith.constant 0 : i32
    %c0_i32_0 = arith.constant 0 : i32
    %c0_i32_1 = arith.constant 0 : i32
    return %c0_i32, %c0_i32_0 : i32, i32
  }
  func.func @transform_3(%arg0: i32) -> (i32, i32) {
    %c0_i32 = arith.constant 0 : i32
    %c0_i32_0 = arith.constant 0 : i32
    %c0_i32_1 = arith.constant 0 : i32
    return %c0_i32, %c0_i32_0 : i32, i32
  }
  func.func @transform_4(%arg0: i32) -> (i32, i32) {
    %c0_i32 = arith.constant 0 : i32
    %c0_i32_0 = arith.constant 0 : i32
    %c0_i32_1 = arith.constant 0 : i32
    return %c0_i32, %c0_i32_0 : i32, i32
  }
  func.func @transform_5(%arg0: i32) -> (i32, i32) {
    %c0_i32 = arith.constant 0 : i32
    %c0_i32_0 = arith.constant 0 : i32
    %c0_i32_1 = arith.constant 0 : i32
    return %c0_i32, %c0_i32_0 : i32, i32
  }
  func.func @transform_6(%arg0: i32) -> (i32, i32) {
    %c0_i32 = arith.constant 0 : i32
    %c0_i32_0 = arith.constant 0 : i32
    %c0_i32_1 = arith.constant 0 : i32
    return %c0_i32, %c0_i32_0 : i32, i32
  }
  func.func @transform_7(%arg0: i32) -> (i32, i32) {
    %c0_i32 = arith.constant 0 : i32
    %c0_i32_0 = arith.constant 0 : i32
    return %c0_i32, %arg0 : i32, i32
  }
}

</mosaic_0001>

<sc_bundles>
// kernel: kernel.5.cloned.1.call-start
scs
__scs_entry_jumppad:
0x0: {  	(pc) =	sbr.rel $0x88, $3  }
0x1: {  	(tag) =	ssettag $0x0;
	lr =	simm.s32 $0x1  }
0x2: {  	[smem:$0x3F98] =	sst lr;
	_ =	strace $0xD0000000  }
0x3: {  	_ = 	snop  }
0x4: {  	_ = 	snop  }
0x5: {  	_ = 	snop  }
0x6: {  	_ = 	snop  }
0x7: {  	_ = 	snop  }
__scs_overlays_trampoline_lowered:
0x8: {  	[smem:$0x3FA7] =	sst s0  }
0x9: {  	[smem:$0x3FA8] =	sst s1  }
0xa: {  	[smem:$0x3FA9] =	sst s2  }
0xb: {  	[smem:$0x3FAA] =	sst s3  }
0xc: {  	[smem:$0x3FAB] =	sst s4  }
0xd: {  	[smem:$0x3FAC] =	sst s5  }
0xe: {  	[smem:$0x3FAD] =	sst s6  }
0xf: {  	[smem:$0x3FAE] =	sst s7  }
0x10: {  	[smem:$0x3FAF] =	sst s8  }
0x11: {  	[smem:$0x3FB0] =	sst s9;
	s0 =	simm.s32 @!p0 $0x0  }
0x12: {  	s1 =	sld [smem:$0x3F96];
	s0 =	simm.s32 @p0 $0x1  }
0x13: {  	[smem:$0x3FB1] =	sst s0;
	s0 =	simm.s32 @!p1 $0x0  }
0x14: {  	s2 =	sld [smem:$0x3F95];
	s0 =	simm.s32 @p1 $0x1  }
0x15: {  	[smem:$0x3FB2] =	sst s0;
	s0 =	simm.s32 @!p2 $0x0  }
0x16: {  	s3 =	sld [smem:$0x3FDB];
	s0 =	simm.s32 @p2 $0x1  }
0x17: {  	s4 =	simm.s32 $0x1BF5;
	[smem:$0x3FB4] =	sst s0  }
0x18: {  	s0 =	sld [smem:$0x3F97];
	_ =	swait.ge [sflag:s4], $0x0  }
0x19: {  	s7 =	sld [smem:$0x3F98]  }
0x1a: {  	s8 =	sadd.s32 $0xFFFFE003, lr  }
0x1b: {  	s9 =	sadd.s32 $0xFFFFFEF7, lr;
	s5 =	simm.s32 $0xFFFFFFFF;
	p2 =	slt.u32 s8, $0xFFFFF086  }
0x1c: {  	p1 =	slt.u32 s9, $0xF7A;
	s5 =	simm.s32 @!p2 $0x0  }
0x1d: {  	s5 =	simm.s32 @p1 $0x1;
	p0 =	seq.s32 s7, s2  }
0x1e: {  	s7 =	smul.u32 @!p0 $0xF7A, s2;
	p2 =	seq.s32 @!p0 s5, $0x0  }
0x1f: {  	s9 =	smul.u32 $0xF7A, s1;
	s8 =	simm.s32 @!p0 $0x1BF5;
	p2 =	por !p2, p0  }
0x20: {  	[sflag:s8] =	ssyncset.s32 @!p0 $0xFFFFF086;
	s6 =	sadd.s32 @!p0 s3, s7;
	s7 =	simm.s32 @!p0 $0x108  }
0x21: {  	s3 =	sadd.s32 s3, s9;
	s6 =	sadd.s32 @!p0 $0x88, s6;
	s7 =	simm.s32 @p2 $0x1082  }
0x22: {  	[simem:s7], [sflag:s8] =	dma.local @!p0 [hbm:s6], $0xF7A  }
0x23: {  	s9 =	sor.u32 $0xD0000000, s2;
	s6 =	simm.s32 $0x108;
	_ =	swait.ge @!p0 [sflag:s8], $0x0  }
0x24: {  	s3 =	sadd.s32 $0x88, s3;
	s6 =	simm.s32 @!p1 $0x1082;
	[sflag:s4] =	ssyncset.s32 $0xFFFFF086  }
0x25: {  	[simem:s6], [sflag:s4] =	dma.local [hbm:s3], $0xF7A  }
0x26: {  	[smem:$0x3F98] =	sst s1;
	(tag) =	ssettag s2;
	_ =	strace s9  }
0x27: {  	s1 =	sld [smem:$0x3FA8]  }
0x28: {  	s2 =	sld [smem:$0x3FA9]  }
0x29: {  	s4 =	sld [smem:$0x3FAB]  }
0x2a: {  	p0 =	seq.s32 s5, $0x0;
	s5 =	sld [smem:$0x3FAC]  }
0x2b: {  	s6 =	sld [smem:$0x3FAD]  }
0x2c: {  	s7 =	sld [smem:$0x3FAE]  }
0x2d: {  	s3 =	simm.s32 $0x108;
	s8 =	sld [smem:$0x3FAF]  }
0x2e: {  	s3 =	simm.s32 @!p0 $0x1082;
	s9 =	sld [smem:$0x3FB0]  }
0x2f: {  	lr =	sadd.s32 s0, s3;
	s0 =	sld [smem:$0x3FA7]  }
0x30: {  	s3 =	sld [smem:$0x3FAA]  }
0x31: {  	[smem:$0x3FB3] =	sst s10  }
0x32: {  	s10 =	sld [smem:$0x3FB1];
	_ =	sdelay $0x3  }
0x33: {  	p0 =	seq.s32 s10, $0x1;
	s10 =	sld [smem:$0x3FB3];
	_ =	sdelay $0x3  }
0x34: {  	[smem:$0x3FB3] =	sst s10  }
0x35: {  	s10 =	sld [smem:$0x3FB2];
	_ =	sdelay $0x3  }
0x36: {  	p1 =	seq.s32 s10, $0x1;
	s10 =	sld [smem:$0x3FB3];
	_ =	sdelay $0x3  }
0x37: {  	[smem:$0x3FB3] =	sst s10  }
0x38: {  	s10 =	sld [smem:$0x3FB4]  }
0x39: {  	_ = 	snop;
	(pc) =	sbr.ind lr, $3  }
0x3a: {  	_ = 	snop  }
0x3b: {  	_ = 	snop  }
0x3c: {  	p2 =	seq.s32 s10, $0x1;
	s10 =	sld [smem:$0x3FB3]  }
0x3d: {  	_ =	shalt  }
0x3e: {  	_ =	shalt  }
0x3f: {  	_ =	shalt  }
0x40: {  	_ =	shalt  }
0x41: {  	_ =	shalt  }
0x42: {  	_ =	shalt  }
0x43: {  	_ =	shalt  }
0x44: {  	_ =	shalt  }
0x45: {  	_ =	shalt  }
0x46: {  	_ =	shalt  }
0x47: {  	_ =	shalt  }
0x48: {  	_ =	shalt  }
0x49: {  	_ =	shalt  }
0x4a: {  	_ =	shalt  }
0x4b: {  	_ =	shalt  }
0x4c: {  	_ =	shalt  }
0x4d: {  	_ =	shalt  }
0x4e: {  	_ =	shalt  }
0x4f: {  	_ =	shalt  }
0x50: {  	_ =	shalt  }
0x51: {  	_ =	shalt  }
0x52: {  	_ =	shalt  }
0x53: {  	_ =	shalt  }
0x54: {  	_ =	shalt  }
0x55: {  	_ =	shalt  }
0x56: {  	_ =	shalt  }
0x57: {  	_ =	shalt  }
0x58: {  	_ =	shalt  }
0x59: {  	_ =	shalt  }
0x5a: {  	_ =	shalt  }
0x5b: {  	_ =	shalt  }
0x5c: {  	_ =	shalt  }
0x5d: {  	_ =	shalt  }
0x5e: {  	_ =	shalt  }
0x5f: {  	_ =	shalt  }
0x60: {  	_ =	shalt  }
0x61: {  	_ =	shalt  }
0x62: {  	_ =	shalt  }
0x63: {  	_ =	shalt  }
0x64: {  	_ =	shalt  }
0x65: {  	_ =	shalt  }
0x66: {  	_ =	shalt  }
0x67: {  	_ =	shalt  }
0x68: {  	_ =	shalt  }
0x69: {  	_ =	shalt  }
0x6a: {  	_ =	shalt  }
0x6b: {  	_ =	shalt  }
0x6c: {  	_ =	shalt  }
0x6d: {  	_ =	shalt  }
0x6e: {  	_ =	shalt  }
0x6f: {  	_ =	shalt  }
0x70: {  	_ =	shalt  }
0x71: {  	_ =	shalt  }
0x72: {  	_ =	shalt  }
0x73: {  	_ =	shalt  }
0x74: {  	_ =	shalt  }
0x75: {  	_ =	shalt  }
0x76: {  	_ =	shalt  }
0x77: {  	_ =	shalt  }
0x78: {  	_ =	shalt  }
0x79: {  	_ =	shalt  }
0x7a: {  	_ =	shalt  }
0x7b: {  	_ =	shalt  }
0x7c: {  	_ =	shalt  }
0x7d: {  	_ =	shalt  }
0x7e: {  	_ =	shalt  }
0x7f: {  	_ =	shalt  }
0x80: {  	_ =	shalt  }
0x81: {  	_ =	shalt  }
0x82: {  	_ =	shalt  }
0x83: {  	_ =	shalt  }
0x84: {  	_ =	shalt  }
0x85: {  	_ =	shalt  }
0x86: {  	_ =	shalt  }
0x87: {  	_ =	shalt  }
.Lfunc_end0:
.L_simem_size_0:
called_computation_lowered:
.L_overlay_start_0:
0x88: {  	s2 =	sld [smem:$0x3FD9]  }
0x89: {  	s3 =	sld [smem:$0x3FFE];
	_ =	sdelay $0x1  }
0x8a: {  	s1 =	srdreg.scid  }
0x8b: {  	s0 =	sand.u32 $0x1, s1  }
0x8c: {  	s17 =	sshll.u32 s0, $0xA;
	s2 =	sadd.s32 s3, s2  }
0x8d: {  	s2 =	sadd.s32 s2, s17  }
0x8e: {  	[smem:$0x3FBF] =	sst s2  }
0x8f: {  	_ = 	snop  }
0x90: {  	s18 =	sld [smem:$0x3FC8]  }
0x91: {  	s4 =	sld [smem:$0x3FC5];
	(tm) =	ssettm $0x1  }
0x92: {  	s19 =	sld [smem:$0x3FFB];
	_ =	sdelay $0x3  }
0x93: {  	_ =	strace s19  }
0x94: {  	s2 =	sld [smem:$0x3FFC];
	_ =	sdelay $0x3  }
0x95: {  	_ =	strace s2  }
0x96: {  	s2 =	sld [smem:$0x3FFD];
	_ =	sdelay $0x3  }
0x97: {  	_ =	strace s2  }
0x98: {  	_ =	strace $0x8FFFFFFF  }
0x99: {  	s20 =	sld [smem:$0x3FDB];
	_ =	sdelay $0x1  }
0x9a: {  	s5 =	simm.s32 $_scs_section_size  }
0x9b: {  	s6 =	simm.s32 $_size__tile_overlayer_lowered;
	s7 =	simm.s32 $_tile_overlayer_lowered  }
0x9c: {  	s8 =	simm.s32 $0x1BFF;
	s21 =	sshll.u32 s7, $0x1;
	s5 =	sadd.s32 s5, s20  }
0x9d: {  	s22 =	simm.s32 $0x0;
	s6 =	sshll.u32 s6, $0x1;
	s7 =	sadd.s32 s21, s5  }
0x9e: {  	[timem:s22], [sflag:s8] =	dma.local [hbm:s7], s6  }
0x9f: {  	_ =	swait.ge [sflag:s8], s6  }
0xa0: {  	s6 =	ssub.s32 $0x0, s6;
	[sflag:s8] =	ssyncset.done $0x0  }
0xa1: {  	[sflag:s8] =	ssyncadd.s32 s6;
	_ =	sdelay $0x1  }
0xa2: {  	s23 =	simm.s32 $0x1B8B  }
0xa3: {  	_ =	swait.ge [sflag:s23], $0x1  }
0xa4: {  	[sflag:s23] =	ssyncset.done $0x0  }
0xa5: {  	[sflag:s23] =	ssyncadd.s32 $0xFFFFFFFF  }
0xa6: {  	s6 =	sld [smem:$0x0]  }
0xa7: {  	s7 =	sand.u32 $0xFFFFFFFE, s1  }
0xa8: {  	p0 =	sne.s32 s1, s7  }
0xa9: {  	s7 =	sshll.u32 @p0 s7, $0xE  }
0xaa: {  	s7 =	sadd.s32 @p0 $0x11B8D, s7;
	s8 =	sshll.u32 @p0 s6, $0x11  }
0xab: {  	s7 =	sor.u32 @p0 s8, s7  }
0xac: {  	[sflag:s7] =	ssyncadd.remote.s32 @p0 $0x1;
	_ =	sdelay $0x1  }
0xad: {  	s7 =	simm.s32 @p0 $0x1B8D  }
0xae: {  	_ =	swait.eq @p0 [sflag:s7], $0x1  }
0xaf: {  	[sflag:s7] =	ssyncadd.s32 @p0 $0xFFFFFFFF  }
0xb0: {  	s8 =	sshll.u32 @!p0 s1, $0xE  }
0xb1: {  	s8 =	sor.u32 @!p0 $0x4000, s8;
	s7 =	simm.s32 @!p0 $0x1B8D  }
0xb2: {  	s6 =	sshll.u32 @!p0 s6, $0x11;
	s8 =	sadd.s32 @!p0 $0x11B8D, s8;
	_ =	swait.eq @!p0 [sflag:s7], $0x1  }
0xb3: {  	s6 =	sor.u32 @!p0 s6, s8;
	[sflag:s7] =	ssyncadd.s32 @!p0 $0xFFFFFFFF  }
0xb4: {  	s25 =	simm.s32 $0x1B8E;
	s24 =	sld [smem:$0x3FFE];
	[sflag:s6] =	ssyncadd.remote.s32 @!p0 $0x1  }
0xb5: {  	s26 =	simm.s32 $execute0_lowered;
	[smem:$0x3FD2] =	sst s25  }
0xb6: {  	s7 =	sshll.u32 s26, $0x1;
	_ =	strace $0x80000049;
	[dreg:$0x1] =	wrdreg $0xFFFFFFFF  }
0xb7: {  	s28 =	simm.s32 $_size_execute0_lowered;
	s5 =	sadd.s32 s5, s7;
	[dreg:$0x0] =	wrdreg $0x0  }
0xb8: {  	s7 =	sshll.u32 s28, $0x1;
	[dreg:$0x2] =	wrdreg s5  }
0xb9: {  	[dreg:$0x3] =	wrdreg s7  }
0xba: {  	[dreg:$0x4] =	wrdreg $0xC0  }
0xbb: {  	_ =	task [dreg:s22], $0x5FFFF  }
0xbc: {  	[dreg:$0x1] =	wrdreg $0xFFFFFFFF  }
0xbd: {  	[dreg:$0x0] =	wrdreg $0x60  }
0xbe: {  	[dreg:$0x2] =	wrdreg s18  }
0xbf: {  	[dreg:$0x3] =	wrdreg s4  }
0xc0: {  	[dreg:$0x4] =	wrdreg s24  }
0xc1: {  	[dreg:$0x5] =	wrdreg $0x9  }
0xc2: {  	_ =	task.clear_ibuf [dreg:s22], $0x6FFFF;
	_ =	strace $0x90000049  }
0xc3: {  	s29 =	simm.s32 $0x9;
	_ =	strace $0x8000004B  }
0xc4: {  	_ =	swait.ge [sflag:s29], $0x1  }
0xc5: {  	[sflag:s29] =	ssyncadd.s32 $0xFFFFFFFF  }
0xc6: {  	_ =	strace $0x9000004B  }
0xc7: {  	_ =	sfence  }
0xc8: {  	s30 =	sld [smem:$0x0];
	_ =	sdelay $0x2  }
0xc9: {  	s31 =	sshll.u32 s1, $0xD;
	s1 =	sshrl.u32 s1, $0x2  }
0xca: {  	s4 =	sand.u32 $0x4000, s31;
	s1 =	sadd.s32 s1, s30  }
0xcb: {  	s0 =	sor.u32 s4, s0;
	s1 =	sshll.u32 s1, $0x11  }
0xcc: {  	s0 =	sor.u32 s1, s0  }
0xcd: {  	s0 =	sadd.s32 $0x8F2B, s0  }
0xce: {  	[sflag:s0] =	ssyncadd.remote.s32 $0x1  }
0xcf: {  	_ =	sfence.sel $0xFFFF  }
0xd0: {  	[dreg:$0x0] =	wrdreg $0xFFFFFFFF;
	(pc) =	sbr.abs _section_cstart, $3  }
0xd1: {  	[dreg:$0x1] =	wrdreg $0xFFFFFFFF  }
0xd2: {  	_ =	task.clear_ibuf [dreg:s22], $0x2FFFF;
	_ =	strace $0x9FFFFFFF  }
0xd3: {  	(tm) =	ssettm $0x7FFFFFFF  }
tec
execute0_lowered:
.L_overlay_start_1:
0x0: {  	(tag) =	ssettag $0x1  }
0x1: {  	s4 =	rddreg [dreg:$0x0]  }
0x2: {  	s1 =	rddreg [dreg:$0x1]  }
0x3: {  	s14 =	rddreg [dreg:$0x2];
	s2 =	srdreg.scid  }
0x4: {  	s0 =	rddreg [dreg:$0x3];
	s15 =	sand.u32 $0x1, s2  }
0x5: {  	s3 =	simm.s32 $0x0;
	s2 =	stileid.u32;
	s5 =	sshll.u32 s15, $0x6  }
0x6: {  	[smem:$0x7FF] =	sst s3;
	s6 =	sshll.u32 s2, $0x7;
	s4 =	sadd.s32 s4, s5  }
0x7: {  	_ =	strace $0x8000004A;
	s5 =	sadd.s32 s6, s4;
	s4 =	simm.s32 $0x2  }
0x8: {  	[tilespmem:s3], [sflag:$0x2] =	stream.linear.gather [hbm4b:s5+s3], $0x200, $0x38;
	[tilespmem:$0x10200] =	vst v63  }
0x9: {  	_ =	swait.ge [sflag:s4], $0x200  }
0xa: {  	[sflag:s4] =	ssyncset.done $0x0  }
0xb: {  	s7 =	simm.s32 $0x200;
	s6 =	simm.s32 $0x80;
	[sflag:s4] =	ssyncadd.s32 $0xFFFFFE00  }
0xc: {  	[tilespmem:s7], [sflag:$0x1] =	stream.indirect.gather [hbm4b:s1+s6], $0x80, s3, s6, $0xb8;
	[tilespmem:$0x10200] =	vst v63  }
0xd: {  	s8 =	simm.s32 $0x4200  }
0xe: {  	[tilespmem:s8], [sflag:$0x1] =	stream.indirect.gather [hbm4b:s1+s6], $0x80, s6, s6, $0xb8;
	[tilespmem:$0x10200] =	vst v63  }
0xf: {  	s9 =	simm.s32 $0x100;
	s10 =	simm.s32 $0x8200  }
0x10: {  	[tilespmem:s10], [sflag:$0x1] =	stream.indirect.gather [hbm4b:s1+s6], $0x80, s9, s6, $0xb8;
	[tilespmem:$0x10200] =	vst v63  }
0x11: {  	s11 =	simm.s32 $0x180;
	s12 =	simm.s32 $0xC200;
	s13 =	simm.s32 $0x1  }
0x12: {  	[tilespmem:s12], [sflag:$0x1] =	stream.indirect.gather [hbm4b:s1+s6], $0x80, s11, s6, $0xb8;
	[tilespmem:$0x10200] =	vst v63  }
0x13: {  	_ =	swait.ge [sflag:s13], $0x4000  }
0x14: {  	[sflag:s13] =	ssyncset.done $0x0  }
0x15: {  	[sflag:s13] =	ssyncadd.s32 $0xFFFFC000  }
0x16: {  	_ =	swait.ge [sflag:s13], $0x4000  }
0x17: {  	[sflag:s13] =	ssyncset.done $0x0  }
0x18: {  	s16 =	sshll.u32 s15, $0xD;
	s15 =	ssub.s32 $0x2, s15;
	[sflag:s13] =	ssyncadd.s32 $0xFFFFC000  }
0x19: {  	s31 =	sshrl.u32 s15, $0x1;
	_ =	swait.ge [sflag:s13], $0x4000  }
0x1a: {  	s15 =	ssub.s32 s15, s31;
	[sflag:s13] =	ssyncset.done $0x0  }
0x1b: {  	s17 =	sshll.u32 s2, $0xE;
	s15 =	smax.u32 s15, $0x1;
	[sflag:s13] =	ssyncadd.s32 $0xFFFFC000  }
0x1c: {  	s14 =	sadd.s32 s16, s14;
	p0 =	sne.s32 s15, $0x1;
	_ =	swait.ge [sflag:s13], $0x4000  }
.Ltmp0:
0x1d: {  	s14 =	sadd.s32 s17, s14;
	[sflag:s13] =	ssyncset.done $0x0;
	(pc) =	sbr.rel @!p0 .LBB2_2-.Ltmp0, $4  }
0x1e: {  	s14 =	sadd.s32 $0x41400, s14;
	[sflag:s13] =	ssyncadd.s32 $0xFFFFC000  }
0x1f: {  	[hbm4b:s14+s3] =	stream.linear.scatter [tilespmem:s7], [sflag:$0x2], $0x10000, $0x38;
	[tilespmem:$0x10200] =	vst v63  }
0x20: {  	_ =	swait.ge [sflag:s4], $0x10000  }
0x21: {  	s15 =	sadd.s32 $0xFFFFFFFF, s15;
	[sflag:s4] =	ssyncset.done $0x0  }
.LBB2_1:
0x22: {  	p0 =	sne.s32 s15, $0x1;
	s15 =	sadd.s32 $0xFFFFFFFF, s15;
	[sflag:s4] =	ssyncadd.s32 $0xFFFF0000  }
0x23: {  	[tilespmem:s3], [sflag:$0x2] =	stream.linear.gather [hbm4b:s5+s3], $0x200, $0x38;
	[tilespmem:$0x10200] =	vst v63  }
0x24: {  	_ =	swait.ge [sflag:s4], $0x200  }
0x25: {  	[sflag:s4] =	ssyncset.done $0x0  }
0x26: {  	[sflag:s4] =	ssyncadd.s32 $0xFFFFFE00  }
0x27: {  	[tilespmem:s7], [sflag:$0x1] =	stream.indirect.gather [hbm4b:s1+s6], $0x80, s3, s6, $0xb8;
	[tilespmem:$0x10200] =	vst v63  }
0x28: {  	_ = 	snop  }
0x29: {  	[tilespmem:s8], [sflag:$0x1] =	stream.indirect.gather [hbm4b:s1+s6], $0x80, s6, s6, $0xb8;
	[tilespmem:$0x10200] =	vst v63  }
0x2a: {  	_ = 	snop  }
0x2b: {  	[tilespmem:s10], [sflag:$0x1] =	stream.indirect.gather [hbm4b:s1+s6], $0x80, s9, s6, $0xb8;
	[tilespmem:$0x10200] =	vst v63  }
0x2c: {  	_ = 	snop  }
0x2d: {  	[tilespmem:s12], [sflag:$0x1] =	stream.indirect.gather [hbm4b:s1+s6], $0x80, s11, s6, $0xb8;
	[tilespmem:$0x10200] =	vst v63  }
0x2e: {  	_ =	swait.ge [sflag:s13], $0x4000  }
0x2f: {  	[sflag:s13] =	ssyncset.done $0x0  }
0x30: {  	[sflag:s13] =	ssyncadd.s32 $0xFFFFC000  }
0x31: {  	_ =	swait.ge [sflag:s13], $0x4000  }
0x32: {  	[sflag:s13] =	ssyncset.done $0x0  }
0x33: {  	[sflag:s13] =	ssyncadd.s32 $0xFFFFC000  }
0x34: {  	_ =	swait.ge [sflag:s13], $0x4000  }
0x35: {  	[sflag:s13] =	ssyncset.done $0x0  }
0x36: {  	[sflag:s13] =	ssyncadd.s32 $0xFFFFC000  }
0x37: {  	_ =	swait.ge [sflag:s13], $0x4000  }
.Ltmp1:
0x38: {  	[sflag:s13] =	ssyncset.done $0x0;
	(pc) =	sbr.rel @p0 .LBB2_1-.Ltmp1, $4  }
0x39: {  	[sflag:s13] =	ssyncadd.s32 $0xFFFFC000  }
0x3a: {  	[hbm4b:s14+s3] =	stream.linear.scatter [tilespmem:s7], [sflag:$0x2], $0x10000, $0x38;
	[tilespmem:$0x10200] =	vst v63  }
0x3b: {  	_ =	swait.ge [sflag:s4], $0x10000  }
0x3c: {  	[sflag:s4] =	ssyncset.done $0x0  }
.LBB2_2:
0x3d: {  	[sflag:s4] =	ssyncadd.s32 $0xFFFF0000  }
0x3e: {  	_ =	sfence.sel $0x180000  }
0x3f: {  	[bflag:$0x0] =	sbarrier.arrive $0xFFFF  }
0x40: {  	p0 =	sne.s32 s2, $0x0;
	_ =	strace $0x9000004A  }
0x41: {  	s0 =	sadd.s32 @!p0 $0x100000, s0;
	[bflag:$0x2] =	sbarrier.arrive $0xFFFF  }
0x42: {  	[sflag:s0] =	ssyncadd.tile.s32 @!p0 $0x1;
	_ =	shalt  }
.Lfunc_end2:
_tile_overlayer_lowered:
.L_overlay_start_2:
0x43: {  	(tag) =	ssettag $0x2  }
0x44: {  	s0 =	rddreg [dreg:$0x0];
	s2 =	stileid.u32  }
0x45: {  	s1 =	rddreg [dreg:$0x1];
	p0 =	sne.s32 s2, $0x0  }
0x46: {  	s3 =	rddreg [dreg:$0x2];
	[bflag:$0x3] =	sbarrier.arrive $0xFFFF;
	s2 =	simm.s32 @!p0 $0x1C02  }
0x47: {  	[timem:s3], [sflag:s2] =	dma.local @!p0 [hbm:s0], s1  }
0x48: {  	s0 =	simm.s32 @!p0 $0x2  }
0x49: {  	_ =	swait.ge @!p0 [sflag:s0], s1  }
0x4a: {  	s1 =	ssub.s32 @!p0 $0x0, s1;
	[sflag:s0] =	ssyncset.done @!p0 $0x0  }
0x4b: {  	[sflag:s0] =	ssyncadd.s32 @!p0 s1  }
0x4c: {  	[bflag:$0x3] =	sbarrier.arrive $0xFFFF  }
0x4d: {  	_ =	shalt  }

// kernel: kernel.8.cloned.1.call-start
scs
__scs_entry_jumppad:
0x0: {  	(pc) =	sbr.rel $0x88, $3  }
0x1: {  	(tag) =	ssettag $0x0;
	lr =	simm.s32 $0x1  }
0x2: {  	[smem:$0x3F98] =	sst lr;
	_ =	strace $0xD0000000  }
0x3: {  	_ = 	snop  }
0x4: {  	_ = 	snop  }
0x5: {  	_ = 	snop  }
0x6: {  	_ = 	snop  }
0x7: {  	_ = 	snop  }
__scs_overlays_trampoline_lowered:
0x8: {  	[smem:$0x3FA7] =	sst s0  }
0x9: {  	[smem:$0x3FA8] =	sst s1  }
0xa: {  	[smem:$0x3FA9] =	sst s2  }
0xb: {  	[smem:$0x3FAA] =	sst s3  }
0xc: {  	[smem:$0x3FAB] =	sst s4  }
0xd: {  	[smem:$0x3FAC] =	sst s5  }
0xe: {  	[smem:$0x3FAD] =	sst s6  }
0xf: {  	[smem:$0x3FAE] =	sst s7  }
0x10: {  	[smem:$0x3FAF] =	sst s8  }
0x11: {  	[smem:$0x3FB0] =	sst s9;
	s0 =	simm.s32 @!p0 $0x0  }
0x12: {  	s1 =	sld [smem:$0x3F96];
	s0 =	simm.s32 @p0 $0x1  }
0x13: {  	[smem:$0x3FB1] =	sst s0;
	s0 =	simm.s32 @!p1 $0x0  }
0x14: {  	s2 =	sld [smem:$0x3F95];
	s0 =	simm.s32 @p1 $0x1  }
0x15: {  	[smem:$0x3FB2] =	sst s0;
	s0 =	simm.s32 @!p2 $0x0  }
0x16: {  	s3 =	sld [smem:$0x3FDB];
	s0 =	simm.s32 @p2 $0x1  }
0x17: {  	s4 =	simm.s32 $0x1BF5;
	[smem:$0x3FB4] =	sst s0  }
0x18: {  	s0 =	sld [smem:$0x3F97];
	_ =	swait.ge [sflag:s4], $0x0  }
0x19: {  	s7 =	sld [smem:$0x3F98]  }
0x1a: {  	s8 =	sadd.s32 $0xFFFFE003, lr  }
0x1b: {  	s9 =	sadd.s32 $0xFFFFFEF7, lr;
	s5 =	simm.s32 $0xFFFFFFFF;
	p2 =	slt.u32 s8, $0xFFFFF086  }
0x1c: {  	p1 =	slt.u32 s9, $0xF7A;
	s5 =	simm.s32 @!p2 $0x0  }
0x1d: {  	s5 =	simm.s32 @p1 $0x1;
	p0 =	seq.s32 s7, s2  }
0x1e: {  	s7 =	smul.u32 @!p0 $0xF7A, s2;
	p2 =	seq.s32 @!p0 s5, $0x0  }
0x1f: {  	s9 =	smul.u32 $0xF7A, s1;
	s8 =	simm.s32 @!p0 $0x1BF5;
	p2 =	por !p2, p0  }
0x20: {  	[sflag:s8] =	ssyncset.s32 @!p0 $0xFFFFF086;
	s6 =	sadd.s32 @!p0 s3, s7;
	s7 =	simm.s32 @!p0 $0x108  }
0x21: {  	s3 =	sadd.s32 s3, s9;
	s6 =	sadd.s32 @!p0 $0x88, s6;
	s7 =	simm.s32 @p2 $0x1082  }
0x22: {  	[simem:s7], [sflag:s8] =	dma.local @!p0 [hbm:s6], $0xF7A  }
0x23: {  	s9 =	sor.u32 $0xD0000000, s2;
	s6 =	simm.s32 $0x108;
	_ =	swait.ge @!p0 [sflag:s8], $0x0  }
0x24: {  	s3 =	sadd.s32 $0x88, s3;
	s6 =	simm.s32 @!p1 $0x1082;
	[sflag:s4] =	ssyncset.s32 $0xFFFFF086  }
0x25: {  	[simem:s6], [sflag:s4] =	dma.local [hbm:s3], $0xF7A  }
0x26: {  	[smem:$0x3F98] =	sst s1;
	(tag) =	ssettag s2;
	_ =	strace s9  }
0x27: {  	s1 =	sld [smem:$0x3FA8]  }
0x28: {  	s2 =	sld [smem:$0x3FA9]  }
0x29: {  	s4 =	sld [smem:$0x3FAB]  }
0x2a: {  	p0 =	seq.s32 s5, $0x0;
	s5 =	sld [smem:$0x3FAC]  }
0x2b: {  	s6 =	sld [smem:$0x3FAD]  }
0x2c: {  	s7 =	sld [smem:$0x3FAE]  }
0x2d: {  	s3 =	simm.s32 $0x108;
	s8 =	sld [smem:$0x3FAF]  }
0x2e: {  	s3 =	simm.s32 @!p0 $0x1082;
	s9 =	sld [smem:$0x3FB0]  }
0x2f: {  	lr =	sadd.s32 s0, s3;
	s0 =	sld [smem:$0x3FA7]  }
0x30: {  	s3 =	sld [smem:$0x3FAA]  }
0x31: {  	[smem:$0x3FB3] =	sst s10  }
0x32: {  	s10 =	sld [smem:$0x3FB1];
	_ =	sdelay $0x3  }
0x33: {  	p0 =	seq.s32 s10, $0x1;
	s10 =	sld [smem:$0x3FB3];
	_ =	sdelay $0x3  }
0x34: {  	[smem:$0x3FB3] =	sst s10  }
0x35: {  	s10 =	sld [smem:$0x3FB2];
	_ =	sdelay $0x3  }
0x36: {  	p1 =	seq.s32 s10, $0x1;
	s10 =	sld [smem:$0x3FB3];
	_ =	sdelay $0x3  }
0x37: {  	[smem:$0x3FB3] =	sst s10  }
0x38: {  	s10 =	sld [smem:$0x3FB4]  }
0x39: {  	_ = 	snop;
	(pc) =	sbr.ind lr, $3  }
0x3a: {  	_ = 	snop  }
0x3b: {  	_ = 	snop  }
0x3c: {  	p2 =	seq.s32 s10, $0x1;
	s10 =	sld [smem:$0x3FB3]  }
0x3d: {  	_ =	shalt  }
0x3e: {  	_ =	shalt  }
0x3f: {  	_ =	shalt  }
0x40: {  	_ =	shalt  }
0x41: {  	_ =	shalt  }
0x42: {  	_ =	shalt  }
0x43: {  	_ =	shalt  }
0x44: {  	_ =	shalt  }
0x45: {  	_ =	shalt  }
0x46: {  	_ =	shalt  }
0x47: {  	_ =	shalt  }
0x48: {  	_ =	shalt  }
0x49: {  	_ =	shalt  }
0x4a: {  	_ =	shalt  }
0x4b: {  	_ =	shalt  }
0x4c: {  	_ =	shalt  }
0x4d: {  	_ =	shalt  }
0x4e: {  	_ =	shalt  }
0x4f: {  	_ =	shalt  }
0x50: {  	_ =	shalt  }
0x51: {  	_ =	shalt  }
0x52: {  	_ =	shalt  }
0x53: {  	_ =	shalt  }
0x54: {  	_ =	shalt  }
0x55: {  	_ =	shalt  }
0x56: {  	_ =	shalt  }
0x57: {  	_ =	shalt  }
0x58: {  	_ =	shalt  }
0x59: {  	_ =	shalt  }
0x5a: {  	_ =	shalt  }
0x5b: {  	_ =	shalt  }
0x5c: {  	_ =	shalt  }
0x5d: {  	_ =	shalt  }
0x5e: {  	_ =	shalt  }
0x5f: {  	_ =	shalt  }
0x60: {  	_ =	shalt  }
0x61: {  	_ =	shalt  }
0x62: {  	_ =	shalt  }
0x63: {  	_ =	shalt  }
0x64: {  	_ =	shalt  }
0x65: {  	_ =	shalt  }
0x66: {  	_ =	shalt  }
0x67: {  	_ =	shalt  }
0x68: {  	_ =	shalt  }
0x69: {  	_ =	shalt  }
0x6a: {  	_ =	shalt  }
0x6b: {  	_ =	shalt  }
0x6c: {  	_ =	shalt  }
0x6d: {  	_ =	shalt  }
0x6e: {  	_ =	shalt  }
0x6f: {  	_ =	shalt  }
0x70: {  	_ =	shalt  }
0x71: {  	_ =	shalt  }
0x72: {  	_ =	shalt  }
0x73: {  	_ =	shalt  }
0x74: {  	_ =	shalt  }
0x75: {  	_ =	shalt  }
0x76: {  	_ =	shalt  }
0x77: {  	_ =	shalt  }
0x78: {  	_ =	shalt  }
0x79: {  	_ =	shalt  }
0x7a: {  	_ =	shalt  }
0x7b: {  	_ =	shalt  }
0x7c: {  	_ =	shalt  }
0x7d: {  	_ =	shalt  }
0x7e: {  	_ =	shalt  }
0x7f: {  	_ =	shalt  }
0x80: {  	_ =	shalt  }
0x81: {  	_ =	shalt  }
0x82: {  	_ =	shalt  }
0x83: {  	_ =	shalt  }
0x84: {  	_ =	shalt  }
0x85: {  	_ =	shalt  }
0x86: {  	_ =	shalt  }
0x87: {  	_ =	shalt  }
.Lfunc_end0:
.L_simem_size_0:
called_computation.1_lowered:
.L_overlay_start_0:
0x88: {  	s2 =	sld [smem:$0x3FD9]  }
0x89: {  	s3 =	sld [smem:$0x3FFE];
	_ =	sdelay $0x1  }
0x8a: {  	s1 =	srdreg.scid  }
0x8b: {  	s0 =	sand.u32 $0x1, s1  }
0x8c: {  	s14 =	sshll.u32 s0, $0xA;
	s2 =	sadd.s32 s3, s2  }
0x8d: {  	s2 =	sadd.s32 s2, s14  }
0x8e: {  	[smem:$0x3FBF] =	sst s2  }
0x8f: {  	_ = 	snop  }
0x90: {  	s2 =	sld [smem:$0x3FD0];
	_ =	sdelay $0x2  }
0x91: {  	s4 =	simm.s32 $0xB;
	s5 =	simm.s32 $0x10;
	s15 =	sld [smem:$0x3FC6]  }
0x92: {  	[smem:s5], [sflag:s4] =	dma.local [hbm:s2], $0x1  }
0x93: {  	_ =	swait.eq [sflag:s4], $0x1  }
0x94: {  	[sflag:s4] =	ssyncset.done $0x0  }
0x95: {  	[sflag:s4] =	ssyncadd.s32 $0xFFFFFFFF  }
0x96: {  	s16 =	sld [smem:$0x11];
	(tm) =	ssettm $0x1  }
0x97: {  	s17 =	sld [smem:$0x3FFB];
	_ =	sdelay $0x3  }
0x98: {  	_ =	strace s17  }
0x99: {  	s4 =	sld [smem:$0x3FFC];
	_ =	sdelay $0x3  }
0x9a: {  	_ =	strace s4  }
0x9b: {  	s4 =	sld [smem:$0x3FFD];
	_ =	sdelay $0x3  }
0x9c: {  	_ =	strace s4  }
0x9d: {  	_ =	strace $0x8FFFFFFF  }
0x9e: {  	s18 =	sld [smem:$0x3FDB];
	_ =	sdelay $0x1  }
0x9f: {  	s19 =	simm.s32 $_scs_section_size  }
0xa0: {  	s6 =	simm.s32 $_size__tile_overlayer_lowered;
	s7 =	simm.s32 $_tile_overlayer_lowered  }
0xa1: {  	s22 =	simm.s32 $0x1BFF;
	s21 =	sshll.u32 s7, $0x1;
	s4 =	sadd.s32 s19, s18  }
0xa2: {  	s8 =	simm.s32 $0x0;
	s20 =	sshll.u32 s6, $0x1;
	s6 =	sadd.s32 s21, s4  }
0xa3: {  	[timem:s8], [sflag:s22] =	dma.local [hbm:s6], s20  }
0xa4: {  	_ =	swait.ge [sflag:s22], s20  }
0xa5: {  	s5 =	ssub.s32 $0x0, s20;
	[sflag:s22] =	ssyncset.done $0x0  }
0xa6: {  	[sflag:s22] =	ssyncadd.s32 s5;
	_ =	sdelay $0x1  }
0xa7: {  	s23 =	simm.s32 $0x1B8B  }
0xa8: {  	_ =	swait.ge [sflag:s23], $0x1  }
0xa9: {  	[sflag:s23] =	ssyncset.done $0x0  }
0xaa: {  	s25 =	simm.s32 $0x1B8E;
	s24 =	sld [smem:$0x3FFE];
	[sflag:s23] =	ssyncadd.s32 $0xFFFFFFFF  }
0xab: {  	s26 =	simm.s32 $execute0_lowered;
	[smem:$0x3FD2] =	sst s25  }
0xac: {  	s6 =	sshll.u32 s26, $0x1;
	_ =	strace $0x80000046;
	[dreg:$0x1] =	wrdreg $0xFFFFFFFF  }
0xad: {  	s28 =	simm.s32 $_size_execute0_lowered;
	s4 =	sadd.s32 s4, s6;
	[dreg:$0x0] =	wrdreg $0x0  }
0xae: {  	s6 =	sshll.u32 s28, $0x1;
	[dreg:$0x2] =	wrdreg s4  }
0xaf: {  	[dreg:$0x3] =	wrdreg s6  }
0xb0: {  	[dreg:$0x4] =	wrdreg $0xC0  }
0xb1: {  	_ =	task [dreg:s8], $0x5FFFF  }
0xb2: {  	[dreg:$0x1] =	wrdreg $0xFFFFFFFF  }
0xb3: {  	[dreg:$0x0] =	wrdreg $0x60  }
0xb4: {  	[dreg:$0x2] =	wrdreg s16  }
0xb5: {  	[dreg:$0x3] =	wrdreg s15  }
0xb6: {  	[dreg:$0x4] =	wrdreg s24  }
0xb7: {  	[dreg:$0x5] =	wrdreg $0xA  }
0xb8: {  	_ =	task.clear_ibuf [dreg:s8], $0x6FFFF;
	_ =	strace $0x90000046  }
0xb9: {  	s29 =	simm.s32 $0xA;
	_ =	strace $0x80000048  }
0xba: {  	_ =	swait.ge [sflag:s29], $0x1  }
0xbb: {  	[sflag:s29] =	ssyncadd.s32 $0xFFFFFFFF  }
0xbc: {  	_ =	strace $0x90000048  }
0xbd: {  	_ =	sfence  }
0xbe: {  	s30 =	sld [smem:$0x0];
	_ =	sdelay $0x2  }
0xbf: {  	s31 =	sshll.u32 s1, $0xD;
	s1 =	sshrl.u32 s1, $0x2  }
0xc0: {  	s3 =	sand.u32 $0x4000, s31;
	s1 =	sadd.s32 s1, s30  }
0xc1: {  	s0 =	sor.u32 s3, s0;
	s1 =	sshll.u32 s1, $0x11  }
0xc2: {  	s0 =	sor.u32 s1, s0  }
0xc3: {  	s0 =	sadd.s32 $0x8F2B, s0  }
0xc4: {  	[sflag:s0] =	ssyncadd.remote.s32 $0x1  }
0xc5: {  	_ =	sfence.sel $0xFFFF  }
0xc6: {  	[dreg:$0x0] =	wrdreg $0xFFFFFFFF;
	(pc) =	sbr.abs _section_cstart, $3  }
0xc7: {  	[dreg:$0x1] =	wrdreg $0xFFFFFFFF  }
0xc8: {  	_ =	task.clear_ibuf [dreg:s8], $0x2FFFF;
	_ =	strace $0x9FFFFFFF  }
0xc9: {  	(tm) =	ssettm $0x7FFFFFFF  }
tec
execute0_lowered:
.L_overlay_start_1:
0x0: {  	(tag) =	ssettag $0x1  }
0x1: {  	s4 =	rddreg [dreg:$0x0]  }
0x2: {  	s2 =	rddreg [dreg:$0x1]  }
0x3: {  	s5 =	rddreg [dreg:$0x2]  }
0x4: {  	s0 =	rddreg [dreg:$0x3];
	s6 =	srdreg.scid  }
0x5: {  	s1 =	stileid.u32;
	s3 =	simm.s32 $0x0;
	s10 =	simm.s32 $0x2  }
0x6: {  	s11 =	simm.s32 $0x7A1400;
	s12 =	simm.s32 $0x200;
	s13 =	simm.s32 $0x2200  }
0x7: {  	s14 =	simm.s32 $0x4200;
	s15 =	simm.s32 $0x6200;
	s16 =	simm.s32 $0x1  }
0x8: {  	s17 =	simm.s32 $0x8200;
	s18 =	simm.s32 $0x0;
	s6 =	sand.u32 $0x1, s6  }
0x9: {  	s7 =	sshll.u32 s1, $0x1;
	[smem:$0x7FF] =	sst s3;
	s30 =	sshll.u32 s1, $0x7  }
0xa: {  	s7 =	sor.u32 s6, s7;
	_ =	strace $0x80000047;
	s29 =	ssub.s32 $0x2, s6  }
.Ltmp0:
0xb: {  	s6 =	sand.u32 $0x600, s30;
	s8 =	sshll.u32 s7, $0xD;
	(pc) =	sbr.rel .LBB2_1-.Ltmp0, $4  }
0xc: {  	v0 =	vlaneseq.u32;
	s9 =	sshrl.u32 s29, $0x1;
	s7 =	sshll.u32 s7, $0x4;
	s4 =	sadd.s32 s4, s6  }
0xd: {  	v0 =	vmul.u32 $0x80, v0;
	s8 =	sadd.s32 s8, s5;
	s9 =	ssub.s32 s29, s9;
	s31 =	sand.u32 $0x70, s7  }
0xe: {  	s4 =	sadd.s32 s31, s4;
	s5 =	sadd.s32 $0x1400, s8;
	s6 =	sadd.s32 $0x2400, s8  }
0xf: {  	v1 =	vor.u32 $0x800, v0;
	v2 =	vor.u32 $0x1000, v0;
	v3 =	vor.u32 $0x1800, v0;
	s7 =	smax.u32 s9, $0x1;
	s8 =	simm.s32 $0x80;
	s9 =	simm.s32 $0x400  }
.LBB2_6:
0x10: {  	s18 =	sadd.s32 $0x1, s18  }
0x11: {  	p0 =	sne.s32 s18, s7  }
.Ltmp1:
0x12: {  	_ = 	snop;
	(pc) =	sbr.rel @!p0 .LBB2_7-.Ltmp1, $4  }
0x13: {  	[hbm4b:s6+s3] =	stream.linear.scatter [tilespmem:s17], [sflag:$0x2], $0x8000, $0x38;
	[tilespmem:$0x10200] =	vst v63  }
0x14: {  	_ =	swait.ge [sflag:s10], $0x8000  }
0x15: {  	[sflag:s10] =	ssyncset.done $0x0  }
0x16: {  	[sflag:s10] =	ssyncadd.s32 $0xFFFF8000  }
.LBB2_1:
0x17: {  	[tilespmem:s3], [sflag:$0x2] =	stream.strided.gather [hbm4b:s4+s8], $0x200, s9, s8, $0x38;
	[tilespmem:$0x10200] =	vst v63  }
0x18: {  	_ =	swait.ge [sflag:s10], $0x200  }
0x19: {  	[sflag:s10] =	ssyncset.done $0x0  }
0x1a: {  	[sflag:s10] =	ssyncadd.s32 $0xFFFFFE00  }
0x1b: {  	v4 =	vld [tilespmem:$0x0];
	_ =	sdelay $0x4  }
0x1c: {  	(v2sf) =	vpush v4, $0x0  }
0x1d: {  	(v2sf) =	vpush v4, $0x1  }
0x1e: {  	(v2sf) =	vpush v4, $0x2;
	_ =	sdelay $0x3  }
0x1f: {  	(v2sf) =	vpush v4, $0x3;
	_ =	sdelay $0x8  }
0x20: {  	s19 =	spop (v2sf)  }
0x21: {  	s19 =	sand.u32 $0xFFFFF80, s19;
	s20 =	spop (v2sf)  }
0x22: {  	s19 =	sadd.s32 s2, s19;
	s28 =	sand.u32 $0xFFFFF80, s20;
	s29 =	spop (v2sf)  }
0x23: {  	[tilespmem:s12], [sflag:$0x1] =	stream.strided.gather [hbm4b:s19+s9], $0x2000, s11, s9, $0x38;
	[tilespmem:$0x10200] =	vst v63  }
0x24: {  	s19 =	sadd.s32 s2, s28;
	s30 =	sand.u32 $0xFFFFF80, s29  }
0x25: {  	[tilespmem:s13], [sflag:$0x1] =	stream.strided.gather [hbm4b:s19+s9], $0x2000, s11, s9, $0x38;
	[tilespmem:$0x10200] =	vst v63  }
0x26: {  	s31 =	spop (v2sf);
	s19 =	sadd.s32 s2, s30  }
0x27: {  	[tilespmem:s14], [sflag:$0x1] =	stream.strided.gather [hbm4b:s19+s9], $0x2000, s11, s9, $0x38;
	[tilespmem:$0x10200] =	vst v63  }
0x28: {  	s19 =	sand.u32 $0xFFFFF80, s31  }
0x29: {  	s19 =	sadd.s32 s2, s19  }
0x2a: {  	[tilespmem:s15], [sflag:$0x1] =	stream.strided.gather [hbm4b:s19+s9], $0x2000, s11, s9, $0x38;
	[tilespmem:$0x10200] =	vst v63  }
0x2b: {  	s20 =	simm.s32 $0x0;
	s19 =	simm.s32 $0x8600  }
.LBB2_2:
0x2c: {  	s21 =	sshra.s32 s20, $0x2  }
0x2d: {  	v4 =	vld [tilespmem:s21+$0x0];
	_ =	sdelay $0x3  }
0x2e: {  	_ =	swait.ge [sflag:s16], $0x2000  }
0x2f: {  	(v2sf) =	vpush v4, $0x0;
	_ =	sdelay $0xe  }
0x30: {  	s22 =	spop (v2sf)  }
0x31: {  	s22 =	sand.u32 $0x7F, s22  }
0x32: {  	v5 =	vor.u32 s22, v0;
	_ =	sdelay $0x2  }
0x33: {  	[sflag:s16] =	ssyncset.done $0x0  }
0x34: {  	[sflag:s16] =	ssyncadd.s32 $0xFFFFE000  }
0x35: {  	v5 =	vld.idx.msk [tilespmem:v5+s12+$0x0], $0xffff  }
0x36: {  	v6 =	vor.u32 s22, v1;
	_ =	sdelay $0x3  }
0x37: {  	[tilespmem:s19+$0xFFFFFC00] =	vst v5  }
0x38: {  	(v2sf) =	vpush v4, $0x4;
	v5 =	vld.idx.msk [tilespmem:v6+s12+$0x0], $0xffff  }
0x39: {  	v31 =	vor.u32 s22, v2;
	_ =	sdelay $0x3  }
0x3a: {  	[tilespmem:s19+$0xFFFFFC10] =	vst v5  }
0x3b: {  	v5 =	vld.idx.msk [tilespmem:v31+s12+$0x0], $0xffff  }
0x3c: {  	v32 =	vor.u32 s22, v3;
	_ =	sdelay $0x3  }
0x3d: {  	[tilespmem:s19+$0xFFFFFC20] =	vst v5  }
0x3e: {  	v5 =	vld.idx.msk [tilespmem:v32+s12+$0x0], $0xffff;
	_ =	sdelay $0x2  }
0x3f: {  	s31 =	spop (v2sf)  }
0x40: {  	s23 =	sand.u32 $0xFFFFF80, s31  }
0x41: {  	s23 =	sadd.s32 s2, s23;
	[tilespmem:s19+$0xFFFFFC30] =	vst v5  }
0x42: {  	[tilespmem:s12], [sflag:$0x1] =	stream.strided.gather [hbm4b:s23+s9], $0x2000, s11, s9, $0x38;
	[tilespmem:$0x10200] =	vst v63  }
0x43: {  	_ =	swait.ge [sflag:s16], $0x2000  }
0x44: {  	(v2sf) =	vpush v4, $0x1;
	_ =	sdelay $0xe  }
0x45: {  	s26 =	spop (v2sf)  }
0x46: {  	s23 =	sand.u32 $0x7F, s26  }
0x47: {  	v5 =	vor.u32 s23, v0;
	_ =	sdelay $0x2  }
0x48: {  	[sflag:s16] =	ssyncset.done $0x0  }
0x49: {  	[sflag:s16] =	ssyncadd.s32 $0xFFFFE000  }
0x4a: {  	v5 =	vld.idx.msk [tilespmem:v5+s13+$0x0], $0xffff  }
0x4b: {  	v33 =	vor.u32 s23, v1;
	_ =	sdelay $0x3  }
0x4c: {  	[tilespmem:s19+$0xFFFFFC80] =	vst v5  }
0x4d: {  	(v2sf) =	vpush v4, $0x5;
	v5 =	vld.idx.msk [tilespmem:v33+s13+$0x0], $0xffff  }
0x4e: {  	v34 =	vor.u32 s23, v2;
	_ =	sdelay $0x3  }
0x4f: {  	[tilespmem:s19+$0xFFFFFC90] =	vst v5  }
0x50: {  	v5 =	vld.idx.msk [tilespmem:v34+s13+$0x0], $0xffff  }
0x51: {  	v35 =	vor.u32 s23, v3;
	_ =	sdelay $0x3  }
0x52: {  	[tilespmem:s19+$0xFFFFFCA0] =	vst v5  }
0x53: {  	v5 =	vld.idx.msk [tilespmem:v35+s13+$0x0], $0xffff;
	_ =	sdelay $0x2  }
0x54: {  	s23 =	spop (v2sf)  }
0x55: {  	s24 =	sand.u32 $0xFFFFF80, s23  }
0x56: {  	s24 =	sadd.s32 s2, s24;
	[tilespmem:s19+$0xFFFFFCB0] =	vst v5  }
0x57: {  	[tilespmem:s13], [sflag:$0x1] =	stream.strided.gather [hbm4b:s24+s9], $0x2000, s11, s9, $0x38;
	[tilespmem:$0x10200] =	vst v63  }
0x58: {  	_ =	swait.ge [sflag:s16], $0x2000  }
0x59: {  	(v2sf) =	vpush v4, $0x2;
	_ =	sdelay $0xe  }
0x5a: {  	s28 =	spop (v2sf)  }
0x5b: {  	s24 =	sand.u32 $0x7F, s28  }
0x5c: {  	v5 =	vor.u32 s24, v0;
	_ =	sdelay $0x2  }
0x5d: {  	[sflag:s16] =	ssyncset.done $0x0  }
0x5e: {  	[sflag:s16] =	ssyncadd.s32 $0xFFFFE000  }
0x5f: {  	v5 =	vld.idx.msk [tilespmem:v5+s14+$0x0], $0xffff  }
0x60: {  	v36 =	vor.u32 s24, v1;
	_ =	sdelay $0x3  }
0x61: {  	[tilespmem:s19+$0xFFFFFD00] =	vst v5  }
0x62: {  	(v2sf) =	vpush v4, $0x6;
	v5 =	vld.idx.msk [tilespmem:v36+s14+$0x0], $0xffff  }
0x63: {  	v37 =	vor.u32 s24, v2;
	_ =	sdelay $0x3  }
0x64: {  	[tilespmem:s19+$0xFFFFFD10] =	vst v5  }
0x65: {  	v5 =	vld.idx.msk [tilespmem:v37+s14+$0x0], $0xffff  }
0x66: {  	v38 =	vor.u32 s24, v3;
	_ =	sdelay $0x3  }
0x67: {  	[tilespmem:s19+$0xFFFFFD20] =	vst v5  }
0x68: {  	v5 =	vld.idx.msk [tilespmem:v38+s14+$0x0], $0xffff;
	_ =	sdelay $0x2  }
0x69: {  	s24 =	spop (v2sf)  }
0x6a: {  	s25 =	sand.u32 $0xFFFFF80, s24  }
0x6b: {  	s25 =	sadd.s32 s2, s25;
	[tilespmem:s19+$0xFFFFFD30] =	vst v5  }
0x6c: {  	[tilespmem:s14], [sflag:$0x1] =	stream.strided.gather [hbm4b:s25+s9], $0x2000, s11, s9, $0x38;
	[tilespmem:$0x10200] =	vst v63  }
0x6d: {  	_ =	swait.ge [sflag:s16], $0x2000  }
0x6e: {  	(v2sf) =	vpush v4, $0x3;
	_ =	sdelay $0xe  }
0x6f: {  	s29 =	spop (v2sf)  }
0x70: {  	s25 =	sand.u32 $0x7F, s29  }
0x71: {  	v5 =	vor.u32 s25, v0;
	_ =	sdelay $0x2  }
0x72: {  	[sflag:s16] =	ssyncset.done $0x0  }
0x73: {  	[sflag:s16] =	ssyncadd.s32 $0xFFFFE000  }
0x74: {  	v5 =	vld.idx.msk [tilespmem:v5+s15+$0x0], $0xffff  }
0x75: {  	v39 =	vor.u32 s25, v1;
	_ =	sdelay $0x3  }
0x76: {  	[tilespmem:s19+$0xFFFFFD80] =	vst v5  }
0x77: {  	(v2sf) =	vpush v4, $0x7;
	v5 =	vld.idx.msk [tilespmem:v39+s15+$0x0], $0xffff  }
0x78: {  	v40 =	vor.u32 s25, v2;
	_ =	sdelay $0x3  }
0x79: {  	[tilespmem:s19+$0xFFFFFD90] =	vst v5  }
0x7a: {  	v5 =	vld.idx.msk [tilespmem:v40+s15+$0x0], $0xffff  }
0x7b: {  	v41 =	vor.u32 s25, v3;
	_ =	sdelay $0x3  }
0x7c: {  	[tilespmem:s19+$0xFFFFFDA0] =	vst v5  }
0x7d: {  	v5 =	vld.idx.msk [tilespmem:v41+s15+$0x0], $0xffff;
	_ =	sdelay $0x2  }
0x7e: {  	s30 =	spop (v2sf)  }
0x7f: {  	s22 =	sand.u32 $0x7F, s31;
	s26 =	sand.u32 $0xFFFFF80, s30  }
0x80: {  	s26 =	sadd.s32 s2, s26;
	[tilespmem:s19+$0xFFFFFDB0] =	vst v5;
	v5 =	vor.u32 s22, v0  }
0x81: {  	[tilespmem:s15], [sflag:$0x1] =	stream.strided.gather [hbm4b:s26+s9], $0x2000, s11, s9, $0x38;
	[tilespmem:$0x10200] =	vst v63  }
0x82: {  	_ =	swait.ge [sflag:s16], $0x2000  }
0x83: {  	[sflag:s16] =	ssyncset.done $0x0  }
0x84: {  	[sflag:s16] =	ssyncadd.s32 $0xFFFFE000  }
0x85: {  	v5 =	vld.idx.msk [tilespmem:v5+s12+$0x0], $0xffff  }
0x86: {  	v42 =	vor.u32 s22, v1;
	_ =	sdelay $0x3  }
0x87: {  	[tilespmem:s19+$0xFFFFFE00] =	vst v5  }
0x88: {  	(v2sf) =	vpush v4, $0x8;
	v5 =	vld.idx.msk [tilespmem:v42+s12+$0x0], $0xffff  }
0x89: {  	v43 =	vor.u32 s22, v2;
	_ =	sdelay $0x3  }
0x8a: {  	[tilespmem:s19+$0xFFFFFE10] =	vst v5  }
0x8b: {  	v5 =	vld.idx.msk [tilespmem:v43+s12+$0x0], $0xffff  }
0x8c: {  	v44 =	vor.u32 s22, v3;
	_ =	sdelay $0x3  }
0x8d: {  	[tilespmem:s19+$0xFFFFFE20] =	vst v5  }
0x8e: {  	v5 =	vld.idx.msk [tilespmem:v44+s12+$0x0], $0xffff;
	_ =	sdelay $0x2  }
0x8f: {  	s22 =	spop (v2sf)  }
0x90: {  	s23 =	sand.u32 $0x7F, s23;
	s31 =	sand.u32 $0xFFFFF80, s22  }
0x91: {  	s26 =	sadd.s32 s2, s31;
	[tilespmem:s19+$0xFFFFFE30] =	vst v5;
	v5 =	vor.u32 s23, v0  }
0x92: {  	[tilespmem:s12], [sflag:$0x1] =	stream.strided.gather [hbm4b:s26+s9], $0x2000, s11, s9, $0x38;
	[tilespmem:$0x10200] =	vst v63  }
0x93: {  	_ =	swait.ge [sflag:s16], $0x2000  }
0x94: {  	[sflag:s16] =	ssyncset.done $0x0  }
0x95: {  	[sflag:s16] =	ssyncadd.s32 $0xFFFFE000  }
0x96: {  	v5 =	vld.idx.msk [tilespmem:v5+s13+$0x0], $0xffff  }
0x97: {  	v45 =	vor.u32 s23, v1;
	_ =	sdelay $0x3  }
0x98: {  	[tilespmem:s19+$0xFFFFFE80] =	vst v5  }
0x99: {  	(v2sf) =	vpush v4, $0x9;
	v5 =	vld.idx.msk [tilespmem:v45+s13+$0x0], $0xffff  }
0x9a: {  	v46 =	vor.u32 s23, v2;
	_ =	sdelay $0x3  }
0x9b: {  	[tilespmem:s19+$0xFFFFFE90] =	vst v5  }
0x9c: {  	v5 =	vld.idx.msk [tilespmem:v46+s13+$0x0], $0xffff  }
0x9d: {  	v47 =	vor.u32 s23, v3;
	_ =	sdelay $0x3  }
0x9e: {  	[tilespmem:s19+$0xFFFFFEA0] =	vst v5  }
0x9f: {  	v5 =	vld.idx.msk [tilespmem:v47+s13+$0x0], $0xffff;
	_ =	sdelay $0x2  }
0xa0: {  	s23 =	spop (v2sf)  }
0xa1: {  	s24 =	sand.u32 $0x7F, s24;
	s28 =	sand.u32 $0xFFFFF80, s23  }
0xa2: {  	s26 =	sadd.s32 s2, s28;
	[tilespmem:s19+$0xFFFFFEB0] =	vst v5;
	v5 =	vor.u32 s24, v0  }
0xa3: {  	[tilespmem:s13], [sflag:$0x1] =	stream.strided.gather [hbm4b:s26+s9], $0x2000, s11, s9, $0x38;
	[tilespmem:$0x10200] =	vst v63  }
0xa4: {  	_ =	swait.ge [sflag:s16], $0x2000  }
0xa5: {  	[sflag:s16] =	ssyncset.done $0x0  }
0xa6: {  	[sflag:s16] =	ssyncadd.s32 $0xFFFFE000  }
0xa7: {  	v5 =	vld.idx.msk [tilespmem:v5+s14+$0x0], $0xffff  }
0xa8: {  	v48 =	vor.u32 s24, v1;
	_ =	sdelay $0x3  }
0xa9: {  	[tilespmem:s19+$0xFFFFFF00] =	vst v5  }
0xaa: {  	(v2sf) =	vpush v4, $0xA;
	v5 =	vld.idx.msk [tilespmem:v48+s14+$0x0], $0xffff  }
0xab: {  	v49 =	vor.u32 s24, v2;
	_ =	sdelay $0x3  }
0xac: {  	[tilespmem:s19+$0xFFFFFF10] =	vst v5  }
0xad: {  	v5 =	vld.idx.msk [tilespmem:v49+s14+$0x0], $0xffff  }
0xae: {  	v50 =	vor.u32 s24, v3;
	_ =	sdelay $0x3  }
0xaf: {  	[tilespmem:s19+$0xFFFFFF20] =	vst v5  }
0xb0: {  	v5 =	vld.idx.msk [tilespmem:v50+s14+$0x0], $0xffff;
	_ =	sdelay $0x2  }
0xb1: {  	s26 =	spop (v2sf)  }
0xb2: {  	s25 =	sand.u32 $0x7F, s30;
	s29 =	sand.u32 $0xFFFFF80, s26  }
0xb3: {  	s24 =	sadd.s32 s2, s29;
	[tilespmem:s19+$0xFFFFFF30] =	vst v5;
	v5 =	vor.u32 s25, v0  }
0xb4: {  	[tilespmem:s14], [sflag:$0x1] =	stream.strided.gather [hbm4b:s24+s9], $0x2000, s11, s9, $0x38;
	[tilespmem:$0x10200] =	vst v63  }
0xb5: {  	_ =	swait.ge [sflag:s16], $0x2000  }
0xb6: {  	[sflag:s16] =	ssyncset.done $0x0  }
0xb7: {  	[sflag:s16] =	ssyncadd.s32 $0xFFFFE000  }
0xb8: {  	v5 =	vld.idx.msk [tilespmem:v5+s15+$0x0], $0xffff  }
0xb9: {  	v51 =	vor.u32 s25, v1;
	_ =	sdelay $0x3  }
0xba: {  	[tilespmem:s19+$0xFFFFFF80] =	vst v5  }
0xbb: {  	(v2sf) =	vpush v4, $0xB;
	v5 =	vld.idx.msk [tilespmem:v51+s15+$0x0], $0xffff  }
0xbc: {  	v52 =	vor.u32 s25, v2;
	_ =	sdelay $0x3  }
0xbd: {  	[tilespmem:s19+$0xFFFFFF90] =	vst v5  }
0xbe: {  	v5 =	vld.idx.msk [tilespmem:v52+s15+$0x0], $0xffff  }
0xbf: {  	v53 =	vor.u32 s25, v3;
	_ =	sdelay $0x3  }
0xc0: {  	[tilespmem:s19+$0xFFFFFFA0] =	vst v5  }
0xc1: {  	v5 =	vld.idx.msk [tilespmem:v53+s15+$0x0], $0xffff;
	_ =	sdelay $0x2  }
0xc2: {  	s25 =	spop (v2sf)  }
0xc3: {  	s22 =	sand.u32 $0x7F, s22;
	s30 =	sand.u32 $0xFFFFF80, s25  }
0xc4: {  	s24 =	sadd.s32 s2, s30;
	[tilespmem:s19+$0xFFFFFFB0] =	vst v5;
	v5 =	vor.u32 s22, v0  }
0xc5: {  	[tilespmem:s15], [sflag:$0x1] =	stream.strided.gather [hbm4b:s24+s9], $0x2000, s11, s9, $0x38;
	[tilespmem:$0x10200] =	vst v63  }
0xc6: {  	_ =	swait.ge [sflag:s16], $0x2000  }
0xc7: {  	[sflag:s16] =	ssyncset.done $0x0  }
0xc8: {  	[sflag:s16] =	ssyncadd.s32 $0xFFFFE000  }
0xc9: {  	v5 =	vld.idx.msk [tilespmem:v5+s12+$0x0], $0xffff  }
0xca: {  	v54 =	vor.u32 s22, v1;
	_ =	sdelay $0x3  }
0xcb: {  	[tilespmem:s19+$0x0] =	vst v5  }
0xcc: {  	(v2sf) =	vpush v4, $0xC;
	v5 =	vld.idx.msk [tilespmem:v54+s12+$0x0], $0xffff  }
0xcd: {  	v55 =	vor.u32 s22, v2;
	_ =	sdelay $0x3  }
0xce: {  	[tilespmem:s19+$0x10] =	vst v5  }
0xcf: {  	v5 =	vld.idx.msk [tilespmem:v55+s12+$0x0], $0xffff  }
0xd0: {  	v56 =	vor.u32 s22, v3;
	_ =	sdelay $0x3  }
0xd1: {  	[tilespmem:s19+$0x20] =	vst v5  }
0xd2: {  	v5 =	vld.idx.msk [tilespmem:v56+s12+$0x0], $0xffff;
	_ =	sdelay $0x2  }
0xd3: {  	s28 =	spop (v2sf)  }
0xd4: {  	s23 =	sand.u32 $0x7F, s23;
	s31 =	sand.u32 $0xFFFFF80, s28  }
0xd5: {  	s22 =	sadd.s32 s2, s31;
	[tilespmem:s19+$0x30] =	vst v5;
	v5 =	vor.u32 s23, v0  }
0xd6: {  	[tilespmem:s12], [sflag:$0x1] =	stream.strided.gather [hbm4b:s22+s9], $0x2000, s11, s9, $0x38;
	[tilespmem:$0x10200] =	vst v63  }
0xd7: {  	_ =	swait.ge [sflag:s16], $0x2000  }
0xd8: {  	[sflag:s16] =	ssyncset.done $0x0  }
0xd9: {  	[sflag:s16] =	ssyncadd.s32 $0xFFFFE000  }
0xda: {  	v5 =	vld.idx.msk [tilespmem:v5+s13+$0x0], $0xffff  }
0xdb: {  	v57 =	vor.u32 s23, v1;
	_ =	sdelay $0x3  }
0xdc: {  	[tilespmem:s19+$0x80] =	vst v5  }
0xdd: {  	(v2sf) =	vpush v4, $0xD;
	v5 =	vld.idx.msk [tilespmem:v57+s13+$0x0], $0xffff  }
0xde: {  	v58 =	vor.u32 s23, v2;
	_ =	sdelay $0x3  }
0xdf: {  	[tilespmem:s19+$0x90] =	vst v5  }
0xe0: {  	v5 =	vld.idx.msk [tilespmem:v58+s13+$0x0], $0xffff  }
0xe1: {  	v59 =	vor.u32 s23, v3;
	_ =	sdelay $0x3  }
0xe2: {  	[tilespmem:s19+$0xA0] =	vst v5  }
0xe3: {  	v5 =	vld.idx.msk [tilespmem:v59+s13+$0x0], $0xffff;
	_ =	sdelay $0x2  }
0xe4: {  	s24 =	spop (v2sf)  }
0xe5: {  	s26 =	sand.u32 $0x7F, s26;
	s23 =	sand.u32 $0xFFFFF80, s24  }
0xe6: {  	s22 =	sadd.s32 s2, s23;
	[tilespmem:s19+$0xB0] =	vst v5;
	v5 =	vor.u32 s26, v0  }
0xe7: {  	[tilespmem:s13], [sflag:$0x1] =	stream.strided.gather [hbm4b:s22+s9], $0x2000, s11, s9, $0x38;
	[tilespmem:$0x10200] =	vst v63  }
0xe8: {  	_ =	swait.ge [sflag:s16], $0x2000  }
0xe9: {  	[sflag:s16] =	ssyncset.done $0x0  }
0xea: {  	[sflag:s16] =	ssyncadd.s32 $0xFFFFE000  }
0xeb: {  	v5 =	vld.idx.msk [tilespmem:v5+s14+$0x0], $0xffff  }
0xec: {  	v60 =	vor.u32 s26, v1;
	_ =	sdelay $0x3  }
0xed: {  	[tilespmem:s19+$0x100] =	vst v5  }
0xee: {  	(v2sf) =	vpush v4, $0xE;
	v5 =	vld.idx.msk [tilespmem:v60+s14+$0x0], $0xffff  }
0xef: {  	v61 =	vor.u32 s26, v2;
	_ =	sdelay $0x3  }
0xf0: {  	[tilespmem:s19+$0x110] =	vst v5  }
0xf1: {  	v5 =	vld.idx.msk [tilespmem:v61+s14+$0x0], $0xffff  }
0xf2: {  	v62 =	vor.u32 s26, v3;
	_ =	sdelay $0x3  }
0xf3: {  	[tilespmem:s19+$0x120] =	vst v5  }
0xf4: {  	v5 =	vld.idx.msk [tilespmem:v62+s14+$0x0], $0xffff;
	_ =	sdelay $0x2  }
0xf5: {  	s23 =	spop (v2sf)  }
0xf6: {  	s25 =	sand.u32 $0x7F, s25;
	s29 =	sand.u32 $0xFFFFF80, s23  }
0xf7: {  	s22 =	sadd.s32 s2, s29;
	[tilespmem:s19+$0x130] =	vst v5;
	v5 =	vor.u32 s25, v0  }
0xf8: {  	[tilespmem:s14], [sflag:$0x1] =	stream.strided.gather [hbm4b:s22+s9], $0x2000, s11, s9, $0x38;
	[tilespmem:$0x10200] =	vst v63  }
0xf9: {  	_ =	swait.ge [sflag:s16], $0x2000  }
0xfa: {  	[sflag:s16] =	ssyncset.done $0x0  }
0xfb: {  	[sflag:s16] =	ssyncadd.s32 $0xFFFFE000  }
0xfc: {  	v5 =	vld.idx.msk [tilespmem:v5+s15+$0x0], $0xffff  }
0xfd: {  	v63 =	vor.u32 s25, v1;
	_ =	sdelay $0x3  }
0xfe: {  	[tilespmem:s19+$0x180] =	vst v5  }
0xff: {  	(v2sf) =	vpush v4, $0xF;
	v5 =	vld.idx.msk [tilespmem:v63+s15+$0x0], $0xffff  }
0x100: {  	v4 =	vor.u32 s25, v2;
	_ =	sdelay $0x3  }
0x101: {  	[tilespmem:s19+$0x190] =	vst v5  }
0x102: {  	v4 =	vld.idx.msk [tilespmem:v4+s15+$0x0], $0xffff  }
0x103: {  	v5 =	vor.u32 s25, v3;
	_ =	sdelay $0x3  }
0x104: {  	[tilespmem:s19+$0x1A0] =	vst v4  }
0x105: {  	v4 =	vld.idx.msk [tilespmem:v5+s15+$0x0], $0xffff;
	_ =	sdelay $0x2  }
0x106: {  	s22 =	spop (v2sf)  }
0x107: {  	s31 =	sand.u32 $0x7F, s28;
	s30 =	sand.u32 $0xFFFFF80, s22  }
0x108: {  	s25 =	sadd.s32 s2, s30;
	[tilespmem:s19+$0x1B0] =	vst v4;
	v4 =	vor.u32 s31, v0  }
0x109: {  	[tilespmem:s15], [sflag:$0x1] =	stream.strided.gather [hbm4b:s25+s9], $0x2000, s11, s9, $0x38;
	[tilespmem:$0x10200] =	vst v63  }
0x10a: {  	_ =	swait.ge [sflag:s16], $0x2000  }
0x10b: {  	[sflag:s16] =	ssyncset.done $0x0  }
0x10c: {  	[sflag:s16] =	ssyncadd.s32 $0xFFFFE000  }
0x10d: {  	v4 =	vld.idx.msk [tilespmem:v4+s12+$0x0], $0xffff  }
0x10e: {  	v5 =	vor.u32 s31, v1;
	_ =	sdelay $0x3  }
0x10f: {  	[tilespmem:s19+$0x200] =	vst v4  }
0x110: {  	v4 =	vld.idx.msk [tilespmem:v5+s12+$0x0], $0xffff  }
0x111: {  	v5 =	vor.u32 s31, v2;
	_ =	sdelay $0x3  }
0x112: {  	[tilespmem:s19+$0x210] =	vst v4  }
0x113: {  	v4 =	vld.idx.msk [tilespmem:v5+s12+$0x0], $0xffff  }
0x114: {  	v5 =	vor.u32 s31, v3;
	_ =	sdelay $0x3  }
0x115: {  	[tilespmem:s19+$0x220] =	vst v4  }
0x116: {  	v4 =	vld.idx.msk [tilespmem:v5+s12+$0x0], $0xffff;
	_ =	sdelay $0x4  }
0x117: {  	[tilespmem:s19+$0x230] =	vst v4  }
0x118: {  	v4 =	vld [tilespmem:s21+$0x10];
	_ =	sdelay $0x4  }
0x119: {  	(v2sf) =	vpush v4, $0x0;
	_ =	sdelay $0xe  }
0x11a: {  	s28 =	spop (v2sf)  }
0x11b: {  	s24 =	sand.u32 $0x7F, s24;
	s25 =	sand.u32 $0xFFFFF80, s28  }
0x11c: {  	v4 =	vor.u32 s24, v0;
	s25 =	sadd.s32 s2, s25  }
0x11d: {  	[tilespmem:s12], [sflag:$0x1] =	stream.strided.gather [hbm4b:s25+s9], $0x2000, s11, s9, $0x38;
	[tilespmem:$0x10200] =	vst v63  }
0x11e: {  	_ =	swait.ge [sflag:s16], $0x2000  }
0x11f: {  	[sflag:s16] =	ssyncset.done $0x0  }
0x120: {  	[sflag:s16] =	ssyncadd.s32 $0xFFFFE000  }
0x121: {  	v4 =	vld.idx.msk [tilespmem:v4+s13+$0x0], $0xffff  }
0x122: {  	v5 =	vor.u32 s24, v1;
	_ =	sdelay $0x3  }
0x123: {  	[tilespmem:s19+$0x280] =	vst v4  }
0x124: {  	v4 =	vld.idx.msk [tilespmem:v5+s13+$0x0], $0xffff  }
0x125: {  	v5 =	vor.u32 s24, v2;
	_ =	sdelay $0x3  }
0x126: {  	[tilespmem:s19+$0x290] =	vst v4  }
0x127: {  	v4 =	vld.idx.msk [tilespmem:v5+s13+$0x0], $0xffff  }
0x128: {  	v5 =	vor.u32 s24, v3;
	_ =	sdelay $0x3  }
0x129: {  	[tilespmem:s19+$0x2A0] =	vst v4  }
0x12a: {  	v4 =	vld.idx.msk [tilespmem:v5+s13+$0x0], $0xffff;
	_ =	sdelay $0x4  }
0x12b: {  	[tilespmem:s19+$0x2B0] =	vst v4  }
0x12c: {  	v4 =	vld [tilespmem:s21+$0x10];
	_ =	sdelay $0x4  }
0x12d: {  	(v2sf) =	vpush v4, $0x1;
	_ =	sdelay $0xe  }
0x12e: {  	s29 =	spop (v2sf)  }
0x12f: {  	s23 =	sand.u32 $0x7F, s23;
	s24 =	sand.u32 $0xFFFFF80, s29  }
0x130: {  	v4 =	vor.u32 s23, v0;
	s24 =	sadd.s32 s2, s24  }
0x131: {  	[tilespmem:s13], [sflag:$0x1] =	stream.strided.gather [hbm4b:s24+s9], $0x2000, s11, s9, $0x38;
	[tilespmem:$0x10200] =	vst v63  }
0x132: {  	_ =	swait.ge [sflag:s16], $0x2000  }
0x133: {  	[sflag:s16] =	ssyncset.done $0x0  }
0x134: {  	[sflag:s16] =	ssyncadd.s32 $0xFFFFE000  }
0x135: {  	v4 =	vld.idx.msk [tilespmem:v4+s14+$0x0], $0xffff  }
0x136: {  	v5 =	vor.u32 s23, v1;
	_ =	sdelay $0x3  }
0x137: {  	[tilespmem:s19+$0x300] =	vst v4  }
0x138: {  	v4 =	vld.idx.msk [tilespmem:v5+s14+$0x0], $0xffff  }
0x139: {  	v5 =	vor.u32 s23, v2;
	_ =	sdelay $0x3  }
0x13a: {  	[tilespmem:s19+$0x310] =	vst v4  }
0x13b: {  	v4 =	vld.idx.msk [tilespmem:v5+s14+$0x0], $0xffff  }
0x13c: {  	v5 =	vor.u32 s23, v3;
	_ =	sdelay $0x3  }
0x13d: {  	[tilespmem:s19+$0x320] =	vst v4  }
0x13e: {  	v4 =	vld.idx.msk [tilespmem:v5+s14+$0x0], $0xffff;
	_ =	sdelay $0x4  }
0x13f: {  	[tilespmem:s19+$0x330] =	vst v4  }
0x140: {  	v4 =	vld [tilespmem:s21+$0x10];
	_ =	sdelay $0x4  }
0x141: {  	(v2sf) =	vpush v4, $0x2;
	_ =	sdelay $0xe  }
0x142: {  	s30 =	spop (v2sf)  }
0x143: {  	s22 =	sand.u32 $0x7F, s22;
	s23 =	sand.u32 $0xFFFFF80, s30  }
0x144: {  	v4 =	vor.u32 s22, v0;
	s23 =	sadd.s32 s2, s23  }
0x145: {  	[tilespmem:s14], [sflag:$0x1] =	stream.strided.gather [hbm4b:s23+s9], $0x2000, s11, s9, $0x38;
	[tilespmem:$0x10200] =	vst v63  }
0x146: {  	_ =	swait.ge [sflag:s16], $0x2000  }
0x147: {  	[sflag:s16] =	ssyncset.done $0x0  }
0x148: {  	[sflag:s16] =	ssyncadd.s32 $0xFFFFE000  }
0x149: {  	v4 =	vld.idx.msk [tilespmem:v4+s15+$0x0], $0xffff  }
0x14a: {  	v5 =	vor.u32 s22, v1;
	_ =	sdelay $0x3  }
0x14b: {  	[tilespmem:s19+$0x380] =	vst v4  }
0x14c: {  	v4 =	vld.idx.msk [tilespmem:v5+s15+$0x0], $0xffff  }
0x14d: {  	v5 =	vor.u32 s22, v2;
	_ =	sdelay $0x3  }
0x14e: {  	[tilespmem:s19+$0x390] =	vst v4  }
0x14f: {  	v4 =	vld.idx.msk [tilespmem:v5+s15+$0x0], $0xffff  }
0x150: {  	v5 =	vor.u32 s22, v3;
	_ =	sdelay $0x3  }
0x151: {  	[tilespmem:s19+$0x3A0] =	vst v4  }
0x152: {  	v4 =	vld.idx.msk [tilespmem:v5+s15+$0x0], $0xffff;
	_ =	sdelay $0x4  }
0x153: {  	[tilespmem:s19+$0x3B0] =	vst v4  }
0x154: {  	v4 =	vld [tilespmem:s21+$0x10];
	_ =	sdelay $0x4  }
0x155: {  	(v2sf) =	vpush v4, $0x3;
	_ =	sdelay $0xc  }
0x156: {  	p0 =	sne.s32 s20, $0x3C0  }
.Ltmp2:
0x157: {  	_ = 	snop;
	(pc) =	sbr.rel @p0 .LBB2_2-.Ltmp2, $4  }
0x158: {  	s31 =	spop (v2sf)  }
0x159: {  	s21 =	sand.u32 $0xFFFFF80, s31  }
0x15a: {  	s20 =	sadd.s32 $0x40, s20;
	s19 =	sadd.s32 $0x800, s19;
	s21 =	sadd.s32 s2, s21  }
0x15b: {  	[tilespmem:s15], [sflag:$0x1] =	stream.strided.gather [hbm4b:s21+s9], $0x2000, s11, s9, $0x38;
	[tilespmem:$0x10200] =	vst v63  }
0x15c: {  	s19 =	simm.s32 $0x0  }
0x15d: {  	[hbm4b:s5+s19] =	stream.linear.scatter [tilespmem:s17], [sflag:$0x2], $0x8000, $0x38;
	[tilespmem:$0x10200] =	vst v63  }
0x15e: {  	_ =	swait.ge [sflag:s10], $0x8000  }
0x15f: {  	[sflag:s10] =	ssyncset.done $0x0  }
0x160: {  	s20 =	simm.s32 $0x110;
	s21 =	simm.s32 $0x8600;
	[sflag:s10] =	ssyncadd.s32 $0xFFFF8000  }
.LBB2_4:
0x161: {  	s22 =	sand.u32 $0xF0, s19  }
0x162: {  	v4 =	vld [tilespmem:s22+$0x100];
	_ =	sdelay $0x3  }
0x163: {  	_ =	swait.ge [sflag:s16], $0x2000  }
0x164: {  	(v2sf) =	vpush v4, $0x0;
	_ =	sdelay $0xe  }
0x165: {  	s30 =	spop (v2sf)  }
0x166: {  	s22 =	sand.u32 $0x7F, s30  }
0x167: {  	v5 =	vor.u32 s22, v0;
	_ =	sdelay $0x2  }
0x168: {  	[sflag:s16] =	ssyncset.done $0x0  }
0x169: {  	[sflag:s16] =	ssyncadd.s32 $0xFFFFE000  }
0x16a: {  	v5 =	vld.idx.msk [tilespmem:v5+s12+$0x0], $0xffff  }
0x16b: {  	v6 =	vor.u32 s22, v1;
	_ =	sdelay $0x3  }
0x16c: {  	[tilespmem:s21+$0xFFFFFC00] =	vst v5  }
0x16d: {  	(v2sf) =	vpush v4, $0x4;
	v5 =	vld.idx.msk [tilespmem:v6+s12+$0x0], $0xffff  }
0x16e: {  	v31 =	vor.u32 s22, v2;
	_ =	sdelay $0x3  }
0x16f: {  	[tilespmem:s21+$0xFFFFFC10] =	vst v5  }
0x170: {  	v5 =	vld.idx.msk [tilespmem:v31+s12+$0x0], $0xffff  }
0x171: {  	v32 =	vor.u32 s22, v3;
	_ =	sdelay $0x3  }
0x172: {  	[tilespmem:s21+$0xFFFFFC20] =	vst v5  }
0x173: {  	v5 =	vld.idx.msk [tilespmem:v32+s12+$0x0], $0xffff;
	_ =	sdelay $0x2  }
0x174: {  	s31 =	spop (v2sf)  }
0x175: {  	s23 =	sand.u32 $0xFFFFF80, s31  }
0x176: {  	s23 =	sadd.s32 s2, s23;
	[tilespmem:s21+$0xFFFFFC30] =	vst v5  }
0x177: {  	[tilespmem:s12], [sflag:$0x1] =	stream.strided.gather [hbm4b:s23+s9], $0x2000, s11, s9, $0x38;
	[tilespmem:$0x10200] =	vst v63  }
0x178: {  	_ =	swait.ge [sflag:s16], $0x2000  }
0x179: {  	(v2sf) =	vpush v4, $0x1;
	_ =	sdelay $0xe  }
0x17a: {  	s26 =	spop (v2sf)  }
0x17b: {  	s23 =	sand.u32 $0x7F, s26  }
0x17c: {  	v5 =	vor.u32 s23, v0;
	_ =	sdelay $0x2  }
0x17d: {  	[sflag:s16] =	ssyncset.done $0x0  }
0x17e: {  	[sflag:s16] =	ssyncadd.s32 $0xFFFFE000  }
0x17f: {  	v5 =	vld.idx.msk [tilespmem:v5+s13+$0x0], $0xffff  }
0x180: {  	v33 =	vor.u32 s23, v1;
	_ =	sdelay $0x3  }
0x181: {  	[tilespmem:s21+$0xFFFFFC80] =	vst v5  }
0x182: {  	(v2sf) =	vpush v4, $0x5;
	v5 =	vld.idx.msk [tilespmem:v33+s13+$0x0], $0xffff  }
0x183: {  	v34 =	vor.u32 s23, v2;
	_ =	sdelay $0x3  }
0x184: {  	[tilespmem:s21+$0xFFFFFC90] =	vst v5  }
0x185: {  	v5 =	vld.idx.msk [tilespmem:v34+s13+$0x0], $0xffff  }
0x186: {  	v35 =	vor.u32 s23, v3;
	_ =	sdelay $0x3  }
0x187: {  	[tilespmem:s21+$0xFFFFFCA0] =	vst v5  }
0x188: {  	v5 =	vld.idx.msk [tilespmem:v35+s13+$0x0], $0xffff;
	_ =	sdelay $0x2  }
0x189: {  	s23 =	spop (v2sf)  }
0x18a: {  	s24 =	sand.u32 $0xFFFFF80, s23  }
0x18b: {  	s24 =	sadd.s32 s2, s24;
	[tilespmem:s21+$0xFFFFFCB0] =	vst v5  }
0x18c: {  	[tilespmem:s13], [sflag:$0x1] =	stream.strided.gather [hbm4b:s24+s9], $0x2000, s11, s9, $0x38;
	[tilespmem:$0x10200] =	vst v63  }
0x18d: {  	_ =	swait.ge [sflag:s16], $0x2000  }
0x18e: {  	(v2sf) =	vpush v4, $0x2;
	_ =	sdelay $0xe  }
0x18f: {  	s28 =	spop (v2sf)  }
0x190: {  	s24 =	sand.u32 $0x7F, s28  }
0x191: {  	v5 =	vor.u32 s24, v0;
	_ =	sdelay $0x2  }
0x192: {  	[sflag:s16] =	ssyncset.done $0x0  }
0x193: {  	[sflag:s16] =	ssyncadd.s32 $0xFFFFE000  }
0x194: {  	v5 =	vld.idx.msk [tilespmem:v5+s14+$0x0], $0xffff  }
0x195: {  	v36 =	vor.u32 s24, v1;
	_ =	sdelay $0x3  }
0x196: {  	[tilespmem:s21+$0xFFFFFD00] =	vst v5  }
0x197: {  	(v2sf) =	vpush v4, $0x6;
	v5 =	vld.idx.msk [tilespmem:v36+s14+$0x0], $0xffff  }
0x198: {  	v37 =	vor.u32 s24, v2;
	_ =	sdelay $0x3  }
0x199: {  	[tilespmem:s21+$0xFFFFFD10] =	vst v5  }
0x19a: {  	v5 =	vld.idx.msk [tilespmem:v37+s14+$0x0], $0xffff  }
0x19b: {  	v38 =	vor.u32 s24, v3;
	_ =	sdelay $0x3  }
0x19c: {  	[tilespmem:s21+$0xFFFFFD20] =	vst v5  }
0x19d: {  	v5 =	vld.idx.msk [tilespmem:v38+s14+$0x0], $0xffff;
	_ =	sdelay $0x2  }
0x19e: {  	s24 =	spop (v2sf)  }
0x19f: {  	s25 =	sand.u32 $0xFFFFF80, s24  }
0x1a0: {  	s25 =	sadd.s32 s2, s25;
	[tilespmem:s21+$0xFFFFFD30] =	vst v5  }
0x1a1: {  	[tilespmem:s14], [sflag:$0x1] =	stream.strided.gather [hbm4b:s25+s9], $0x2000, s11, s9, $0x38;
	[tilespmem:$0x10200] =	vst v63  }
0x1a2: {  	_ =	swait.ge [sflag:s16], $0x2000  }
0x1a3: {  	(v2sf) =	vpush v4, $0x3;
	_ =	sdelay $0xe  }
0x1a4: {  	s29 =	spop (v2sf)  }
0x1a5: {  	s25 =	sand.u32 $0x7F, s29  }
0x1a6: {  	v5 =	vor.u32 s25, v0;
	_ =	sdelay $0x2  }
0x1a7: {  	[sflag:s16] =	ssyncset.done $0x0  }
0x1a8: {  	[sflag:s16] =	ssyncadd.s32 $0xFFFFE000  }
0x1a9: {  	v5 =	vld.idx.msk [tilespmem:v5+s15+$0x0], $0xffff  }
0x1aa: {  	v39 =	vor.u32 s25, v1;
	_ =	sdelay $0x3  }
0x1ab: {  	[tilespmem:s21+$0xFFFFFD80] =	vst v5  }
0x1ac: {  	(v2sf) =	vpush v4, $0x7;
	v5 =	vld.idx.msk [tilespmem:v39+s15+$0x0], $0xffff  }
0x1ad: {  	v40 =	vor.u32 s25, v2;
	_ =	sdelay $0x3  }
0x1ae: {  	[tilespmem:s21+$0xFFFFFD90] =	vst v5  }
0x1af: {  	v5 =	vld.idx.msk [tilespmem:v40+s15+$0x0], $0xffff  }
0x1b0: {  	v41 =	vor.u32 s25, v3;
	_ =	sdelay $0x3  }
0x1b1: {  	[tilespmem:s21+$0xFFFFFDA0] =	vst v5  }
0x1b2: {  	v5 =	vld.idx.msk [tilespmem:v41+s15+$0x0], $0xffff;
	_ =	sdelay $0x2  }
0x1b3: {  	s30 =	spop (v2sf)  }
0x1b4: {  	s22 =	sand.u32 $0x7F, s31;
	s26 =	sand.u32 $0xFFFFF80, s30  }
0x1b5: {  	s26 =	sadd.s32 s2, s26;
	[tilespmem:s21+$0xFFFFFDB0] =	vst v5;
	v5 =	vor.u32 s22, v0  }
0x1b6: {  	[tilespmem:s15], [sflag:$0x1] =	stream.strided.gather [hbm4b:s26+s9], $0x2000, s11, s9, $0x38;
	[tilespmem:$0x10200] =	vst v63  }
0x1b7: {  	_ =	swait.ge [sflag:s16], $0x2000  }
0x1b8: {  	[sflag:s16] =	ssyncset.done $0x0  }
0x1b9: {  	[sflag:s16] =	ssyncadd.s32 $0xFFFFE000  }
0x1ba: {  	v5 =	vld.idx.msk [tilespmem:v5+s12+$0x0], $0xffff  }
0x1bb: {  	v42 =	vor.u32 s22, v1;
	_ =	sdelay $0x3  }
0x1bc: {  	[tilespmem:s21+$0xFFFFFE00] =	vst v5  }
0x1bd: {  	(v2sf) =	vpush v4, $0x8;
	v5 =	vld.idx.msk [tilespmem:v42+s12+$0x0], $0xffff  }
0x1be: {  	v43 =	vor.u32 s22, v2;
	_ =	sdelay $0x3  }
0x1bf: {  	[tilespmem:s21+$0xFFFFFE10] =	vst v5  }
0x1c0: {  	v5 =	vld.idx.msk [tilespmem:v43+s12+$0x0], $0xffff  }
0x1c1: {  	v44 =	vor.u32 s22, v3;
	_ =	sdelay $0x3  }
0x1c2: {  	[tilespmem:s21+$0xFFFFFE20] =	vst v5  }
0x1c3: {  	v5 =	vld.idx.msk [tilespmem:v44+s12+$0x0], $0xffff;
	_ =	sdelay $0x2  }
0x1c4: {  	s22 =	spop (v2sf)  }
0x1c5: {  	s23 =	sand.u32 $0x7F, s23;
	s31 =	sand.u32 $0xFFFFF80, s22  }
0x1c6: {  	s26 =	sadd.s32 s2, s31;
	[tilespmem:s21+$0xFFFFFE30] =	vst v5;
	v5 =	vor.u32 s23, v0  }
0x1c7: {  	[tilespmem:s12], [sflag:$0x1] =	stream.strided.gather [hbm4b:s26+s9], $0x2000, s11, s9, $0x38;
	[tilespmem:$0x10200] =	vst v63  }
0x1c8: {  	_ =	swait.ge [sflag:s16], $0x2000  }
0x1c9: {  	[sflag:s16] =	ssyncset.done $0x0  }
0x1ca: {  	[sflag:s16] =	ssyncadd.s32 $0xFFFFE000  }
0x1cb: {  	v5 =	vld.idx.msk [tilespmem:v5+s13+$0x0], $0xffff  }
0x1cc: {  	v45 =	vor.u32 s23, v1;
	_ =	sdelay $0x3  }
0x1cd: {  	[tilespmem:s21+$0xFFFFFE80] =	vst v5  }
0x1ce: {  	(v2sf) =	vpush v4, $0x9;
	v5 =	vld.idx.msk [tilespmem:v45+s13+$0x0], $0xffff  }
0x1cf: {  	v46 =	vor.u32 s23, v2;
	_ =	sdelay $0x3  }
0x1d0: {  	[tilespmem:s21+$0xFFFFFE90] =	vst v5  }
0x1d1: {  	v5 =	vld.idx.msk [tilespmem:v46+s13+$0x0], $0xffff  }
0x1d2: {  	v47 =	vor.u32 s23, v3;
	_ =	sdelay $0x3  }
0x1d3: {  	[tilespmem:s21+$0xFFFFFEA0] =	vst v5  }
0x1d4: {  	v5 =	vld.idx.msk [tilespmem:v47+s13+$0x0], $0xffff;
	_ =	sdelay $0x2  }
0x1d5: {  	s23 =	spop (v2sf)  }
0x1d6: {  	s24 =	sand.u32 $0x7F, s24;
	s28 =	sand.u32 $0xFFFFF80, s23  }
0x1d7: {  	s26 =	sadd.s32 s2, s28;
	[tilespmem:s21+$0xFFFFFEB0] =	vst v5;
	v5 =	vor.u32 s24, v0  }
0x1d8: {  	[tilespmem:s13], [sflag:$0x1] =	stream.strided.gather [hbm4b:s26+s9], $0x2000, s11, s9, $0x38;
	[tilespmem:$0x10200] =	vst v63  }
0x1d9: {  	_ =	swait.ge [sflag:s16], $0x2000  }
0x1da: {  	[sflag:s16] =	ssyncset.done $0x0  }
0x1db: {  	[sflag:s16] =	ssyncadd.s32 $0xFFFFE000  }
0x1dc: {  	v5 =	vld.idx.msk [tilespmem:v5+s14+$0x0], $0xffff  }
0x1dd: {  	v48 =	vor.u32 s24, v1;
	_ =	sdelay $0x3  }
0x1de: {  	[tilespmem:s21+$0xFFFFFF00] =	vst v5  }
0x1df: {  	(v2sf) =	vpush v4, $0xA;
	v5 =	vld.idx.msk [tilespmem:v48+s14+$0x0], $0xffff  }
0x1e0: {  	v49 =	vor.u32 s24, v2;
	_ =	sdelay $0x3  }
0x1e1: {  	[tilespmem:s21+$0xFFFFFF10] =	vst v5  }
0x1e2: {  	v5 =	vld.idx.msk [tilespmem:v49+s14+$0x0], $0xffff  }
0x1e3: {  	v50 =	vor.u32 s24, v3;
	_ =	sdelay $0x3  }
0x1e4: {  	[tilespmem:s21+$0xFFFFFF20] =	vst v5  }
0x1e5: {  	v5 =	vld.idx.msk [tilespmem:v50+s14+$0x0], $0xffff;
	_ =	sdelay $0x2  }
0x1e6: {  	s26 =	spop (v2sf)  }
0x1e7: {  	s25 =	sand.u32 $0x7F, s30;
	s29 =	sand.u32 $0xFFFFF80, s26  }
0x1e8: {  	s24 =	sadd.s32 s2, s29;
	[tilespmem:s21+$0xFFFFFF30] =	vst v5;
	v5 =	vor.u32 s25, v0  }
0x1e9: {  	[tilespmem:s14], [sflag:$0x1] =	stream.strided.gather [hbm4b:s24+s9], $0x2000, s11, s9, $0x38;
	[tilespmem:$0x10200] =	vst v63  }
0x1ea: {  	_ =	swait.ge [sflag:s16], $0x2000  }
0x1eb: {  	[sflag:s16] =	ssyncset.done $0x0  }
0x1ec: {  	[sflag:s16] =	ssyncadd.s32 $0xFFFFE000  }
0x1ed: {  	v5 =	vld.idx.msk [tilespmem:v5+s15+$0x0], $0xffff  }
0x1ee: {  	v51 =	vor.u32 s25, v1;
	_ =	sdelay $0x3  }
0x1ef: {  	[tilespmem:s21+$0xFFFFFF80] =	vst v5  }
0x1f0: {  	(v2sf) =	vpush v4, $0xB;
	v5 =	vld.idx.msk [tilespmem:v51+s15+$0x0], $0xffff  }
0x1f1: {  	v52 =	vor.u32 s25, v2;
	_ =	sdelay $0x3  }
0x1f2: {  	[tilespmem:s21+$0xFFFFFF90] =	vst v5  }
0x1f3: {  	v5 =	vld.idx.msk [tilespmem:v52+s15+$0x0], $0xffff  }
0x1f4: {  	v53 =	vor.u32 s25, v3;
	_ =	sdelay $0x3  }
0x1f5: {  	[tilespmem:s21+$0xFFFFFFA0] =	vst v5  }
0x1f6: {  	v5 =	vld.idx.msk [tilespmem:v53+s15+$0x0], $0xffff;
	_ =	sdelay $0x2  }
0x1f7: {  	s25 =	spop (v2sf)  }
0x1f8: {  	s22 =	sand.u32 $0x7F, s22;
	s30 =	sand.u32 $0xFFFFF80, s25  }
0x1f9: {  	s24 =	sadd.s32 s2, s30;
	[tilespmem:s21+$0xFFFFFFB0] =	vst v5;
	v5 =	vor.u32 s22, v0  }
0x1fa: {  	[tilespmem:s15], [sflag:$0x1] =	stream.strided.gather [hbm4b:s24+s9], $0x2000, s11, s9, $0x38;
	[tilespmem:$0x10200] =	vst v63  }
0x1fb: {  	_ =	swait.ge [sflag:s16], $0x2000  }
0x1fc: {  	[sflag:s16] =	ssyncset.done $0x0  }
0x1fd: {  	[sflag:s16] =	ssyncadd.s32 $0xFFFFE000  }
0x1fe: {  	v5 =	vld.idx.msk [tilespmem:v5+s12+$0x0], $0xffff  }
0x1ff: {  	v54 =	vor.u32 s22, v1;
	_ =	sdelay $0x3  }
0x200: {  	[tilespmem:s21+$0x0] =	vst v5  }
0x201: {  	(v2sf) =	vpush v4, $0xC;
	v5 =	vld.idx.msk [tilespmem:v54+s12+$0x0], $0xffff  }
0x202: {  	v55 =	vor.u32 s22, v2;
	_ =	sdelay $0x3  }
0x203: {  	[tilespmem:s21+$0x10] =	vst v5  }
0x204: {  	v5 =	vld.idx.msk [tilespmem:v55+s12+$0x0], $0xffff  }
0x205: {  	v56 =	vor.u32 s22, v3;
	_ =	sdelay $0x3  }
0x206: {  	[tilespmem:s21+$0x20] =	vst v5  }
0x207: {  	v5 =	vld.idx.msk [tilespmem:v56+s12+$0x0], $0xffff;
	_ =	sdelay $0x2  }
0x208: {  	s28 =	spop (v2sf)  }
0x209: {  	s23 =	sand.u32 $0x7F, s23;
	s31 =	sand.u32 $0xFFFFF80, s28  }
0x20a: {  	s22 =	sadd.s32 s2, s31;
	[tilespmem:s21+$0x30] =	vst v5;
	v5 =	vor.u32 s23, v0  }
0x20b: {  	[tilespmem:s12], [sflag:$0x1] =	stream.strided.gather [hbm4b:s22+s9], $0x2000, s11, s9, $0x38;
	[tilespmem:$0x10200] =	vst v63  }
0x20c: {  	_ =	swait.ge [sflag:s16], $0x2000  }
0x20d: {  	[sflag:s16] =	ssyncset.done $0x0  }
0x20e: {  	[sflag:s16] =	ssyncadd.s32 $0xFFFFE000  }
0x20f: {  	v5 =	vld.idx.msk [tilespmem:v5+s13+$0x0], $0xffff  }
0x210: {  	v57 =	vor.u32 s23, v1;
	_ =	sdelay $0x3  }
0x211: {  	[tilespmem:s21+$0x80] =	vst v5  }
0x212: {  	(v2sf) =	vpush v4, $0xD;
	v5 =	vld.idx.msk [tilespmem:v57+s13+$0x0], $0xffff  }
0x213: {  	v58 =	vor.u32 s23, v2;
	_ =	sdelay $0x3  }
0x214: {  	[tilespmem:s21+$0x90] =	vst v5  }
0x215: {  	v5 =	vld.idx.msk [tilespmem:v58+s13+$0x0], $0xffff  }
0x216: {  	v59 =	vor.u32 s23, v3;
	_ =	sdelay $0x3  }
0x217: {  	[tilespmem:s21+$0xA0] =	vst v5  }
0x218: {  	v5 =	vld.idx.msk [tilespmem:v59+s13+$0x0], $0xffff;
	_ =	sdelay $0x2  }
0x219: {  	s24 =	spop (v2sf)  }
0x21a: {  	s26 =	sand.u32 $0x7F, s26;
	s23 =	sand.u32 $0xFFFFF80, s24  }
0x21b: {  	s22 =	sadd.s32 s2, s23;
	[tilespmem:s21+$0xB0] =	vst v5;
	v5 =	vor.u32 s26, v0  }
0x21c: {  	[tilespmem:s13], [sflag:$0x1] =	stream.strided.gather [hbm4b:s22+s9], $0x2000, s11, s9, $0x38;
	[tilespmem:$0x10200] =	vst v63  }
0x21d: {  	_ =	swait.ge [sflag:s16], $0x2000  }
0x21e: {  	[sflag:s16] =	ssyncset.done $0x0  }
0x21f: {  	[sflag:s16] =	ssyncadd.s32 $0xFFFFE000  }
0x220: {  	v5 =	vld.idx.msk [tilespmem:v5+s14+$0x0], $0xffff  }
0x221: {  	v60 =	vor.u32 s26, v1;
	_ =	sdelay $0x3  }
0x222: {  	[tilespmem:s21+$0x100] =	vst v5  }
0x223: {  	(v2sf) =	vpush v4, $0xE;
	v5 =	vld.idx.msk [tilespmem:v60+s14+$0x0], $0xffff  }
0x224: {  	v61 =	vor.u32 s26, v2;
	_ =	sdelay $0x3  }
0x225: {  	[tilespmem:s21+$0x110] =	vst v5  }
0x226: {  	v5 =	vld.idx.msk [tilespmem:v61+s14+$0x0], $0xffff  }
0x227: {  	v62 =	vor.u32 s26, v3;
	_ =	sdelay $0x3  }
0x228: {  	[tilespmem:s21+$0x120] =	vst v5  }
0x229: {  	v5 =	vld.idx.msk [tilespmem:v62+s14+$0x0], $0xffff;
	_ =	sdelay $0x2  }
0x22a: {  	s23 =	spop (v2sf)  }
0x22b: {  	s25 =	sand.u32 $0x7F, s25;
	s29 =	sand.u32 $0xFFFFF80, s23  }
0x22c: {  	s22 =	sadd.s32 s2, s29;
	[tilespmem:s21+$0x130] =	vst v5;
	v5 =	vor.u32 s25, v0  }
0x22d: {  	[tilespmem:s14], [sflag:$0x1] =	stream.strided.gather [hbm4b:s22+s9], $0x2000, s11, s9, $0x38;
	[tilespmem:$0x10200] =	vst v63  }
0x22e: {  	_ =	swait.ge [sflag:s16], $0x2000  }
0x22f: {  	[sflag:s16] =	ssyncset.done $0x0  }
0x230: {  	[sflag:s16] =	ssyncadd.s32 $0xFFFFE000  }
0x231: {  	v5 =	vld.idx.msk [tilespmem:v5+s15+$0x0], $0xffff  }
0x232: {  	v63 =	vor.u32 s25, v1;
	_ =	sdelay $0x3  }
0x233: {  	[tilespmem:s21+$0x180] =	vst v5  }
0x234: {  	(v2sf) =	vpush v4, $0xF;
	v5 =	vld.idx.msk [tilespmem:v63+s15+$0x0], $0xffff  }
0x235: {  	v4 =	vor.u32 s25, v2;
	_ =	sdelay $0x3  }
0x236: {  	[tilespmem:s21+$0x190] =	vst v5  }
0x237: {  	v4 =	vld.idx.msk [tilespmem:v4+s15+$0x0], $0xffff  }
0x238: {  	v5 =	vor.u32 s25, v3;
	_ =	sdelay $0x3  }
0x239: {  	[tilespmem:s21+$0x1A0] =	vst v4  }
0x23a: {  	v4 =	vld.idx.msk [tilespmem:v5+s15+$0x0], $0xffff;
	_ =	sdelay $0x2  }
0x23b: {  	s22 =	spop (v2sf)  }
0x23c: {  	s31 =	sand.u32 $0x7F, s28;
	s30 =	sand.u32 $0xFFFFF80, s22  }
0x23d: {  	s25 =	sadd.s32 s2, s30;
	[tilespmem:s21+$0x1B0] =	vst v4;
	v4 =	vor.u32 s31, v0  }
0x23e: {  	[tilespmem:s15], [sflag:$0x1] =	stream.strided.gather [hbm4b:s25+s9], $0x2000, s11, s9, $0x38;
	[tilespmem:$0x10200] =	vst v63  }
0x23f: {  	_ =	swait.ge [sflag:s16], $0x2000  }
0x240: {  	[sflag:s16] =	ssyncset.done $0x0  }
0x241: {  	[sflag:s16] =	ssyncadd.s32 $0xFFFFE000  }
0x242: {  	v4 =	vld.idx.msk [tilespmem:v4+s12+$0x0], $0xffff  }
0x243: {  	v5 =	vor.u32 s31, v1;
	_ =	sdelay $0x3  }
0x244: {  	[tilespmem:s21+$0x200] =	vst v4  }
0x245: {  	v4 =	vld.idx.msk [tilespmem:v5+s12+$0x0], $0xffff  }
0x246: {  	v5 =	vor.u32 s31, v2;
	_ =	sdelay $0x3  }
0x247: {  	[tilespmem:s21+$0x210] =	vst v4  }
0x248: {  	v4 =	vld.idx.msk [tilespmem:v5+s12+$0x0], $0xffff  }
0x249: {  	v5 =	vor.u32 s31, v3;
	_ =	sdelay $0x3  }
0x24a: {  	[tilespmem:s21+$0x220] =	vst v4  }
0x24b: {  	v4 =	vld.idx.msk [tilespmem:v5+s12+$0x0], $0xffff;
	_ =	sdelay $0x4  }
0x24c: {  	p0 =	seq.s32 s19, $0xF0;
	[tilespmem:s21+$0x230] =	vst v4  }
0x24d: {  	v4 =	vld @!p0 [tilespmem:s20+$0x0];
	_ =	sdelay $0x4  }
0x24e: {  	(v2sf) =	vpush @!p0 v4, $0x0;
	_ =	sdelay $0xe  }
0x24f: {  	s28 =	simm.s32 @!p0 $0x7A1400;
	s25 =	spop @!p0 (v2sf)  }
0x250: {  	s24 =	sand.u32 $0x7F, s24;
	s25 =	sand.u32 @!p0 $0xFFFFF80, s25  }
0x251: {  	s26 =	simm.s32 @!p0 $0x400;
	s29 =	simm.s32 @!p0 $0x200;
	v4 =	vor.u32 s24, v0;
	s25 =	sadd.s32 @!p0 s2, s25  }
0x252: {  	[tilespmem:s29], [sflag:$0x1] =	stream.strided.gather @!p0 [hbm4b:s25+s26], $0x2000, s28, s26, $0x38;
	[tilespmem:$0x10200] =	vst v63  }
0x253: {  	_ =	swait.ge [sflag:s16], $0x2000  }
0x254: {  	[sflag:s16] =	ssyncset.done $0x0  }
0x255: {  	[sflag:s16] =	ssyncadd.s32 $0xFFFFE000  }
0x256: {  	v4 =	vld.idx.msk [tilespmem:v4+s13+$0x0], $0xffff  }
0x257: {  	v5 =	vor.u32 s24, v1;
	_ =	sdelay $0x3  }
0x258: {  	[tilespmem:s21+$0x280] =	vst v4  }
0x259: {  	v4 =	vld.idx.msk [tilespmem:v5+s13+$0x0], $0xffff  }
0x25a: {  	v5 =	vor.u32 s24, v2;
	_ =	sdelay $0x3  }
0x25b: {  	[tilespmem:s21+$0x290] =	vst v4  }
0x25c: {  	v4 =	vld.idx.msk [tilespmem:v5+s13+$0x0], $0xffff  }
0x25d: {  	v5 =	vor.u32 s24, v3;
	_ =	sdelay $0x3  }
0x25e: {  	[tilespmem:s21+$0x2A0] =	vst v4  }
0x25f: {  	v4 =	vld.idx.msk [tilespmem:v5+s13+$0x0], $0xffff;
	_ =	sdelay $0x4  }
0x260: {  	[tilespmem:s21+$0x2B0] =	vst v4  }
0x261: {  	v4 =	vld @!p0 [tilespmem:s20+$0x0];
	_ =	sdelay $0x4  }
0x262: {  	(v2sf) =	vpush @!p0 v4, $0x1;
	_ =	sdelay $0xe  }
0x263: {  	s24 =	spop @!p0 (v2sf)  }
0x264: {  	s23 =	sand.u32 $0x7F, s23;
	s24 =	sand.u32 @!p0 $0xFFFFF80, s24  }
0x265: {  	s25 =	simm.s32 @!p0 $0x2200;
	v4 =	vor.u32 s23, v0;
	s24 =	sadd.s32 @!p0 s2, s24  }
0x266: {  	[tilespmem:s25], [sflag:$0x1] =	stream.strided.gather @!p0 [hbm4b:s24+s26], $0x2000, s28, s26, $0x38;
	[tilespmem:$0x10200] =	vst v63  }
0x267: {  	_ =	swait.ge [sflag:s16], $0x2000  }
0x268: {  	[sflag:s16] =	ssyncset.done $0x0  }
0x269: {  	[sflag:s16] =	ssyncadd.s32 $0xFFFFE000  }
0x26a: {  	v4 =	vld.idx.msk [tilespmem:v4+s14+$0x0], $0xffff  }
0x26b: {  	v5 =	vor.u32 s23, v1;
	_ =	sdelay $0x3  }
0x26c: {  	[tilespmem:s21+$0x300] =	vst v4  }
0x26d: {  	v4 =	vld.idx.msk [tilespmem:v5+s14+$0x0], $0xffff  }
0x26e: {  	v5 =	vor.u32 s23, v2;
	_ =	sdelay $0x3  }
0x26f: {  	[tilespmem:s21+$0x310] =	vst v4  }
0x270: {  	v4 =	vld.idx.msk [tilespmem:v5+s14+$0x0], $0xffff  }
0x271: {  	v5 =	vor.u32 s23, v3;
	_ =	sdelay $0x3  }
0x272: {  	[tilespmem:s21+$0x320] =	vst v4  }
0x273: {  	v4 =	vld.idx.msk [tilespmem:v5+s14+$0x0], $0xffff;
	_ =	sdelay $0x4  }
0x274: {  	[tilespmem:s21+$0x330] =	vst v4  }
0x275: {  	v4 =	vld @!p0 [tilespmem:s20+$0x0];
	_ =	sdelay $0x4  }
0x276: {  	(v2sf) =	vpush @!p0 v4, $0x2;
	_ =	sdelay $0xe  }
0x277: {  	s23 =	spop @!p0 (v2sf)  }
0x278: {  	s22 =	sand.u32 $0x7F, s22;
	s23 =	sand.u32 @!p0 $0xFFFFF80, s23  }
0x279: {  	s24 =	simm.s32 @!p0 $0x4200;
	v4 =	vor.u32 s22, v0;
	s23 =	sadd.s32 @!p0 s2, s23  }
0x27a: {  	[tilespmem:s24], [sflag:$0x1] =	stream.strided.gather @!p0 [hbm4b:s23+s26], $0x2000, s28, s26, $0x38;
	[tilespmem:$0x10200] =	vst v63  }
0x27b: {  	_ =	swait.ge [sflag:s16], $0x2000  }
0x27c: {  	[sflag:s16] =	ssyncset.done $0x0  }
0x27d: {  	[sflag:s16] =	ssyncadd.s32 $0xFFFFE000  }
0x27e: {  	v4 =	vld.idx.msk [tilespmem:v4+s15+$0x0], $0xffff  }
0x27f: {  	v5 =	vor.u32 s22, v1;
	_ =	sdelay $0x3  }
0x280: {  	[tilespmem:s21+$0x380] =	vst v4  }
0x281: {  	v4 =	vld.idx.msk [tilespmem:v5+s15+$0x0], $0xffff  }
0x282: {  	v5 =	vor.u32 s22, v2;
	_ =	sdelay $0x3  }
0x283: {  	[tilespmem:s21+$0x390] =	vst v4  }
0x284: {  	v4 =	vld.idx.msk [tilespmem:v5+s15+$0x0], $0xffff  }
0x285: {  	v5 =	vor.u32 s22, v3;
	_ =	sdelay $0x3  }
0x286: {  	[tilespmem:s21+$0x3A0] =	vst v4  }
0x287: {  	v4 =	vld.idx.msk [tilespmem:v5+s15+$0x0], $0xffff  }
.Ltmp3:
0x288: {  	_ = 	snop;
	(pc) =	sbr.rel @p0 .LBB2_6-.Ltmp3, $2  }
0x289: {  	_ =	sdelay $0x2  }
0x28a: {  	[tilespmem:s21+$0x3B0] =	vst v4  }
0x28b: {  	v4 =	vld [tilespmem:s20+$0x0];
	_ =	sdelay $0x4  }
0x28c: {  	(v2sf) =	vpush v4, $0x3;
	_ =	sdelay $0xd  }
.Ltmp4:
0x28d: {  	_ = 	snop;
	(pc) =	sbr.rel .LBB2_4-.Ltmp4, $4  }
0x28e: {  	s22 =	spop (v2sf)  }
0x28f: {  	s20 =	sadd.s32 $0x10, s20;
	s22 =	sand.u32 $0xFFFFF80, s22  }
0x290: {  	s19 =	sadd.s32 $0x10, s19;
	s21 =	sadd.s32 $0x800, s21;
	s22 =	sadd.s32 s2, s22  }
0x291: {  	[tilespmem:s15], [sflag:$0x1] =	stream.strided.gather [hbm4b:s22+s9], $0x2000, s11, s9, $0x38;
	[tilespmem:$0x10200] =	vst v63  }
.LBB2_7:
0x292: {  	_ =	sfence.sel $0x180000  }
0x293: {  	[bflag:$0x0] =	sbarrier.arrive $0xFFFF  }
0x294: {  	p0 =	sne.s32 s1, $0x0;
	_ =	strace $0x90000047  }
0x295: {  	s0 =	sadd.s32 @!p0 $0x100000, s0;
	[bflag:$0x2] =	sbarrier.arrive $0xFFFF  }
0x296: {  	[sflag:s0] =	ssyncadd.tile.s32 @!p0 $0x1;
	_ =	shalt  }
.Lfunc_end2:
_tile_overlayer_lowered:
.L_overlay_start_2:
0x297: {  	(tag) =	ssettag $0x2  }
0x298: {  	s0 =	rddreg [dreg:$0x0];
	s2 =	stileid.u32  }
0x299: {  	s1 =	rddreg [dreg:$0x1];
	p0 =	sne.s32 s2, $0x0  }
0x29a: {  	s3 =	rddreg [dreg:$0x2];
	[bflag:$0x3] =	sbarrier.arrive $0xFFFF;
	s2 =	simm.s32 @!p0 $0x1C02  }
0x29b: {  	[timem:s3], [sflag:s2] =	dma.local @!p0 [hbm:s0], s1  }
0x29c: {  	s0 =	simm.s32 @!p0 $0x2  }
0x29d: {  	_ =	swait.ge @!p0 [sflag:s0], s1  }
0x29e: {  	s1 =	ssub.s32 @!p0 $0x0, s1;
	[sflag:s0] =	ssyncset.done @!p0 $0x0  }
0x29f: {  	[sflag:s0] =	ssyncadd.s32 @!p0 s1  }
0x2a0: {  	[bflag:$0x3] =	sbarrier.arrive $0xFFFF  }
0x2a1: {  	_ =	shalt  }

</sc_bundles>
